<compile_context>
chip_gen: v7x
topology: tpu7x:2x2x1
jax: 0.10.2.dev20260603
libtpu: 0.0.44.dev20260713+nightly
codegen_flags: <defaults>
</compile_context>

<pallas_src>
import functools

import jax
import jax.numpy as jnp
from jax import lax
from jax.experimental import pallas as pl
from jax.experimental.pallas import tpu as pltpu, tpu_sc as plsc

N = 10000
E = 160000
D = 256
H = 8
C = 32

NC = 2
NS = 16
K = 32
E2 = E + N
TE = ((E2 + NS * 2 * K - 1) // (NS * 2 * K)) * 2 * K
EP = TE * NS
EPP = EP + 2 * K
NCH = TE // K
NP = 10112
DR = NP // 8
NPD = 11392
RT = NPD // NS
HD = D // NC

_f32 = jnp.float32
_i32 = jnp.int32


def _head_pool(n_in, n_out):
  kk = lax.broadcasted_iota(_i32, (n_in, n_out), 0) // C
  jj = lax.broadcasted_iota(_i32, (n_in, n_out), 1)
  return (kk == jj).astype(_f32)



_BT = 2528


def _tc1_body(x_ref, w_ref, asf_ref, adf_ref, h_ref, as_ref, ad_ref):
  x = x_ref[...]
  h = jnp.dot(x, w_ref[...], preferred_element_type=_f32)
  h_ref[...] = h
  pool = _head_pool(D, HD)
  as_ref[...] = jnp.dot(h * asf_ref[...], pool, preferred_element_type=_f32)
  ad_ref[...] = jnp.dot(h * adf_ref[...], pool, preferred_element_type=_f32)


def _tc1(xp, w, asf, adf):
  grid = (NP // _BT,)
  return pl.pallas_call(
      _tc1_body,
      grid=grid,
      in_specs=[
          pl.BlockSpec((_BT, D), lambda i: (i, 0)),
          pl.BlockSpec((D, D), lambda i: (0, 0)),
          pl.BlockSpec((1, D), lambda i: (0, 0)),
          pl.BlockSpec((1, D), lambda i: (0, 0)),
      ],
      out_specs=[
          pl.BlockSpec((_BT, D), lambda i: (i, 0)),
          pl.BlockSpec((_BT, HD), lambda i: (i, 0)),
          pl.BlockSpec((_BT, HD), lambda i: (i, 0)),
      ],
      out_shape=[
          jax.ShapeDtypeStruct((NP, D), _f32),
          jax.ShapeDtypeStruct((NP, HD), _f32),
          jax.ShapeDtypeStruct((NP, HD), _f32),
      ],
  )(xp, w, asf, adf)


def _normalize(num_ref, den_ref, b_ref):
  x = jnp.concatenate([num_ref[0], num_ref[1]], axis=1)
  dexp = jnp.dot(den_ref[...], _head_pool(D, 16).T,
                 preferred_element_type=_f32)
  return x / (dexp + 1e-16) + b_ref[...]


def _tc2_body(num_ref, den_ref, b_ref, w_ref, asf_ref, adf_ref,
              h_ref, as_ref, ad_ref):
  x = _normalize(num_ref, den_ref, b_ref)
  h = jnp.dot(x, w_ref[...], preferred_element_type=_f32)
  h_ref[...] = h
  pool = _head_pool(D, HD)
  as_ref[...] = jnp.dot(h * asf_ref[...], pool, preferred_element_type=_f32)
  ad_ref[...] = jnp.dot(h * adf_ref[...], pool, preferred_element_type=_f32)


def _tc2(num, den, b, w, asf, adf):
  grid = (NP // _BT,)
  return pl.pallas_call(
      _tc2_body,
      grid=grid,
      in_specs=[
          pl.BlockSpec((NC, _BT, HD), lambda i: (0, i, 0)),
          pl.BlockSpec((_BT, 16), lambda i: (i, 0)),
          pl.BlockSpec((1, D), lambda i: (0, 0)),
          pl.BlockSpec((D, D), lambda i: (0, 0)),
          pl.BlockSpec((1, D), lambda i: (0, 0)),
          pl.BlockSpec((1, D), lambda i: (0, 0)),
      ],
      out_specs=[
          pl.BlockSpec((_BT, D), lambda i: (i, 0)),
          pl.BlockSpec((_BT, HD), lambda i: (i, 0)),
          pl.BlockSpec((_BT, HD), lambda i: (i, 0)),
      ],
      out_shape=[
          jax.ShapeDtypeStruct((NP, D), _f32),
          jax.ShapeDtypeStruct((NP, HD), _f32),
          jax.ShapeDtypeStruct((NP, HD), _f32),
      ],
  )(num, den, b, w, asf, adf)


def _tc3_body(num_ref, den_ref, b_ref, out_ref):
  x = _normalize(num_ref, den_ref, b_ref)
  out_ref[...] = jax.nn.gelu(x, approximate=True)


def _tc3(num, den, b):
  grid = (NP // _BT,)
  return pl.pallas_call(
      _tc3_body,
      grid=grid,
      in_specs=[
          pl.BlockSpec((NC, _BT, HD), lambda i: (0, i, 0)),
          pl.BlockSpec((_BT, 16), lambda i: (i, 0)),
          pl.BlockSpec((1, D), lambda i: (0, 0)),
      ],
      out_specs=pl.BlockSpec((_BT, D), lambda i: (i, 0)),
      out_shape=jax.ShapeDtypeStruct((NP, D), _f32),
  )(num, den, b)



def _splat(v, h):
  idx = jnp.full((16, 1), h, _i32)
  dnums = lax.GatherDimensionNumbers(
      offset_dims=(), collapsed_slice_dims=(0,), start_index_map=(0,))
  return lax.gather(v, idx, dnums, (1,),
                    mode=lax.GatherScatterMode.PROMISE_IN_BOUNDS)


_WB = RT // K
_WR = RT % K


def _sc_body(h_hbm, as_hbm, ad_hbm, src_hbm, dst_hbm,
             num_hbm,
             acc, srcb, dstb, idx2b, didxb, dmodb, asb, adb, hsb, sbuf, dnb,
             semh, semas, semad, semsc, semdn):
  cid = lax.axis_index("c")
  sid = lax.axis_index("s")
  base = sid * RT

  _Z16 = jnp.zeros((16,), _f32)

  def zrow(i, carry):
    for j in range(HD // 16):
      sbuf[i, pl.ds(j * 16, 16)] = _Z16
    return carry
  lax.fori_loop(0, K, zrow, 0)

  def zcp(t, carry):
    pltpu.sync_copy(sbuf, acc.at[pl.ds(base + t * K, K)])
    return carry
  lax.fori_loop(0, _WB, zcp, 0)
  pltpu.sync_copy(sbuf.at[pl.ds(0, _WR)], acc.at[pl.ds(base + _WB * K, _WR)])
  plsc.subcore_barrier()

  ebase = sid * TE
  hbase = cid * (H // NC)

  def load_and_fire(g, q):
    off = ebase + g * K
    pltpu.sync_copy(src_hbm.at[pl.ds(off, K)], srcb[q])
    pltpu.sync_copy(dst_hbm.at[pl.ds(off, K)], dstb[q])
    for i in range(K // 16):
      sv = srcb[q][pl.ds(i * 16, 16)]
      dv = dstb[q][pl.ds(i * 16, 16)]
      idx2b[q][pl.ds(i * 16, 16)] = sv * 2 + cid
      didxb[q][pl.ds(i * 16, 16)] = NP + lax.shift_right_logical(dv, 3)
      dmodb[q][pl.ds(i * 16, 16)] = lax.bitwise_and(dv, 7)
    pltpu.async_copy(h_hbm.at[idx2b[q]], hsb[q], semh[q])
    pltpu.async_copy(as_hbm.at[srcb[q]], asb[q], semas[q])
    pltpu.async_copy(ad_hbm.at[dstb[q]], adb[q], semad[q])

  def wait_gathers(p):
    pltpu.make_async_copy(h_hbm.at[idx2b[p]], hsb[p], semh[p]).wait()
    pltpu.make_async_copy(as_hbm.at[srcb[p]], asb[p], semas[p]).wait()
    pltpu.make_async_copy(ad_hbm.at[dstb[p]], adb[p], semad[p]).wait()

  def wait_scatter(p):
    pltpu.make_async_copy(sbuf, acc.at[dstb[p]], semsc[p]).wait()
    pltpu.make_async_copy(dnb, acc.at[didxb[p]], semdn[p]).wait()

  def process(p):
    def edge(e, ecarry):
      s = asb[p][e, pl.ds(0, 16)] + adb[p][e, pl.ds(0, 16)]
      ex = jnp.exp(jnp.maximum(s, 0.2 * s))
      for j in range(HD // 16):
        av = _splat(ex, hbase + j // 2)
        hv = hsb[p][e, pl.ds(j * 16, 16)]
        sbuf[e, pl.ds(j * 16, 16)] = hv * av
      m = lax.bitwise_and(e, 15)
      dmv = dmodb[p][pl.ds(e - m, 16)]
      dms = _splat(dmv, m)
      for s8 in range(8):
        msk = (1 - lax.min(lax.abs(dms - s8), 1)).astype(_f32)
        dnb[e, pl.ds(s8 * 16, 16)] = ex * msk
      return ecarry
    lax.fori_loop(0, K, edge, 0)
    pltpu.async_copy(sbuf, acc.at[dstb[p]], semsc[p], add=True)
    pltpu.async_copy(dnb, acc.at[didxb[p]], semdn[p], add=True)

  load_and_fire(0, 0)

  def pair(t, carry):
    g = 2 * t
    load_and_fire(g + 1, 1)
    wait_gathers(0)

    @pl.when(t > 0)
    def _():
      wait_scatter(1)
    process(0)
    load_and_fire(g + 2, 0)
    wait_gathers(1)
    wait_scatter(0)
    process(1)
    return carry
  lax.fori_loop(0, NCH // 2, pair, 0)
  wait_gathers(0)
  wait_scatter(1)
  plsc.subcore_barrier()

  def wcp(t, carry):
    r0 = base + t * K
    pltpu.sync_copy(acc.at[pl.ds(r0, K)], sbuf)
    pltpu.sync_copy(sbuf, num_hbm.at[pl.ds(cid * NPD + r0, K)])
    return carry
  lax.fori_loop(0, _WB, wcp, 0)
  r0 = base + _WB * K
  pltpu.sync_copy(acc.at[pl.ds(r0, _WR)], sbuf.at[pl.ds(0, _WR)])
  pltpu.sync_copy(sbuf.at[pl.ds(0, _WR)],
                  num_hbm.at[pl.ds(cid * NPD + r0, _WR)])


@functools.cache
def _make_sc_layer():
  ii = pltpu.VMEM((K,), _i32)
  ff = pltpu.VMEM((K, HD), _f32)
  dma = pltpu.SemaphoreType.DMA
  return functools.partial(
      pl.kernel,
      out_type=jax.ShapeDtypeStruct((NC * NPD, HD), _f32),
      mesh=plsc.VectorSubcoreMesh(core_axis_name="c", subcore_axis_name="s",
                                  num_cores=NC, num_subcores=NS),
      scratch_types=[
          pltpu.VMEM_SHARED((NPD, HD), _f32),
          [ii, ii],
          [ii, ii],
          [ii, ii],
          [ii, ii],
          [ii, ii],
          [ff, ff],
          [ff, ff],
          [ff, ff],
          ff,
          ff,
          [dma, dma],
          [dma, dma],
          [dma, dma],
          [dma, dma],
          [dma, dma],
      ],
  )(_sc_body)




@jax.jit
def kernel(features, edge_indexs, W0, att_src0, att_dst0, b0,
           W1, att_src1, att_dst1, b1):
  loop = jnp.arange(N, dtype=edge_indexs.dtype)
  pad = jnp.full((EPP - E2,), N, dtype=edge_indexs.dtype)
  srcp = jnp.concatenate([edge_indexs[0], loop, pad])
  dstp = jnp.concatenate([edge_indexs[1], loop, pad])

  xp = jnp.pad(features, ((0, NP - N), (0, 0)))
  asf0 = att_src0.reshape(1, D)
  adf0 = att_dst0.reshape(1, D)
  asf1 = att_src1.reshape(1, D)
  adf1 = att_dst1.reshape(1, D)

  def split(raw):
    raw = raw.reshape(NC, NPD, HD)
    num = raw[:, :NP, :]
    den = raw[0, NP:NP + DR, :].reshape(NP, 16)
    return num, den

  h1, as1, ad1 = _tc1(xp, W0, asf0, adf0)
  num1, den1 = split(_make_sc_layer()(h1.reshape(NP * NC, HD), as1, ad1,
                                      srcp, dstp))
  h2, as2, ad2 = _tc2(num1, den1, b0.reshape(1, D), W1, asf1, adf1)
  num2, den2 = split(_make_sc_layer()(h2.reshape(NP * NC, HD), as2, ad2,
                                      srcp, dstp))
  out = _tc3(num2, den2, b1.reshape(1, D))
  return out[:N]

# --- scband reference (transcript-rebuilt; emitter-appended) ---
"""Pipeline reference for scband-normal-gat-7816840478964 (READ-ONLY COPY).

The authoritative reference and input builder live on the scoring server;
editing this copy changes nothing except your own understanding.
"""

import jax, jax.numpy as jnp
import numpy as np

N = 10000
E = 160000
D = 256
H = 8
C = D // H


def setup_inputs(seed: int = 0) -> dict:
    key = jax.random.key(seed)
    ks = jax.random.split(key, 12)
    features = jax.random.normal(ks[0], (N, D), dtype=jnp.float32)
    edge_indexs = jax.random.randint(ks[1], (2, E), 0, N, dtype=jnp.int32)
    s = 1.0 / np.sqrt(D)
    inp = {"features": features, "edge_indexs": edge_indexs}
    for i in range(2):
        inp[f"W{i}"] = jax.random.normal(ks[2 + 4 * i], (D, H * C), dtype=jnp.float32) * s
        inp[f"att_src{i}"] = jax.random.normal(ks[3 + 4 * i], (H, C), dtype=jnp.float32) * s
        inp[f"att_dst{i}"] = jax.random.normal(ks[4 + 4 * i], (H, C), dtype=jnp.float32) * s
        inp[f"b{i}"] = jnp.zeros((H * C,), dtype=jnp.float32)
    return inp


def _gat_layer(x, src, dst, W, a_s, a_d, b):
    # PyG GATConv with concat=True, negative_slope=0.2, dropout=0 (eval), self-loops pre-added
    n = x.shape[0]
    h = (x @ W).reshape(n, H, C)
    alpha_src = (h * a_s[None, :, :]).sum(-1)  # [n, H]
    alpha_dst = (h * a_d[None, :, :]).sum(-1)  # [n, H]
    e = jax.nn.leaky_relu(alpha_src[src] + alpha_dst[dst], negative_slope=0.2)  # [E, H]
    emax = jax.ops.segment_max(e, dst, num_segments=n)
    emax = jnp.where(jnp.isneginf(emax), 0.0, emax)
    ex = jnp.exp(e - emax[dst])
    den = jax.ops.segment_sum(ex, dst, num_segments=n)
    alpha = ex / (den[dst] + 1e-16)
    out = jax.ops.segment_sum(h[src] * alpha[:, :, None], dst, num_segments=n)
    return out.reshape(n, H * C) + b


def reference(features, edge_indexs, W0, att_src0, att_dst0, b0, W1, att_src1, att_dst1, b1):
    loop = jnp.arange(N, dtype=edge_indexs.dtype)
    src = jnp.concatenate([edge_indexs[0], loop])
    dst = jnp.concatenate([edge_indexs[1], loop])
    x = _gat_layer(features, src, dst, W0, att_src0, att_dst0, b0)
    x = _gat_layer(x, src, dst, W1, att_src1, att_dst1, b1)
    return jax.nn.gelu(x, approximate=True)

if __name__ == "__main__":
    import jax
    _d = setup_inputs()
    print(jax.jit(kernel)(*tuple(_d.values())))

</pallas_src>

<mosaic_0001>
#map = affine_map<(d0, d1) -> (0, 0)>
#map1 = affine_map<(d0, d1) -> (0)>
module attributes {stable_mosaic.version = 14 : i64} {
  func.func @_sc_body(%arg0: i32, %arg1: i32, %arg2: memref<20224x128xf32, #tpu.memory_space<hbm>>, %arg3: memref<10112x128xf32, #tpu.memory_space<hbm>>, %arg4: memref<10112x128xf32, #tpu.memory_space<hbm>>, %arg5: memref<171072xi32, #tpu.memory_space<hbm>>, %arg6: memref<171072xi32, #tpu.memory_space<hbm>>, %arg7: memref<22784x128xf32, #tpu.memory_space<hbm>>, %arg8: memref<11392x128xf32, #tpu.memory_space<vmem_shared>>, %arg9: memref<32xi32, #tpu.memory_space<vmem>>, %arg10: memref<32xi32, #tpu.memory_space<vmem>>, %arg11: memref<32xi32, #tpu.memory_space<vmem>>, %arg12: memref<32xi32, #tpu.memory_space<vmem>>, %arg13: memref<32xi32, #tpu.memory_space<vmem>>, %arg14: memref<32xi32, #tpu.memory_space<vmem>>, %arg15: memref<32xi32, #tpu.memory_space<vmem>>, %arg16: memref<32xi32, #tpu.memory_space<vmem>>, %arg17: memref<32xi32, #tpu.memory_space<vmem>>, %arg18: memref<32xi32, #tpu.memory_space<vmem>>, %arg19: memref<32x128xf32, #tpu.memory_space<vmem>>, %arg20: memref<32x128xf32, #tpu.memory_space<vmem>>, %arg21: memref<32x128xf32, #tpu.memory_space<vmem>>, %arg22: memref<32x128xf32, #tpu.memory_space<vmem>>, %arg23: memref<32x128xf32, #tpu.memory_space<vmem>>, %arg24: memref<32x128xf32, #tpu.memory_space<vmem>>, %arg25: memref<32x128xf32, #tpu.memory_space<vmem>>, %arg26: memref<32x128xf32, #tpu.memory_space<vmem>>, %arg27: memref<!tpu.dma_semaphore, #tpu.memory_space<semaphore_mem>>, %arg28: memref<!tpu.dma_semaphore, #tpu.memory_space<semaphore_mem>>, %arg29: memref<!tpu.dma_semaphore, #tpu.memory_space<semaphore_mem>>, %arg30: memref<!tpu.dma_semaphore, #tpu.memory_space<semaphore_mem>>, %arg31: memref<!tpu.dma_semaphore, #tpu.memory_space<semaphore_mem>>, %arg32: memref<!tpu.dma_semaphore, #tpu.memory_space<semaphore_mem>>, %arg33: memref<!tpu.dma_semaphore, #tpu.memory_space<semaphore_mem>>, %arg34: memref<!tpu.dma_semaphore, #tpu.memory_space<semaphore_mem>>, %arg35: memref<!tpu.dma_semaphore, #tpu.memory_space<semaphore_mem>>, %arg36: memref<!tpu.dma_semaphore, #tpu.memory_space<semaphore_mem>>) attributes {dimension_semantics = [#tpu.dimension_semantics<core_parallel>, #tpu.dimension_semantics<subcore_parallel>], iteration_bounds = array<i64: 2, 16>, scalar_prefetch = 0 : i64, scratch_operands = 29 : i64, tpu.core_type = #tpu.core_type<sc_vector_subcore>, window_params = [{transform_indices = #map}, {transform_indices = #map}, {transform_indices = #map}, {transform_indices = #map1}, {transform_indices = #map1}, {transform_indices = #map}]} {
    %mul3A = arith.constant 712 : i32
    %mul3A_0 = arith.muli %arg1, %mul3A : i32
    %broadcast_in_dim3A = arith.constant 0.000000e+00 : f32
    %broadcast_in_dim3A_1 = vector.broadcast %broadcast_in_dim3A : f32 to vector<16xf32>
    %scan3A = arith.constant 0 : i32
    %scan3A_2 = arith.constant 0 : i32
    %scan3A_3 = arith.constant 32 : i32
    %scan3A_4 = arith.addi %scan3A_2, %scan3A_3 : i32
    %scan3A_5 = arith.constant 1 : i32
    scf.for %scan3A_120 = %scan3A_2 to %scan3A_4 step %scan3A_5  : i32 {
      %swap3A_121 = arith.index_cast %scan3A_120 : i32 to index
      %swap3A_122 = arith.constant 0 : index
      %swap3A_123 = tpu.vector_load %arg25[%swap3A_121, %swap3A_122] {strides = array<i32>} : memref<32x128xf32, #tpu.memory_space<vmem>>, vector<1x16xf32>,
      %swap3A_124 = vector.shape_cast %swap3A_123 : vector<1x16xf32> to vector<16xf32>
      %swap3A_125 = vector.shape_cast %broadcast_in_dim3A_1 : vector<16xf32> to vector<1x16xf32>
      tpu.vector_store %arg25[%swap3A_121, %swap3A_122], %swap3A_125 {strides = array<i32>} : memref<32x128xf32, #tpu.memory_space<vmem>>, vector<1x16xf32>,
      %swap3A_126 = arith.index_cast %scan3A_120 : i32 to index
      %swap3A_127 = arith.constant 16 : index
      %swap3A_128 = tpu.vector_load %arg25[%swap3A_126, %swap3A_127] {strides = array<i32>} : memref<32x128xf32, #tpu.memory_space<vmem>>, vector<1x16xf32>,
      %swap3A_129 = vector.shape_cast %swap3A_128 : vector<1x16xf32> to vector<16xf32>
      %swap3A_130 = vector.shape_cast %broadcast_in_dim3A_1 : vector<16xf32> to vector<1x16xf32>
      tpu.vector_store %arg25[%swap3A_126, %swap3A_127], %swap3A_130 {strides = array<i32>} : memref<32x128xf32, #tpu.memory_space<vmem>>, vector<1x16xf32>,
      %swap3A_131 = arith.index_cast %scan3A_120 : i32 to index
      %swap3A_132 = arith.constant 32 : index
      %swap3A_133 = tpu.vector_load %arg25[%swap3A_131, %swap3A_132] {strides = array<i32>} : memref<32x128xf32, #tpu.memory_space<vmem>>, vector<1x16xf32>,
      %swap3A_134 = vector.shape_cast %swap3A_133 : vector<1x16xf32> to vector<16xf32>
      %swap3A_135 = vector.shape_cast %broadcast_in_dim3A_1 : vector<16xf32> to vector<1x16xf32>
      tpu.vector_store %arg25[%swap3A_131, %swap3A_132], %swap3A_135 {strides = array<i32>} : memref<32x128xf32, #tpu.memory_space<vmem>>, vector<1x16xf32>,
      %swap3A_136 = arith.index_cast %scan3A_120 : i32 to index
      %swap3A_137 = arith.constant 48 : index
      %swap3A_138 = tpu.vector_load %arg25[%swap3A_136, %swap3A_137] {strides = array<i32>} : memref<32x128xf32, #tpu.memory_space<vmem>>, vector<1x16xf32>,
      %swap3A_139 = vector.shape_cast %swap3A_138 : vector<1x16xf32> to vector<16xf32>
      %swap3A_140 = vector.shape_cast %broadcast_in_dim3A_1 : vector<16xf32> to vector<1x16xf32>
      tpu.vector_store %arg25[%swap3A_136, %swap3A_137], %swap3A_140 {strides = array<i32>} : memref<32x128xf32, #tpu.memory_space<vmem>>, vector<1x16xf32>,
      %swap3A_141 = arith.index_cast %scan3A_120 : i32 to index
      %swap3A_142 = arith.constant 64 : index
      %swap3A_143 = tpu.vector_load %arg25[%swap3A_141, %swap3A_142] {strides = array<i32>} : memref<32x128xf32, #tpu.memory_space<vmem>>, vector<1x16xf32>,
      %swap3A_144 = vector.shape_cast %swap3A_143 : vector<1x16xf32> to vector<16xf32>
      %swap3A_145 = vector.shape_cast %broadcast_in_dim3A_1 : vector<16xf32> to vector<1x16xf32>
      tpu.vector_store %arg25[%swap3A_141, %swap3A_142], %swap3A_145 {strides = array<i32>} : memref<32x128xf32, #tpu.memory_space<vmem>>, vector<1x16xf32>,
      %swap3A_146 = arith.index_cast %scan3A_120 : i32 to index
      %swap3A_147 = arith.constant 80 : index
      %swap3A_148 = tpu.vector_load %arg25[%swap3A_146, %swap3A_147] {strides = array<i32>} : memref<32x128xf32, #tpu.memory_space<vmem>>, vector<1x16xf32>,
      %swap3A_149 = vector.shape_cast %swap3A_148 : vector<1x16xf32> to vector<16xf32>
      %swap3A_150 = vector.shape_cast %broadcast_in_dim3A_1 : vector<16xf32> to vector<1x16xf32>
      tpu.vector_store %arg25[%swap3A_146, %swap3A_147], %swap3A_150 {strides = array<i32>} : memref<32x128xf32, #tpu.memory_space<vmem>>, vector<1x16xf32>,
      %swap3A_151 = arith.index_cast %scan3A_120 : i32 to index
      %swap3A_152 = arith.constant 96 : index
      %swap3A_153 = tpu.vector_load %arg25[%swap3A_151, %swap3A_152] {strides = array<i32>} : memref<32x128xf32, #tpu.memory_space<vmem>>, vector<1x16xf32>,
      %swap3A_154 = vector.shape_cast %swap3A_153 : vector<1x16xf32> to vector<16xf32>
      %swap3A_155 = vector.shape_cast %broadcast_in_dim3A_1 : vector<16xf32> to vector<1x16xf32>
      tpu.vector_store %arg25[%swap3A_151, %swap3A_152], %swap3A_155 {strides = array<i32>} : memref<32x128xf32, #tpu.memory_space<vmem>>, vector<1x16xf32>,
      %swap3A_156 = arith.index_cast %scan3A_120 : i32 to index
      %swap3A_157 = arith.constant 112 : index
      %swap3A_158 = tpu.vector_load %arg25[%swap3A_156, %swap3A_157] {strides = array<i32>} : memref<32x128xf32, #tpu.memory_space<vmem>>, vector<1x16xf32>,
      %swap3A_159 = vector.shape_cast %swap3A_158 : vector<1x16xf32> to vector<16xf32>
      %swap3A_160 = vector.shape_cast %broadcast_in_dim3A_1 : vector<16xf32> to vector<1x16xf32>
      tpu.vector_store %arg25[%swap3A_156, %swap3A_157], %swap3A_160 {strides = array<i32>} : memref<32x128xf32, #tpu.memory_space<vmem>>, vector<1x16xf32>,
    }
    %scan3A_6 = arith.constant 32 : i32
    %scan3A_7 = arith.constant 0 : i32
    %scan3A_8 = arith.constant 0 : i32
    %scan3A_9 = arith.constant 22 : i32
    %scan3A_10 = arith.addi %scan3A_8, %scan3A_9 : i32
    %scan3A_11 = arith.constant 1 : i32
    scf.for %scan3A_120 = %scan3A_8 to %scan3A_10 step %scan3A_11  : i32 {
      %mul3A_121 = arith.constant 32 : i32
      %mul3A_122 = arith.muli %scan3A_120, %mul3A_121 : i32
      %add3A_123 = arith.addi %mul3A_0, %mul3A_122 : i32
      "tpu.region"() ({
        %run_scoped3A = tpu.sem_alloc : memref<!tpu.dma_semaphore, #tpu.memory_space<semaphore_mem>>
        %dma_start3A_124 = arith.constant 0 : i32
        %dma_start3A_125 = tpu.memref_slice %arg8[%add3A_123, %dma_start3A_124] : memref<11392x128xf32, #tpu.memory_space<vmem_shared>> -> memref<32x128xf32, #tpu.memory_space<vmem_shared>>
        %dma_start3A_126 = arith.constant 0 : i32
        %dma_start3A_127 = tpu.memref_slice %arg8[%add3A_123, %dma_start3A_126] : memref<11392x128xf32, #tpu.memory_space<vmem_shared>> -> memref<32x128xf32, #tpu.memory_space<vmem_shared>>
        tpu.enqueue_dma source(%arg25 : memref<32x128xf32, #tpu.memory_space<vmem>>) target(%dma_start3A_127 : memref<32x128xf32, #tpu.memory_space<vmem_shared>>) target_semaphore(%run_scoped3A : memref<!tpu.dma_semaphore, #tpu.memory_space<semaphore_mem>>)
        %dma_wait3A_128 = arith.constant 0 : i32
        %dma_wait3A_129 = tpu.memref_slice %arg8[%add3A_123, %dma_wait3A_128] : memref<11392x128xf32, #tpu.memory_space<vmem_shared>> -> memref<32x128xf32, #tpu.memory_space<vmem_shared>>
        %dma_wait3A_130 = arith.constant 0 : i32
        %dma_wait3A_131 = tpu.memref_slice %arg8[%add3A_123, %dma_wait3A_130] : memref<11392x128xf32, #tpu.memory_space<vmem_shared>> -> memref<32x128xf32, #tpu.memory_space<vmem_shared>>
        tpu.wait_dma2 semaphore(%run_scoped3A : memref<!tpu.dma_semaphore, #tpu.memory_space<semaphore_mem>>) src(%arg25 : memref<32x128xf32, #tpu.memory_space<vmem>>) dst(%dma_wait3A_131 : memref<32x128xf32, #tpu.memory_space<vmem_shared>>)
        tpu.yield
      }) : () -> ()
    }
    %scan3A_12 = arith.constant 22 : i32
    %add3A = arith.constant 704 : i32
    %add3A_13 = arith.addi %mul3A_0, %add3A : i32
    "tpu.region"() ({
      %run_scoped3A = tpu.sem_alloc : memref<!tpu.dma_semaphore, #tpu.memory_space<semaphore_mem>>
      %dma_start3A_120 = arith.constant 0 : i32
      %dma_start3A_121 = arith.constant 0 : i32
      %dma_start3A_122 = tpu.memref_slice %arg25[%dma_start3A_120, %dma_start3A_121] : memref<32x128xf32, #tpu.memory_space<vmem>> -> memref<8x128xf32, #tpu.memory_space<vmem>>
      %dma_start3A_123 = arith.constant 0 : i32
      %dma_start3A_124 = tpu.memref_slice %arg8[%add3A_13, %dma_start3A_123] : memref<11392x128xf32, #tpu.memory_space<vmem_shared>> -> memref<8x128xf32, #tpu.memory_space<vmem_shared>>
      %dma_start3A_125 = arith.constant 0 : i32
      %dma_start3A_126 = tpu.memref_slice %arg8[%add3A_13, %dma_start3A_125] : memref<11392x128xf32, #tpu.memory_space<vmem_shared>> -> memref<8x128xf32, #tpu.memory_space<vmem_shared>>
      %dma_start3A_127 = arith.constant 0 : i32
      %dma_start3A_128 = arith.constant 0 : i32
      %dma_start3A_129 = tpu.memref_slice %arg25[%dma_start3A_127, %dma_start3A_128] : memref<32x128xf32, #tpu.memory_space<vmem>> -> memref<8x128xf32, #tpu.memory_space<vmem>>
      tpu.enqueue_dma source(%dma_start3A_129 : memref<8x128xf32, #tpu.memory_space<vmem>>) target(%dma_start3A_126 : memref<8x128xf32, #tpu.memory_space<vmem_shared>>) target_semaphore(%run_scoped3A : memref<!tpu.dma_semaphore, #tpu.memory_space<semaphore_mem>>)
      %dma_wait3A_130 = arith.constant 0 : i32
      %dma_wait3A_131 = arith.constant 0 : i32
      %dma_wait3A_132 = tpu.memref_slice %arg25[%dma_wait3A_130, %dma_wait3A_131] : memref<32x128xf32, #tpu.memory_space<vmem>> -> memref<8x128xf32, #tpu.memory_space<vmem>>
      %dma_wait3A_133 = arith.constant 0 : i32
      %dma_wait3A_134 = tpu.memref_slice %arg8[%add3A_13, %dma_wait3A_133] : memref<11392x128xf32, #tpu.memory_space<vmem_shared>> -> memref<8x128xf32, #tpu.memory_space<vmem_shared>>
      %dma_wait3A_135 = arith.constant 0 : i32
      %dma_wait3A_136 = tpu.memref_slice %arg8[%add3A_13, %dma_wait3A_135] : memref<11392x128xf32, #tpu.memory_space<vmem_shared>> -> memref<8x128xf32, #tpu.memory_space<vmem_shared>>
      %dma_wait3A_137 = arith.constant 0 : i32
      %dma_wait3A_138 = arith.constant 0 : i32
      %dma_wait3A_139 = tpu.memref_slice %arg25[%dma_wait3A_137, %dma_wait3A_138] : memref<32x128xf32, #tpu.memory_space<vmem>> -> memref<8x128xf32, #tpu.memory_space<vmem>>
      tpu.wait_dma2 semaphore(%run_scoped3A : memref<!tpu.dma_semaphore, #tpu.memory_space<semaphore_mem>>) src(%dma_wait3A_139 : memref<8x128xf32, #tpu.memory_space<vmem>>) dst(%dma_wait3A_136 : memref<8x128xf32, #tpu.memory_space<vmem_shared>>)
      tpu.yield
    }) : () -> ()
    %barrier3A = arith.constant 0 : index
    tpu.barrier barrier_id(%barrier3A)
    %mul3A_14 = arith.constant 10688 : i32
    %mul3A_15 = arith.muli %arg1, %mul3A_14 : i32
    %mul3A_16 = arith.constant 4 : i32
    %mul3A_17 = arith.muli %arg0, %mul3A_16 : i32
    %add3A_18 = arith.constant 0 : i32
    %add3A_19 = arith.addi %mul3A_15, %add3A_18 : i32
    "tpu.region"() ({
      %run_scoped3A = tpu.sem_alloc : memref<!tpu.dma_semaphore, #tpu.memory_space<semaphore_mem>>
      %dma_start3A_120 = tpu.memref_slice %arg5[%add3A_19] : memref<171072xi32, #tpu.memory_space<hbm>> -> memref<32xi32, #tpu.memory_space<hbm>>
      %dma_start3A_121 = tpu.memref_slice %arg5[%add3A_19] : memref<171072xi32, #tpu.memory_space<hbm>> -> memref<32xi32, #tpu.memory_space<hbm>>
      tpu.enqueue_dma source(%dma_start3A_121 : memref<32xi32, #tpu.memory_space<hbm>>) target(%arg9 : memref<32xi32, #tpu.memory_space<vmem>>) target_semaphore(%run_scoped3A : memref<!tpu.dma_semaphore, #tpu.memory_space<semaphore_mem>>)
      %dma_wait3A_122 = tpu.memref_slice %arg5[%add3A_19] : memref<171072xi32, #tpu.memory_space<hbm>> -> memref<32xi32, #tpu.memory_space<hbm>>
      %dma_wait3A_123 = tpu.memref_slice %arg5[%add3A_19] : memref<171072xi32, #tpu.memory_space<hbm>> -> memref<32xi32, #tpu.memory_space<hbm>>
      tpu.wait_dma2 semaphore(%run_scoped3A : memref<!tpu.dma_semaphore, #tpu.memory_space<semaphore_mem>>) src(%dma_wait3A_123 : memref<32xi32, #tpu.memory_space<hbm>>) dst(%arg9 : memref<32xi32, #tpu.memory_space<vmem>>)
      tpu.yield
    }) : () -> ()
    "tpu.region"() ({
      %run_scoped3A = tpu.sem_alloc : memref<!tpu.dma_semaphore, #tpu.memory_space<semaphore_mem>>
      %dma_start3A_120 = tpu.memref_slice %arg6[%add3A_19] : memref<171072xi32, #tpu.memory_space<hbm>> -> memref<32xi32, #tpu.memory_space<hbm>>
      %dma_start3A_121 = tpu.memref_slice %arg6[%add3A_19] : memref<171072xi32, #tpu.memory_space<hbm>> -> memref<32xi32, #tpu.memory_space<hbm>>
      tpu.enqueue_dma source(%dma_start3A_121 : memref<32xi32, #tpu.memory_space<hbm>>) target(%arg11 : memref<32xi32, #tpu.memory_space<vmem>>) target_semaphore(%run_scoped3A : memref<!tpu.dma_semaphore, #tpu.memory_space<semaphore_mem>>)
      %dma_wait3A_122 = tpu.memref_slice %arg6[%add3A_19] : memref<171072xi32, #tpu.memory_space<hbm>> -> memref<32xi32, #tpu.memory_space<hbm>>
      %dma_wait3A_123 = tpu.memref_slice %arg6[%add3A_19] : memref<171072xi32, #tpu.memory_space<hbm>> -> memref<32xi32, #tpu.memory_space<hbm>>
      tpu.wait_dma2 semaphore(%run_scoped3A : memref<!tpu.dma_semaphore, #tpu.memory_space<semaphore_mem>>) src(%dma_wait3A_123 : memref<32xi32, #tpu.memory_space<hbm>>) dst(%arg11 : memref<32xi32, #tpu.memory_space<vmem>>)
      tpu.yield
    }) : () -> ()
    %get3A = arith.constant 0 : index
    %get3A_20 = tpu.vector_load %arg9[%get3A] {strides = array<i32>} : memref<32xi32, #tpu.memory_space<vmem>>, vector<16xi32>,
    %get3A_21 = vector.shape_cast %get3A_20 : vector<16xi32> to vector<16xi32>
    %get3A_22 = arith.constant 0 : index
    %get3A_23 = tpu.vector_load %arg11[%get3A_22] {strides = array<i32>} : memref<32xi32, #tpu.memory_space<vmem>>, vector<16xi32>,
    %get3A_24 = vector.shape_cast %get3A_23 : vector<16xi32> to vector<16xi32>
    %mul3A_25 = arith.constant 2 : i32
    %mul3A_26 = vector.broadcast %mul3A_25 : i32 to vector<16xi32>
    %mul3A_27 = arith.muli %get3A_21, %mul3A_26 : vector<16xi32>
    %add3A_28 = vector.broadcast %arg0 : i32 to vector<16xi32>
    %add3A_29 = arith.addi %mul3A_27, %add3A_28 : vector<16xi32>
    %swap3A = arith.constant 0 : index
    %swap3A_30 = tpu.vector_load %arg13[%swap3A] {strides = array<i32>} : memref<32xi32, #tpu.memory_space<vmem>>, vector<16xi32>,
    %swap3A_31 = vector.shape_cast %swap3A_30 : vector<16xi32> to vector<16xi32>
    %swap3A_32 = vector.shape_cast %add3A_29 : vector<16xi32> to vector<16xi32>
    tpu.vector_store %arg13[%swap3A], %swap3A_32 {strides = array<i32>} : memref<32xi32, #tpu.memory_space<vmem>>, vector<16xi32>,
    %shift_right_logical3A = arith.constant 3 : i32
    %shift_right_logical3A_33 = vector.broadcast %shift_right_logical3A : i32 to vector<16xi32>
    %shift_right_logical3A_34 = arith.shrui %get3A_24, %shift_right_logical3A_33 : vector<16xi32>
    %add3A_35 = arith.constant 10112 : i32
    %add3A_36 = vector.broadcast %add3A_35 : i32 to vector<16xi32>
    %add3A_37 = arith.addi %add3A_36, %shift_right_logical3A_34 : vector<16xi32>
    %swap3A_38 = arith.constant 0 : index
    %swap3A_39 = tpu.vector_load %arg15[%swap3A_38] {strides = array<i32>} : memref<32xi32, #tpu.memory_space<vmem>>, vector<16xi32>,
    %swap3A_40 = vector.shape_cast %swap3A_39 : vector<16xi32> to vector<16xi32>
    %swap3A_41 = vector.shape_cast %add3A_37 : vector<16xi32> to vector<16xi32>
    tpu.vector_store %arg15[%swap3A_38], %swap3A_41 {strides = array<i32>} : memref<32xi32, #tpu.memory_space<vmem>>, vector<16xi32>,
    %and3A = arith.constant 7 : i32
    %and3A_42 = vector.broadcast %and3A : i32 to vector<16xi32>
    %and3A_43 = arith.andi %get3A_24, %and3A_42 : vector<16xi32>
    %swap3A_44 = arith.constant 0 : index
    %swap3A_45 = tpu.vector_load %arg17[%swap3A_44] {strides = array<i32>} : memref<32xi32, #tpu.memory_space<vmem>>, vector<16xi32>,
    %swap3A_46 = vector.shape_cast %swap3A_45 : vector<16xi32> to vector<16xi32>
    %swap3A_47 = vector.shape_cast %and3A_43 : vector<16xi32> to vector<16xi32>
    tpu.vector_store %arg17[%swap3A_44], %swap3A_47 {strides = array<i32>} : memref<32xi32, #tpu.memory_space<vmem>>, vector<16xi32>,
    %get3A_48 = arith.constant 16 : index
    %get3A_49 = tpu.vector_load %arg9[%get3A_48] {strides = array<i32>} : memref<32xi32, #tpu.memory_space<vmem>>, vector<16xi32>,
    %get3A_50 = vector.shape_cast %get3A_49 : vector<16xi32> to vector<16xi32>
    %get3A_51 = arith.constant 16 : index
    %get3A_52 = tpu.vector_load %arg11[%get3A_51] {strides = array<i32>} : memref<32xi32, #tpu.memory_space<vmem>>, vector<16xi32>,
    %get3A_53 = vector.shape_cast %get3A_52 : vector<16xi32> to vector<16xi32>
    %mul3A_54 = arith.constant 2 : i32
    %mul3A_55 = vector.broadcast %mul3A_54 : i32 to vector<16xi32>
    %mul3A_56 = arith.muli %get3A_50, %mul3A_55 : vector<16xi32>
    %add3A_57 = vector.broadcast %arg0 : i32 to vector<16xi32>
    %add3A_58 = arith.addi %mul3A_56, %add3A_57 : vector<16xi32>
    %swap3A_59 = arith.constant 16 : index
    %swap3A_60 = tpu.vector_load %arg13[%swap3A_59] {strides = array<i32>} : memref<32xi32, #tpu.memory_space<vmem>>, vector<16xi32>,
    %swap3A_61 = vector.shape_cast %swap3A_60 : vector<16xi32> to vector<16xi32>
    %swap3A_62 = vector.shape_cast %add3A_58 : vector<16xi32> to vector<16xi32>
    tpu.vector_store %arg13[%swap3A_59], %swap3A_62 {strides = array<i32>} : memref<32xi32, #tpu.memory_space<vmem>>, vector<16xi32>,
    %shift_right_logical3A_63 = arith.constant 3 : i32
    %shift_right_logical3A_64 = vector.broadcast %shift_right_logical3A_63 : i32 to vector<16xi32>
    %shift_right_logical3A_65 = arith.shrui %get3A_53, %shift_right_logical3A_64 : vector<16xi32>
    %add3A_66 = arith.constant 10112 : i32
    %add3A_67 = vector.broadcast %add3A_66 : i32 to vector<16xi32>
    %add3A_68 = arith.addi %add3A_67, %shift_right_logical3A_65 : vector<16xi32>
    %swap3A_69 = arith.constant 16 : index
    %swap3A_70 = tpu.vector_load %arg15[%swap3A_69] {strides = array<i32>} : memref<32xi32, #tpu.memory_space<vmem>>, vector<16xi32>,
    %swap3A_71 = vector.shape_cast %swap3A_70 : vector<16xi32> to vector<16xi32>
    %swap3A_72 = vector.shape_cast %add3A_68 : vector<16xi32> to vector<16xi32>
    tpu.vector_store %arg15[%swap3A_69], %swap3A_72 {strides = array<i32>} : memref<32xi32, #tpu.memory_space<vmem>>, vector<16xi32>,
    %and3A_73 = arith.constant 7 : i32
    %and3A_74 = vector.broadcast %and3A_73 : i32 to vector<16xi32>
    %and3A_75 = arith.andi %get3A_53, %and3A_74 : vector<16xi32>
    %swap3A_76 = arith.constant 16 : index
    %swap3A_77 = tpu.vector_load %arg17[%swap3A_76] {strides = array<i32>} : memref<32xi32, #tpu.memory_space<vmem>>, vector<16xi32>,
    %swap3A_78 = vector.shape_cast %swap3A_77 : vector<16xi32> to vector<16xi32>
    %swap3A_79 = vector.shape_cast %and3A_75 : vector<16xi32> to vector<16xi32>
    tpu.vector_store %arg17[%swap3A_76], %swap3A_79 {strides = array<i32>} : memref<32xi32, #tpu.memory_space<vmem>>, vector<16xi32>,
    %dma_start3A = arith.constant 0 : i32
    %dma_start3A_80 = arith.constant 0 : i32
    %dma_start3A_81 = tpu.memref_slice %arg2[%dma_start3A, %dma_start3A_80] : memref<20224x128xf32, #tpu.memory_space<hbm>> -> memref<20224x128xf32, #tpu.memory_space<hbm>>
    tpu.enqueue_indirect_dma source(%dma_start3A_81 : memref<20224x128xf32, #tpu.memory_space<hbm>>) target(%arg23 : memref<32x128xf32, #tpu.memory_space<vmem>>) offsets(%arg13 : memref<32xi32, #tpu.memory_space<vmem>>) semaphore(%arg27 : memref<!tpu.dma_semaphore, #tpu.memory_space<semaphore_mem>>)
    %dma_start3A_82 = arith.constant 0 : i32
    %dma_start3A_83 = arith.constant 0 : i32
    %dma_start3A_84 = tpu.memref_slice %arg3[%dma_start3A_82, %dma_start3A_83] : memref<10112x128xf32, #tpu.memory_space<hbm>> -> memref<10112x128xf32, #tpu.memory_space<hbm>>
    tpu.enqueue_indirect_dma source(%dma_start3A_84 : memref<10112x128xf32, #tpu.memory_space<hbm>>) target(%arg19 : memref<32x128xf32, #tpu.memory_space<vmem>>) offsets(%arg9 : memref<32xi32, #tpu.memory_space<vmem>>) semaphore(%arg29 : memref<!tpu.dma_semaphore, #tpu.memory_space<semaphore_mem>>)
    %dma_start3A_85 = arith.constant 0 : i32
    %dma_start3A_86 = arith.constant 0 : i32
    %dma_start3A_87 = tpu.memref_slice %arg4[%dma_start3A_85, %dma_start3A_86] : memref<10112x128xf32, #tpu.memory_space<hbm>> -> memref<10112x128xf32, #tpu.memory_space<hbm>>
    tpu.enqueue_indirect_dma source(%dma_start3A_87 : memref<10112x128xf32, #tpu.memory_space<hbm>>) target(%arg21 : memref<32x128xf32, #tpu.memory_space<vmem>>) offsets(%arg11 : memref<32xi32, #tpu.memory_space<vmem>>) semaphore(%arg31 : memref<!tpu.dma_semaphore, #tpu.memory_space<semaphore_mem>>)
    %scan3A_88 = arith.constant 0 : i32
    %scan3A_89 = arith.constant 0 : i32
    %scan3A_90 = arith.constant 167 : i32
    %scan3A_91 = arith.addi %scan3A_89, %scan3A_90 : i32
    %scan3A_92 = arith.constant 1 : i32
    scf.for %scan3A_120 = %scan3A_89 to %scan3A_91 step %scan3A_92  : i32 {
      %mul3A_121 = arith.constant 2 : i32
      %mul3A_122 = arith.muli %mul3A_121, %scan3A_120 : i32
      %add3A_123 = arith.constant 1 : i32
      %add3A_124 = arith.addi %mul3A_122, %add3A_123 : i32
      %mul3A_125 = arith.constant 32 : i32
      %mul3A_126 = arith.muli %add3A_124, %mul3A_125 : i32
      %add3A_127 = arith.addi %mul3A_15, %mul3A_126 : i32
      "tpu.region"() ({
        %run_scoped3A = tpu.sem_alloc : memref<!tpu.dma_semaphore, #tpu.memory_space<semaphore_mem>>
        %dma_start3A_329 = tpu.memref_slice %arg5[%add3A_127] : memref<171072xi32, #tpu.memory_space<hbm>> -> memref<32xi32, #tpu.memory_space<hbm>>
        %dma_start3A_330 = tpu.memref_slice %arg5[%add3A_127] : memref<171072xi32, #tpu.memory_space<hbm>> -> memref<32xi32, #tpu.memory_space<hbm>>
        tpu.enqueue_dma source(%dma_start3A_330 : memref<32xi32, #tpu.memory_space<hbm>>) target(%arg10 : memref<32xi32, #tpu.memory_space<vmem>>) target_semaphore(%run_scoped3A : memref<!tpu.dma_semaphore, #tpu.memory_space<semaphore_mem>>)
        %dma_wait3A_331 = tpu.memref_slice %arg5[%add3A_127] : memref<171072xi32, #tpu.memory_space<hbm>> -> memref<32xi32, #tpu.memory_space<hbm>>
        %dma_wait3A_332 = tpu.memref_slice %arg5[%add3A_127] : memref<171072xi32, #tpu.memory_space<hbm>> -> memref<32xi32, #tpu.memory_space<hbm>>
        tpu.wait_dma2 semaphore(%run_scoped3A : memref<!tpu.dma_semaphore, #tpu.memory_space<semaphore_mem>>) src(%dma_wait3A_332 : memref<32xi32, #tpu.memory_space<hbm>>) dst(%arg10 : memref<32xi32, #tpu.memory_space<vmem>>)
        tpu.yield
      }) : () -> ()
      "tpu.region"() ({
        %run_scoped3A = tpu.sem_alloc : memref<!tpu.dma_semaphore, #tpu.memory_space<semaphore_mem>>
        %dma_start3A_329 = tpu.memref_slice %arg6[%add3A_127] : memref<171072xi32, #tpu.memory_space<hbm>> -> memref<32xi32, #tpu.memory_space<hbm>>
        %dma_start3A_330 = tpu.memref_slice %arg6[%add3A_127] : memref<171072xi32, #tpu.memory_space<hbm>> -> memref<32xi32, #tpu.memory_space<hbm>>
        tpu.enqueue_dma source(%dma_start3A_330 : memref<32xi32, #tpu.memory_space<hbm>>) target(%arg12 : memref<32xi32, #tpu.memory_space<vmem>>) target_semaphore(%run_scoped3A : memref<!tpu.dma_semaphore, #tpu.memory_space<semaphore_mem>>)
        %dma_wait3A_331 = tpu.memref_slice %arg6[%add3A_127] : memref<171072xi32, #tpu.memory_space<hbm>> -> memref<32xi32, #tpu.memory_space<hbm>>
        %dma_wait3A_332 = tpu.memref_slice %arg6[%add3A_127] : memref<171072xi32, #tpu.memory_space<hbm>> -> memref<32xi32, #tpu.memory_space<hbm>>
        tpu.wait_dma2 semaphore(%run_scoped3A : memref<!tpu.dma_semaphore, #tpu.memory_space<semaphore_mem>>) src(%dma_wait3A_332 : memref<32xi32, #tpu.memory_space<hbm>>) dst(%arg12 : memref<32xi32, #tpu.memory_space<vmem>>)
        tpu.yield
      }) : () -> ()
      %get3A_128 = arith.constant 0 : index
      %get3A_129 = tpu.vector_load %arg10[%get3A_128] {strides = array<i32>} : memref<32xi32, #tpu.memory_space<vmem>>, vector<16xi32>,
      %get3A_130 = vector.shape_cast %get3A_129 : vector<16xi32> to vector<16xi32>
      %get3A_131 = arith.constant 0 : index
      %get3A_132 = tpu.vector_load %arg12[%get3A_131] {strides = array<i32>} : memref<32xi32, #tpu.memory_space<vmem>>, vector<16xi32>,
      %get3A_133 = vector.shape_cast %get3A_132 : vector<16xi32> to vector<16xi32>
      %mul3A_134 = arith.constant 2 : i32
      %mul3A_135 = vector.broadcast %mul3A_134 : i32 to vector<16xi32>
      %mul3A_136 = arith.muli %get3A_130, %mul3A_135 : vector<16xi32>
      %add3A_137 = vector.broadcast %arg0 : i32 to vector<16xi32>
      %add3A_138 = arith.addi %mul3A_136, %add3A_137 : vector<16xi32>
      %swap3A_139 = arith.constant 0 : index
      %swap3A_140 = tpu.vector_load %arg14[%swap3A_139] {strides = array<i32>} : memref<32xi32, #tpu.memory_space<vmem>>, vector<16xi32>,
      %swap3A_141 = vector.shape_cast %swap3A_140 : vector<16xi32> to vector<16xi32>
      %swap3A_142 = vector.shape_cast %add3A_138 : vector<16xi32> to vector<16xi32>
      tpu.vector_store %arg14[%swap3A_139], %swap3A_142 {strides = array<i32>} : memref<32xi32, #tpu.memory_space<vmem>>, vector<16xi32>,
      %shift_right_logical3A_143 = arith.constant 3 : i32
      %shift_right_logical3A_144 = vector.broadcast %shift_right_logical3A_143 : i32 to vector<16xi32>
      %shift_right_logical3A_145 = arith.shrui %get3A_133, %shift_right_logical3A_144 : vector<16xi32>
      %add3A_146 = arith.constant 10112 : i32
      %add3A_147 = vector.broadcast %add3A_146 : i32 to vector<16xi32>
      %add3A_148 = arith.addi %add3A_147, %shift_right_logical3A_145 : vector<16xi32>
      %swap3A_149 = arith.constant 0 : index
      %swap3A_150 = tpu.vector_load %arg16[%swap3A_149] {strides = array<i32>} : memref<32xi32, #tpu.memory_space<vmem>>, vector<16xi32>,
      %swap3A_151 = vector.shape_cast %swap3A_150 : vector<16xi32> to vector<16xi32>
      %swap3A_152 = vector.shape_cast %add3A_148 : vector<16xi32> to vector<16xi32>
      tpu.vector_store %arg16[%swap3A_149], %swap3A_152 {strides = array<i32>} : memref<32xi32, #tpu.memory_space<vmem>>, vector<16xi32>,
      %and3A_153 = arith.constant 7 : i32
      %and3A_154 = vector.broadcast %and3A_153 : i32 to vector<16xi32>
      %and3A_155 = arith.andi %get3A_133, %and3A_154 : vector<16xi32>
      %swap3A_156 = arith.constant 0 : index
      %swap3A_157 = tpu.vector_load %arg18[%swap3A_156] {strides = array<i32>} : memref<32xi32, #tpu.memory_space<vmem>>, vector<16xi32>,
      %swap3A_158 = vector.shape_cast %swap3A_157 : vector<16xi32> to vector<16xi32>
      %swap3A_159 = vector.shape_cast %and3A_155 : vector<16xi32> to vector<16xi32>
      tpu.vector_store %arg18[%swap3A_156], %swap3A_159 {strides = array<i32>} : memref<32xi32, #tpu.memory_space<vmem>>, vector<16xi32>,
      %get3A_160 = arith.constant 16 : index
      %get3A_161 = tpu.vector_load %arg10[%get3A_160] {strides = array<i32>} : memref<32xi32, #tpu.memory_space<vmem>>, vector<16xi32>,
      %get3A_162 = vector.shape_cast %get3A_161 : vector<16xi32> to vector<16xi32>
      %get3A_163 = arith.constant 16 : index
      %get3A_164 = tpu.vector_load %arg12[%get3A_163] {strides = array<i32>} : memref<32xi32, #tpu.memory_space<vmem>>, vector<16xi32>,
      %get3A_165 = vector.shape_cast %get3A_164 : vector<16xi32> to vector<16xi32>
      %mul3A_166 = arith.constant 2 : i32
      %mul3A_167 = vector.broadcast %mul3A_166 : i32 to vector<16xi32>
      %mul3A_168 = arith.muli %get3A_162, %mul3A_167 : vector<16xi32>
      %add3A_169 = vector.broadcast %arg0 : i32 to vector<16xi32>
      %add3A_170 = arith.addi %mul3A_168, %add3A_169 : vector<16xi32>
      %swap3A_171 = arith.constant 16 : index
      %swap3A_172 = tpu.vector_load %arg14[%swap3A_171] {strides = array<i32>} : memref<32xi32, #tpu.memory_space<vmem>>, vector<16xi32>,
      %swap3A_173 = vector.shape_cast %swap3A_172 : vector<16xi32> to vector<16xi32>
      %swap3A_174 = vector.shape_cast %add3A_170 : vector<16xi32> to vector<16xi32>
      tpu.vector_store %arg14[%swap3A_171], %swap3A_174 {strides = array<i32>} : memref<32xi32, #tpu.memory_space<vmem>>, vector<16xi32>,
      %shift_right_logical3A_175 = arith.constant 3 : i32
      %shift_right_logical3A_176 = vector.broadcast %shift_right_logical3A_175 : i32 to vector<16xi32>
      %shift_right_logical3A_177 = arith.shrui %get3A_165, %shift_right_logical3A_176 : vector<16xi32>
      %add3A_178 = arith.constant 10112 : i32
      %add3A_179 = vector.broadcast %add3A_178 : i32 to vector<16xi32>
      %add3A_180 = arith.addi %add3A_179, %shift_right_logical3A_177 : vector<16xi32>
      %swap3A_181 = arith.constant 16 : index
      %swap3A_182 = tpu.vector_load %arg16[%swap3A_181] {strides = array<i32>} : memref<32xi32, #tpu.memory_space<vmem>>, vector<16xi32>,
      %swap3A_183 = vector.shape_cast %swap3A_182 : vector<16xi32> to vector<16xi32>
      %swap3A_184 = vector.shape_cast %add3A_180 : vector<16xi32> to vector<16xi32>
      tpu.vector_store %arg16[%swap3A_181], %swap3A_184 {strides = array<i32>} : memref<32xi32, #tpu.memory_space<vmem>>, vector<16xi32>,
      %and3A_185 = arith.constant 7 : i32
      %and3A_186 = vector.broadcast %and3A_185 : i32 to vector<16xi32>
      %and3A_187 = arith.andi %get3A_165, %and3A_186 : vector<16xi32>
      %swap3A_188 = arith.constant 16 : index
      %swap3A_189 = tpu.vector_load %arg18[%swap3A_188] {strides = array<i32>} : memref<32xi32, #tpu.memory_space<vmem>>, vector<16xi32>,
      %swap3A_190 = vector.shape_cast %swap3A_189 : vector<16xi32> to vector<16xi32>
      %swap3A_191 = vector.shape_cast %and3A_187 : vector<16xi32> to vector<16xi32>
      tpu.vector_store %arg18[%swap3A_188], %swap3A_191 {strides = array<i32>} : memref<32xi32, #tpu.memory_space<vmem>>, vector<16xi32>,
      %dma_start3A_192 = arith.constant 0 : i32
      %dma_start3A_193 = arith.constant 0 : i32
      %dma_start3A_194 = tpu.memref_slice %arg2[%dma_start3A_192, %dma_start3A_193] : memref<20224x128xf32, #tpu.memory_space<hbm>> -> memref<20224x128xf32, #tpu.memory_space<hbm>>
      tpu.enqueue_indirect_dma source(%dma_start3A_194 : memref<20224x128xf32, #tpu.memory_space<hbm>>) target(%arg24 : memref<32x128xf32, #tpu.memory_space<vmem>>) offsets(%arg14 : memref<32xi32, #tpu.memory_space<vmem>>) semaphore(%arg28 : memref<!tpu.dma_semaphore, #tpu.memory_space<semaphore_mem>>)
      %dma_start3A_195 = arith.constant 0 : i32
      %dma_start3A_196 = arith.constant 0 : i32
      %dma_start3A_197 = tpu.memref_slice %arg3[%dma_start3A_195, %dma_start3A_196] : memref<10112x128xf32, #tpu.memory_space<hbm>> -> memref<10112x128xf32, #tpu.memory_space<hbm>>
      tpu.enqueue_indirect_dma source(%dma_start3A_197 : memref<10112x128xf32, #tpu.memory_space<hbm>>) target(%arg20 : memref<32x128xf32, #tpu.memory_space<vmem>>) offsets(%arg10 : memref<32xi32, #tpu.memory_space<vmem>>) semaphore(%arg30 : memref<!tpu.dma_semaphore, #tpu.memory_space<semaphore_mem>>)
      %dma_start3A_198 = arith.constant 0 : i32
      %dma_start3A_199 = arith.constant 0 : i32
      %dma_start3A_200 = tpu.memref_slice %arg4[%dma_start3A_198, %dma_start3A_199] : memref<10112x128xf32, #tpu.memory_space<hbm>> -> memref<10112x128xf32, #tpu.memory_space<hbm>>
      tpu.enqueue_indirect_dma source(%dma_start3A_200 : memref<10112x128xf32, #tpu.memory_space<hbm>>) target(%arg22 : memref<32x128xf32, #tpu.memory_space<vmem>>) offsets(%arg12 : memref<32xi32, #tpu.memory_space<vmem>>) semaphore(%arg32 : memref<!tpu.dma_semaphore, #tpu.memory_space<semaphore_mem>>)
      %dma_wait3A_201 = arith.constant 0 : i32
      %dma_wait3A_202 = arith.constant 0 : i32
      %dma_wait3A_203 = tpu.memref_slice %arg2[%dma_wait3A_201, %dma_wait3A_202] : memref<20224x128xf32, #tpu.memory_space<hbm>> -> memref<20224x128xf32, #tpu.memory_space<hbm>>
      tpu.wait_indirect_dma semaphore(%arg27 : memref<!tpu.dma_semaphore, #tpu.memory_space<semaphore_mem>>) src(%dma_wait3A_203 : memref<20224x128xf32, #tpu.memory_space<hbm>>) dst(%arg23 : memref<32x128xf32, #tpu.memory_space<vmem>>)
      %dma_wait3A_204 = arith.constant 0 : i32
      %dma_wait3A_205 = arith.constant 0 : i32
      %dma_wait3A_206 = tpu.memref_slice %arg3[%dma_wait3A_204, %dma_wait3A_205] : memref<10112x128xf32, #tpu.memory_space<hbm>> -> memref<10112x128xf32, #tpu.memory_space<hbm>>
      tpu.wait_indirect_dma semaphore(%arg29 : memref<!tpu.dma_semaphore, #tpu.memory_space<semaphore_mem>>) src(%dma_wait3A_206 : memref<10112x128xf32, #tpu.memory_space<hbm>>) dst(%arg19 : memref<32x128xf32, #tpu.memory_space<vmem>>)
      %dma_wait3A_207 = arith.constant 0 : i32
      %dma_wait3A_208 = arith.constant 0 : i32
      %dma_wait3A_209 = tpu.memref_slice %arg4[%dma_wait3A_207, %dma_wait3A_208] : memref<10112x128xf32, #tpu.memory_space<hbm>> -> memref<10112x128xf32, #tpu.memory_space<hbm>>
      tpu.wait_indirect_dma semaphore(%arg31 : memref<!tpu.dma_semaphore, #tpu.memory_space<semaphore_mem>>) src(%dma_wait3A_209 : memref<10112x128xf32, #tpu.memory_space<hbm>>) dst(%arg21 : memref<32x128xf32, #tpu.memory_space<vmem>>)
      %gt3A = arith.constant 0 : i32
      %gt3A_210 = arith.cmpi sgt, %scan3A_120, %gt3A : i32
      %convert_element_type3A = arith.extui %gt3A_210 : i1 to i32
      %cond3A = arith.constant 0 : i32
      %cond3A_211 = arith.cmpi ne, %convert_element_type3A, %cond3A : i32
      scf.if %cond3A_211 {
        %dma_wait3A_329 = arith.constant 0 : i32
        %dma_wait3A_330 = arith.constant 0 : i32
        %dma_wait3A_331 = tpu.memref_slice %arg8[%dma_wait3A_329, %dma_wait3A_330] : memref<11392x128xf32, #tpu.memory_space<vmem_shared>> -> memref<11392x128xf32, #tpu.memory_space<vmem_shared>>
        tpu.wait_indirect_dma semaphore(%arg34 : memref<!tpu.dma_semaphore, #tpu.memory_space<semaphore_mem>>) src(%arg25 : memref<32x128xf32, #tpu.memory_space<vmem>>) dst(%dma_wait3A_331 : memref<11392x128xf32, #tpu.memory_space<vmem_shared>>)
        %dma_wait3A_332 = arith.constant 0 : i32
        %dma_wait3A_333 = arith.constant 0 : i32
        %dma_wait3A_334 = tpu.memref_slice %arg8[%dma_wait3A_332, %dma_wait3A_333] : memref<11392x128xf32, #tpu.memory_space<vmem_shared>> -> memref<11392x128xf32, #tpu.memory_space<vmem_shared>>
        tpu.wait_indirect_dma semaphore(%arg36 : memref<!tpu.dma_semaphore, #tpu.memory_space<semaphore_mem>>) src(%arg26 : memref<32x128xf32, #tpu.memory_space<vmem>>) dst(%dma_wait3A_334 : memref<11392x128xf32, #tpu.memory_space<vmem_shared>>)
      } else {
      }
      %scan3A_212 = arith.constant 0 : i32
      %scan3A_213 = arith.constant 0 : i32
      %scan3A_214 = arith.constant 32 : i32
      %scan3A_215 = arith.addi %scan3A_213, %scan3A_214 : i32
      %scan3A_216 = arith.constant 1 : i32
      scf.for %scan3A_329 = %scan3A_213 to %scan3A_215 step %scan3A_216  : i32 {
        %get3A_330 = arith.index_cast %scan3A_329 : i32 to index
        %get3A_331 = arith.constant 0 : index
        %get3A_332 = tpu.vector_load %arg19[%get3A_330, %get3A_331] {strides = array<i32>} : memref<32x128xf32, #tpu.memory_space<vmem>>, vector<1x16xf32>,
        %get3A_333 = vector.shape_cast %get3A_332 : vector<1x16xf32> to vector<16xf32>
        %get3A_334 = arith.index_cast %scan3A_329 : i32 to index
        %get3A_335 = arith.constant 0 : index
        %get3A_336 = tpu.vector_load %arg21[%get3A_334, %get3A_335] {strides = array<i32>} : memref<32x128xf32, #tpu.memory_space<vmem>>, vector<1x16xf32>,
        %get3A_337 = vector.shape_cast %get3A_336 : vector<1x16xf32> to vector<16xf32>
        %add3A_338 = arith.addf %get3A_333, %get3A_337 : vector<16xf32>
        %mul3A_339 = arith.constant 2.000000e-01 : f32
        %mul3A_340 = vector.broadcast %mul3A_339 : f32 to vector<16xf32>
        %mul3A_341 = arith.mulf %mul3A_340, %add3A_338 : vector<16xf32>
        %max3A = arith.maximumf %add3A_338, %mul3A_341 : vector<16xf32>
        %exp3A = math.exp %max3A : vector<16xf32>
        %add3A_342 = arith.constant 0 : i32
        %add3A_343 = arith.addi %mul3A_17, %add3A_342 : i32
        %broadcast_in_dim3A_344 = vector.broadcast %add3A_343 : i32 to vector<16x1xi32>
        %gather3A = vector.shape_cast %broadcast_in_dim3A_344 : vector<16x1xi32> to vector<16xi32>
        %gather3A_345 = tpu.dynamic_gather %exp3A[%gather3A] in [0] : vector<16xf32>, vector<16xi32> -> vector<16xf32>
        %get3A_346 = arith.index_cast %scan3A_329 : i32 to index
        %get3A_347 = arith.constant 0 : index
        %get3A_348 = tpu.vector_load %arg23[%get3A_346, %get3A_347] {strides = array<i32>} : memref<32x128xf32, #tpu.memory_space<vmem>>, vector<1x16xf32>,
        %get3A_349 = vector.shape_cast %get3A_348 : vector<1x16xf32> to vector<16xf32>
        %mul3A_350 = arith.mulf %get3A_349, %gather3A_345 : vector<16xf32>
        %swap3A_351 = arith.index_cast %scan3A_329 : i32 to index
        %swap3A_352 = arith.constant 0 : index
        %swap3A_353 = tpu.vector_load %arg25[%swap3A_351, %swap3A_352] {strides = array<i32>} : memref<32x128xf32, #tpu.memory_space<vmem>>, vector<1x16xf32>,
        %swap3A_354 = vector.shape_cast %swap3A_353 : vector<1x16xf32> to vector<16xf32>
        %swap3A_355 = vector.shape_cast %mul3A_350 : vector<16xf32> to vector<1x16xf32>
        tpu.vector_store %arg25[%swap3A_351, %swap3A_352], %swap3A_355 {strides = array<i32>} : memref<32x128xf32, #tpu.memory_space<vmem>>, vector<1x16xf32>,
        %add3A_356 = arith.constant 0 : i32
        %add3A_357 = arith.addi %mul3A_17, %add3A_356 : i32
        %broadcast_in_dim3A_358 = vector.broadcast %add3A_357 : i32 to vector<16x1xi32>
        %gather3A_359 = vector.shape_cast %broadcast_in_dim3A_358 : vector<16x1xi32> to vector<16xi32>
        %gather3A_360 = tpu.dynamic_gather %exp3A[%gather3A_359] in [0] : vector<16xf32>, vector<16xi32> -> vector<16xf32>
        %get3A_361 = arith.index_cast %scan3A_329 : i32 to index
        %get3A_362 = arith.constant 16 : index
        %get3A_363 = tpu.vector_load %arg23[%get3A_361, %get3A_362] {strides = array<i32>} : memref<32x128xf32, #tpu.memory_space<vmem>>, vector<1x16xf32>,
        %get3A_364 = vector.shape_cast %get3A_363 : vector<1x16xf32> to vector<16xf32>
        %mul3A_365 = arith.mulf %get3A_364, %gather3A_360 : vector<16xf32>
        %swap3A_366 = arith.index_cast %scan3A_329 : i32 to index
        %swap3A_367 = arith.constant 16 : index
        %swap3A_368 = tpu.vector_load %arg25[%swap3A_366, %swap3A_367] {strides = array<i32>} : memref<32x128xf32, #tpu.memory_space<vmem>>, vector<1x16xf32>,
        %swap3A_369 = vector.shape_cast %swap3A_368 : vector<1x16xf32> to vector<16xf32>
        %swap3A_370 = vector.shape_cast %mul3A_365 : vector<16xf32> to vector<1x16xf32>
        tpu.vector_store %arg25[%swap3A_366, %swap3A_367], %swap3A_370 {strides = array<i32>} : memref<32x128xf32, #tpu.memory_space<vmem>>, vector<1x16xf32>,
        %add3A_371 = arith.constant 1 : i32
        %add3A_372 = arith.addi %mul3A_17, %add3A_371 : i32
        %broadcast_in_dim3A_373 = vector.broadcast %add3A_372 : i32 to vector<16x1xi32>
        %gather3A_374 = vector.shape_cast %broadcast_in_dim3A_373 : vector<16x1xi32> to vector<16xi32>
        %gather3A_375 = tpu.dynamic_gather %exp3A[%gather3A_374] in [0] : vector<16xf32>, vector<16xi32> -> vector<16xf32>
        %get3A_376 = arith.index_cast %scan3A_329 : i32 to index
        %get3A_377 = arith.constant 32 : index
        %get3A_378 = tpu.vector_load %arg23[%get3A_376, %get3A_377] {strides = array<i32>} : memref<32x128xf32, #tpu.memory_space<vmem>>, vector<1x16xf32>,
        %get3A_379 = vector.shape_cast %get3A_378 : vector<1x16xf32> to vector<16xf32>
        %mul3A_380 = arith.mulf %get3A_379, %gather3A_375 : vector<16xf32>
        %swap3A_381 = arith.index_cast %scan3A_329 : i32 to index
        %swap3A_382 = arith.constant 32 : index
        %swap3A_383 = tpu.vector_load %arg25[%swap3A_381, %swap3A_382] {strides = array<i32>} : memref<32x128xf32, #tpu.memory_space<vmem>>, vector<1x16xf32>,
        %swap3A_384 = vector.shape_cast %swap3A_383 : vector<1x16xf32> to vector<16xf32>
        %swap3A_385 = vector.shape_cast %mul3A_380 : vector<16xf32> to vector<1x16xf32>
        tpu.vector_store %arg25[%swap3A_381, %swap3A_382], %swap3A_385 {strides = array<i32>} : memref<32x128xf32, #tpu.memory_space<vmem>>, vector<1x16xf32>,
        %add3A_386 = arith.constant 1 : i32
        %add3A_387 = arith.addi %mul3A_17, %add3A_386 : i32
        %broadcast_in_dim3A_388 = vector.broadcast %add3A_387 : i32 to vector<16x1xi32>
        %gather3A_389 = vector.shape_cast %broadcast_in_dim3A_388 : vector<16x1xi32> to vector<16xi32>
        %gather3A_390 = tpu.dynamic_gather %exp3A[%gather3A_389] in [0] : vector<16xf32>, vector<16xi32> -> vector<16xf32>
        %get3A_391 = arith.index_cast %scan3A_329 : i32 to index
        %get3A_392 = arith.constant 48 : index
        %get3A_393 = tpu.vector_load %arg23[%get3A_391, %get3A_392] {strides = array<i32>} : memref<32x128xf32, #tpu.memory_space<vmem>>, vector<1x16xf32>,
        %get3A_394 = vector.shape_cast %get3A_393 : vector<1x16xf32> to vector<16xf32>
        %mul3A_395 = arith.mulf %get3A_394, %gather3A_390 : vector<16xf32>
        %swap3A_396 = arith.index_cast %scan3A_329 : i32 to index
        %swap3A_397 = arith.constant 48 : index
        %swap3A_398 = tpu.vector_load %arg25[%swap3A_396, %swap3A_397] {strides = array<i32>} : memref<32x128xf32, #tpu.memory_space<vmem>>, vector<1x16xf32>,
        %swap3A_399 = vector.shape_cast %swap3A_398 : vector<1x16xf32> to vector<16xf32>
        %swap3A_400 = vector.shape_cast %mul3A_395 : vector<16xf32> to vector<1x16xf32>
        tpu.vector_store %arg25[%swap3A_396, %swap3A_397], %swap3A_400 {strides = array<i32>} : memref<32x128xf32, #tpu.memory_space<vmem>>, vector<1x16xf32>,
        %add3A_401 = arith.constant 2 : i32
        %add3A_402 = arith.addi %mul3A_17, %add3A_401 : i32
        %broadcast_in_dim3A_403 = vector.broadcast %add3A_402 : i32 to vector<16x1xi32>
        %gather3A_404 = vector.shape_cast %broadcast_in_dim3A_403 : vector<16x1xi32> to vector<16xi32>
        %gather3A_405 = tpu.dynamic_gather %exp3A[%gather3A_404] in [0] : vector<16xf32>, vector<16xi32> -> vector<16xf32>
        %get3A_406 = arith.index_cast %scan3A_329 : i32 to index
        %get3A_407 = arith.constant 64 : index
        %get3A_408 = tpu.vector_load %arg23[%get3A_406, %get3A_407] {strides = array<i32>} : memref<32x128xf32, #tpu.memory_space<vmem>>, vector<1x16xf32>,
        %get3A_409 = vector.shape_cast %get3A_408 : vector<1x16xf32> to vector<16xf32>
        %mul3A_410 = arith.mulf %get3A_409, %gather3A_405 : vector<16xf32>
        %swap3A_411 = arith.index_cast %scan3A_329 : i32 to index
        %swap3A_412 = arith.constant 64 : index
        %swap3A_413 = tpu.vector_load %arg25[%swap3A_411, %swap3A_412] {strides = array<i32>} : memref<32x128xf32, #tpu.memory_space<vmem>>, vector<1x16xf32>,
        %swap3A_414 = vector.shape_cast %swap3A_413 : vector<1x16xf32> to vector<16xf32>
        %swap3A_415 = vector.shape_cast %mul3A_410 : vector<16xf32> to vector<1x16xf32>
        tpu.vector_store %arg25[%swap3A_411, %swap3A_412], %swap3A_415 {strides = array<i32>} : memref<32x128xf32, #tpu.memory_space<vmem>>, vector<1x16xf32>,
        %add3A_416 = arith.constant 2 : i32
        %add3A_417 = arith.addi %mul3A_17, %add3A_416 : i32
        %broadcast_in_dim3A_418 = vector.broadcast %add3A_417 : i32 to vector<16x1xi32>
        %gather3A_419 = vector.shape_cast %broadcast_in_dim3A_418 : vector<16x1xi32> to vector<16xi32>
        %gather3A_420 = tpu.dynamic_gather %exp3A[%gather3A_419] in [0] : vector<16xf32>, vector<16xi32> -> vector<16xf32>
        %get3A_421 = arith.index_cast %scan3A_329 : i32 to index
        %get3A_422 = arith.constant 80 : index
        %get3A_423 = tpu.vector_load %arg23[%get3A_421, %get3A_422] {strides = array<i32>} : memref<32x128xf32, #tpu.memory_space<vmem>>, vector<1x16xf32>,
        %get3A_424 = vector.shape_cast %get3A_423 : vector<1x16xf32> to vector<16xf32>
        %mul3A_425 = arith.mulf %get3A_424, %gather3A_420 : vector<16xf32>
        %swap3A_426 = arith.index_cast %scan3A_329 : i32 to index
        %swap3A_427 = arith.constant 80 : index
        %swap3A_428 = tpu.vector_load %arg25[%swap3A_426, %swap3A_427] {strides = array<i32>} : memref<32x128xf32, #tpu.memory_space<vmem>>, vector<1x16xf32>,
        %swap3A_429 = vector.shape_cast %swap3A_428 : vector<1x16xf32> to vector<16xf32>
        %swap3A_430 = vector.shape_cast %mul3A_425 : vector<16xf32> to vector<1x16xf32>
        tpu.vector_store %arg25[%swap3A_426, %swap3A_427], %swap3A_430 {strides = array<i32>} : memref<32x128xf32, #tpu.memory_space<vmem>>, vector<1x16xf32>,
        %add3A_431 = arith.constant 3 : i32
        %add3A_432 = arith.addi %mul3A_17, %add3A_431 : i32
        %broadcast_in_dim3A_433 = vector.broadcast %add3A_432 : i32 to vector<16x1xi32>
        %gather3A_434 = vector.shape_cast %broadcast_in_dim3A_433 : vector<16x1xi32> to vector<16xi32>
        %gather3A_435 = tpu.dynamic_gather %exp3A[%gather3A_434] in [0] : vector<16xf32>, vector<16xi32> -> vector<16xf32>
        %get3A_436 = arith.index_cast %scan3A_329 : i32 to index
        %get3A_437 = arith.constant 96 : index
        %get3A_438 = tpu.vector_load %arg23[%get3A_436, %get3A_437] {strides = array<i32>} : memref<32x128xf32, #tpu.memory_space<vmem>>, vector<1x16xf32>,
        %get3A_439 = vector.shape_cast %get3A_438 : vector<1x16xf32> to vector<16xf32>
        %mul3A_440 = arith.mulf %get3A_439, %gather3A_435 : vector<16xf32>
        %swap3A_441 = arith.index_cast %scan3A_329 : i32 to index
        %swap3A_442 = arith.constant 96 : index
        %swap3A_443 = tpu.vector_load %arg25[%swap3A_441, %swap3A_442] {strides = array<i32>} : memref<32x128xf32, #tpu.memory_space<vmem>>, vector<1x16xf32>,
        %swap3A_444 = vector.shape_cast %swap3A_443 : vector<1x16xf32> to vector<16xf32>
        %swap3A_445 = vector.shape_cast %mul3A_440 : vector<16xf32> to vector<1x16xf32>
        tpu.vector_store %arg25[%swap3A_441, %swap3A_442], %swap3A_445 {strides = array<i32>} : memref<32x128xf32, #tpu.memory_space<vmem>>, vector<1x16xf32>,
        %add3A_446 = arith.constant 3 : i32
        %add3A_447 = arith.addi %mul3A_17, %add3A_446 : i32
        %broadcast_in_dim3A_448 = vector.broadcast %add3A_447 : i32 to vector<16x1xi32>
        %gather3A_449 = vector.shape_cast %broadcast_in_dim3A_448 : vector<16x1xi32> to vector<16xi32>
        %gather3A_450 = tpu.dynamic_gather %exp3A[%gather3A_449] in [0] : vector<16xf32>, vector<16xi32> -> vector<16xf32>
        %get3A_451 = arith.index_cast %scan3A_329 : i32 to index
        %get3A_452 = arith.constant 112 : index
        %get3A_453 = tpu.vector_load %arg23[%get3A_451, %get3A_452] {strides = array<i32>} : memref<32x128xf32, #tpu.memory_space<vmem>>, vector<1x16xf32>,
        %get3A_454 = vector.shape_cast %get3A_453 : vector<1x16xf32> to vector<16xf32>
        %mul3A_455 = arith.mulf %get3A_454, %gather3A_450 : vector<16xf32>
        %swap3A_456 = arith.index_cast %scan3A_329 : i32 to index
        %swap3A_457 = arith.constant 112 : index
        %swap3A_458 = tpu.vector_load %arg25[%swap3A_456, %swap3A_457] {strides = array<i32>} : memref<32x128xf32, #tpu.memory_space<vmem>>, vector<1x16xf32>,
        %swap3A_459 = vector.shape_cast %swap3A_458 : vector<1x16xf32> to vector<16xf32>
        %swap3A_460 = vector.shape_cast %mul3A_455 : vector<16xf32> to vector<1x16xf32>
        tpu.vector_store %arg25[%swap3A_456, %swap3A_457], %swap3A_460 {strides = array<i32>} : memref<32x128xf32, #tpu.memory_space<vmem>>, vector<1x16xf32>,
        %and3A_461 = arith.constant 15 : i32
        %and3A_462 = arith.andi %scan3A_329, %and3A_461 : i32
        %sub3A = arith.subi %scan3A_329, %and3A_462 : i32
        %get3A_463 = arith.index_cast %sub3A : i32 to index
        %get3A_464 = tpu.vector_load %arg17[%get3A_463] {strides = array<i32>} : memref<32xi32, #tpu.memory_space<vmem>>, vector<16xi32>,
        %get3A_465 = vector.shape_cast %get3A_464 : vector<16xi32> to vector<16xi32>
        %broadcast_in_dim3A_466 = vector.broadcast %and3A_462 : i32 to vector<16x1xi32>
        %gather3A_467 = vector.shape_cast %broadcast_in_dim3A_466 : vector<16x1xi32> to vector<16xi32>
        %gather3A_468 = tpu.dynamic_gather %get3A_465[%gather3A_467] in [0] : vector<16xi32>, vector<16xi32> -> vector<16xi32>
        %sub3A_469 = arith.constant 0 : i32
        %sub3A_470 = vector.broadcast %sub3A_469 : i32 to vector<16xi32>
        %sub3A_471 = arith.subi %gather3A_468, %sub3A_470 : vector<16xi32>
        %abs3A = math.absi %sub3A_471 : vector<16xi32>
        %min3A = arith.constant 1 : i32
        %min3A_472 = vector.broadcast %min3A : i32 to vector<16xi32>
        %min3A_473 = arith.minsi %abs3A, %min3A_472 : vector<16xi32>
        %sub3A_474 = arith.constant 1 : i32
        %sub3A_475 = vector.broadcast %sub3A_474 : i32 to vector<16xi32>
        %sub3A_476 = arith.subi %sub3A_475, %min3A_473 : vector<16xi32>
        %convert_element_type3A_477 = arith.sitofp %sub3A_476 : vector<16xi32> to vector<16xf32>
        %mul3A_478 = arith.mulf %exp3A, %convert_element_type3A_477 : vector<16xf32>
        %swap3A_479 = arith.index_cast %scan3A_329 : i32 to index
        %swap3A_480 = arith.constant 0 : index
        %swap3A_481 = tpu.vector_load %arg26[%swap3A_479, %swap3A_480] {strides = array<i32>} : memref<32x128xf32, #tpu.memory_space<vmem>>, vector<1x16xf32>,
        %swap3A_482 = vector.shape_cast %swap3A_481 : vector<1x16xf32> to vector<16xf32>
        %swap3A_483 = vector.shape_cast %mul3A_478 : vector<16xf32> to vector<1x16xf32>
        tpu.vector_store %arg26[%swap3A_479, %swap3A_480], %swap3A_483 {strides = array<i32>} : memref<32x128xf32, #tpu.memory_space<vmem>>, vector<1x16xf32>,
        %sub3A_484 = arith.constant 1 : i32
        %sub3A_485 = vector.broadcast %sub3A_484 : i32 to vector<16xi32>
        %sub3A_486 = arith.subi %gather3A_468, %sub3A_485 : vector<16xi32>
        %abs3A_487 = math.absi %sub3A_486 : vector<16xi32>
        %min3A_488 = arith.constant 1 : i32
        %min3A_489 = vector.broadcast %min3A_488 : i32 to vector<16xi32>
        %min3A_490 = arith.minsi %abs3A_487, %min3A_489 : vector<16xi32>
        %sub3A_491 = arith.constant 1 : i32
        %sub3A_492 = vector.broadcast %sub3A_491 : i32 to vector<16xi32>
        %sub3A_493 = arith.subi %sub3A_492, %min3A_490 : vector<16xi32>
        %convert_element_type3A_494 = arith.sitofp %sub3A_493 : vector<16xi32> to vector<16xf32>
        %mul3A_495 = arith.mulf %exp3A, %convert_element_type3A_494 : vector<16xf32>
        %swap3A_496 = arith.index_cast %scan3A_329 : i32 to index
        %swap3A_497 = arith.constant 16 : index
        %swap3A_498 = tpu.vector_load %arg26[%swap3A_496, %swap3A_497] {strides = array<i32>} : memref<32x128xf32, #tpu.memory_space<vmem>>, vector<1x16xf32>,
        %swap3A_499 = vector.shape_cast %swap3A_498 : vector<1x16xf32> to vector<16xf32>
        %swap3A_500 = vector.shape_cast %mul3A_495 : vector<16xf32> to vector<1x16xf32>
        tpu.vector_store %arg26[%swap3A_496, %swap3A_497], %swap3A_500 {strides = array<i32>} : memref<32x128xf32, #tpu.memory_space<vmem>>, vector<1x16xf32>,
        %sub3A_501 = arith.constant 2 : i32
        %sub3A_502 = vector.broadcast %sub3A_501 : i32 to vector<16xi32>
        %sub3A_503 = arith.subi %gather3A_468, %sub3A_502 : vector<16xi32>
        %abs3A_504 = math.absi %sub3A_503 : vector<16xi32>
        %min3A_505 = arith.constant 1 : i32
        %min3A_506 = vector.broadcast %min3A_505 : i32 to vector<16xi32>
        %min3A_507 = arith.minsi %abs3A_504, %min3A_506 : vector<16xi32>
        %sub3A_508 = arith.constant 1 : i32
        %sub3A_509 = vector.broadcast %sub3A_508 : i32 to vector<16xi32>
        %sub3A_510 = arith.subi %sub3A_509, %min3A_507 : vector<16xi32>
        %convert_element_type3A_511 = arith.sitofp %sub3A_510 : vector<16xi32> to vector<16xf32>
        %mul3A_512 = arith.mulf %exp3A, %convert_element_type3A_511 : vector<16xf32>
        %swap3A_513 = arith.index_cast %scan3A_329 : i32 to index
        %swap3A_514 = arith.constant 32 : index
        %swap3A_515 = tpu.vector_load %arg26[%swap3A_513, %swap3A_514] {strides = array<i32>} : memref<32x128xf32, #tpu.memory_space<vmem>>, vector<1x16xf32>,
        %swap3A_516 = vector.shape_cast %swap3A_515 : vector<1x16xf32> to vector<16xf32>
        %swap3A_517 = vector.shape_cast %mul3A_512 : vector<16xf32> to vector<1x16xf32>
        tpu.vector_store %arg26[%swap3A_513, %swap3A_514], %swap3A_517 {strides = array<i32>} : memref<32x128xf32, #tpu.memory_space<vmem>>, vector<1x16xf32>,
        %sub3A_518 = arith.constant 3 : i32
        %sub3A_519 = vector.broadcast %sub3A_518 : i32 to vector<16xi32>
        %sub3A_520 = arith.subi %gather3A_468, %sub3A_519 : vector<16xi32>
        %abs3A_521 = math.absi %sub3A_520 : vector<16xi32>
        %min3A_522 = arith.constant 1 : i32
        %min3A_523 = vector.broadcast %min3A_522 : i32 to vector<16xi32>
        %min3A_524 = arith.minsi %abs3A_521, %min3A_523 : vector<16xi32>
        %sub3A_525 = arith.constant 1 : i32
        %sub3A_526 = vector.broadcast %sub3A_525 : i32 to vector<16xi32>
        %sub3A_527 = arith.subi %sub3A_526, %min3A_524 : vector<16xi32>
        %convert_element_type3A_528 = arith.sitofp %sub3A_527 : vector<16xi32> to vector<16xf32>
        %mul3A_529 = arith.mulf %exp3A, %convert_element_type3A_528 : vector<16xf32>
        %swap3A_530 = arith.index_cast %scan3A_329 : i32 to index
        %swap3A_531 = arith.constant 48 : index
        %swap3A_532 = tpu.vector_load %arg26[%swap3A_530, %swap3A_531] {strides = array<i32>} : memref<32x128xf32, #tpu.memory_space<vmem>>, vector<1x16xf32>,
        %swap3A_533 = vector.shape_cast %swap3A_532 : vector<1x16xf32> to vector<16xf32>
        %swap3A_534 = vector.shape_cast %mul3A_529 : vector<16xf32> to vector<1x16xf32>
        tpu.vector_store %arg26[%swap3A_530, %swap3A_531], %swap3A_534 {strides = array<i32>} : memref<32x128xf32, #tpu.memory_space<vmem>>, vector<1x16xf32>,
        %sub3A_535 = arith.constant 4 : i32
        %sub3A_536 = vector.broadcast %sub3A_535 : i32 to vector<16xi32>
        %sub3A_537 = arith.subi %gather3A_468, %sub3A_536 : vector<16xi32>
        %abs3A_538 = math.absi %sub3A_537 : vector<16xi32>
        %min3A_539 = arith.constant 1 : i32
        %min3A_540 = vector.broadcast %min3A_539 : i32 to vector<16xi32>
        %min3A_541 = arith.minsi %abs3A_538, %min3A_540 : vector<16xi32>
        %sub3A_542 = arith.constant 1 : i32
        %sub3A_543 = vector.broadcast %sub3A_542 : i32 to vector<16xi32>
        %sub3A_544 = arith.subi %sub3A_543, %min3A_541 : vector<16xi32>
        %convert_element_type3A_545 = arith.sitofp %sub3A_544 : vector<16xi32> to vector<16xf32>
        %mul3A_546 = arith.mulf %exp3A, %convert_element_type3A_545 : vector<16xf32>
        %swap3A_547 = arith.index_cast %scan3A_329 : i32 to index
        %swap3A_548 = arith.constant 64 : index
        %swap3A_549 = tpu.vector_load %arg26[%swap3A_547, %swap3A_548] {strides = array<i32>} : memref<32x128xf32, #tpu.memory_space<vmem>>, vector<1x16xf32>,
        %swap3A_550 = vector.shape_cast %swap3A_549 : vector<1x16xf32> to vector<16xf32>
        %swap3A_551 = vector.shape_cast %mul3A_546 : vector<16xf32> to vector<1x16xf32>
        tpu.vector_store %arg26[%swap3A_547, %swap3A_548], %swap3A_551 {strides = array<i32>} : memref<32x128xf32, #tpu.memory_space<vmem>>, vector<1x16xf32>,
        %sub3A_552 = arith.constant 5 : i32
        %sub3A_553 = vector.broadcast %sub3A_552 : i32 to vector<16xi32>
        %sub3A_554 = arith.subi %gather3A_468, %sub3A_553 : vector<16xi32>
        %abs3A_555 = math.absi %sub3A_554 : vector<16xi32>
        %min3A_556 = arith.constant 1 : i32
        %min3A_557 = vector.broadcast %min3A_556 : i32 to vector<16xi32>
        %min3A_558 = arith.minsi %abs3A_555, %min3A_557 : vector<16xi32>
        %sub3A_559 = arith.constant 1 : i32
        %sub3A_560 = vector.broadcast %sub3A_559 : i32 to vector<16xi32>
        %sub3A_561 = arith.subi %sub3A_560, %min3A_558 : vector<16xi32>
        %convert_element_type3A_562 = arith.sitofp %sub3A_561 : vector<16xi32> to vector<16xf32>
        %mul3A_563 = arith.mulf %exp3A, %convert_element_type3A_562 : vector<16xf32>
        %swap3A_564 = arith.index_cast %scan3A_329 : i32 to index
        %swap3A_565 = arith.constant 80 : index
        %swap3A_566 = tpu.vector_load %arg26[%swap3A_564, %swap3A_565] {strides = array<i32>} : memref<32x128xf32, #tpu.memory_space<vmem>>, vector<1x16xf32>,
        %swap3A_567 = vector.shape_cast %swap3A_566 : vector<1x16xf32> to vector<16xf32>
        %swap3A_568 = vector.shape_cast %mul3A_563 : vector<16xf32> to vector<1x16xf32>
        tpu.vector_store %arg26[%swap3A_564, %swap3A_565], %swap3A_568 {strides = array<i32>} : memref<32x128xf32, #tpu.memory_space<vmem>>, vector<1x16xf32>,
        %sub3A_569 = arith.constant 6 : i32
        %sub3A_570 = vector.broadcast %sub3A_569 : i32 to vector<16xi32>
        %sub3A_571 = arith.subi %gather3A_468, %sub3A_570 : vector<16xi32>
        %abs3A_572 = math.absi %sub3A_571 : vector<16xi32>
        %min3A_573 = arith.constant 1 : i32
        %min3A_574 = vector.broadcast %min3A_573 : i32 to vector<16xi32>
        %min3A_575 = arith.minsi %abs3A_572, %min3A_574 : vector<16xi32>
        %sub3A_576 = arith.constant 1 : i32
        %sub3A_577 = vector.broadcast %sub3A_576 : i32 to vector<16xi32>
        %sub3A_578 = arith.subi %sub3A_577, %min3A_575 : vector<16xi32>
        %convert_element_type3A_579 = arith.sitofp %sub3A_578 : vector<16xi32> to vector<16xf32>
        %mul3A_580 = arith.mulf %exp3A, %convert_element_type3A_579 : vector<16xf32>
        %swap3A_581 = arith.index_cast %scan3A_329 : i32 to index
        %swap3A_582 = arith.constant 96 : index
        %swap3A_583 = tpu.vector_load %arg26[%swap3A_581, %swap3A_582] {strides = array<i32>} : memref<32x128xf32, #tpu.memory_space<vmem>>, vector<1x16xf32>,
        %swap3A_584 = vector.shape_cast %swap3A_583 : vector<1x16xf32> to vector<16xf32>
        %swap3A_585 = vector.shape_cast %mul3A_580 : vector<16xf32> to vector<1x16xf32>
        tpu.vector_store %arg26[%swap3A_581, %swap3A_582], %swap3A_585 {strides = array<i32>} : memref<32x128xf32, #tpu.memory_space<vmem>>, vector<1x16xf32>,
        %sub3A_586 = arith.constant 7 : i32
        %sub3A_587 = vector.broadcast %sub3A_586 : i32 to vector<16xi32>
        %sub3A_588 = arith.subi %gather3A_468, %sub3A_587 : vector<16xi32>
        %abs3A_589 = math.absi %sub3A_588 : vector<16xi32>
        %min3A_590 = arith.constant 1 : i32
        %min3A_591 = vector.broadcast %min3A_590 : i32 to vector<16xi32>
        %min3A_592 = arith.minsi %abs3A_589, %min3A_591 : vector<16xi32>
        %sub3A_593 = arith.constant 1 : i32
        %sub3A_594 = vector.broadcast %sub3A_593 : i32 to vector<16xi32>
        %sub3A_595 = arith.subi %sub3A_594, %min3A_592 : vector<16xi32>
        %convert_element_type3A_596 = arith.sitofp %sub3A_595 : vector<16xi32> to vector<16xf32>
        %mul3A_597 = arith.mulf %exp3A, %convert_element_type3A_596 : vector<16xf32>
        %swap3A_598 = arith.index_cast %scan3A_329 : i32 to index
        %swap3A_599 = arith.constant 112 : index
        %swap3A_600 = tpu.vector_load %arg26[%swap3A_598, %swap3A_599] {strides = array<i32>} : memref<32x128xf32, #tpu.memory_space<vmem>>, vector<1x16xf32>,
        %swap3A_601 = vector.shape_cast %swap3A_600 : vector<1x16xf32> to vector<16xf32>
        %swap3A_602 = vector.shape_cast %mul3A_597 : vector<16xf32> to vector<1x16xf32>
        tpu.vector_store %arg26[%swap3A_598, %swap3A_599], %swap3A_602 {strides = array<i32>} : memref<32x128xf32, #tpu.memory_space<vmem>>, vector<1x16xf32>,
      }
      %scan3A_217 = arith.constant 32 : i32
      %dma_start3A_218 = arith.constant 0 : i32
      %dma_start3A_219 = arith.constant 0 : i32
      %dma_start3A_220 = tpu.memref_slice %arg8[%dma_start3A_218, %dma_start3A_219] : memref<11392x128xf32, #tpu.memory_space<vmem_shared>> -> memref<11392x128xf32, #tpu.memory_space<vmem_shared>>
      tpu.enqueue_indirect_dma source(%arg25 : memref<32x128xf32, #tpu.memory_space<vmem>>) target(%dma_start3A_220 : memref<11392x128xf32, #tpu.memory_space<vmem_shared>>) offsets(%arg11 : memref<32xi32, #tpu.memory_space<vmem>>) semaphore(%arg33 : memref<!tpu.dma_semaphore, #tpu.memory_space<semaphore_mem>>) {add = true}
      %dma_start3A_221 = arith.constant 0 : i32
      %dma_start3A_222 = arith.constant 0 : i32
      %dma_start3A_223 = tpu.memref_slice %arg8[%dma_start3A_221, %dma_start3A_222] : memref<11392x128xf32, #tpu.memory_space<vmem_shared>> -> memref<11392x128xf32, #tpu.memory_space<vmem_shared>>
      tpu.enqueue_indirect_dma source(%arg26 : memref<32x128xf32, #tpu.memory_space<vmem>>) target(%dma_start3A_223 : memref<11392x128xf32, #tpu.memory_space<vmem_shared>>) offsets(%arg15 : memref<32xi32, #tpu.memory_space<vmem>>) semaphore(%arg35 : memref<!tpu.dma_semaphore, #tpu.memory_space<semaphore_mem>>) {add = true}
      %add3A_224 = arith.constant 2 : i32
      %add3A_225 = arith.addi %mul3A_122, %add3A_224 : i32
      %mul3A_226 = arith.constant 32 : i32
      %mul3A_227 = arith.muli %add3A_225, %mul3A_226 : i32
      %add3A_228 = arith.addi %mul3A_15, %mul3A_227 : i32
      "tpu.region"() ({
        %run_scoped3A = tpu.sem_alloc : memref<!tpu.dma_semaphore, #tpu.memory_space<semaphore_mem>>
        %dma_start3A_329 = tpu.memref_slice %arg5[%add3A_228] : memref<171072xi32, #tpu.memory_space<hbm>> -> memref<32xi32, #tpu.memory_space<hbm>>
        %dma_start3A_330 = tpu.memref_slice %arg5[%add3A_228] : memref<171072xi32, #tpu.memory_space<hbm>> -> memref<32xi32, #tpu.memory_space<hbm>>
        tpu.enqueue_dma source(%dma_start3A_330 : memref<32xi32, #tpu.memory_space<hbm>>) target(%arg9 : memref<32xi32, #tpu.memory_space<vmem>>) target_semaphore(%run_scoped3A : memref<!tpu.dma_semaphore, #tpu.memory_space<semaphore_mem>>)
        %dma_wait3A_331 = tpu.memref_slice %arg5[%add3A_228] : memref<171072xi32, #tpu.memory_space<hbm>> -> memref<32xi32, #tpu.memory_space<hbm>>
        %dma_wait3A_332 = tpu.memref_slice %arg5[%add3A_228] : memref<171072xi32, #tpu.memory_space<hbm>> -> memref<32xi32, #tpu.memory_space<hbm>>
        tpu.wait_dma2 semaphore(%run_scoped3A : memref<!tpu.dma_semaphore, #tpu.memory_space<semaphore_mem>>) src(%dma_wait3A_332 : memref<32xi32, #tpu.memory_space<hbm>>) dst(%arg9 : memref<32xi32, #tpu.memory_space<vmem>>)
        tpu.yield
      }) : () -> ()
      "tpu.region"() ({
        %run_scoped3A = tpu.sem_alloc : memref<!tpu.dma_semaphore, #tpu.memory_space<semaphore_mem>>
        %dma_start3A_329 = tpu.memref_slice %arg6[%add3A_228] : memref<171072xi32, #tpu.memory_space<hbm>> -> memref<32xi32, #tpu.memory_space<hbm>>
        %dma_start3A_330 = tpu.memref_slice %arg6[%add3A_228] : memref<171072xi32, #tpu.memory_space<hbm>> -> memref<32xi32, #tpu.memory_space<hbm>>
        tpu.enqueue_dma source(%dma_start3A_330 : memref<32xi32, #tpu.memory_space<hbm>>) target(%arg11 : memref<32xi32, #tpu.memory_space<vmem>>) target_semaphore(%run_scoped3A : memref<!tpu.dma_semaphore, #tpu.memory_space<semaphore_mem>>)
        %dma_wait3A_331 = tpu.memref_slice %arg6[%add3A_228] : memref<171072xi32, #tpu.memory_space<hbm>> -> memref<32xi32, #tpu.memory_space<hbm>>
        %dma_wait3A_332 = tpu.memref_slice %arg6[%add3A_228] : memref<171072xi32, #tpu.memory_space<hbm>> -> memref<32xi32, #tpu.memory_space<hbm>>
        tpu.wait_dma2 semaphore(%run_scoped3A : memref<!tpu.dma_semaphore, #tpu.memory_space<semaphore_mem>>) src(%dma_wait3A_332 : memref<32xi32, #tpu.memory_space<hbm>>) dst(%arg11 : memref<32xi32, #tpu.memory_space<vmem>>)
        tpu.yield
      }) : () -> ()
      %get3A_229 = arith.constant 0 : index
      %get3A_230 = tpu.vector_load %arg9[%get3A_229] {strides = array<i32>} : memref<32xi32, #tpu.memory_space<vmem>>, vector<16xi32>,
      %get3A_231 = vector.shape_cast %get3A_230 : vector<16xi32> to vector<16xi32>
      %get3A_232 = arith.constant 0 : index
      %get3A_233 = tpu.vector_load %arg11[%get3A_232] {strides = array<i32>} : memref<32xi32, #tpu.memory_space<vmem>>, vector<16xi32>,
      %get3A_234 = vector.shape_cast %get3A_233 : vector<16xi32> to vector<16xi32>
      %mul3A_235 = arith.constant 2 : i32
      %mul3A_236 = vector.broadcast %mul3A_235 : i32 to vector<16xi32>
      %mul3A_237 = arith.muli %get3A_231, %mul3A_236 : vector<16xi32>
      %add3A_238 = vector.broadcast %arg0 : i32 to vector<16xi32>
      %add3A_239 = arith.addi %mul3A_237, %add3A_238 : vector<16xi32>
      %swap3A_240 = arith.constant 0 : index
      %swap3A_241 = tpu.vector_load %arg13[%swap3A_240] {strides = array<i32>} : memref<32xi32, #tpu.memory_space<vmem>>, vector<16xi32>,
      %swap3A_242 = vector.shape_cast %swap3A_241 : vector<16xi32> to vector<16xi32>
      %swap3A_243 = vector.shape_cast %add3A_239 : vector<16xi32> to vector<16xi32>
      tpu.vector_store %arg13[%swap3A_240], %swap3A_243 {strides = array<i32>} : memref<32xi32, #tpu.memory_space<vmem>>, vector<16xi32>,
      %shift_right_logical3A_244 = arith.constant 3 : i32
      %shift_right_logical3A_245 = vector.broadcast %shift_right_logical3A_244 : i32 to vector<16xi32>
      %shift_right_logical3A_246 = arith.shrui %get3A_234, %shift_right_logical3A_245 : vector<16xi32>
      %add3A_247 = arith.constant 10112 : i32
      %add3A_248 = vector.broadcast %add3A_247 : i32 to vector<16xi32>
      %add3A_249 = arith.addi %add3A_248, %shift_right_logical3A_246 : vector<16xi32>
      %swap3A_250 = arith.constant 0 : index
      %swap3A_251 = tpu.vector_load %arg15[%swap3A_250] {strides = array<i32>} : memref<32xi32, #tpu.memory_space<vmem>>, vector<16xi32>,
      %swap3A_252 = vector.shape_cast %swap3A_251 : vector<16xi32> to vector<16xi32>
      %swap3A_253 = vector.shape_cast %add3A_249 : vector<16xi32> to vector<16xi32>
      tpu.vector_store %arg15[%swap3A_250], %swap3A_253 {strides = array<i32>} : memref<32xi32, #tpu.memory_space<vmem>>, vector<16xi32>,
      %and3A_254 = arith.constant 7 : i32
      %and3A_255 = vector.broadcast %and3A_254 : i32 to vector<16xi32>
      %and3A_256 = arith.andi %get3A_234, %and3A_255 : vector<16xi32>
      %swap3A_257 = arith.constant 0 : index
      %swap3A_258 = tpu.vector_load %arg17[%swap3A_257] {strides = array<i32>} : memref<32xi32, #tpu.memory_space<vmem>>, vector<16xi32>,
      %swap3A_259 = vector.shape_cast %swap3A_258 : vector<16xi32> to vector<16xi32>
      %swap3A_260 = vector.shape_cast %and3A_256 : vector<16xi32> to vector<16xi32>
      tpu.vector_store %arg17[%swap3A_257], %swap3A_260 {strides = array<i32>} : memref<32xi32, #tpu.memory_space<vmem>>, vector<16xi32>,
      %get3A_261 = arith.constant 16 : index
      %get3A_262 = tpu.vector_load %arg9[%get3A_261] {strides = array<i32>} : memref<32xi32, #tpu.memory_space<vmem>>, vector<16xi32>,
      %get3A_263 = vector.shape_cast %get3A_262 : vector<16xi32> to vector<16xi32>
      %get3A_264 = arith.constant 16 : index
      %get3A_265 = tpu.vector_load %arg11[%get3A_264] {strides = array<i32>} : memref<32xi32, #tpu.memory_space<vmem>>, vector<16xi32>,
      %get3A_266 = vector.shape_cast %get3A_265 : vector<16xi32> to vector<16xi32>
      %mul3A_267 = arith.constant 2 : i32
      %mul3A_268 = vector.broadcast %mul3A_267 : i32 to vector<16xi32>
      %mul3A_269 = arith.muli %get3A_263, %mul3A_268 : vector<16xi32>
      %add3A_270 = vector.broadcast %arg0 : i32 to vector<16xi32>
      %add3A_271 = arith.addi %mul3A_269, %add3A_270 : vector<16xi32>
      %swap3A_272 = arith.constant 16 : index
      %swap3A_273 = tpu.vector_load %arg13[%swap3A_272] {strides = array<i32>} : memref<32xi32, #tpu.memory_space<vmem>>, vector<16xi32>,
      %swap3A_274 = vector.shape_cast %swap3A_273 : vector<16xi32> to vector<16xi32>
      %swap3A_275 = vector.shape_cast %add3A_271 : vector<16xi32> to vector<16xi32>
      tpu.vector_store %arg13[%swap3A_272], %swap3A_275 {strides = array<i32>} : memref<32xi32, #tpu.memory_space<vmem>>, vector<16xi32>,
      %shift_right_logical3A_276 = arith.constant 3 : i32
      %shift_right_logical3A_277 = vector.broadcast %shift_right_logical3A_276 : i32 to vector<16xi32>
      %shift_right_logical3A_278 = arith.shrui %get3A_266, %shift_right_logical3A_277 : vector<16xi32>
      %add3A_279 = arith.constant 10112 : i32
      %add3A_280 = vector.broadcast %add3A_279 : i32 to vector<16xi32>
      %add3A_281 = arith.addi %add3A_280, %shift_right_logical3A_278 : vector<16xi32>
      %swap3A_282 = arith.constant 16 : index
      %swap3A_283 = tpu.vector_load %arg15[%swap3A_282] {strides = array<i32>} : memref<32xi32, #tpu.memory_space<vmem>>, vector<16xi32>,
      %swap3A_284 = vector.shape_cast %swap3A_283 : vector<16xi32> to vector<16xi32>
      %swap3A_285 = vector.shape_cast %add3A_281 : vector<16xi32> to vector<16xi32>
      tpu.vector_store %arg15[%swap3A_282], %swap3A_285 {strides = array<i32>} : memref<32xi32, #tpu.memory_space<vmem>>, vector<16xi32>,
      %and3A_286 = arith.constant 7 : i32
      %and3A_287 = vector.broadcast %and3A_286 : i32 to vector<16xi32>
      %and3A_288 = arith.andi %get3A_266, %and3A_287 : vector<16xi32>
      %swap3A_289 = arith.constant 16 : index
      %swap3A_290 = tpu.vector_load %arg17[%swap3A_289] {strides = array<i32>} : memref<32xi32, #tpu.memory_space<vmem>>, vector<16xi32>,
      %swap3A_291 = vector.shape_cast %swap3A_290 : vector<16xi32> to vector<16xi32>
      %swap3A_292 = vector.shape_cast %and3A_288 : vector<16xi32> to vector<16xi32>
      tpu.vector_store %arg17[%swap3A_289], %swap3A_292 {strides = array<i32>} : memref<32xi32, #tpu.memory_space<vmem>>, vector<16xi32>,
      %dma_start3A_293 = arith.constant 0 : i32
      %dma_start3A_294 = arith.constant 0 : i32
      %dma_start3A_295 = tpu.memref_slice %arg2[%dma_start3A_293, %dma_start3A_294] : memref<20224x128xf32, #tpu.memory_space<hbm>> -> memref<20224x128xf32, #tpu.memory_space<hbm>>
      tpu.enqueue_indirect_dma source(%dma_start3A_295 : memref<20224x128xf32, #tpu.memory_space<hbm>>) target(%arg23 : memref<32x128xf32, #tpu.memory_space<vmem>>) offsets(%arg13 : memref<32xi32, #tpu.memory_space<vmem>>) semaphore(%arg27 : memref<!tpu.dma_semaphore, #tpu.memory_space<semaphore_mem>>)
      %dma_start3A_296 = arith.constant 0 : i32
      %dma_start3A_297 = arith.constant 0 : i32
      %dma_start3A_298 = tpu.memref_slice %arg3[%dma_start3A_296, %dma_start3A_297] : memref<10112x128xf32, #tpu.memory_space<hbm>> -> memref<10112x128xf32, #tpu.memory_space<hbm>>
      tpu.enqueue_indirect_dma source(%dma_start3A_298 : memref<10112x128xf32, #tpu.memory_space<hbm>>) target(%arg19 : memref<32x128xf32, #tpu.memory_space<vmem>>) offsets(%arg9 : memref<32xi32, #tpu.memory_space<vmem>>) semaphore(%arg29 : memref<!tpu.dma_semaphore, #tpu.memory_space<semaphore_mem>>)
      %dma_start3A_299 = arith.constant 0 : i32
      %dma_start3A_300 = arith.constant 0 : i32
      %dma_start3A_301 = tpu.memref_slice %arg4[%dma_start3A_299, %dma_start3A_300] : memref<10112x128xf32, #tpu.memory_space<hbm>> -> memref<10112x128xf32, #tpu.memory_space<hbm>>
      tpu.enqueue_indirect_dma source(%dma_start3A_301 : memref<10112x128xf32, #tpu.memory_space<hbm>>) target(%arg21 : memref<32x128xf32, #tpu.memory_space<vmem>>) offsets(%arg11 : memref<32xi32, #tpu.memory_space<vmem>>) semaphore(%arg31 : memref<!tpu.dma_semaphore, #tpu.memory_space<semaphore_mem>>)
      %dma_wait3A_302 = arith.constant 0 : i32
      %dma_wait3A_303 = arith.constant 0 : i32
      %dma_wait3A_304 = tpu.memref_slice %arg2[%dma_wait3A_302, %dma_wait3A_303] : memref<20224x128xf32, #tpu.memory_space<hbm>> -> memref<20224x128xf32, #tpu.memory_space<hbm>>
      tpu.wait_indirect_dma semaphore(%arg28 : memref<!tpu.dma_semaphore, #tpu.memory_space<semaphore_mem>>) src(%dma_wait3A_304 : memref<20224x128xf32, #tpu.memory_space<hbm>>) dst(%arg24 : memref<32x128xf32, #tpu.memory_space<vmem>>)
      %dma_wait3A_305 = arith.constant 0 : i32
      %dma_wait3A_306 = arith.constant 0 : i32
      %dma_wait3A_307 = tpu.memref_slice %arg3[%dma_wait3A_305, %dma_wait3A_306] : memref<10112x128xf32, #tpu.memory_space<hbm>> -> memref<10112x128xf32, #tpu.memory_space<hbm>>
      tpu.wait_indirect_dma semaphore(%arg30 : memref<!tpu.dma_semaphore, #tpu.memory_space<semaphore_mem>>) src(%dma_wait3A_307 : memref<10112x128xf32, #tpu.memory_space<hbm>>) dst(%arg20 : memref<32x128xf32, #tpu.memory_space<vmem>>)
      %dma_wait3A_308 = arith.constant 0 : i32
      %dma_wait3A_309 = arith.constant 0 : i32
      %dma_wait3A_310 = tpu.memref_slice %arg4[%dma_wait3A_308, %dma_wait3A_309] : memref<10112x128xf32, #tpu.memory_space<hbm>> -> memref<10112x128xf32, #tpu.memory_space<hbm>>
      tpu.wait_indirect_dma semaphore(%arg32 : memref<!tpu.dma_semaphore, #tpu.memory_space<semaphore_mem>>) src(%dma_wait3A_310 : memref<10112x128xf32, #tpu.memory_space<hbm>>) dst(%arg22 : memref<32x128xf32, #tpu.memory_space<vmem>>)
      %dma_wait3A_311 = arith.constant 0 : i32
      %dma_wait3A_312 = arith.constant 0 : i32
      %dma_wait3A_313 = tpu.memref_slice %arg8[%dma_wait3A_311, %dma_wait3A_312] : memref<11392x128xf32, #tpu.memory_space<vmem_shared>> -> memref<11392x128xf32, #tpu.memory_space<vmem_shared>>
      tpu.wait_indirect_dma semaphore(%arg33 : memref<!tpu.dma_semaphore, #tpu.memory_space<semaphore_mem>>) src(%arg25 : memref<32x128xf32, #tpu.memory_space<vmem>>) dst(%dma_wait3A_313 : memref<11392x128xf32, #tpu.memory_space<vmem_shared>>)
      %dma_wait3A_314 = arith.constant 0 : i32
      %dma_wait3A_315 = arith.constant 0 : i32
      %dma_wait3A_316 = tpu.memref_slice %arg8[%dma_wait3A_314, %dma_wait3A_315] : memref<11392x128xf32, #tpu.memory_space<vmem_shared>> -> memref<11392x128xf32, #tpu.memory_space<vmem_shared>>
      tpu.wait_indirect_dma semaphore(%arg35 : memref<!tpu.dma_semaphore, #tpu.memory_space<semaphore_mem>>) src(%arg26 : memref<32x128xf32, #tpu.memory_space<vmem>>) dst(%dma_wait3A_316 : memref<11392x128xf32, #tpu.memory_space<vmem_shared>>)
      %scan3A_317 = arith.constant 0 : i32
      %scan3A_318 = arith.constant 0 : i32
      %scan3A_319 = arith.constant 32 : i32
      %scan3A_320 = arith.addi %scan3A_318, %scan3A_319 : i32
      %scan3A_321 = arith.constant 1 : i32
      scf.for %scan3A_329 = %scan3A_318 to %scan3A_320 step %scan3A_321  : i32 {
        %get3A_330 = arith.index_cast %scan3A_329 : i32 to index
        %get3A_331 = arith.constant 0 : index
        %get3A_332 = tpu.vector_load %arg20[%get3A_330, %get3A_331] {strides = array<i32>} : memref<32x128xf32, #tpu.memory_space<vmem>>, vector<1x16xf32>,
        %get3A_333 = vector.shape_cast %get3A_332 : vector<1x16xf32> to vector<16xf32>
        %get3A_334 = arith.index_cast %scan3A_329 : i32 to index
        %get3A_335 = arith.constant 0 : index
        %get3A_336 = tpu.vector_load %arg22[%get3A_334, %get3A_335] {strides = array<i32>} : memref<32x128xf32, #tpu.memory_space<vmem>>, vector<1x16xf32>,
        %get3A_337 = vector.shape_cast %get3A_336 : vector<1x16xf32> to vector<16xf32>
        %add3A_338 = arith.addf %get3A_333, %get3A_337 : vector<16xf32>
        %mul3A_339 = arith.constant 2.000000e-01 : f32
        %mul3A_340 = vector.broadcast %mul3A_339 : f32 to vector<16xf32>
        %mul3A_341 = arith.mulf %mul3A_340, %add3A_338 : vector<16xf32>
        %max3A = arith.maximumf %add3A_338, %mul3A_341 : vector<16xf32>
        %exp3A = math.exp %max3A : vector<16xf32>
        %add3A_342 = arith.constant 0 : i32
        %add3A_343 = arith.addi %mul3A_17, %add3A_342 : i32
        %broadcast_in_dim3A_344 = vector.broadcast %add3A_343 : i32 to vector<16x1xi32>
        %gather3A = vector.shape_cast %broadcast_in_dim3A_344 : vector<16x1xi32> to vector<16xi32>
        %gather3A_345 = tpu.dynamic_gather %exp3A[%gather3A] in [0] : vector<16xf32>, vector<16xi32> -> vector<16xf32>
        %get3A_346 = arith.index_cast %scan3A_329 : i32 to index
        %get3A_347 = arith.constant 0 : index
        %get3A_348 = tpu.vector_load %arg24[%get3A_346, %get3A_347] {strides = array<i32>} : memref<32x128xf32, #tpu.memory_space<vmem>>, vector<1x16xf32>,
        %get3A_349 = vector.shape_cast %get3A_348 : vector<1x16xf32> to vector<16xf32>
        %mul3A_350 = arith.mulf %get3A_349, %gather3A_345 : vector<16xf32>
        %swap3A_351 = arith.index_cast %scan3A_329 : i32 to index
        %swap3A_352 = arith.constant 0 : index
        %swap3A_353 = tpu.vector_load %arg25[%swap3A_351, %swap3A_352] {strides = array<i32>} : memref<32x128xf32, #tpu.memory_space<vmem>>, vector<1x16xf32>,
        %swap3A_354 = vector.shape_cast %swap3A_353 : vector<1x16xf32> to vector<16xf32>
        %swap3A_355 = vector.shape_cast %mul3A_350 : vector<16xf32> to vector<1x16xf32>
        tpu.vector_store %arg25[%swap3A_351, %swap3A_352], %swap3A_355 {strides = array<i32>} : memref<32x128xf32, #tpu.memory_space<vmem>>, vector<1x16xf32>,
        %add3A_356 = arith.constant 0 : i32
        %add3A_357 = arith.addi %mul3A_17, %add3A_356 : i32
        %broadcast_in_dim3A_358 = vector.broadcast %add3A_357 : i32 to vector<16x1xi32>
        %gather3A_359 = vector.shape_cast %broadcast_in_dim3A_358 : vector<16x1xi32> to vector<16xi32>
        %gather3A_360 = tpu.dynamic_gather %exp3A[%gather3A_359] in [0] : vector<16xf32>, vector<16xi32> -> vector<16xf32>
        %get3A_361 = arith.index_cast %scan3A_329 : i32 to index
        %get3A_362 = arith.constant 16 : index
        %get3A_363 = tpu.vector_load %arg24[%get3A_361, %get3A_362] {strides = array<i32>} : memref<32x128xf32, #tpu.memory_space<vmem>>, vector<1x16xf32>,
        %get3A_364 = vector.shape_cast %get3A_363 : vector<1x16xf32> to vector<16xf32>
        %mul3A_365 = arith.mulf %get3A_364, %gather3A_360 : vector<16xf32>
        %swap3A_366 = arith.index_cast %scan3A_329 : i32 to index
        %swap3A_367 = arith.constant 16 : index
        %swap3A_368 = tpu.vector_load %arg25[%swap3A_366, %swap3A_367] {strides = array<i32>} : memref<32x128xf32, #tpu.memory_space<vmem>>, vector<1x16xf32>,
        %swap3A_369 = vector.shape_cast %swap3A_368 : vector<1x16xf32> to vector<16xf32>
        %swap3A_370 = vector.shape_cast %mul3A_365 : vector<16xf32> to vector<1x16xf32>
        tpu.vector_store %arg25[%swap3A_366, %swap3A_367], %swap3A_370 {strides = array<i32>} : memref<32x128xf32, #tpu.memory_space<vmem>>, vector<1x16xf32>,
        %add3A_371 = arith.constant 1 : i32
        %add3A_372 = arith.addi %mul3A_17, %add3A_371 : i32
        %broadcast_in_dim3A_373 = vector.broadcast %add3A_372 : i32 to vector<16x1xi32>
        %gather3A_374 = vector.shape_cast %broadcast_in_dim3A_373 : vector<16x1xi32> to vector<16xi32>
        %gather3A_375 = tpu.dynamic_gather %exp3A[%gather3A_374] in [0] : vector<16xf32>, vector<16xi32> -> vector<16xf32>
        %get3A_376 = arith.index_cast %scan3A_329 : i32 to index
        %get3A_377 = arith.constant 32 : index
        %get3A_378 = tpu.vector_load %arg24[%get3A_376, %get3A_377] {strides = array<i32>} : memref<32x128xf32, #tpu.memory_space<vmem>>, vector<1x16xf32>,
        %get3A_379 = vector.shape_cast %get3A_378 : vector<1x16xf32> to vector<16xf32>
        %mul3A_380 = arith.mulf %get3A_379, %gather3A_375 : vector<16xf32>
        %swap3A_381 = arith.index_cast %scan3A_329 : i32 to index
        %swap3A_382 = arith.constant 32 : index
        %swap3A_383 = tpu.vector_load %arg25[%swap3A_381, %swap3A_382] {strides = array<i32>} : memref<32x128xf32, #tpu.memory_space<vmem>>, vector<1x16xf32>,
        %swap3A_384 = vector.shape_cast %swap3A_383 : vector<1x16xf32> to vector<16xf32>
        %swap3A_385 = vector.shape_cast %mul3A_380 : vector<16xf32> to vector<1x16xf32>
        tpu.vector_store %arg25[%swap3A_381, %swap3A_382], %swap3A_385 {strides = array<i32>} : memref<32x128xf32, #tpu.memory_space<vmem>>, vector<1x16xf32>,
        %add3A_386 = arith.constant 1 : i32
        %add3A_387 = arith.addi %mul3A_17, %add3A_386 : i32
        %broadcast_in_dim3A_388 = vector.broadcast %add3A_387 : i32 to vector<16x1xi32>
        %gather3A_389 = vector.shape_cast %broadcast_in_dim3A_388 : vector<16x1xi32> to vector<16xi32>
        %gather3A_390 = tpu.dynamic_gather %exp3A[%gather3A_389] in [0] : vector<16xf32>, vector<16xi32> -> vector<16xf32>
        %get3A_391 = arith.index_cast %scan3A_329 : i32 to index
        %get3A_392 = arith.constant 48 : index
        %get3A_393 = tpu.vector_load %arg24[%get3A_391, %get3A_392] {strides = array<i32>} : memref<32x128xf32, #tpu.memory_space<vmem>>, vector<1x16xf32>,
        %get3A_394 = vector.shape_cast %get3A_393 : vector<1x16xf32> to vector<16xf32>
        %mul3A_395 = arith.mulf %get3A_394, %gather3A_390 : vector<16xf32>
        %swap3A_396 = arith.index_cast %scan3A_329 : i32 to index
        %swap3A_397 = arith.constant 48 : index
        %swap3A_398 = tpu.vector_load %arg25[%swap3A_396, %swap3A_397] {strides = array<i32>} : memref<32x128xf32, #tpu.memory_space<vmem>>, vector<1x16xf32>,
        %swap3A_399 = vector.shape_cast %swap3A_398 : vector<1x16xf32> to vector<16xf32>
        %swap3A_400 = vector.shape_cast %mul3A_395 : vector<16xf32> to vector<1x16xf32>
        tpu.vector_store %arg25[%swap3A_396, %swap3A_397], %swap3A_400 {strides = array<i32>} : memref<32x128xf32, #tpu.memory_space<vmem>>, vector<1x16xf32>,
        %add3A_401 = arith.constant 2 : i32
        %add3A_402 = arith.addi %mul3A_17, %add3A_401 : i32
        %broadcast_in_dim3A_403 = vector.broadcast %add3A_402 : i32 to vector<16x1xi32>
        %gather3A_404 = vector.shape_cast %broadcast_in_dim3A_403 : vector<16x1xi32> to vector<16xi32>
        %gather3A_405 = tpu.dynamic_gather %exp3A[%gather3A_404] in [0] : vector<16xf32>, vector<16xi32> -> vector<16xf32>
        %get3A_406 = arith.index_cast %scan3A_329 : i32 to index
        %get3A_407 = arith.constant 64 : index
        %get3A_408 = tpu.vector_load %arg24[%get3A_406, %get3A_407] {strides = array<i32>} : memref<32x128xf32, #tpu.memory_space<vmem>>, vector<1x16xf32>,
        %get3A_409 = vector.shape_cast %get3A_408 : vector<1x16xf32> to vector<16xf32>
        %mul3A_410 = arith.mulf %get3A_409, %gather3A_405 : vector<16xf32>
        %swap3A_411 = arith.index_cast %scan3A_329 : i32 to index
        %swap3A_412 = arith.constant 64 : index
        %swap3A_413 = tpu.vector_load %arg25[%swap3A_411, %swap3A_412] {strides = array<i32>} : memref<32x128xf32, #tpu.memory_space<vmem>>, vector<1x16xf32>,
        %swap3A_414 = vector.shape_cast %swap3A_413 : vector<1x16xf32> to vector<16xf32>
        %swap3A_415 = vector.shape_cast %mul3A_410 : vector<16xf32> to vector<1x16xf32>
        tpu.vector_store %arg25[%swap3A_411, %swap3A_412], %swap3A_415 {strides = array<i32>} : memref<32x128xf32, #tpu.memory_space<vmem>>, vector<1x16xf32>,
        %add3A_416 = arith.constant 2 : i32
        %add3A_417 = arith.addi %mul3A_17, %add3A_416 : i32
        %broadcast_in_dim3A_418 = vector.broadcast %add3A_417 : i32 to vector<16x1xi32>
        %gather3A_419 = vector.shape_cast %broadcast_in_dim3A_418 : vector<16x1xi32> to vector<16xi32>
        %gather3A_420 = tpu.dynamic_gather %exp3A[%gather3A_419] in [0] : vector<16xf32>, vector<16xi32> -> vector<16xf32>
        %get3A_421 = arith.index_cast %scan3A_329 : i32 to index
        %get3A_422 = arith.constant 80 : index
        %get3A_423 = tpu.vector_load %arg24[%get3A_421, %get3A_422] {strides = array<i32>} : memref<32x128xf32, #tpu.memory_space<vmem>>, vector<1x16xf32>,
        %get3A_424 = vector.shape_cast %get3A_423 : vector<1x16xf32> to vector<16xf32>
        %mul3A_425 = arith.mulf %get3A_424, %gather3A_420 : vector<16xf32>
        %swap3A_426 = arith.index_cast %scan3A_329 : i32 to index
        %swap3A_427 = arith.constant 80 : index
        %swap3A_428 = tpu.vector_load %arg25[%swap3A_426, %swap3A_427] {strides = array<i32>} : memref<32x128xf32, #tpu.memory_space<vmem>>, vector<1x16xf32>,
        %swap3A_429 = vector.shape_cast %swap3A_428 : vector<1x16xf32> to vector<16xf32>
        %swap3A_430 = vector.shape_cast %mul3A_425 : vector<16xf32> to vector<1x16xf32>
        tpu.vector_store %arg25[%swap3A_426, %swap3A_427], %swap3A_430 {strides = array<i32>} : memref<32x128xf32, #tpu.memory_space<vmem>>, vector<1x16xf32>,
        %add3A_431 = arith.constant 3 : i32
        %add3A_432 = arith.addi %mul3A_17, %add3A_431 : i32
        %broadcast_in_dim3A_433 = vector.broadcast %add3A_432 : i32 to vector<16x1xi32>
        %gather3A_434 = vector.shape_cast %broadcast_in_dim3A_433 : vector<16x1xi32> to vector<16xi32>
        %gather3A_435 = tpu.dynamic_gather %exp3A[%gather3A_434] in [0] : vector<16xf32>, vector<16xi32> -> vector<16xf32>
        %get3A_436 = arith.index_cast %scan3A_329 : i32 to index
        %get3A_437 = arith.constant 96 : index
        %get3A_438 = tpu.vector_load %arg24[%get3A_436, %get3A_437] {strides = array<i32>} : memref<32x128xf32, #tpu.memory_space<vmem>>, vector<1x16xf32>,
        %get3A_439 = vector.shape_cast %get3A_438 : vector<1x16xf32> to vector<16xf32>
        %mul3A_440 = arith.mulf %get3A_439, %gather3A_435 : vector<16xf32>
        %swap3A_441 = arith.index_cast %scan3A_329 : i32 to index
        %swap3A_442 = arith.constant 96 : index
        %swap3A_443 = tpu.vector_load %arg25[%swap3A_441, %swap3A_442] {strides = array<i32>} : memref<32x128xf32, #tpu.memory_space<vmem>>, vector<1x16xf32>,
        %swap3A_444 = vector.shape_cast %swap3A_443 : vector<1x16xf32> to vector<16xf32>
        %swap3A_445 = vector.shape_cast %mul3A_440 : vector<16xf32> to vector<1x16xf32>
        tpu.vector_store %arg25[%swap3A_441, %swap3A_442], %swap3A_445 {strides = array<i32>} : memref<32x128xf32, #tpu.memory_space<vmem>>, vector<1x16xf32>,
        %add3A_446 = arith.constant 3 : i32
        %add3A_447 = arith.addi %mul3A_17, %add3A_446 : i32
        %broadcast_in_dim3A_448 = vector.broadcast %add3A_447 : i32 to vector<16x1xi32>
        %gather3A_449 = vector.shape_cast %broadcast_in_dim3A_448 : vector<16x1xi32> to vector<16xi32>
        %gather3A_450 = tpu.dynamic_gather %exp3A[%gather3A_449] in [0] : vector<16xf32>, vector<16xi32> -> vector<16xf32>
        %get3A_451 = arith.index_cast %scan3A_329 : i32 to index
        %get3A_452 = arith.constant 112 : index
        %get3A_453 = tpu.vector_load %arg24[%get3A_451, %get3A_452] {strides = array<i32>} : memref<32x128xf32, #tpu.memory_space<vmem>>, vector<1x16xf32>,
        %get3A_454 = vector.shape_cast %get3A_453 : vector<1x16xf32> to vector<16xf32>
        %mul3A_455 = arith.mulf %get3A_454, %gather3A_450 : vector<16xf32>
        %swap3A_456 = arith.index_cast %scan3A_329 : i32 to index
        %swap3A_457 = arith.constant 112 : index
        %swap3A_458 = tpu.vector_load %arg25[%swap3A_456, %swap3A_457] {strides = array<i32>} : memref<32x128xf32, #tpu.memory_space<vmem>>, vector<1x16xf32>,
        %swap3A_459 = vector.shape_cast %swap3A_458 : vector<1x16xf32> to vector<16xf32>
        %swap3A_460 = vector.shape_cast %mul3A_455 : vector<16xf32> to vector<1x16xf32>
        tpu.vector_store %arg25[%swap3A_456, %swap3A_457], %swap3A_460 {strides = array<i32>} : memref<32x128xf32, #tpu.memory_space<vmem>>, vector<1x16xf32>,
        %and3A_461 = arith.constant 15 : i32
        %and3A_462 = arith.andi %scan3A_329, %and3A_461 : i32
        %sub3A = arith.subi %scan3A_329, %and3A_462 : i32
        %get3A_463 = arith.index_cast %sub3A : i32 to index
        %get3A_464 = tpu.vector_load %arg18[%get3A_463] {strides = array<i32>} : memref<32xi32, #tpu.memory_space<vmem>>, vector<16xi32>,
        %get3A_465 = vector.shape_cast %get3A_464 : vector<16xi32> to vector<16xi32>
        %broadcast_in_dim3A_466 = vector.broadcast %and3A_462 : i32 to vector<16x1xi32>
        %gather3A_467 = vector.shape_cast %broadcast_in_dim3A_466 : vector<16x1xi32> to vector<16xi32>
        %gather3A_468 = tpu.dynamic_gather %get3A_465[%gather3A_467] in [0] : vector<16xi32>, vector<16xi32> -> vector<16xi32>
        %sub3A_469 = arith.constant 0 : i32
        %sub3A_470 = vector.broadcast %sub3A_469 : i32 to vector<16xi32>
        %sub3A_471 = arith.subi %gather3A_468, %sub3A_470 : vector<16xi32>
        %abs3A = math.absi %sub3A_471 : vector<16xi32>
        %min3A = arith.constant 1 : i32
        %min3A_472 = vector.broadcast %min3A : i32 to vector<16xi32>
        %min3A_473 = arith.minsi %abs3A, %min3A_472 : vector<16xi32>
        %sub3A_474 = arith.constant 1 : i32
        %sub3A_475 = vector.broadcast %sub3A_474 : i32 to vector<16xi32>
        %sub3A_476 = arith.subi %sub3A_475, %min3A_473 : vector<16xi32>
        %convert_element_type3A_477 = arith.sitofp %sub3A_476 : vector<16xi32> to vector<16xf32>
        %mul3A_478 = arith.mulf %exp3A, %convert_element_type3A_477 : vector<16xf32>
        %swap3A_479 = arith.index_cast %scan3A_329 : i32 to index
        %swap3A_480 = arith.constant 0 : index
        %swap3A_481 = tpu.vector_load %arg26[%swap3A_479, %swap3A_480] {strides = array<i32>} : memref<32x128xf32, #tpu.memory_space<vmem>>, vector<1x16xf32>,
        %swap3A_482 = vector.shape_cast %swap3A_481 : vector<1x16xf32> to vector<16xf32>
        %swap3A_483 = vector.shape_cast %mul3A_478 : vector<16xf32> to vector<1x16xf32>
        tpu.vector_store %arg26[%swap3A_479, %swap3A_480], %swap3A_483 {strides = array<i32>} : memref<32x128xf32, #tpu.memory_space<vmem>>, vector<1x16xf32>,
        %sub3A_484 = arith.constant 1 : i32
        %sub3A_485 = vector.broadcast %sub3A_484 : i32 to vector<16xi32>
        %sub3A_486 = arith.subi %gather3A_468, %sub3A_485 : vector<16xi32>
        %abs3A_487 = math.absi %sub3A_486 : vector<16xi32>
        %min3A_488 = arith.constant 1 : i32
        %min3A_489 = vector.broadcast %min3A_488 : i32 to vector<16xi32>
        %min3A_490 = arith.minsi %abs3A_487, %min3A_489 : vector<16xi32>
        %sub3A_491 = arith.constant 1 : i32
        %sub3A_492 = vector.broadcast %sub3A_491 : i32 to vector<16xi32>
        %sub3A_493 = arith.subi %sub3A_492, %min3A_490 : vector<16xi32>
        %convert_element_type3A_494 = arith.sitofp %sub3A_493 : vector<16xi32> to vector<16xf32>
        %mul3A_495 = arith.mulf %exp3A, %convert_element_type3A_494 : vector<16xf32>
        %swap3A_496 = arith.index_cast %scan3A_329 : i32 to index
        %swap3A_497 = arith.constant 16 : index
        %swap3A_498 = tpu.vector_load %arg26[%swap3A_496, %swap3A_497] {strides = array<i32>} : memref<32x128xf32, #tpu.memory_space<vmem>>, vector<1x16xf32>,
        %swap3A_499 = vector.shape_cast %swap3A_498 : vector<1x16xf32> to vector<16xf32>
        %swap3A_500 = vector.shape_cast %mul3A_495 : vector<16xf32> to vector<1x16xf32>
        tpu.vector_store %arg26[%swap3A_496, %swap3A_497], %swap3A_500 {strides = array<i32>} : memref<32x128xf32, #tpu.memory_space<vmem>>, vector<1x16xf32>,
        %sub3A_501 = arith.constant 2 : i32
        %sub3A_502 = vector.broadcast %sub3A_501 : i32 to vector<16xi32>
        %sub3A_503 = arith.subi %gather3A_468, %sub3A_502 : vector<16xi32>
        %abs3A_504 = math.absi %sub3A_503 : vector<16xi32>
        %min3A_505 = arith.constant 1 : i32
        %min3A_506 = vector.broadcast %min3A_505 : i32 to vector<16xi32>
        %min3A_507 = arith.minsi %abs3A_504, %min3A_506 : vector<16xi32>
        %sub3A_508 = arith.constant 1 : i32
        %sub3A_509 = vector.broadcast %sub3A_508 : i32 to vector<16xi32>
        %sub3A_510 = arith.subi %sub3A_509, %min3A_507 : vector<16xi32>
        %convert_element_type3A_511 = arith.sitofp %sub3A_510 : vector<16xi32> to vector<16xf32>
        %mul3A_512 = arith.mulf %exp3A, %convert_element_type3A_511 : vector<16xf32>
        %swap3A_513 = arith.index_cast %scan3A_329 : i32 to index
        %swap3A_514 = arith.constant 32 : index
        %swap3A_515 = tpu.vector_load %arg26[%swap3A_513, %swap3A_514] {strides = array<i32>} : memref<32x128xf32, #tpu.memory_space<vmem>>, vector<1x16xf32>,
        %swap3A_516 = vector.shape_cast %swap3A_515 : vector<1x16xf32> to vector<16xf32>
        %swap3A_517 = vector.shape_cast %mul3A_512 : vector<16xf32> to vector<1x16xf32>
        tpu.vector_store %arg26[%swap3A_513, %swap3A_514], %swap3A_517 {strides = array<i32>} : memref<32x128xf32, #tpu.memory_space<vmem>>, vector<1x16xf32>,
        %sub3A_518 = arith.constant 3 : i32
        %sub3A_519 = vector.broadcast %sub3A_518 : i32 to vector<16xi32>
        %sub3A_520 = arith.subi %gather3A_468, %sub3A_519 : vector<16xi32>
        %abs3A_521 = math.absi %sub3A_520 : vector<16xi32>
        %min3A_522 = arith.constant 1 : i32
        %min3A_523 = vector.broadcast %min3A_522 : i32 to vector<16xi32>
        %min3A_524 = arith.minsi %abs3A_521, %min3A_523 : vector<16xi32>
        %sub3A_525 = arith.constant 1 : i32
        %sub3A_526 = vector.broadcast %sub3A_525 : i32 to vector<16xi32>
        %sub3A_527 = arith.subi %sub3A_526, %min3A_524 : vector<16xi32>
        %convert_element_type3A_528 = arith.sitofp %sub3A_527 : vector<16xi32> to vector<16xf32>
        %mul3A_529 = arith.mulf %exp3A, %convert_element_type3A_528 : vector<16xf32>
        %swap3A_530 = arith.index_cast %scan3A_329 : i32 to index
        %swap3A_531 = arith.constant 48 : index
        %swap3A_532 = tpu.vector_load %arg26[%swap3A_530, %swap3A_531] {strides = array<i32>} : memref<32x128xf32, #tpu.memory_space<vmem>>, vector<1x16xf32>,
        %swap3A_533 = vector.shape_cast %swap3A_532 : vector<1x16xf32> to vector<16xf32>
        %swap3A_534 = vector.shape_cast %mul3A_529 : vector<16xf32> to vector<1x16xf32>
        tpu.vector_store %arg26[%swap3A_530, %swap3A_531], %swap3A_534 {strides = array<i32>} : memref<32x128xf32, #tpu.memory_space<vmem>>, vector<1x16xf32>,
        %sub3A_535 = arith.constant 4 : i32
        %sub3A_536 = vector.broadcast %sub3A_535 : i32 to vector<16xi32>
        %sub3A_537 = arith.subi %gather3A_468, %sub3A_536 : vector<16xi32>
        %abs3A_538 = math.absi %sub3A_537 : vector<16xi32>
        %min3A_539 = arith.constant 1 : i32
        %min3A_540 = vector.broadcast %min3A_539 : i32 to vector<16xi32>
        %min3A_541 = arith.minsi %abs3A_538, %min3A_540 : vector<16xi32>
        %sub3A_542 = arith.constant 1 : i32
        %sub3A_543 = vector.broadcast %sub3A_542 : i32 to vector<16xi32>
        %sub3A_544 = arith.subi %sub3A_543, %min3A_541 : vector<16xi32>
        %convert_element_type3A_545 = arith.sitofp %sub3A_544 : vector<16xi32> to vector<16xf32>
        %mul3A_546 = arith.mulf %exp3A, %convert_element_type3A_545 : vector<16xf32>
        %swap3A_547 = arith.index_cast %scan3A_329 : i32 to index
        %swap3A_548 = arith.constant 64 : index
        %swap3A_549 = tpu.vector_load %arg26[%swap3A_547, %swap3A_548] {strides = array<i32>} : memref<32x128xf32, #tpu.memory_space<vmem>>, vector<1x16xf32>,
        %swap3A_550 = vector.shape_cast %swap3A_549 : vector<1x16xf32> to vector<16xf32>
        %swap3A_551 = vector.shape_cast %mul3A_546 : vector<16xf32> to vector<1x16xf32>
        tpu.vector_store %arg26[%swap3A_547, %swap3A_548], %swap3A_551 {strides = array<i32>} : memref<32x128xf32, #tpu.memory_space<vmem>>, vector<1x16xf32>,
        %sub3A_552 = arith.constant 5 : i32
        %sub3A_553 = vector.broadcast %sub3A_552 : i32 to vector<16xi32>
        %sub3A_554 = arith.subi %gather3A_468, %sub3A_553 : vector<16xi32>
        %abs3A_555 = math.absi %sub3A_554 : vector<16xi32>
        %min3A_556 = arith.constant 1 : i32
        %min3A_557 = vector.broadcast %min3A_556 : i32 to vector<16xi32>
        %min3A_558 = arith.minsi %abs3A_555, %min3A_557 : vector<16xi32>
        %sub3A_559 = arith.constant 1 : i32
        %sub3A_560 = vector.broadcast %sub3A_559 : i32 to vector<16xi32>
        %sub3A_561 = arith.subi %sub3A_560, %min3A_558 : vector<16xi32>
        %convert_element_type3A_562 = arith.sitofp %sub3A_561 : vector<16xi32> to vector<16xf32>
        %mul3A_563 = arith.mulf %exp3A, %convert_element_type3A_562 : vector<16xf32>
        %swap3A_564 = arith.index_cast %scan3A_329 : i32 to index
        %swap3A_565 = arith.constant 80 : index
        %swap3A_566 = tpu.vector_load %arg26[%swap3A_564, %swap3A_565] {strides = array<i32>} : memref<32x128xf32, #tpu.memory_space<vmem>>, vector<1x16xf32>,
        %swap3A_567 = vector.shape_cast %swap3A_566 : vector<1x16xf32> to vector<16xf32>
        %swap3A_568 = vector.shape_cast %mul3A_563 : vector<16xf32> to vector<1x16xf32>
        tpu.vector_store %arg26[%swap3A_564, %swap3A_565], %swap3A_568 {strides = array<i32>} : memref<32x128xf32, #tpu.memory_space<vmem>>, vector<1x16xf32>,
        %sub3A_569 = arith.constant 6 : i32
        %sub3A_570 = vector.broadcast %sub3A_569 : i32 to vector<16xi32>
        %sub3A_571 = arith.subi %gather3A_468, %sub3A_570 : vector<16xi32>
        %abs3A_572 = math.absi %sub3A_571 : vector<16xi32>
        %min3A_573 = arith.constant 1 : i32
        %min3A_574 = vector.broadcast %min3A_573 : i32 to vector<16xi32>
        %min3A_575 = arith.minsi %abs3A_572, %min3A_574 : vector<16xi32>
        %sub3A_576 = arith.constant 1 : i32
        %sub3A_577 = vector.broadcast %sub3A_576 : i32 to vector<16xi32>
        %sub3A_578 = arith.subi %sub3A_577, %min3A_575 : vector<16xi32>
        %convert_element_type3A_579 = arith.sitofp %sub3A_578 : vector<16xi32> to vector<16xf32>
        %mul3A_580 = arith.mulf %exp3A, %convert_element_type3A_579 : vector<16xf32>
        %swap3A_581 = arith.index_cast %scan3A_329 : i32 to index
        %swap3A_582 = arith.constant 96 : index
        %swap3A_583 = tpu.vector_load %arg26[%swap3A_581, %swap3A_582] {strides = array<i32>} : memref<32x128xf32, #tpu.memory_space<vmem>>, vector<1x16xf32>,
        %swap3A_584 = vector.shape_cast %swap3A_583 : vector<1x16xf32> to vector<16xf32>
        %swap3A_585 = vector.shape_cast %mul3A_580 : vector<16xf32> to vector<1x16xf32>
        tpu.vector_store %arg26[%swap3A_581, %swap3A_582], %swap3A_585 {strides = array<i32>} : memref<32x128xf32, #tpu.memory_space<vmem>>, vector<1x16xf32>,
        %sub3A_586 = arith.constant 7 : i32
        %sub3A_587 = vector.broadcast %sub3A_586 : i32 to vector<16xi32>
        %sub3A_588 = arith.subi %gather3A_468, %sub3A_587 : vector<16xi32>
        %abs3A_589 = math.absi %sub3A_588 : vector<16xi32>
        %min3A_590 = arith.constant 1 : i32
        %min3A_591 = vector.broadcast %min3A_590 : i32 to vector<16xi32>
        %min3A_592 = arith.minsi %abs3A_589, %min3A_591 : vector<16xi32>
        %sub3A_593 = arith.constant 1 : i32
        %sub3A_594 = vector.broadcast %sub3A_593 : i32 to vector<16xi32>
        %sub3A_595 = arith.subi %sub3A_594, %min3A_592 : vector<16xi32>
        %convert_element_type3A_596 = arith.sitofp %sub3A_595 : vector<16xi32> to vector<16xf32>
        %mul3A_597 = arith.mulf %exp3A, %convert_element_type3A_596 : vector<16xf32>
        %swap3A_598 = arith.index_cast %scan3A_329 : i32 to index
        %swap3A_599 = arith.constant 112 : index
        %swap3A_600 = tpu.vector_load %arg26[%swap3A_598, %swap3A_599] {strides = array<i32>} : memref<32x128xf32, #tpu.memory_space<vmem>>, vector<1x16xf32>,
        %swap3A_601 = vector.shape_cast %swap3A_600 : vector<1x16xf32> to vector<16xf32>
        %swap3A_602 = vector.shape_cast %mul3A_597 : vector<16xf32> to vector<1x16xf32>
        tpu.vector_store %arg26[%swap3A_598, %swap3A_599], %swap3A_602 {strides = array<i32>} : memref<32x128xf32, #tpu.memory_space<vmem>>, vector<1x16xf32>,
      }
      %scan3A_322 = arith.constant 32 : i32
      %dma_start3A_323 = arith.constant 0 : i32
      %dma_start3A_324 = arith.constant 0 : i32
      %dma_start3A_325 = tpu.memref_slice %arg8[%dma_start3A_323, %dma_start3A_324] : memref<11392x128xf32, #tpu.memory_space<vmem_shared>> -> memref<11392x128xf32, #tpu.memory_space<vmem_shared>>
      tpu.enqueue_indirect_dma source(%arg25 : memref<32x128xf32, #tpu.memory_space<vmem>>) target(%dma_start3A_325 : memref<11392x128xf32, #tpu.memory_space<vmem_shared>>) offsets(%arg12 : memref<32xi32, #tpu.memory_space<vmem>>) semaphore(%arg34 : memref<!tpu.dma_semaphore, #tpu.memory_space<semaphore_mem>>) {add = true}
      %dma_start3A_326 = arith.constant 0 : i32
      %dma_start3A_327 = arith.constant 0 : i32
      %dma_start3A_328 = tpu.memref_slice %arg8[%dma_start3A_326, %dma_start3A_327] : memref<11392x128xf32, #tpu.memory_space<vmem_shared>> -> memref<11392x128xf32, #tpu.memory_space<vmem_shared>>
      tpu.enqueue_indirect_dma source(%arg26 : memref<32x128xf32, #tpu.memory_space<vmem>>) target(%dma_start3A_328 : memref<11392x128xf32, #tpu.memory_space<vmem_shared>>) offsets(%arg16 : memref<32xi32, #tpu.memory_space<vmem>>) semaphore(%arg36 : memref<!tpu.dma_semaphore, #tpu.memory_space<semaphore_mem>>) {add = true}
    }
    %scan3A_93 = arith.constant 167 : i32
    %dma_wait3A = arith.constant 0 : i32
    %dma_wait3A_94 = arith.constant 0 : i32
    %dma_wait3A_95 = tpu.memref_slice %arg2[%dma_wait3A, %dma_wait3A_94] : memref<20224x128xf32, #tpu.memory_space<hbm>> -> memref<20224x128xf32, #tpu.memory_space<hbm>>
    tpu.wait_indirect_dma semaphore(%arg27 : memref<!tpu.dma_semaphore, #tpu.memory_space<semaphore_mem>>) src(%dma_wait3A_95 : memref<20224x128xf32, #tpu.memory_space<hbm>>) dst(%arg23 : memref<32x128xf32, #tpu.memory_space<vmem>>)
    %dma_wait3A_96 = arith.constant 0 : i32
    %dma_wait3A_97 = arith.constant 0 : i32
    %dma_wait3A_98 = tpu.memref_slice %arg3[%dma_wait3A_96, %dma_wait3A_97] : memref<10112x128xf32, #tpu.memory_space<hbm>> -> memref<10112x128xf32, #tpu.memory_space<hbm>>
    tpu.wait_indirect_dma semaphore(%arg29 : memref<!tpu.dma_semaphore, #tpu.memory_space<semaphore_mem>>) src(%dma_wait3A_98 : memref<10112x128xf32, #tpu.memory_space<hbm>>) dst(%arg19 : memref<32x128xf32, #tpu.memory_space<vmem>>)
    %dma_wait3A_99 = arith.constant 0 : i32
    %dma_wait3A_100 = arith.constant 0 : i32
    %dma_wait3A_101 = tpu.memref_slice %arg4[%dma_wait3A_99, %dma_wait3A_100] : memref<10112x128xf32, #tpu.memory_space<hbm>> -> memref<10112x128xf32, #tpu.memory_space<hbm>>
    tpu.wait_indirect_dma semaphore(%arg31 : memref<!tpu.dma_semaphore, #tpu.memory_space<semaphore_mem>>) src(%dma_wait3A_101 : memref<10112x128xf32, #tpu.memory_space<hbm>>) dst(%arg21 : memref<32x128xf32, #tpu.memory_space<vmem>>)
    %dma_wait3A_102 = arith.constant 0 : i32
    %dma_wait3A_103 = arith.constant 0 : i32
    %dma_wait3A_104 = tpu.memref_slice %arg8[%dma_wait3A_102, %dma_wait3A_103] : memref<11392x128xf32, #tpu.memory_space<vmem_shared>> -> memref<11392x128xf32, #tpu.memory_space<vmem_shared>>
    tpu.wait_indirect_dma semaphore(%arg34 : memref<!tpu.dma_semaphore, #tpu.memory_space<semaphore_mem>>) src(%arg25 : memref<32x128xf32, #tpu.memory_space<vmem>>) dst(%dma_wait3A_104 : memref<11392x128xf32, #tpu.memory_space<vmem_shared>>)
    %dma_wait3A_105 = arith.constant 0 : i32
    %dma_wait3A_106 = arith.constant 0 : i32
    %dma_wait3A_107 = tpu.memref_slice %arg8[%dma_wait3A_105, %dma_wait3A_106] : memref<11392x128xf32, #tpu.memory_space<vmem_shared>> -> memref<11392x128xf32, #tpu.memory_space<vmem_shared>>
    tpu.wait_indirect_dma semaphore(%arg36 : memref<!tpu.dma_semaphore, #tpu.memory_space<semaphore_mem>>) src(%arg26 : memref<32x128xf32, #tpu.memory_space<vmem>>) dst(%dma_wait3A_107 : memref<11392x128xf32, #tpu.memory_space<vmem_shared>>)
    %barrier3A_108 = arith.constant 0 : index
    tpu.barrier barrier_id(%barrier3A_108)
    %scan3A_109 = arith.constant 0 : i32
    %scan3A_110 = arith.constant 0 : i32
    %scan3A_111 = arith.constant 22 : i32
    %scan3A_112 = arith.addi %scan3A_110, %scan3A_111 : i32
    %scan3A_113 = arith.constant 1 : i32
    scf.for %scan3A_120 = %scan3A_110 to %scan3A_112 step %scan3A_113  : i32 {
      %mul3A_121 = arith.constant 32 : i32
      %mul3A_122 = arith.muli %scan3A_120, %mul3A_121 : i32
      %add3A_123 = arith.addi %mul3A_0, %mul3A_122 : i32
      "tpu.region"() ({
        %run_scoped3A = tpu.sem_alloc : memref<!tpu.dma_semaphore, #tpu.memory_space<semaphore_mem>>
        %dma_start3A_127 = arith.constant 0 : i32
        %dma_start3A_128 = tpu.memref_slice %arg8[%add3A_123, %dma_start3A_127] : memref<11392x128xf32, #tpu.memory_space<vmem_shared>> -> memref<32x128xf32, #tpu.memory_space<vmem_shared>>
        %dma_start3A_129 = arith.constant 0 : i32
        %dma_start3A_130 = tpu.memref_slice %arg8[%add3A_123, %dma_start3A_129] : memref<11392x128xf32, #tpu.memory_space<vmem_shared>> -> memref<32x128xf32, #tpu.memory_space<vmem_shared>>
        tpu.enqueue_dma source(%dma_start3A_130 : memref<32x128xf32, #tpu.memory_space<vmem_shared>>) target(%arg25 : memref<32x128xf32, #tpu.memory_space<vmem>>) target_semaphore(%run_scoped3A : memref<!tpu.dma_semaphore, #tpu.memory_space<semaphore_mem>>)
        %dma_wait3A_131 = arith.constant 0 : i32
        %dma_wait3A_132 = tpu.memref_slice %arg8[%add3A_123, %dma_wait3A_131] : memref<11392x128xf32, #tpu.memory_space<vmem_shared>> -> memref<32x128xf32, #tpu.memory_space<vmem_shared>>
        %dma_wait3A_133 = arith.constant 0 : i32
        %dma_wait3A_134 = tpu.memref_slice %arg8[%add3A_123, %dma_wait3A_133] : memref<11392x128xf32, #tpu.memory_space<vmem_shared>> -> memref<32x128xf32, #tpu.memory_space<vmem_shared>>
        tpu.wait_dma2 semaphore(%run_scoped3A : memref<!tpu.dma_semaphore, #tpu.memory_space<semaphore_mem>>) src(%dma_wait3A_134 : memref<32x128xf32, #tpu.memory_space<vmem_shared>>) dst(%arg25 : memref<32x128xf32, #tpu.memory_space<vmem>>)
        tpu.yield
      }) : () -> ()
      %mul3A_124 = arith.constant 11392 : i32
      %mul3A_125 = arith.muli %arg0, %mul3A_124 : i32
      %add3A_126 = arith.addi %mul3A_125, %add3A_123 : i32
      "tpu.region"() ({
        %run_scoped3A = tpu.sem_alloc : memref<!tpu.dma_semaphore, #tpu.memory_space<semaphore_mem>>
        %dma_start3A_127 = arith.constant 0 : i32
        %dma_start3A_128 = tpu.memref_slice %arg7[%add3A_126, %dma_start3A_127] : memref<22784x128xf32, #tpu.memory_space<hbm>> -> memref<32x128xf32, #tpu.memory_space<hbm>>
        %dma_start3A_129 = arith.constant 0 : i32
        %dma_start3A_130 = tpu.memref_slice %arg7[%add3A_126, %dma_start3A_129] : memref<22784x128xf32, #tpu.memory_space<hbm>> -> memref<32x128xf32, #tpu.memory_space<hbm>>
        tpu.enqueue_dma source(%arg25 : memref<32x128xf32, #tpu.memory_space<vmem>>) target(%dma_start3A_130 : memref<32x128xf32, #tpu.memory_space<hbm>>) target_semaphore(%run_scoped3A : memref<!tpu.dma_semaphore, #tpu.memory_space<semaphore_mem>>)
        %dma_wait3A_131 = arith.constant 0 : i32
        %dma_wait3A_132 = tpu.memref_slice %arg7[%add3A_126, %dma_wait3A_131] : memref<22784x128xf32, #tpu.memory_space<hbm>> -> memref<32x128xf32, #tpu.memory_space<hbm>>
        %dma_wait3A_133 = arith.constant 0 : i32
        %dma_wait3A_134 = tpu.memref_slice %arg7[%add3A_126, %dma_wait3A_133] : memref<22784x128xf32, #tpu.memory_space<hbm>> -> memref<32x128xf32, #tpu.memory_space<hbm>>
        tpu.wait_dma2 semaphore(%run_scoped3A : memref<!tpu.dma_semaphore, #tpu.memory_space<semaphore_mem>>) src(%arg25 : memref<32x128xf32, #tpu.memory_space<vmem>>) dst(%dma_wait3A_134 : memref<32x128xf32, #tpu.memory_space<hbm>>)
        tpu.yield
      }) : () -> ()
    }
    %scan3A_114 = arith.constant 22 : i32
    %add3A_115 = arith.constant 704 : i32
    %add3A_116 = arith.addi %mul3A_0, %add3A_115 : i32
    "tpu.region"() ({
      %run_scoped3A = tpu.sem_alloc : memref<!tpu.dma_semaphore, #tpu.memory_space<semaphore_mem>>
      %dma_start3A_120 = arith.constant 0 : i32
      %dma_start3A_121 = arith.constant 0 : i32
      %dma_start3A_122 = tpu.memref_slice %arg25[%dma_start3A_120, %dma_start3A_121] : memref<32x128xf32, #tpu.memory_space<vmem>> -> memref<8x128xf32, #tpu.memory_space<vmem>>
      %dma_start3A_123 = arith.constant 0 : i32
      %dma_start3A_124 = tpu.memref_slice %arg8[%add3A_116, %dma_start3A_123] : memref<11392x128xf32, #tpu.memory_space<vmem_shared>> -> memref<8x128xf32, #tpu.memory_space<vmem_shared>>
      %dma_start3A_125 = arith.constant 0 : i32
      %dma_start3A_126 = arith.constant 0 : i32
      %dma_start3A_127 = tpu.memref_slice %arg25[%dma_start3A_125, %dma_start3A_126] : memref<32x128xf32, #tpu.memory_space<vmem>> -> memref<8x128xf32, #tpu.memory_space<vmem>>
      %dma_start3A_128 = arith.constant 0 : i32
      %dma_start3A_129 = tpu.memref_slice %arg8[%add3A_116, %dma_start3A_128] : memref<11392x128xf32, #tpu.memory_space<vmem_shared>> -> memref<8x128xf32, #tpu.memory_space<vmem_shared>>
      tpu.enqueue_dma source(%dma_start3A_129 : memref<8x128xf32, #tpu.memory_space<vmem_shared>>) target(%dma_start3A_127 : memref<8x128xf32, #tpu.memory_space<vmem>>) target_semaphore(%run_scoped3A : memref<!tpu.dma_semaphore, #tpu.memory_space<semaphore_mem>>)
      %dma_wait3A_130 = arith.constant 0 : i32
      %dma_wait3A_131 = arith.constant 0 : i32
      %dma_wait3A_132 = tpu.memref_slice %arg25[%dma_wait3A_130, %dma_wait3A_131] : memref<32x128xf32, #tpu.memory_space<vmem>> -> memref<8x128xf32, #tpu.memory_space<vmem>>
      %dma_wait3A_133 = arith.constant 0 : i32
      %dma_wait3A_134 = tpu.memref_slice %arg8[%add3A_116, %dma_wait3A_133] : memref<11392x128xf32, #tpu.memory_space<vmem_shared>> -> memref<8x128xf32, #tpu.memory_space<vmem_shared>>
      %dma_wait3A_135 = arith.constant 0 : i32
      %dma_wait3A_136 = arith.constant 0 : i32
      %dma_wait3A_137 = tpu.memref_slice %arg25[%dma_wait3A_135, %dma_wait3A_136] : memref<32x128xf32, #tpu.memory_space<vmem>> -> memref<8x128xf32, #tpu.memory_space<vmem>>
      %dma_wait3A_138 = arith.constant 0 : i32
      %dma_wait3A_139 = tpu.memref_slice %arg8[%add3A_116, %dma_wait3A_138] : memref<11392x128xf32, #tpu.memory_space<vmem_shared>> -> memref<8x128xf32, #tpu.memory_space<vmem_shared>>
      tpu.wait_dma2 semaphore(%run_scoped3A : memref<!tpu.dma_semaphore, #tpu.memory_space<semaphore_mem>>) src(%dma_wait3A_139 : memref<8x128xf32, #tpu.memory_space<vmem_shared>>) dst(%dma_wait3A_137 : memref<8x128xf32, #tpu.memory_space<vmem>>)
      tpu.yield
    }) : () -> ()
    %mul3A_117 = arith.constant 11392 : i32
    %mul3A_118 = arith.muli %arg0, %mul3A_117 : i32
    %add3A_119 = arith.addi %mul3A_118, %add3A_116 : i32
    "tpu.region"() ({
      %run_scoped3A = tpu.sem_alloc : memref<!tpu.dma_semaphore, #tpu.memory_space<semaphore_mem>>
      %dma_start3A_120 = arith.constant 0 : i32
      %dma_start3A_121 = arith.constant 0 : i32
      %dma_start3A_122 = tpu.memref_slice %arg25[%dma_start3A_120, %dma_start3A_121] : memref<32x128xf32, #tpu.memory_space<vmem>> -> memref<8x128xf32, #tpu.memory_space<vmem>>
      %dma_start3A_123 = arith.constant 0 : i32
      %dma_start3A_124 = tpu.memref_slice %arg7[%add3A_119, %dma_start3A_123] : memref<22784x128xf32, #tpu.memory_space<hbm>> -> memref<8x128xf32, #tpu.memory_space<hbm>>
      %dma_start3A_125 = arith.constant 0 : i32
      %dma_start3A_126 = tpu.memref_slice %arg7[%add3A_119, %dma_start3A_125] : memref<22784x128xf32, #tpu.memory_space<hbm>> -> memref<8x128xf32, #tpu.memory_space<hbm>>
      %dma_start3A_127 = arith.constant 0 : i32
      %dma_start3A_128 = arith.constant 0 : i32
      %dma_start3A_129 = tpu.memref_slice %arg25[%dma_start3A_127, %dma_start3A_128] : memref<32x128xf32, #tpu.memory_space<vmem>> -> memref<8x128xf32, #tpu.memory_space<vmem>>
      tpu.enqueue_dma source(%dma_start3A_129 : memref<8x128xf32, #tpu.memory_space<vmem>>) target(%dma_start3A_126 : memref<8x128xf32, #tpu.memory_space<hbm>>) target_semaphore(%run_scoped3A : memref<!tpu.dma_semaphore, #tpu.memory_space<semaphore_mem>>)
      %dma_wait3A_130 = arith.constant 0 : i32
      %dma_wait3A_131 = arith.constant 0 : i32
      %dma_wait3A_132 = tpu.memref_slice %arg25[%dma_wait3A_130, %dma_wait3A_131] : memref<32x128xf32, #tpu.memory_space<vmem>> -> memref<8x128xf32, #tpu.memory_space<vmem>>
      %dma_wait3A_133 = arith.constant 0 : i32
      %dma_wait3A_134 = tpu.memref_slice %arg7[%add3A_119, %dma_wait3A_133] : memref<22784x128xf32, #tpu.memory_space<hbm>> -> memref<8x128xf32, #tpu.memory_space<hbm>>
      %dma_wait3A_135 = arith.constant 0 : i32
      %dma_wait3A_136 = tpu.memref_slice %arg7[%add3A_119, %dma_wait3A_135] : memref<22784x128xf32, #tpu.memory_space<hbm>> -> memref<8x128xf32, #tpu.memory_space<hbm>>
      %dma_wait3A_137 = arith.constant 0 : i32
      %dma_wait3A_138 = arith.constant 0 : i32
      %dma_wait3A_139 = tpu.memref_slice %arg25[%dma_wait3A_137, %dma_wait3A_138] : memref<32x128xf32, #tpu.memory_space<vmem>> -> memref<8x128xf32, #tpu.memory_space<vmem>>
      tpu.wait_dma2 semaphore(%run_scoped3A : memref<!tpu.dma_semaphore, #tpu.memory_space<semaphore_mem>>) src(%dma_wait3A_139 : memref<8x128xf32, #tpu.memory_space<vmem>>) dst(%dma_wait3A_136 : memref<8x128xf32, #tpu.memory_space<hbm>>)
      tpu.yield
    }) : () -> ()
    return
  }
}

#map = affine_map<(d0, d1) -> (0, 0)>
#map1 = affine_map<(d0, d1) -> (0)>
module attributes {stable_mosaic.version = 14 : i64} {
  func.func @_sc_body(%arg0: i32, %arg1: i32, %arg2: memref<20224x128xf32, #tpu.memory_space<hbm>>, %arg3: memref<10112x128xf32, #tpu.memory_space<hbm>>, %arg4: memref<10112x128xf32, #tpu.memory_space<hbm>>, %arg5: memref<171072xi32, #tpu.memory_space<hbm>>, %arg6: memref<171072xi32, #tpu.memory_space<hbm>>, %arg7: memref<22784x128xf32, #tpu.memory_space<hbm>>, %arg8: memref<11392x128xf32, #tpu.memory_space<vmem_shared>>, %arg9: memref<32xi32, #tpu.memory_space<vmem>>, %arg10: memref<32xi32, #tpu.memory_space<vmem>>, %arg11: memref<32xi32, #tpu.memory_space<vmem>>, %arg12: memref<32xi32, #tpu.memory_space<vmem>>, %arg13: memref<32xi32, #tpu.memory_space<vmem>>, %arg14: memref<32xi32, #tpu.memory_space<vmem>>, %arg15: memref<32xi32, #tpu.memory_space<vmem>>, %arg16: memref<32xi32, #tpu.memory_space<vmem>>, %arg17: memref<32xi32, #tpu.memory_space<vmem>>, %arg18: memref<32xi32, #tpu.memory_space<vmem>>, %arg19: memref<32x128xf32, #tpu.memory_space<vmem>>, %arg20: memref<32x128xf32, #tpu.memory_space<vmem>>, %arg21: memref<32x128xf32, #tpu.memory_space<vmem>>, %arg22: memref<32x128xf32, #tpu.memory_space<vmem>>, %arg23: memref<32x128xf32, #tpu.memory_space<vmem>>, %arg24: memref<32x128xf32, #tpu.memory_space<vmem>>, %arg25: memref<32x128xf32, #tpu.memory_space<vmem>>, %arg26: memref<32x128xf32, #tpu.memory_space<vmem>>, %arg27: memref<!tpu.dma_semaphore, #tpu.memory_space<semaphore_mem>>, %arg28: memref<!tpu.dma_semaphore, #tpu.memory_space<semaphore_mem>>, %arg29: memref<!tpu.dma_semaphore, #tpu.memory_space<semaphore_mem>>, %arg30: memref<!tpu.dma_semaphore, #tpu.memory_space<semaphore_mem>>, %arg31: memref<!tpu.dma_semaphore, #tpu.memory_space<semaphore_mem>>, %arg32: memref<!tpu.dma_semaphore, #tpu.memory_space<semaphore_mem>>, %arg33: memref<!tpu.dma_semaphore, #tpu.memory_space<semaphore_mem>>, %arg34: memref<!tpu.dma_semaphore, #tpu.memory_space<semaphore_mem>>, %arg35: memref<!tpu.dma_semaphore, #tpu.memory_space<semaphore_mem>>, %arg36: memref<!tpu.dma_semaphore, #tpu.memory_space<semaphore_mem>>) attributes {dimension_semantics = [#tpu.dimension_semantics<core_parallel>, #tpu.dimension_semantics<subcore_parallel>], iteration_bounds = array<i64: 2, 16>, scalar_prefetch = 0 : i64, scratch_operands = 29 : i64, tpu.core_type = #tpu.core_type<sc_vector_subcore>, window_params = [{transform_indices = #map}, {transform_indices = #map}, {transform_indices = #map}, {transform_indices = #map1}, {transform_indices = #map1}, {transform_indices = #map}]} {
    %mul3A = arith.constant 712 : i32
    %mul3A_0 = arith.muli %arg1, %mul3A : i32
    %broadcast_in_dim3A = arith.constant 0.000000e+00 : f32
    %broadcast_in_dim3A_1 = vector.broadcast %broadcast_in_dim3A : f32 to vector<16xf32>
    %scan3A = arith.constant 0 : i32
    %scan3A_2 = arith.constant 0 : i32
    %scan3A_3 = arith.constant 32 : i32
    %scan3A_4 = arith.addi %scan3A_2, %scan3A_3 : i32
    %scan3A_5 = arith.constant 1 : i32
    scf.for %scan3A_120 = %scan3A_2 to %scan3A_4 step %scan3A_5  : i32 {
      %swap3A_121 = arith.index_cast %scan3A_120 : i32 to index
      %swap3A_122 = arith.constant 0 : index
      %swap3A_123 = tpu.vector_load %arg25[%swap3A_121, %swap3A_122] {strides = array<i32>} : memref<32x128xf32, #tpu.memory_space<vmem>>, vector<1x16xf32>,
      %swap3A_124 = vector.shape_cast %swap3A_123 : vector<1x16xf32> to vector<16xf32>
      %swap3A_125 = vector.shape_cast %broadcast_in_dim3A_1 : vector<16xf32> to vector<1x16xf32>
      tpu.vector_store %arg25[%swap3A_121, %swap3A_122], %swap3A_125 {strides = array<i32>} : memref<32x128xf32, #tpu.memory_space<vmem>>, vector<1x16xf32>,
      %swap3A_126 = arith.index_cast %scan3A_120 : i32 to index
      %swap3A_127 = arith.constant 16 : index
      %swap3A_128 = tpu.vector_load %arg25[%swap3A_126, %swap3A_127] {strides = array<i32>} : memref<32x128xf32, #tpu.memory_space<vmem>>, vector<1x16xf32>,
      %swap3A_129 = vector.shape_cast %swap3A_128 : vector<1x16xf32> to vector<16xf32>
      %swap3A_130 = vector.shape_cast %broadcast_in_dim3A_1 : vector<16xf32> to vector<1x16xf32>
      tpu.vector_store %arg25[%swap3A_126, %swap3A_127], %swap3A_130 {strides = array<i32>} : memref<32x128xf32, #tpu.memory_space<vmem>>, vector<1x16xf32>,
      %swap3A_131 = arith.index_cast %scan3A_120 : i32 to index
      %swap3A_132 = arith.constant 32 : index
      %swap3A_133 = tpu.vector_load %arg25[%swap3A_131, %swap3A_132] {strides = array<i32>} : memref<32x128xf32, #tpu.memory_space<vmem>>, vector<1x16xf32>,
      %swap3A_134 = vector.shape_cast %swap3A_133 : vector<1x16xf32> to vector<16xf32>
      %swap3A_135 = vector.shape_cast %broadcast_in_dim3A_1 : vector<16xf32> to vector<1x16xf32>
      tpu.vector_store %arg25[%swap3A_131, %swap3A_132], %swap3A_135 {strides = array<i32>} : memref<32x128xf32, #tpu.memory_space<vmem>>, vector<1x16xf32>,
      %swap3A_136 = arith.index_cast %scan3A_120 : i32 to index
      %swap3A_137 = arith.constant 48 : index
      %swap3A_138 = tpu.vector_load %arg25[%swap3A_136, %swap3A_137] {strides = array<i32>} : memref<32x128xf32, #tpu.memory_space<vmem>>, vector<1x16xf32>,
      %swap3A_139 = vector.shape_cast %swap3A_138 : vector<1x16xf32> to vector<16xf32>
      %swap3A_140 = vector.shape_cast %broadcast_in_dim3A_1 : vector<16xf32> to vector<1x16xf32>
      tpu.vector_store %arg25[%swap3A_136, %swap3A_137], %swap3A_140 {strides = array<i32>} : memref<32x128xf32, #tpu.memory_space<vmem>>, vector<1x16xf32>,
      %swap3A_141 = arith.index_cast %scan3A_120 : i32 to index
      %swap3A_142 = arith.constant 64 : index
      %swap3A_143 = tpu.vector_load %arg25[%swap3A_141, %swap3A_142] {strides = array<i32>} : memref<32x128xf32, #tpu.memory_space<vmem>>, vector<1x16xf32>,
      %swap3A_144 = vector.shape_cast %swap3A_143 : vector<1x16xf32> to vector<16xf32>
      %swap3A_145 = vector.shape_cast %broadcast_in_dim3A_1 : vector<16xf32> to vector<1x16xf32>
      tpu.vector_store %arg25[%swap3A_141, %swap3A_142], %swap3A_145 {strides = array<i32>} : memref<32x128xf32, #tpu.memory_space<vmem>>, vector<1x16xf32>,
      %swap3A_146 = arith.index_cast %scan3A_120 : i32 to index
      %swap3A_147 = arith.constant 80 : index
      %swap3A_148 = tpu.vector_load %arg25[%swap3A_146, %swap3A_147] {strides = array<i32>} : memref<32x128xf32, #tpu.memory_space<vmem>>, vector<1x16xf32>,
      %swap3A_149 = vector.shape_cast %swap3A_148 : vector<1x16xf32> to vector<16xf32>
      %swap3A_150 = vector.shape_cast %broadcast_in_dim3A_1 : vector<16xf32> to vector<1x16xf32>
      tpu.vector_store %arg25[%swap3A_146, %swap3A_147], %swap3A_150 {strides = array<i32>} : memref<32x128xf32, #tpu.memory_space<vmem>>, vector<1x16xf32>,
      %swap3A_151 = arith.index_cast %scan3A_120 : i32 to index
      %swap3A_152 = arith.constant 96 : index
      %swap3A_153 = tpu.vector_load %arg25[%swap3A_151, %swap3A_152] {strides = array<i32>} : memref<32x128xf32, #tpu.memory_space<vmem>>, vector<1x16xf32>,
      %swap3A_154 = vector.shape_cast %swap3A_153 : vector<1x16xf32> to vector<16xf32>
      %swap3A_155 = vector.shape_cast %broadcast_in_dim3A_1 : vector<16xf32> to vector<1x16xf32>
      tpu.vector_store %arg25[%swap3A_151, %swap3A_152], %swap3A_155 {strides = array<i32>} : memref<32x128xf32, #tpu.memory_space<vmem>>, vector<1x16xf32>,
      %swap3A_156 = arith.index_cast %scan3A_120 : i32 to index
      %swap3A_157 = arith.constant 112 : index
      %swap3A_158 = tpu.vector_load %arg25[%swap3A_156, %swap3A_157] {strides = array<i32>} : memref<32x128xf32, #tpu.memory_space<vmem>>, vector<1x16xf32>,
      %swap3A_159 = vector.shape_cast %swap3A_158 : vector<1x16xf32> to vector<16xf32>
      %swap3A_160 = vector.shape_cast %broadcast_in_dim3A_1 : vector<16xf32> to vector<1x16xf32>
      tpu.vector_store %arg25[%swap3A_156, %swap3A_157], %swap3A_160 {strides = array<i32>} : memref<32x128xf32, #tpu.memory_space<vmem>>, vector<1x16xf32>,
    }
    %scan3A_6 = arith.constant 32 : i32
    %scan3A_7 = arith.constant 0 : i32
    %scan3A_8 = arith.constant 0 : i32
    %scan3A_9 = arith.constant 22 : i32
    %scan3A_10 = arith.addi %scan3A_8, %scan3A_9 : i32
    %scan3A_11 = arith.constant 1 : i32
    scf.for %scan3A_120 = %scan3A_8 to %scan3A_10 step %scan3A_11  : i32 {
      %mul3A_121 = arith.constant 32 : i32
      %mul3A_122 = arith.muli %scan3A_120, %mul3A_121 : i32
      %add3A_123 = arith.addi %mul3A_0, %mul3A_122 : i32
      "tpu.region"() ({
        %run_scoped3A = tpu.sem_alloc : memref<!tpu.dma_semaphore, #tpu.memory_space<semaphore_mem>>
        %dma_start3A_124 = arith.constant 0 : i32
        %dma_start3A_125 = tpu.memref_slice %arg8[%add3A_123, %dma_start3A_124] : memref<11392x128xf32, #tpu.memory_space<vmem_shared>> -> memref<32x128xf32, #tpu.memory_space<vmem_shared>>
        %dma_start3A_126 = arith.constant 0 : i32
        %dma_start3A_127 = tpu.memref_slice %arg8[%add3A_123, %dma_start3A_126] : memref<11392x128xf32, #tpu.memory_space<vmem_shared>> -> memref<32x128xf32, #tpu.memory_space<vmem_shared>>
        tpu.enqueue_dma source(%arg25 : memref<32x128xf32, #tpu.memory_space<vmem>>) target(%dma_start3A_127 : memref<32x128xf32, #tpu.memory_space<vmem_shared>>) target_semaphore(%run_scoped3A : memref<!tpu.dma_semaphore, #tpu.memory_space<semaphore_mem>>)
        %dma_wait3A_128 = arith.constant 0 : i32
        %dma_wait3A_129 = tpu.memref_slice %arg8[%add3A_123, %dma_wait3A_128] : memref<11392x128xf32, #tpu.memory_space<vmem_shared>> -> memref<32x128xf32, #tpu.memory_space<vmem_shared>>
        %dma_wait3A_130 = arith.constant 0 : i32
        %dma_wait3A_131 = tpu.memref_slice %arg8[%add3A_123, %dma_wait3A_130] : memref<11392x128xf32, #tpu.memory_space<vmem_shared>> -> memref<32x128xf32, #tpu.memory_space<vmem_shared>>
        tpu.wait_dma2 semaphore(%run_scoped3A : memref<!tpu.dma_semaphore, #tpu.memory_space<semaphore_mem>>) src(%arg25 : memref<32x128xf32, #tpu.memory_space<vmem>>) dst(%dma_wait3A_131 : memref<32x128xf32, #tpu.memory_space<vmem_shared>>)
        tpu.yield
      }) : () -> ()
    }
    %scan3A_12 = arith.constant 22 : i32
    %add3A = arith.constant 704 : i32
    %add3A_13 = arith.addi %mul3A_0, %add3A : i32
    "tpu.region"() ({
      %run_scoped3A = tpu.sem_alloc : memref<!tpu.dma_semaphore, #tpu.memory_space<semaphore_mem>>
      %dma_start3A_120 = arith.constant 0 : i32
      %dma_start3A_121 = arith.constant 0 : i32
      %dma_start3A_122 = tpu.memref_slice %arg25[%dma_start3A_120, %dma_start3A_121] : memref<32x128xf32, #tpu.memory_space<vmem>> -> memref<8x128xf32, #tpu.memory_space<vmem>>
      %dma_start3A_123 = arith.constant 0 : i32
      %dma_start3A_124 = tpu.memref_slice %arg8[%add3A_13, %dma_start3A_123] : memref<11392x128xf32, #tpu.memory_space<vmem_shared>> -> memref<8x128xf32, #tpu.memory_space<vmem_shared>>
      %dma_start3A_125 = arith.constant 0 : i32
      %dma_start3A_126 = tpu.memref_slice %arg8[%add3A_13, %dma_start3A_125] : memref<11392x128xf32, #tpu.memory_space<vmem_shared>> -> memref<8x128xf32, #tpu.memory_space<vmem_shared>>
      %dma_start3A_127 = arith.constant 0 : i32
      %dma_start3A_128 = arith.constant 0 : i32
      %dma_start3A_129 = tpu.memref_slice %arg25[%dma_start3A_127, %dma_start3A_128] : memref<32x128xf32, #tpu.memory_space<vmem>> -> memref<8x128xf32, #tpu.memory_space<vmem>>
      tpu.enqueue_dma source(%dma_start3A_129 : memref<8x128xf32, #tpu.memory_space<vmem>>) target(%dma_start3A_126 : memref<8x128xf32, #tpu.memory_space<vmem_shared>>) target_semaphore(%run_scoped3A : memref<!tpu.dma_semaphore, #tpu.memory_space<semaphore_mem>>)
      %dma_wait3A_130 = arith.constant 0 : i32
      %dma_wait3A_131 = arith.constant 0 : i32
      %dma_wait3A_132 = tpu.memref_slice %arg25[%dma_wait3A_130, %dma_wait3A_131] : memref<32x128xf32, #tpu.memory_space<vmem>> -> memref<8x128xf32, #tpu.memory_space<vmem>>
      %dma_wait3A_133 = arith.constant 0 : i32
      %dma_wait3A_134 = tpu.memref_slice %arg8[%add3A_13, %dma_wait3A_133] : memref<11392x128xf32, #tpu.memory_space<vmem_shared>> -> memref<8x128xf32, #tpu.memory_space<vmem_shared>>
      %dma_wait3A_135 = arith.constant 0 : i32
      %dma_wait3A_136 = tpu.memref_slice %arg8[%add3A_13, %dma_wait3A_135] : memref<11392x128xf32, #tpu.memory_space<vmem_shared>> -> memref<8x128xf32, #tpu.memory_space<vmem_shared>>
      %dma_wait3A_137 = arith.constant 0 : i32
      %dma_wait3A_138 = arith.constant 0 : i32
      %dma_wait3A_139 = tpu.memref_slice %arg25[%dma_wait3A_137, %dma_wait3A_138] : memref<32x128xf32, #tpu.memory_space<vmem>> -> memref<8x128xf32, #tpu.memory_space<vmem>>
      tpu.wait_dma2 semaphore(%run_scoped3A : memref<!tpu.dma_semaphore, #tpu.memory_space<semaphore_mem>>) src(%dma_wait3A_139 : memref<8x128xf32, #tpu.memory_space<vmem>>) dst(%dma_wait3A_136 : memref<8x128xf32, #tpu.memory_space<vmem_shared>>)
      tpu.yield
    }) : () -> ()
    %barrier3A = arith.constant 0 : index
    tpu.barrier barrier_id(%barrier3A)
    %mul3A_14 = arith.constant 10688 : i32
    %mul3A_15 = arith.muli %arg1, %mul3A_14 : i32
    %mul3A_16 = arith.constant 4 : i32
    %mul3A_17 = arith.muli %arg0, %mul3A_16 : i32
    %add3A_18 = arith.constant 0 : i32
    %add3A_19 = arith.addi %mul3A_15, %add3A_18 : i32
    "tpu.region"() ({
      %run_scoped3A = tpu.sem_alloc : memref<!tpu.dma_semaphore, #tpu.memory_space<semaphore_mem>>
      %dma_start3A_120 = tpu.memref_slice %arg5[%add3A_19] : memref<171072xi32, #tpu.memory_space<hbm>> -> memref<32xi32, #tpu.memory_space<hbm>>
      %dma_start3A_121 = tpu.memref_slice %arg5[%add3A_19] : memref<171072xi32, #tpu.memory_space<hbm>> -> memref<32xi32, #tpu.memory_space<hbm>>
      tpu.enqueue_dma source(%dma_start3A_121 : memref<32xi32, #tpu.memory_space<hbm>>) target(%arg9 : memref<32xi32, #tpu.memory_space<vmem>>) target_semaphore(%run_scoped3A : memref<!tpu.dma_semaphore, #tpu.memory_space<semaphore_mem>>)
      %dma_wait3A_122 = tpu.memref_slice %arg5[%add3A_19] : memref<171072xi32, #tpu.memory_space<hbm>> -> memref<32xi32, #tpu.memory_space<hbm>>
      %dma_wait3A_123 = tpu.memref_slice %arg5[%add3A_19] : memref<171072xi32, #tpu.memory_space<hbm>> -> memref<32xi32, #tpu.memory_space<hbm>>
      tpu.wait_dma2 semaphore(%run_scoped3A : memref<!tpu.dma_semaphore, #tpu.memory_space<semaphore_mem>>) src(%dma_wait3A_123 : memref<32xi32, #tpu.memory_space<hbm>>) dst(%arg9 : memref<32xi32, #tpu.memory_space<vmem>>)
      tpu.yield
    }) : () -> ()
    "tpu.region"() ({
      %run_scoped3A = tpu.sem_alloc : memref<!tpu.dma_semaphore, #tpu.memory_space<semaphore_mem>>
      %dma_start3A_120 = tpu.memref_slice %arg6[%add3A_19] : memref<171072xi32, #tpu.memory_space<hbm>> -> memref<32xi32, #tpu.memory_space<hbm>>
      %dma_start3A_121 = tpu.memref_slice %arg6[%add3A_19] : memref<171072xi32, #tpu.memory_space<hbm>> -> memref<32xi32, #tpu.memory_space<hbm>>
      tpu.enqueue_dma source(%dma_start3A_121 : memref<32xi32, #tpu.memory_space<hbm>>) target(%arg11 : memref<32xi32, #tpu.memory_space<vmem>>) target_semaphore(%run_scoped3A : memref<!tpu.dma_semaphore, #tpu.memory_space<semaphore_mem>>)
      %dma_wait3A_122 = tpu.memref_slice %arg6[%add3A_19] : memref<171072xi32, #tpu.memory_space<hbm>> -> memref<32xi32, #tpu.memory_space<hbm>>
      %dma_wait3A_123 = tpu.memref_slice %arg6[%add3A_19] : memref<171072xi32, #tpu.memory_space<hbm>> -> memref<32xi32, #tpu.memory_space<hbm>>
      tpu.wait_dma2 semaphore(%run_scoped3A : memref<!tpu.dma_semaphore, #tpu.memory_space<semaphore_mem>>) src(%dma_wait3A_123 : memref<32xi32, #tpu.memory_space<hbm>>) dst(%arg11 : memref<32xi32, #tpu.memory_space<vmem>>)
      tpu.yield
    }) : () -> ()
    %get3A = arith.constant 0 : index
    %get3A_20 = tpu.vector_load %arg9[%get3A] {strides = array<i32>} : memref<32xi32, #tpu.memory_space<vmem>>, vector<16xi32>,
    %get3A_21 = vector.shape_cast %get3A_20 : vector<16xi32> to vector<16xi32>
    %get3A_22 = arith.constant 0 : index
    %get3A_23 = tpu.vector_load %arg11[%get3A_22] {strides = array<i32>} : memref<32xi32, #tpu.memory_space<vmem>>, vector<16xi32>,
    %get3A_24 = vector.shape_cast %get3A_23 : vector<16xi32> to vector<16xi32>
    %mul3A_25 = arith.constant 2 : i32
    %mul3A_26 = vector.broadcast %mul3A_25 : i32 to vector<16xi32>
    %mul3A_27 = arith.muli %get3A_21, %mul3A_26 : vector<16xi32>
    %add3A_28 = vector.broadcast %arg0 : i32 to vector<16xi32>
    %add3A_29 = arith.addi %mul3A_27, %add3A_28 : vector<16xi32>
    %swap3A = arith.constant 0 : index
    %swap3A_30 = tpu.vector_load %arg13[%swap3A] {strides = array<i32>} : memref<32xi32, #tpu.memory_space<vmem>>, vector<16xi32>,
    %swap3A_31 = vector.shape_cast %swap3A_30 : vector<16xi32> to vector<16xi32>
    %swap3A_32 = vector.shape_cast %add3A_29 : vector<16xi32> to vector<16xi32>
    tpu.vector_store %arg13[%swap3A], %swap3A_32 {strides = array<i32>} : memref<32xi32, #tpu.memory_space<vmem>>, vector<16xi32>,
    %shift_right_logical3A = arith.constant 3 : i32
    %shift_right_logical3A_33 = vector.broadcast %shift_right_logical3A : i32 to vector<16xi32>
    %shift_right_logical3A_34 = arith.shrui %get3A_24, %shift_right_logical3A_33 : vector<16xi32>
    %add3A_35 = arith.constant 10112 : i32
    %add3A_36 = vector.broadcast %add3A_35 : i32 to vector<16xi32>
    %add3A_37 = arith.addi %add3A_36, %shift_right_logical3A_34 : vector<16xi32>
    %swap3A_38 = arith.constant 0 : index
    %swap3A_39 = tpu.vector_load %arg15[%swap3A_38] {strides = array<i32>} : memref<32xi32, #tpu.memory_space<vmem>>, vector<16xi32>,
    %swap3A_40 = vector.shape_cast %swap3A_39 : vector<16xi32> to vector<16xi32>
    %swap3A_41 = vector.shape_cast %add3A_37 : vector<16xi32> to vector<16xi32>
    tpu.vector_store %arg15[%swap3A_38], %swap3A_41 {strides = array<i32>} : memref<32xi32, #tpu.memory_space<vmem>>, vector<16xi32>,
    %and3A = arith.constant 7 : i32
    %and3A_42 = vector.broadcast %and3A : i32 to vector<16xi32>
    %and3A_43 = arith.andi %get3A_24, %and3A_42 : vector<16xi32>
    %swap3A_44 = arith.constant 0 : index
    %swap3A_45 = tpu.vector_load %arg17[%swap3A_44] {strides = array<i32>} : memref<32xi32, #tpu.memory_space<vmem>>, vector<16xi32>,
    %swap3A_46 = vector.shape_cast %swap3A_45 : vector<16xi32> to vector<16xi32>
    %swap3A_47 = vector.shape_cast %and3A_43 : vector<16xi32> to vector<16xi32>
    tpu.vector_store %arg17[%swap3A_44], %swap3A_47 {strides = array<i32>} : memref<32xi32, #tpu.memory_space<vmem>>, vector<16xi32>,
    %get3A_48 = arith.constant 16 : index
    %get3A_49 = tpu.vector_load %arg9[%get3A_48] {strides = array<i32>} : memref<32xi32, #tpu.memory_space<vmem>>, vector<16xi32>,
    %get3A_50 = vector.shape_cast %get3A_49 : vector<16xi32> to vector<16xi32>
    %get3A_51 = arith.constant 16 : index
    %get3A_52 = tpu.vector_load %arg11[%get3A_51] {strides = array<i32>} : memref<32xi32, #tpu.memory_space<vmem>>, vector<16xi32>,
    %get3A_53 = vector.shape_cast %get3A_52 : vector<16xi32> to vector<16xi32>
    %mul3A_54 = arith.constant 2 : i32
    %mul3A_55 = vector.broadcast %mul3A_54 : i32 to vector<16xi32>
    %mul3A_56 = arith.muli %get3A_50, %mul3A_55 : vector<16xi32>
    %add3A_57 = vector.broadcast %arg0 : i32 to vector<16xi32>
    %add3A_58 = arith.addi %mul3A_56, %add3A_57 : vector<16xi32>
    %swap3A_59 = arith.constant 16 : index
    %swap3A_60 = tpu.vector_load %arg13[%swap3A_59] {strides = array<i32>} : memref<32xi32, #tpu.memory_space<vmem>>, vector<16xi32>,
    %swap3A_61 = vector.shape_cast %swap3A_60 : vector<16xi32> to vector<16xi32>
    %swap3A_62 = vector.shape_cast %add3A_58 : vector<16xi32> to vector<16xi32>
    tpu.vector_store %arg13[%swap3A_59], %swap3A_62 {strides = array<i32>} : memref<32xi32, #tpu.memory_space<vmem>>, vector<16xi32>,
    %shift_right_logical3A_63 = arith.constant 3 : i32
    %shift_right_logical3A_64 = vector.broadcast %shift_right_logical3A_63 : i32 to vector<16xi32>
    %shift_right_logical3A_65 = arith.shrui %get3A_53, %shift_right_logical3A_64 : vector<16xi32>
    %add3A_66 = arith.constant 10112 : i32
    %add3A_67 = vector.broadcast %add3A_66 : i32 to vector<16xi32>
    %add3A_68 = arith.addi %add3A_67, %shift_right_logical3A_65 : vector<16xi32>
    %swap3A_69 = arith.constant 16 : index
    %swap3A_70 = tpu.vector_load %arg15[%swap3A_69] {strides = array<i32>} : memref<32xi32, #tpu.memory_space<vmem>>, vector<16xi32>,
    %swap3A_71 = vector.shape_cast %swap3A_70 : vector<16xi32> to vector<16xi32>
    %swap3A_72 = vector.shape_cast %add3A_68 : vector<16xi32> to vector<16xi32>
    tpu.vector_store %arg15[%swap3A_69], %swap3A_72 {strides = array<i32>} : memref<32xi32, #tpu.memory_space<vmem>>, vector<16xi32>,
    %and3A_73 = arith.constant 7 : i32
    %and3A_74 = vector.broadcast %and3A_73 : i32 to vector<16xi32>
    %and3A_75 = arith.andi %get3A_53, %and3A_74 : vector<16xi32>
    %swap3A_76 = arith.constant 16 : index
    %swap3A_77 = tpu.vector_load %arg17[%swap3A_76] {strides = array<i32>} : memref<32xi32, #tpu.memory_space<vmem>>, vector<16xi32>,
    %swap3A_78 = vector.shape_cast %swap3A_77 : vector<16xi32> to vector<16xi32>
    %swap3A_79 = vector.shape_cast %and3A_75 : vector<16xi32> to vector<16xi32>
    tpu.vector_store %arg17[%swap3A_76], %swap3A_79 {strides = array<i32>} : memref<32xi32, #tpu.memory_space<vmem>>, vector<16xi32>,
    %dma_start3A = arith.constant 0 : i32
    %dma_start3A_80 = arith.constant 0 : i32
    %dma_start3A_81 = tpu.memref_slice %arg2[%dma_start3A, %dma_start3A_80] : memref<20224x128xf32, #tpu.memory_space<hbm>> -> memref<20224x128xf32, #tpu.memory_space<hbm>>
    tpu.enqueue_indirect_dma source(%dma_start3A_81 : memref<20224x128xf32, #tpu.memory_space<hbm>>) target(%arg23 : memref<32x128xf32, #tpu.memory_space<vmem>>) offsets(%arg13 : memref<32xi32, #tpu.memory_space<vmem>>) semaphore(%arg27 : memref<!tpu.dma_semaphore, #tpu.memory_space<semaphore_mem>>)
    %dma_start3A_82 = arith.constant 0 : i32
    %dma_start3A_83 = arith.constant 0 : i32
    %dma_start3A_84 = tpu.memref_slice %arg3[%dma_start3A_82, %dma_start3A_83] : memref<10112x128xf32, #tpu.memory_space<hbm>> -> memref<10112x128xf32, #tpu.memory_space<hbm>>
    tpu.enqueue_indirect_dma source(%dma_start3A_84 : memref<10112x128xf32, #tpu.memory_space<hbm>>) target(%arg19 : memref<32x128xf32, #tpu.memory_space<vmem>>) offsets(%arg9 : memref<32xi32, #tpu.memory_space<vmem>>) semaphore(%arg29 : memref<!tpu.dma_semaphore, #tpu.memory_space<semaphore_mem>>)
    %dma_start3A_85 = arith.constant 0 : i32
    %dma_start3A_86 = arith.constant 0 : i32
    %dma_start3A_87 = tpu.memref_slice %arg4[%dma_start3A_85, %dma_start3A_86] : memref<10112x128xf32, #tpu.memory_space<hbm>> -> memref<10112x128xf32, #tpu.memory_space<hbm>>
    tpu.enqueue_indirect_dma source(%dma_start3A_87 : memref<10112x128xf32, #tpu.memory_space<hbm>>) target(%arg21 : memref<32x128xf32, #tpu.memory_space<vmem>>) offsets(%arg11 : memref<32xi32, #tpu.memory_space<vmem>>) semaphore(%arg31 : memref<!tpu.dma_semaphore, #tpu.memory_space<semaphore_mem>>)
    %scan3A_88 = arith.constant 0 : i32
    %scan3A_89 = arith.constant 0 : i32
    %scan3A_90 = arith.constant 167 : i32
    %scan3A_91 = arith.addi %scan3A_89, %scan3A_90 : i32
    %scan3A_92 = arith.constant 1 : i32
    scf.for %scan3A_120 = %scan3A_89 to %scan3A_91 step %scan3A_92  : i32 {
      %mul3A_121 = arith.constant 2 : i32
      %mul3A_122 = arith.muli %mul3A_121, %scan3A_120 : i32
      %add3A_123 = arith.constant 1 : i32
      %add3A_124 = arith.addi %mul3A_122, %add3A_123 : i32
      %mul3A_125 = arith.constant 32 : i32
      %mul3A_126 = arith.muli %add3A_124, %mul3A_125 : i32
      %add3A_127 = arith.addi %mul3A_15, %mul3A_126 : i32
      "tpu.region"() ({
        %run_scoped3A = tpu.sem_alloc : memref<!tpu.dma_semaphore, #tpu.memory_space<semaphore_mem>>
        %dma_start3A_329 = tpu.memref_slice %arg5[%add3A_127] : memref<171072xi32, #tpu.memory_space<hbm>> -> memref<32xi32, #tpu.memory_space<hbm>>
        %dma_start3A_330 = tpu.memref_slice %arg5[%add3A_127] : memref<171072xi32, #tpu.memory_space<hbm>> -> memref<32xi32, #tpu.memory_space<hbm>>
        tpu.enqueue_dma source(%dma_start3A_330 : memref<32xi32, #tpu.memory_space<hbm>>) target(%arg10 : memref<32xi32, #tpu.memory_space<vmem>>) target_semaphore(%run_scoped3A : memref<!tpu.dma_semaphore, #tpu.memory_space<semaphore_mem>>)
        %dma_wait3A_331 = tpu.memref_slice %arg5[%add3A_127] : memref<171072xi32, #tpu.memory_space<hbm>> -> memref<32xi32, #tpu.memory_space<hbm>>
        %dma_wait3A_332 = tpu.memref_slice %arg5[%add3A_127] : memref<171072xi32, #tpu.memory_space<hbm>> -> memref<32xi32, #tpu.memory_space<hbm>>
        tpu.wait_dma2 semaphore(%run_scoped3A : memref<!tpu.dma_semaphore, #tpu.memory_space<semaphore_mem>>) src(%dma_wait3A_332 : memref<32xi32, #tpu.memory_space<hbm>>) dst(%arg10 : memref<32xi32, #tpu.memory_space<vmem>>)
        tpu.yield
      }) : () -> ()
      "tpu.region"() ({
        %run_scoped3A = tpu.sem_alloc : memref<!tpu.dma_semaphore, #tpu.memory_space<semaphore_mem>>
        %dma_start3A_329 = tpu.memref_slice %arg6[%add3A_127] : memref<171072xi32, #tpu.memory_space<hbm>> -> memref<32xi32, #tpu.memory_space<hbm>>
        %dma_start3A_330 = tpu.memref_slice %arg6[%add3A_127] : memref<171072xi32, #tpu.memory_space<hbm>> -> memref<32xi32, #tpu.memory_space<hbm>>
        tpu.enqueue_dma source(%dma_start3A_330 : memref<32xi32, #tpu.memory_space<hbm>>) target(%arg12 : memref<32xi32, #tpu.memory_space<vmem>>) target_semaphore(%run_scoped3A : memref<!tpu.dma_semaphore, #tpu.memory_space<semaphore_mem>>)
        %dma_wait3A_331 = tpu.memref_slice %arg6[%add3A_127] : memref<171072xi32, #tpu.memory_space<hbm>> -> memref<32xi32, #tpu.memory_space<hbm>>
        %dma_wait3A_332 = tpu.memref_slice %arg6[%add3A_127] : memref<171072xi32, #tpu.memory_space<hbm>> -> memref<32xi32, #tpu.memory_space<hbm>>
        tpu.wait_dma2 semaphore(%run_scoped3A : memref<!tpu.dma_semaphore, #tpu.memory_space<semaphore_mem>>) src(%dma_wait3A_332 : memref<32xi32, #tpu.memory_space<hbm>>) dst(%arg12 : memref<32xi32, #tpu.memory_space<vmem>>)
        tpu.yield
      }) : () -> ()
      %get3A_128 = arith.constant 0 : index
      %get3A_129 = tpu.vector_load %arg10[%get3A_128] {strides = array<i32>} : memref<32xi32, #tpu.memory_space<vmem>>, vector<16xi32>,
      %get3A_130 = vector.shape_cast %get3A_129 : vector<16xi32> to vector<16xi32>
      %get3A_131 = arith.constant 0 : index
      %get3A_132 = tpu.vector_load %arg12[%get3A_131] {strides = array<i32>} : memref<32xi32, #tpu.memory_space<vmem>>, vector<16xi32>,
      %get3A_133 = vector.shape_cast %get3A_132 : vector<16xi32> to vector<16xi32>
      %mul3A_134 = arith.constant 2 : i32
      %mul3A_135 = vector.broadcast %mul3A_134 : i32 to vector<16xi32>
      %mul3A_136 = arith.muli %get3A_130, %mul3A_135 : vector<16xi32>
      %add3A_137 = vector.broadcast %arg0 : i32 to vector<16xi32>
      %add3A_138 = arith.addi %mul3A_136, %add3A_137 : vector<16xi32>
      %swap3A_139 = arith.constant 0 : index
      %swap3A_140 = tpu.vector_load %arg14[%swap3A_139] {strides = array<i32>} : memref<32xi32, #tpu.memory_space<vmem>>, vector<16xi32>,
      %swap3A_141 = vector.shape_cast %swap3A_140 : vector<16xi32> to vector<16xi32>
      %swap3A_142 = vector.shape_cast %add3A_138 : vector<16xi32> to vector<16xi32>
      tpu.vector_store %arg14[%swap3A_139], %swap3A_142 {strides = array<i32>} : memref<32xi32, #tpu.memory_space<vmem>>, vector<16xi32>,
      %shift_right_logical3A_143 = arith.constant 3 : i32
      %shift_right_logical3A_144 = vector.broadcast %shift_right_logical3A_143 : i32 to vector<16xi32>
      %shift_right_logical3A_145 = arith.shrui %get3A_133, %shift_right_logical3A_144 : vector<16xi32>
      %add3A_146 = arith.constant 10112 : i32
      %add3A_147 = vector.broadcast %add3A_146 : i32 to vector<16xi32>
      %add3A_148 = arith.addi %add3A_147, %shift_right_logical3A_145 : vector<16xi32>
      %swap3A_149 = arith.constant 0 : index
      %swap3A_150 = tpu.vector_load %arg16[%swap3A_149] {strides = array<i32>} : memref<32xi32, #tpu.memory_space<vmem>>, vector<16xi32>,
      %swap3A_151 = vector.shape_cast %swap3A_150 : vector<16xi32> to vector<16xi32>
      %swap3A_152 = vector.shape_cast %add3A_148 : vector<16xi32> to vector<16xi32>
      tpu.vector_store %arg16[%swap3A_149], %swap3A_152 {strides = array<i32>} : memref<32xi32, #tpu.memory_space<vmem>>, vector<16xi32>,
      %and3A_153 = arith.constant 7 : i32
      %and3A_154 = vector.broadcast %and3A_153 : i32 to vector<16xi32>
      %and3A_155 = arith.andi %get3A_133, %and3A_154 : vector<16xi32>
      %swap3A_156 = arith.constant 0 : index
      %swap3A_157 = tpu.vector_load %arg18[%swap3A_156] {strides = array<i32>} : memref<32xi32, #tpu.memory_space<vmem>>, vector<16xi32>,
      %swap3A_158 = vector.shape_cast %swap3A_157 : vector<16xi32> to vector<16xi32>
      %swap3A_159 = vector.shape_cast %and3A_155 : vector<16xi32> to vector<16xi32>
      tpu.vector_store %arg18[%swap3A_156], %swap3A_159 {strides = array<i32>} : memref<32xi32, #tpu.memory_space<vmem>>, vector<16xi32>,
      %get3A_160 = arith.constant 16 : index
      %get3A_161 = tpu.vector_load %arg10[%get3A_160] {strides = array<i32>} : memref<32xi32, #tpu.memory_space<vmem>>, vector<16xi32>,
      %get3A_162 = vector.shape_cast %get3A_161 : vector<16xi32> to vector<16xi32>
      %get3A_163 = arith.constant 16 : index
      %get3A_164 = tpu.vector_load %arg12[%get3A_163] {strides = array<i32>} : memref<32xi32, #tpu.memory_space<vmem>>, vector<16xi32>,
      %get3A_165 = vector.shape_cast %get3A_164 : vector<16xi32> to vector<16xi32>
      %mul3A_166 = arith.constant 2 : i32
      %mul3A_167 = vector.broadcast %mul3A_166 : i32 to vector<16xi32>
      %mul3A_168 = arith.muli %get3A_162, %mul3A_167 : vector<16xi32>
      %add3A_169 = vector.broadcast %arg0 : i32 to vector<16xi32>
      %add3A_170 = arith.addi %mul3A_168, %add3A_169 : vector<16xi32>
      %swap3A_171 = arith.constant 16 : index
      %swap3A_172 = tpu.vector_load %arg14[%swap3A_171] {strides = array<i32>} : memref<32xi32, #tpu.memory_space<vmem>>, vector<16xi32>,
      %swap3A_173 = vector.shape_cast %swap3A_172 : vector<16xi32> to vector<16xi32>
      %swap3A_174 = vector.shape_cast %add3A_170 : vector<16xi32> to vector<16xi32>
      tpu.vector_store %arg14[%swap3A_171], %swap3A_174 {strides = array<i32>} : memref<32xi32, #tpu.memory_space<vmem>>, vector<16xi32>,
      %shift_right_logical3A_175 = arith.constant 3 : i32
      %shift_right_logical3A_176 = vector.broadcast %shift_right_logical3A_175 : i32 to vector<16xi32>
      %shift_right_logical3A_177 = arith.shrui %get3A_165, %shift_right_logical3A_176 : vector<16xi32>
      %add3A_178 = arith.constant 10112 : i32
      %add3A_179 = vector.broadcast %add3A_178 : i32 to vector<16xi32>
      %add3A_180 = arith.addi %add3A_179, %shift_right_logical3A_177 : vector<16xi32>
      %swap3A_181 = arith.constant 16 : index
      %swap3A_182 = tpu.vector_load %arg16[%swap3A_181] {strides = array<i32>} : memref<32xi32, #tpu.memory_space<vmem>>, vector<16xi32>,
      %swap3A_183 = vector.shape_cast %swap3A_182 : vector<16xi32> to vector<16xi32>
      %swap3A_184 = vector.shape_cast %add3A_180 : vector<16xi32> to vector<16xi32>
      tpu.vector_store %arg16[%swap3A_181], %swap3A_184 {strides = array<i32>} : memref<32xi32, #tpu.memory_space<vmem>>, vector<16xi32>,
      %and3A_185 = arith.constant 7 : i32
      %and3A_186 = vector.broadcast %and3A_185 : i32 to vector<16xi32>
      %and3A_187 = arith.andi %get3A_165, %and3A_186 : vector<16xi32>
      %swap3A_188 = arith.constant 16 : index
      %swap3A_189 = tpu.vector_load %arg18[%swap3A_188] {strides = array<i32>} : memref<32xi32, #tpu.memory_space<vmem>>, vector<16xi32>,
      %swap3A_190 = vector.shape_cast %swap3A_189 : vector<16xi32> to vector<16xi32>
      %swap3A_191 = vector.shape_cast %and3A_187 : vector<16xi32> to vector<16xi32>
      tpu.vector_store %arg18[%swap3A_188], %swap3A_191 {strides = array<i32>} : memref<32xi32, #tpu.memory_space<vmem>>, vector<16xi32>,
      %dma_start3A_192 = arith.constant 0 : i32
      %dma_start3A_193 = arith.constant 0 : i32
      %dma_start3A_194 = tpu.memref_slice %arg2[%dma_start3A_192, %dma_start3A_193] : memref<20224x128xf32, #tpu.memory_space<hbm>> -> memref<20224x128xf32, #tpu.memory_space<hbm>>
      tpu.enqueue_indirect_dma source(%dma_start3A_194 : memref<20224x128xf32, #tpu.memory_space<hbm>>) target(%arg24 : memref<32x128xf32, #tpu.memory_space<vmem>>) offsets(%arg14 : memref<32xi32, #tpu.memory_space<vmem>>) semaphore(%arg28 : memref<!tpu.dma_semaphore, #tpu.memory_space<semaphore_mem>>)
      %dma_start3A_195 = arith.constant 0 : i32
      %dma_start3A_196 = arith.constant 0 : i32
      %dma_start3A_197 = tpu.memref_slice %arg3[%dma_start3A_195, %dma_start3A_196] : memref<10112x128xf32, #tpu.memory_space<hbm>> -> memref<10112x128xf32, #tpu.memory_space<hbm>>
      tpu.enqueue_indirect_dma source(%dma_start3A_197 : memref<10112x128xf32, #tpu.memory_space<hbm>>) target(%arg20 : memref<32x128xf32, #tpu.memory_space<vmem>>) offsets(%arg10 : memref<32xi32, #tpu.memory_space<vmem>>) semaphore(%arg30 : memref<!tpu.dma_semaphore, #tpu.memory_space<semaphore_mem>>)
      %dma_start3A_198 = arith.constant 0 : i32
      %dma_start3A_199 = arith.constant 0 : i32
      %dma_start3A_200 = tpu.memref_slice %arg4[%dma_start3A_198, %dma_start3A_199] : memref<10112x128xf32, #tpu.memory_space<hbm>> -> memref<10112x128xf32, #tpu.memory_space<hbm>>
      tpu.enqueue_indirect_dma source(%dma_start3A_200 : memref<10112x128xf32, #tpu.memory_space<hbm>>) target(%arg22 : memref<32x128xf32, #tpu.memory_space<vmem>>) offsets(%arg12 : memref<32xi32, #tpu.memory_space<vmem>>) semaphore(%arg32 : memref<!tpu.dma_semaphore, #tpu.memory_space<semaphore_mem>>)
      %dma_wait3A_201 = arith.constant 0 : i32
      %dma_wait3A_202 = arith.constant 0 : i32
      %dma_wait3A_203 = tpu.memref_slice %arg2[%dma_wait3A_201, %dma_wait3A_202] : memref<20224x128xf32, #tpu.memory_space<hbm>> -> memref<20224x128xf32, #tpu.memory_space<hbm>>
      tpu.wait_indirect_dma semaphore(%arg27 : memref<!tpu.dma_semaphore, #tpu.memory_space<semaphore_mem>>) src(%dma_wait3A_203 : memref<20224x128xf32, #tpu.memory_space<hbm>>) dst(%arg23 : memref<32x128xf32, #tpu.memory_space<vmem>>)
      %dma_wait3A_204 = arith.constant 0 : i32
      %dma_wait3A_205 = arith.constant 0 : i32
      %dma_wait3A_206 = tpu.memref_slice %arg3[%dma_wait3A_204, %dma_wait3A_205] : memref<10112x128xf32, #tpu.memory_space<hbm>> -> memref<10112x128xf32, #tpu.memory_space<hbm>>
      tpu.wait_indirect_dma semaphore(%arg29 : memref<!tpu.dma_semaphore, #tpu.memory_space<semaphore_mem>>) src(%dma_wait3A_206 : memref<10112x128xf32, #tpu.memory_space<hbm>>) dst(%arg19 : memref<32x128xf32, #tpu.memory_space<vmem>>)
      %dma_wait3A_207 = arith.constant 0 : i32
      %dma_wait3A_208 = arith.constant 0 : i32
      %dma_wait3A_209 = tpu.memref_slice %arg4[%dma_wait3A_207, %dma_wait3A_208] : memref<10112x128xf32, #tpu.memory_space<hbm>> -> memref<10112x128xf32, #tpu.memory_space<hbm>>
      tpu.wait_indirect_dma semaphore(%arg31 : memref<!tpu.dma_semaphore, #tpu.memory_space<semaphore_mem>>) src(%dma_wait3A_209 : memref<10112x128xf32, #tpu.memory_space<hbm>>) dst(%arg21 : memref<32x128xf32, #tpu.memory_space<vmem>>)
      %gt3A = arith.constant 0 : i32
      %gt3A_210 = arith.cmpi sgt, %scan3A_120, %gt3A : i32
      %convert_element_type3A = arith.extui %gt3A_210 : i1 to i32
      %cond3A = arith.constant 0 : i32
      %cond3A_211 = arith.cmpi ne, %convert_element_type3A, %cond3A : i32
      scf.if %cond3A_211 {
        %dma_wait3A_329 = arith.constant 0 : i32
        %dma_wait3A_330 = arith.constant 0 : i32
        %dma_wait3A_331 = tpu.memref_slice %arg8[%dma_wait3A_329, %dma_wait3A_330] : memref<11392x128xf32, #tpu.memory_space<vmem_shared>> -> memref<11392x128xf32, #tpu.memory_space<vmem_shared>>
        tpu.wait_indirect_dma semaphore(%arg34 : memref<!tpu.dma_semaphore, #tpu.memory_space<semaphore_mem>>) src(%arg25 : memref<32x128xf32, #tpu.memory_space<vmem>>) dst(%dma_wait3A_331 : memref<11392x128xf32, #tpu.memory_space<vmem_shared>>)
        %dma_wait3A_332 = arith.constant 0 : i32
        %dma_wait3A_333 = arith.constant 0 : i32
        %dma_wait3A_334 = tpu.memref_slice %arg8[%dma_wait3A_332, %dma_wait3A_333] : memref<11392x128xf32, #tpu.memory_space<vmem_shared>> -> memref<11392x128xf32, #tpu.memory_space<vmem_shared>>
        tpu.wait_indirect_dma semaphore(%arg36 : memref<!tpu.dma_semaphore, #tpu.memory_space<semaphore_mem>>) src(%arg26 : memref<32x128xf32, #tpu.memory_space<vmem>>) dst(%dma_wait3A_334 : memref<11392x128xf32, #tpu.memory_space<vmem_shared>>)
      } else {
      }
      %scan3A_212 = arith.constant 0 : i32
      %scan3A_213 = arith.constant 0 : i32
      %scan3A_214 = arith.constant 32 : i32
      %scan3A_215 = arith.addi %scan3A_213, %scan3A_214 : i32
      %scan3A_216 = arith.constant 1 : i32
      scf.for %scan3A_329 = %scan3A_213 to %scan3A_215 step %scan3A_216  : i32 {
        %get3A_330 = arith.index_cast %scan3A_329 : i32 to index
        %get3A_331 = arith.constant 0 : index
        %get3A_332 = tpu.vector_load %arg19[%get3A_330, %get3A_331] {strides = array<i32>} : memref<32x128xf32, #tpu.memory_space<vmem>>, vector<1x16xf32>,
        %get3A_333 = vector.shape_cast %get3A_332 : vector<1x16xf32> to vector<16xf32>
        %get3A_334 = arith.index_cast %scan3A_329 : i32 to index
        %get3A_335 = arith.constant 0 : index
        %get3A_336 = tpu.vector_load %arg21[%get3A_334, %get3A_335] {strides = array<i32>} : memref<32x128xf32, #tpu.memory_space<vmem>>, vector<1x16xf32>,
        %get3A_337 = vector.shape_cast %get3A_336 : vector<1x16xf32> to vector<16xf32>
        %add3A_338 = arith.addf %get3A_333, %get3A_337 : vector<16xf32>
        %mul3A_339 = arith.constant 2.000000e-01 : f32
        %mul3A_340 = vector.broadcast %mul3A_339 : f32 to vector<16xf32>
        %mul3A_341 = arith.mulf %mul3A_340, %add3A_338 : vector<16xf32>
        %max3A = arith.maximumf %add3A_338, %mul3A_341 : vector<16xf32>
        %exp3A = math.exp %max3A : vector<16xf32>
        %add3A_342 = arith.constant 0 : i32
        %add3A_343 = arith.addi %mul3A_17, %add3A_342 : i32
        %broadcast_in_dim3A_344 = vector.broadcast %add3A_343 : i32 to vector<16x1xi32>
        %gather3A = vector.shape_cast %broadcast_in_dim3A_344 : vector<16x1xi32> to vector<16xi32>
        %gather3A_345 = tpu.dynamic_gather %exp3A[%gather3A] in [0] : vector<16xf32>, vector<16xi32> -> vector<16xf32>
        %get3A_346 = arith.index_cast %scan3A_329 : i32 to index
        %get3A_347 = arith.constant 0 : index
        %get3A_348 = tpu.vector_load %arg23[%get3A_346, %get3A_347] {strides = array<i32>} : memref<32x128xf32, #tpu.memory_space<vmem>>, vector<1x16xf32>,
        %get3A_349 = vector.shape_cast %get3A_348 : vector<1x16xf32> to vector<16xf32>
        %mul3A_350 = arith.mulf %get3A_349, %gather3A_345 : vector<16xf32>
        %swap3A_351 = arith.index_cast %scan3A_329 : i32 to index
        %swap3A_352 = arith.constant 0 : index
        %swap3A_353 = tpu.vector_load %arg25[%swap3A_351, %swap3A_352] {strides = array<i32>} : memref<32x128xf32, #tpu.memory_space<vmem>>, vector<1x16xf32>,
        %swap3A_354 = vector.shape_cast %swap3A_353 : vector<1x16xf32> to vector<16xf32>
        %swap3A_355 = vector.shape_cast %mul3A_350 : vector<16xf32> to vector<1x16xf32>
        tpu.vector_store %arg25[%swap3A_351, %swap3A_352], %swap3A_355 {strides = array<i32>} : memref<32x128xf32, #tpu.memory_space<vmem>>, vector<1x16xf32>,
        %add3A_356 = arith.constant 0 : i32
        %add3A_357 = arith.addi %mul3A_17, %add3A_356 : i32
        %broadcast_in_dim3A_358 = vector.broadcast %add3A_357 : i32 to vector<16x1xi32>
        %gather3A_359 = vector.shape_cast %broadcast_in_dim3A_358 : vector<16x1xi32> to vector<16xi32>
        %gather3A_360 = tpu.dynamic_gather %exp3A[%gather3A_359] in [0] : vector<16xf32>, vector<16xi32> -> vector<16xf32>
        %get3A_361 = arith.index_cast %scan3A_329 : i32 to index
        %get3A_362 = arith.constant 16 : index
        %get3A_363 = tpu.vector_load %arg23[%get3A_361, %get3A_362] {strides = array<i32>} : memref<32x128xf32, #tpu.memory_space<vmem>>, vector<1x16xf32>,
        %get3A_364 = vector.shape_cast %get3A_363 : vector<1x16xf32> to vector<16xf32>
        %mul3A_365 = arith.mulf %get3A_364, %gather3A_360 : vector<16xf32>
        %swap3A_366 = arith.index_cast %scan3A_329 : i32 to index
        %swap3A_367 = arith.constant 16 : index
        %swap3A_368 = tpu.vector_load %arg25[%swap3A_366, %swap3A_367] {strides = array<i32>} : memref<32x128xf32, #tpu.memory_space<vmem>>, vector<1x16xf32>,
        %swap3A_369 = vector.shape_cast %swap3A_368 : vector<1x16xf32> to vector<16xf32>
        %swap3A_370 = vector.shape_cast %mul3A_365 : vector<16xf32> to vector<1x16xf32>
        tpu.vector_store %arg25[%swap3A_366, %swap3A_367], %swap3A_370 {strides = array<i32>} : memref<32x128xf32, #tpu.memory_space<vmem>>, vector<1x16xf32>,
        %add3A_371 = arith.constant 1 : i32
        %add3A_372 = arith.addi %mul3A_17, %add3A_371 : i32
        %broadcast_in_dim3A_373 = vector.broadcast %add3A_372 : i32 to vector<16x1xi32>
        %gather3A_374 = vector.shape_cast %broadcast_in_dim3A_373 : vector<16x1xi32> to vector<16xi32>
        %gather3A_375 = tpu.dynamic_gather %exp3A[%gather3A_374] in [0] : vector<16xf32>, vector<16xi32> -> vector<16xf32>
        %get3A_376 = arith.index_cast %scan3A_329 : i32 to index
        %get3A_377 = arith.constant 32 : index
        %get3A_378 = tpu.vector_load %arg23[%get3A_376, %get3A_377] {strides = array<i32>} : memref<32x128xf32, #tpu.memory_space<vmem>>, vector<1x16xf32>,
        %get3A_379 = vector.shape_cast %get3A_378 : vector<1x16xf32> to vector<16xf32>
        %mul3A_380 = arith.mulf %get3A_379, %gather3A_375 : vector<16xf32>
        %swap3A_381 = arith.index_cast %scan3A_329 : i32 to index
        %swap3A_382 = arith.constant 32 : index
        %swap3A_383 = tpu.vector_load %arg25[%swap3A_381, %swap3A_382] {strides = array<i32>} : memref<32x128xf32, #tpu.memory_space<vmem>>, vector<1x16xf32>,
        %swap3A_384 = vector.shape_cast %swap3A_383 : vector<1x16xf32> to vector<16xf32>
        %swap3A_385 = vector.shape_cast %mul3A_380 : vector<16xf32> to vector<1x16xf32>
        tpu.vector_store %arg25[%swap3A_381, %swap3A_382], %swap3A_385 {strides = array<i32>} : memref<32x128xf32, #tpu.memory_space<vmem>>, vector<1x16xf32>,
        %add3A_386 = arith.constant 1 : i32
        %add3A_387 = arith.addi %mul3A_17, %add3A_386 : i32
        %broadcast_in_dim3A_388 = vector.broadcast %add3A_387 : i32 to vector<16x1xi32>
        %gather3A_389 = vector.shape_cast %broadcast_in_dim3A_388 : vector<16x1xi32> to vector<16xi32>
        %gather3A_390 = tpu.dynamic_gather %exp3A[%gather3A_389] in [0] : vector<16xf32>, vector<16xi32> -> vector<16xf32>
        %get3A_391 = arith.index_cast %scan3A_329 : i32 to index
        %get3A_392 = arith.constant 48 : index
        %get3A_393 = tpu.vector_load %arg23[%get3A_391, %get3A_392] {strides = array<i32>} : memref<32x128xf32, #tpu.memory_space<vmem>>, vector<1x16xf32>,
        %get3A_394 = vector.shape_cast %get3A_393 : vector<1x16xf32> to vector<16xf32>
        %mul3A_395 = arith.mulf %get3A_394, %gather3A_390 : vector<16xf32>
        %swap3A_396 = arith.index_cast %scan3A_329 : i32 to index
        %swap3A_397 = arith.constant 48 : index
        %swap3A_398 = tpu.vector_load %arg25[%swap3A_396, %swap3A_397] {strides = array<i32>} : memref<32x128xf32, #tpu.memory_space<vmem>>, vector<1x16xf32>,
        %swap3A_399 = vector.shape_cast %swap3A_398 : vector<1x16xf32> to vector<16xf32>
        %swap3A_400 = vector.shape_cast %mul3A_395 : vector<16xf32> to vector<1x16xf32>
        tpu.vector_store %arg25[%swap3A_396, %swap3A_397], %swap3A_400 {strides = array<i32>} : memref<32x128xf32, #tpu.memory_space<vmem>>, vector<1x16xf32>,
        %add3A_401 = arith.constant 2 : i32
        %add3A_402 = arith.addi %mul3A_17, %add3A_401 : i32
        %broadcast_in_dim3A_403 = vector.broadcast %add3A_402 : i32 to vector<16x1xi32>
        %gather3A_404 = vector.shape_cast %broadcast_in_dim3A_403 : vector<16x1xi32> to vector<16xi32>
        %gather3A_405 = tpu.dynamic_gather %exp3A[%gather3A_404] in [0] : vector<16xf32>, vector<16xi32> -> vector<16xf32>
        %get3A_406 = arith.index_cast %scan3A_329 : i32 to index
        %get3A_407 = arith.constant 64 : index
        %get3A_408 = tpu.vector_load %arg23[%get3A_406, %get3A_407] {strides = array<i32>} : memref<32x128xf32, #tpu.memory_space<vmem>>, vector<1x16xf32>,
        %get3A_409 = vector.shape_cast %get3A_408 : vector<1x16xf32> to vector<16xf32>
        %mul3A_410 = arith.mulf %get3A_409, %gather3A_405 : vector<16xf32>
        %swap3A_411 = arith.index_cast %scan3A_329 : i32 to index
        %swap3A_412 = arith.constant 64 : index
        %swap3A_413 = tpu.vector_load %arg25[%swap3A_411, %swap3A_412] {strides = array<i32>} : memref<32x128xf32, #tpu.memory_space<vmem>>, vector<1x16xf32>,
        %swap3A_414 = vector.shape_cast %swap3A_413 : vector<1x16xf32> to vector<16xf32>
        %swap3A_415 = vector.shape_cast %mul3A_410 : vector<16xf32> to vector<1x16xf32>
        tpu.vector_store %arg25[%swap3A_411, %swap3A_412], %swap3A_415 {strides = array<i32>} : memref<32x128xf32, #tpu.memory_space<vmem>>, vector<1x16xf32>,
        %add3A_416 = arith.constant 2 : i32
        %add3A_417 = arith.addi %mul3A_17, %add3A_416 : i32
        %broadcast_in_dim3A_418 = vector.broadcast %add3A_417 : i32 to vector<16x1xi32>
        %gather3A_419 = vector.shape_cast %broadcast_in_dim3A_418 : vector<16x1xi32> to vector<16xi32>
        %gather3A_420 = tpu.dynamic_gather %exp3A[%gather3A_419] in [0] : vector<16xf32>, vector<16xi32> -> vector<16xf32>
        %get3A_421 = arith.index_cast %scan3A_329 : i32 to index
        %get3A_422 = arith.constant 80 : index
        %get3A_423 = tpu.vector_load %arg23[%get3A_421, %get3A_422] {strides = array<i32>} : memref<32x128xf32, #tpu.memory_space<vmem>>, vector<1x16xf32>,
        %get3A_424 = vector.shape_cast %get3A_423 : vector<1x16xf32> to vector<16xf32>
        %mul3A_425 = arith.mulf %get3A_424, %gather3A_420 : vector<16xf32>
        %swap3A_426 = arith.index_cast %scan3A_329 : i32 to index
        %swap3A_427 = arith.constant 80 : index
        %swap3A_428 = tpu.vector_load %arg25[%swap3A_426, %swap3A_427] {strides = array<i32>} : memref<32x128xf32, #tpu.memory_space<vmem>>, vector<1x16xf32>,
        %swap3A_429 = vector.shape_cast %swap3A_428 : vector<1x16xf32> to vector<16xf32>
        %swap3A_430 = vector.shape_cast %mul3A_425 : vector<16xf32> to vector<1x16xf32>
        tpu.vector_store %arg25[%swap3A_426, %swap3A_427], %swap3A_430 {strides = array<i32>} : memref<32x128xf32, #tpu.memory_space<vmem>>, vector<1x16xf32>,
        %add3A_431 = arith.constant 3 : i32
        %add3A_432 = arith.addi %mul3A_17, %add3A_431 : i32
        %broadcast_in_dim3A_433 = vector.broadcast %add3A_432 : i32 to vector<16x1xi32>
        %gather3A_434 = vector.shape_cast %broadcast_in_dim3A_433 : vector<16x1xi32> to vector<16xi32>
        %gather3A_435 = tpu.dynamic_gather %exp3A[%gather3A_434] in [0] : vector<16xf32>, vector<16xi32> -> vector<16xf32>
        %get3A_436 = arith.index_cast %scan3A_329 : i32 to index
        %get3A_437 = arith.constant 96 : index
        %get3A_438 = tpu.vector_load %arg23[%get3A_436, %get3A_437] {strides = array<i32>} : memref<32x128xf32, #tpu.memory_space<vmem>>, vector<1x16xf32>,
        %get3A_439 = vector.shape_cast %get3A_438 : vector<1x16xf32> to vector<16xf32>
        %mul3A_440 = arith.mulf %get3A_439, %gather3A_435 : vector<16xf32>
        %swap3A_441 = arith.index_cast %scan3A_329 : i32 to index
        %swap3A_442 = arith.constant 96 : index
        %swap3A_443 = tpu.vector_load %arg25[%swap3A_441, %swap3A_442] {strides = array<i32>} : memref<32x128xf32, #tpu.memory_space<vmem>>, vector<1x16xf32>,
        %swap3A_444 = vector.shape_cast %swap3A_443 : vector<1x16xf32> to vector<16xf32>
        %swap3A_445 = vector.shape_cast %mul3A_440 : vector<16xf32> to vector<1x16xf32>
        tpu.vector_store %arg25[%swap3A_441, %swap3A_442], %swap3A_445 {strides = array<i32>} : memref<32x128xf32, #tpu.memory_space<vmem>>, vector<1x16xf32>,
        %add3A_446 = arith.constant 3 : i32
        %add3A_447 = arith.addi %mul3A_17, %add3A_446 : i32
        %broadcast_in_dim3A_448 = vector.broadcast %add3A_447 : i32 to vector<16x1xi32>
        %gather3A_449 = vector.shape_cast %broadcast_in_dim3A_448 : vector<16x1xi32> to vector<16xi32>
        %gather3A_450 = tpu.dynamic_gather %exp3A[%gather3A_449] in [0] : vector<16xf32>, vector<16xi32> -> vector<16xf32>
        %get3A_451 = arith.index_cast %scan3A_329 : i32 to index
        %get3A_452 = arith.constant 112 : index
        %get3A_453 = tpu.vector_load %arg23[%get3A_451, %get3A_452] {strides = array<i32>} : memref<32x128xf32, #tpu.memory_space<vmem>>, vector<1x16xf32>,
        %get3A_454 = vector.shape_cast %get3A_453 : vector<1x16xf32> to vector<16xf32>
        %mul3A_455 = arith.mulf %get3A_454, %gather3A_450 : vector<16xf32>
        %swap3A_456 = arith.index_cast %scan3A_329 : i32 to index
        %swap3A_457 = arith.constant 112 : index
        %swap3A_458 = tpu.vector_load %arg25[%swap3A_456, %swap3A_457] {strides = array<i32>} : memref<32x128xf32, #tpu.memory_space<vmem>>, vector<1x16xf32>,
        %swap3A_459 = vector.shape_cast %swap3A_458 : vector<1x16xf32> to vector<16xf32>
        %swap3A_460 = vector.shape_cast %mul3A_455 : vector<16xf32> to vector<1x16xf32>
        tpu.vector_store %arg25[%swap3A_456, %swap3A_457], %swap3A_460 {strides = array<i32>} : memref<32x128xf32, #tpu.memory_space<vmem>>, vector<1x16xf32>,
        %and3A_461 = arith.constant 15 : i32
        %and3A_462 = arith.andi %scan3A_329, %and3A_461 : i32
        %sub3A = arith.subi %scan3A_329, %and3A_462 : i32
        %get3A_463 = arith.index_cast %sub3A : i32 to index
        %get3A_464 = tpu.vector_load %arg17[%get3A_463] {strides = array<i32>} : memref<32xi32, #tpu.memory_space<vmem>>, vector<16xi32>,
        %get3A_465 = vector.shape_cast %get3A_464 : vector<16xi32> to vector<16xi32>
        %broadcast_in_dim3A_466 = vector.broadcast %and3A_462 : i32 to vector<16x1xi32>
        %gather3A_467 = vector.shape_cast %broadcast_in_dim3A_466 : vector<16x1xi32> to vector<16xi32>
        %gather3A_468 = tpu.dynamic_gather %get3A_465[%gather3A_467] in [0] : vector<16xi32>, vector<16xi32> -> vector<16xi32>
        %sub3A_469 = arith.constant 0 : i32
        %sub3A_470 = vector.broadcast %sub3A_469 : i32 to vector<16xi32>
        %sub3A_471 = arith.subi %gather3A_468, %sub3A_470 : vector<16xi32>
        %abs3A = math.absi %sub3A_471 : vector<16xi32>
        %min3A = arith.constant 1 : i32
        %min3A_472 = vector.broadcast %min3A : i32 to vector<16xi32>
        %min3A_473 = arith.minsi %abs3A, %min3A_472 : vector<16xi32>
        %sub3A_474 = arith.constant 1 : i32
        %sub3A_475 = vector.broadcast %sub3A_474 : i32 to vector<16xi32>
        %sub3A_476 = arith.subi %sub3A_475, %min3A_473 : vector<16xi32>
        %convert_element_type3A_477 = arith.sitofp %sub3A_476 : vector<16xi32> to vector<16xf32>
        %mul3A_478 = arith.mulf %exp3A, %convert_element_type3A_477 : vector<16xf32>
        %swap3A_479 = arith.index_cast %scan3A_329 : i32 to index
        %swap3A_480 = arith.constant 0 : index
        %swap3A_481 = tpu.vector_load %arg26[%swap3A_479, %swap3A_480] {strides = array<i32>} : memref<32x128xf32, #tpu.memory_space<vmem>>, vector<1x16xf32>,
        %swap3A_482 = vector.shape_cast %swap3A_481 : vector<1x16xf32> to vector<16xf32>
        %swap3A_483 = vector.shape_cast %mul3A_478 : vector<16xf32> to vector<1x16xf32>
        tpu.vector_store %arg26[%swap3A_479, %swap3A_480], %swap3A_483 {strides = array<i32>} : memref<32x128xf32, #tpu.memory_space<vmem>>, vector<1x16xf32>,
        %sub3A_484 = arith.constant 1 : i32
        %sub3A_485 = vector.broadcast %sub3A_484 : i32 to vector<16xi32>
        %sub3A_486 = arith.subi %gather3A_468, %sub3A_485 : vector<16xi32>
        %abs3A_487 = math.absi %sub3A_486 : vector<16xi32>
        %min3A_488 = arith.constant 1 : i32
        %min3A_489 = vector.broadcast %min3A_488 : i32 to vector<16xi32>
        %min3A_490 = arith.minsi %abs3A_487, %min3A_489 : vector<16xi32>
        %sub3A_491 = arith.constant 1 : i32
        %sub3A_492 = vector.broadcast %sub3A_491 : i32 to vector<16xi32>
        %sub3A_493 = arith.subi %sub3A_492, %min3A_490 : vector<16xi32>
        %convert_element_type3A_494 = arith.sitofp %sub3A_493 : vector<16xi32> to vector<16xf32>
        %mul3A_495 = arith.mulf %exp3A, %convert_element_type3A_494 : vector<16xf32>
        %swap3A_496 = arith.index_cast %scan3A_329 : i32 to index
        %swap3A_497 = arith.constant 16 : index
        %swap3A_498 = tpu.vector_load %arg26[%swap3A_496, %swap3A_497] {strides = array<i32>} : memref<32x128xf32, #tpu.memory_space<vmem>>, vector<1x16xf32>,
        %swap3A_499 = vector.shape_cast %swap3A_498 : vector<1x16xf32> to vector<16xf32>
        %swap3A_500 = vector.shape_cast %mul3A_495 : vector<16xf32> to vector<1x16xf32>
        tpu.vector_store %arg26[%swap3A_496, %swap3A_497], %swap3A_500 {strides = array<i32>} : memref<32x128xf32, #tpu.memory_space<vmem>>, vector<1x16xf32>,
        %sub3A_501 = arith.constant 2 : i32
        %sub3A_502 = vector.broadcast %sub3A_501 : i32 to vector<16xi32>
        %sub3A_503 = arith.subi %gather3A_468, %sub3A_502 : vector<16xi32>
        %abs3A_504 = math.absi %sub3A_503 : vector<16xi32>
        %min3A_505 = arith.constant 1 : i32
        %min3A_506 = vector.broadcast %min3A_505 : i32 to vector<16xi32>
        %min3A_507 = arith.minsi %abs3A_504, %min3A_506 : vector<16xi32>
        %sub3A_508 = arith.constant 1 : i32
        %sub3A_509 = vector.broadcast %sub3A_508 : i32 to vector<16xi32>
        %sub3A_510 = arith.subi %sub3A_509, %min3A_507 : vector<16xi32>
        %convert_element_type3A_511 = arith.sitofp %sub3A_510 : vector<16xi32> to vector<16xf32>
        %mul3A_512 = arith.mulf %exp3A, %convert_element_type3A_511 : vector<16xf32>
        %swap3A_513 = arith.index_cast %scan3A_329 : i32 to index
        %swap3A_514 = arith.constant 32 : index
        %swap3A_515 = tpu.vector_load %arg26[%swap3A_513, %swap3A_514] {strides = array<i32>} : memref<32x128xf32, #tpu.memory_space<vmem>>, vector<1x16xf32>,
        %swap3A_516 = vector.shape_cast %swap3A_515 : vector<1x16xf32> to vector<16xf32>
        %swap3A_517 = vector.shape_cast %mul3A_512 : vector<16xf32> to vector<1x16xf32>
        tpu.vector_store %arg26[%swap3A_513, %swap3A_514], %swap3A_517 {strides = array<i32>} : memref<32x128xf32, #tpu.memory_space<vmem>>, vector<1x16xf32>,
        %sub3A_518 = arith.constant 3 : i32
        %sub3A_519 = vector.broadcast %sub3A_518 : i32 to vector<16xi32>
        %sub3A_520 = arith.subi %gather3A_468, %sub3A_519 : vector<16xi32>
        %abs3A_521 = math.absi %sub3A_520 : vector<16xi32>
        %min3A_522 = arith.constant 1 : i32
        %min3A_523 = vector.broadcast %min3A_522 : i32 to vector<16xi32>
        %min3A_524 = arith.minsi %abs3A_521, %min3A_523 : vector<16xi32>
        %sub3A_525 = arith.constant 1 : i32
        %sub3A_526 = vector.broadcast %sub3A_525 : i32 to vector<16xi32>
        %sub3A_527 = arith.subi %sub3A_526, %min3A_524 : vector<16xi32>
        %convert_element_type3A_528 = arith.sitofp %sub3A_527 : vector<16xi32> to vector<16xf32>
        %mul3A_529 = arith.mulf %exp3A, %convert_element_type3A_528 : vector<16xf32>
        %swap3A_530 = arith.index_cast %scan3A_329 : i32 to index
        %swap3A_531 = arith.constant 48 : index
        %swap3A_532 = tpu.vector_load %arg26[%swap3A_530, %swap3A_531] {strides = array<i32>} : memref<32x128xf32, #tpu.memory_space<vmem>>, vector<1x16xf32>,
        %swap3A_533 = vector.shape_cast %swap3A_532 : vector<1x16xf32> to vector<16xf32>
        %swap3A_534 = vector.shape_cast %mul3A_529 : vector<16xf32> to vector<1x16xf32>
        tpu.vector_store %arg26[%swap3A_530, %swap3A_531], %swap3A_534 {strides = array<i32>} : memref<32x128xf32, #tpu.memory_space<vmem>>, vector<1x16xf32>,
        %sub3A_535 = arith.constant 4 : i32
        %sub3A_536 = vector.broadcast %sub3A_535 : i32 to vector<16xi32>
        %sub3A_537 = arith.subi %gather3A_468, %sub3A_536 : vector<16xi32>
        %abs3A_538 = math.absi %sub3A_537 : vector<16xi32>
        %min3A_539 = arith.constant 1 : i32
        %min3A_540 = vector.broadcast %min3A_539 : i32 to vector<16xi32>
        %min3A_541 = arith.minsi %abs3A_538, %min3A_540 : vector<16xi32>
        %sub3A_542 = arith.constant 1 : i32
        %sub3A_543 = vector.broadcast %sub3A_542 : i32 to vector<16xi32>
        %sub3A_544 = arith.subi %sub3A_543, %min3A_541 : vector<16xi32>
        %convert_element_type3A_545 = arith.sitofp %sub3A_544 : vector<16xi32> to vector<16xf32>
        %mul3A_546 = arith.mulf %exp3A, %convert_element_type3A_545 : vector<16xf32>
        %swap3A_547 = arith.index_cast %scan3A_329 : i32 to index
        %swap3A_548 = arith.constant 64 : index
        %swap3A_549 = tpu.vector_load %arg26[%swap3A_547, %swap3A_548] {strides = array<i32>} : memref<32x128xf32, #tpu.memory_space<vmem>>, vector<1x16xf32>,
        %swap3A_550 = vector.shape_cast %swap3A_549 : vector<1x16xf32> to vector<16xf32>
        %swap3A_551 = vector.shape_cast %mul3A_546 : vector<16xf32> to vector<1x16xf32>
        tpu.vector_store %arg26[%swap3A_547, %swap3A_548], %swap3A_551 {strides = array<i32>} : memref<32x128xf32, #tpu.memory_space<vmem>>, vector<1x16xf32>,
        %sub3A_552 = arith.constant 5 : i32
        %sub3A_553 = vector.broadcast %sub3A_552 : i32 to vector<16xi32>
        %sub3A_554 = arith.subi %gather3A_468, %sub3A_553 : vector<16xi32>
        %abs3A_555 = math.absi %sub3A_554 : vector<16xi32>
        %min3A_556 = arith.constant 1 : i32
        %min3A_557 = vector.broadcast %min3A_556 : i32 to vector<16xi32>
        %min3A_558 = arith.minsi %abs3A_555, %min3A_557 : vector<16xi32>
        %sub3A_559 = arith.constant 1 : i32
        %sub3A_560 = vector.broadcast %sub3A_559 : i32 to vector<16xi32>
        %sub3A_561 = arith.subi %sub3A_560, %min3A_558 : vector<16xi32>
        %convert_element_type3A_562 = arith.sitofp %sub3A_561 : vector<16xi32> to vector<16xf32>
        %mul3A_563 = arith.mulf %exp3A, %convert_element_type3A_562 : vector<16xf32>
        %swap3A_564 = arith.index_cast %scan3A_329 : i32 to index
        %swap3A_565 = arith.constant 80 : index
        %swap3A_566 = tpu.vector_load %arg26[%swap3A_564, %swap3A_565] {strides = array<i32>} : memref<32x128xf32, #tpu.memory_space<vmem>>, vector<1x16xf32>,
        %swap3A_567 = vector.shape_cast %swap3A_566 : vector<1x16xf32> to vector<16xf32>
        %swap3A_568 = vector.shape_cast %mul3A_563 : vector<16xf32> to vector<1x16xf32>
        tpu.vector_store %arg26[%swap3A_564, %swap3A_565], %swap3A_568 {strides = array<i32>} : memref<32x128xf32, #tpu.memory_space<vmem>>, vector<1x16xf32>,
        %sub3A_569 = arith.constant 6 : i32
        %sub3A_570 = vector.broadcast %sub3A_569 : i32 to vector<16xi32>
        %sub3A_571 = arith.subi %gather3A_468, %sub3A_570 : vector<16xi32>
        %abs3A_572 = math.absi %sub3A_571 : vector<16xi32>
        %min3A_573 = arith.constant 1 : i32
        %min3A_574 = vector.broadcast %min3A_573 : i32 to vector<16xi32>
        %min3A_575 = arith.minsi %abs3A_572, %min3A_574 : vector<16xi32>
        %sub3A_576 = arith.constant 1 : i32
        %sub3A_577 = vector.broadcast %sub3A_576 : i32 to vector<16xi32>
        %sub3A_578 = arith.subi %sub3A_577, %min3A_575 : vector<16xi32>
        %convert_element_type3A_579 = arith.sitofp %sub3A_578 : vector<16xi32> to vector<16xf32>
        %mul3A_580 = arith.mulf %exp3A, %convert_element_type3A_579 : vector<16xf32>
        %swap3A_581 = arith.index_cast %scan3A_329 : i32 to index
        %swap3A_582 = arith.constant 96 : index
        %swap3A_583 = tpu.vector_load %arg26[%swap3A_581, %swap3A_582] {strides = array<i32>} : memref<32x128xf32, #tpu.memory_space<vmem>>, vector<1x16xf32>,
        %swap3A_584 = vector.shape_cast %swap3A_583 : vector<1x16xf32> to vector<16xf32>
        %swap3A_585 = vector.shape_cast %mul3A_580 : vector<16xf32> to vector<1x16xf32>
        tpu.vector_store %arg26[%swap3A_581, %swap3A_582], %swap3A_585 {strides = array<i32>} : memref<32x128xf32, #tpu.memory_space<vmem>>, vector<1x16xf32>,
        %sub3A_586 = arith.constant 7 : i32
        %sub3A_587 = vector.broadcast %sub3A_586 : i32 to vector<16xi32>
        %sub3A_588 = arith.subi %gather3A_468, %sub3A_587 : vector<16xi32>
        %abs3A_589 = math.absi %sub3A_588 : vector<16xi32>
        %min3A_590 = arith.constant 1 : i32
        %min3A_591 = vector.broadcast %min3A_590 : i32 to vector<16xi32>
        %min3A_592 = arith.minsi %abs3A_589, %min3A_591 : vector<16xi32>
        %sub3A_593 = arith.constant 1 : i32
        %sub3A_594 = vector.broadcast %sub3A_593 : i32 to vector<16xi32>
        %sub3A_595 = arith.subi %sub3A_594, %min3A_592 : vector<16xi32>
        %convert_element_type3A_596 = arith.sitofp %sub3A_595 : vector<16xi32> to vector<16xf32>
        %mul3A_597 = arith.mulf %exp3A, %convert_element_type3A_596 : vector<16xf32>
        %swap3A_598 = arith.index_cast %scan3A_329 : i32 to index
        %swap3A_599 = arith.constant 112 : index
        %swap3A_600 = tpu.vector_load %arg26[%swap3A_598, %swap3A_599] {strides = array<i32>} : memref<32x128xf32, #tpu.memory_space<vmem>>, vector<1x16xf32>,
        %swap3A_601 = vector.shape_cast %swap3A_600 : vector<1x16xf32> to vector<16xf32>
        %swap3A_602 = vector.shape_cast %mul3A_597 : vector<16xf32> to vector<1x16xf32>
        tpu.vector_store %arg26[%swap3A_598, %swap3A_599], %swap3A_602 {strides = array<i32>} : memref<32x128xf32, #tpu.memory_space<vmem>>, vector<1x16xf32>,
      }
      %scan3A_217 = arith.constant 32 : i32
      %dma_start3A_218 = arith.constant 0 : i32
      %dma_start3A_219 = arith.constant 0 : i32
      %dma_start3A_220 = tpu.memref_slice %arg8[%dma_start3A_218, %dma_start3A_219] : memref<11392x128xf32, #tpu.memory_space<vmem_shared>> -> memref<11392x128xf32, #tpu.memory_space<vmem_shared>>
      tpu.enqueue_indirect_dma source(%arg25 : memref<32x128xf32, #tpu.memory_space<vmem>>) target(%dma_start3A_220 : memref<11392x128xf32, #tpu.memory_space<vmem_shared>>) offsets(%arg11 : memref<32xi32, #tpu.memory_space<vmem>>) semaphore(%arg33 : memref<!tpu.dma_semaphore, #tpu.memory_space<semaphore_mem>>) {add = true}
      %dma_start3A_221 = arith.constant 0 : i32
      %dma_start3A_222 = arith.constant 0 : i32
      %dma_start3A_223 = tpu.memref_slice %arg8[%dma_start3A_221, %dma_start3A_222] : memref<11392x128xf32, #tpu.memory_space<vmem_shared>> -> memref<11392x128xf32, #tpu.memory_space<vmem_shared>>
      tpu.enqueue_indirect_dma source(%arg26 : memref<32x128xf32, #tpu.memory_space<vmem>>) target(%dma_start3A_223 : memref<11392x128xf32, #tpu.memory_space<vmem_shared>>) offsets(%arg15 : memref<32xi32, #tpu.memory_space<vmem>>) semaphore(%arg35 : memref<!tpu.dma_semaphore, #tpu.memory_space<semaphore_mem>>) {add = true}
      %add3A_224 = arith.constant 2 : i32
      %add3A_225 = arith.addi %mul3A_122, %add3A_224 : i32
      %mul3A_226 = arith.constant 32 : i32
      %mul3A_227 = arith.muli %add3A_225, %mul3A_226 : i32
      %add3A_228 = arith.addi %mul3A_15, %mul3A_227 : i32
      "tpu.region"() ({
        %run_scoped3A = tpu.sem_alloc : memref<!tpu.dma_semaphore, #tpu.memory_space<semaphore_mem>>
        %dma_start3A_329 = tpu.memref_slice %arg5[%add3A_228] : memref<171072xi32, #tpu.memory_space<hbm>> -> memref<32xi32, #tpu.memory_space<hbm>>
        %dma_start3A_330 = tpu.memref_slice %arg5[%add3A_228] : memref<171072xi32, #tpu.memory_space<hbm>> -> memref<32xi32, #tpu.memory_space<hbm>>
        tpu.enqueue_dma source(%dma_start3A_330 : memref<32xi32, #tpu.memory_space<hbm>>) target(%arg9 : memref<32xi32, #tpu.memory_space<vmem>>) target_semaphore(%run_scoped3A : memref<!tpu.dma_semaphore, #tpu.memory_space<semaphore_mem>>)
        %dma_wait3A_331 = tpu.memref_slice %arg5[%add3A_228] : memref<171072xi32, #tpu.memory_space<hbm>> -> memref<32xi32, #tpu.memory_space<hbm>>
        %dma_wait3A_332 = tpu.memref_slice %arg5[%add3A_228] : memref<171072xi32, #tpu.memory_space<hbm>> -> memref<32xi32, #tpu.memory_space<hbm>>
        tpu.wait_dma2 semaphore(%run_scoped3A : memref<!tpu.dma_semaphore, #tpu.memory_space<semaphore_mem>>) src(%dma_wait3A_332 : memref<32xi32, #tpu.memory_space<hbm>>) dst(%arg9 : memref<32xi32, #tpu.memory_space<vmem>>)
        tpu.yield
      }) : () -> ()
      "tpu.region"() ({
        %run_scoped3A = tpu.sem_alloc : memref<!tpu.dma_semaphore, #tpu.memory_space<semaphore_mem>>
        %dma_start3A_329 = tpu.memref_slice %arg6[%add3A_228] : memref<171072xi32, #tpu.memory_space<hbm>> -> memref<32xi32, #tpu.memory_space<hbm>>
        %dma_start3A_330 = tpu.memref_slice %arg6[%add3A_228] : memref<171072xi32, #tpu.memory_space<hbm>> -> memref<32xi32, #tpu.memory_space<hbm>>
        tpu.enqueue_dma source(%dma_start3A_330 : memref<32xi32, #tpu.memory_space<hbm>>) target(%arg11 : memref<32xi32, #tpu.memory_space<vmem>>) target_semaphore(%run_scoped3A : memref<!tpu.dma_semaphore, #tpu.memory_space<semaphore_mem>>)
        %dma_wait3A_331 = tpu.memref_slice %arg6[%add3A_228] : memref<171072xi32, #tpu.memory_space<hbm>> -> memref<32xi32, #tpu.memory_space<hbm>>
        %dma_wait3A_332 = tpu.memref_slice %arg6[%add3A_228] : memref<171072xi32, #tpu.memory_space<hbm>> -> memref<32xi32, #tpu.memory_space<hbm>>
        tpu.wait_dma2 semaphore(%run_scoped3A : memref<!tpu.dma_semaphore, #tpu.memory_space<semaphore_mem>>) src(%dma_wait3A_332 : memref<32xi32, #tpu.memory_space<hbm>>) dst(%arg11 : memref<32xi32, #tpu.memory_space<vmem>>)
        tpu.yield
      }) : () -> ()
      %get3A_229 = arith.constant 0 : index
      %get3A_230 = tpu.vector_load %arg9[%get3A_229] {strides = array<i32>} : memref<32xi32, #tpu.memory_space<vmem>>, vector<16xi32>,
      %get3A_231 = vector.shape_cast %get3A_230 : vector<16xi32> to vector<16xi32>
      %get3A_232 = arith.constant 0 : index
      %get3A_233 = tpu.vector_load %arg11[%get3A_232] {strides = array<i32>} : memref<32xi32, #tpu.memory_space<vmem>>, vector<16xi32>,
      %get3A_234 = vector.shape_cast %get3A_233 : vector<16xi32> to vector<16xi32>
      %mul3A_235 = arith.constant 2 : i32
      %mul3A_236 = vector.broadcast %mul3A_235 : i32 to vector<16xi32>
      %mul3A_237 = arith.muli %get3A_231, %mul3A_236 : vector<16xi32>
      %add3A_238 = vector.broadcast %arg0 : i32 to vector<16xi32>
      %add3A_239 = arith.addi %mul3A_237, %add3A_238 : vector<16xi32>
      %swap3A_240 = arith.constant 0 : index
      %swap3A_241 = tpu.vector_load %arg13[%swap3A_240] {strides = array<i32>} : memref<32xi32, #tpu.memory_space<vmem>>, vector<16xi32>,
      %swap3A_242 = vector.shape_cast %swap3A_241 : vector<16xi32> to vector<16xi32>
      %swap3A_243 = vector.shape_cast %add3A_239 : vector<16xi32> to vector<16xi32>
      tpu.vector_store %arg13[%swap3A_240], %swap3A_243 {strides = array<i32>} : memref<32xi32, #tpu.memory_space<vmem>>, vector<16xi32>,
      %shift_right_logical3A_244 = arith.constant 3 : i32
      %shift_right_logical3A_245 = vector.broadcast %shift_right_logical3A_244 : i32 to vector<16xi32>
      %shift_right_logical3A_246 = arith.shrui %get3A_234, %shift_right_logical3A_245 : vector<16xi32>
      %add3A_247 = arith.constant 10112 : i32
      %add3A_248 = vector.broadcast %add3A_247 : i32 to vector<16xi32>
      %add3A_249 = arith.addi %add3A_248, %shift_right_logical3A_246 : vector<16xi32>
      %swap3A_250 = arith.constant 0 : index
      %swap3A_251 = tpu.vector_load %arg15[%swap3A_250] {strides = array<i32>} : memref<32xi32, #tpu.memory_space<vmem>>, vector<16xi32>,
      %swap3A_252 = vector.shape_cast %swap3A_251 : vector<16xi32> to vector<16xi32>
      %swap3A_253 = vector.shape_cast %add3A_249 : vector<16xi32> to vector<16xi32>
      tpu.vector_store %arg15[%swap3A_250], %swap3A_253 {strides = array<i32>} : memref<32xi32, #tpu.memory_space<vmem>>, vector<16xi32>,
      %and3A_254 = arith.constant 7 : i32
      %and3A_255 = vector.broadcast %and3A_254 : i32 to vector<16xi32>
      %and3A_256 = arith.andi %get3A_234, %and3A_255 : vector<16xi32>
      %swap3A_257 = arith.constant 0 : index
      %swap3A_258 = tpu.vector_load %arg17[%swap3A_257] {strides = array<i32>} : memref<32xi32, #tpu.memory_space<vmem>>, vector<16xi32>,
      %swap3A_259 = vector.shape_cast %swap3A_258 : vector<16xi32> to vector<16xi32>
      %swap3A_260 = vector.shape_cast %and3A_256 : vector<16xi32> to vector<16xi32>
      tpu.vector_store %arg17[%swap3A_257], %swap3A_260 {strides = array<i32>} : memref<32xi32, #tpu.memory_space<vmem>>, vector<16xi32>,
      %get3A_261 = arith.constant 16 : index
      %get3A_262 = tpu.vector_load %arg9[%get3A_261] {strides = array<i32>} : memref<32xi32, #tpu.memory_space<vmem>>, vector<16xi32>,
      %get3A_263 = vector.shape_cast %get3A_262 : vector<16xi32> to vector<16xi32>
      %get3A_264 = arith.constant 16 : index
      %get3A_265 = tpu.vector_load %arg11[%get3A_264] {strides = array<i32>} : memref<32xi32, #tpu.memory_space<vmem>>, vector<16xi32>,
      %get3A_266 = vector.shape_cast %get3A_265 : vector<16xi32> to vector<16xi32>
      %mul3A_267 = arith.constant 2 : i32
      %mul3A_268 = vector.broadcast %mul3A_267 : i32 to vector<16xi32>
      %mul3A_269 = arith.muli %get3A_263, %mul3A_268 : vector<16xi32>
      %add3A_270 = vector.broadcast %arg0 : i32 to vector<16xi32>
      %add3A_271 = arith.addi %mul3A_269, %add3A_270 : vector<16xi32>
      %swap3A_272 = arith.constant 16 : index
      %swap3A_273 = tpu.vector_load %arg13[%swap3A_272] {strides = array<i32>} : memref<32xi32, #tpu.memory_space<vmem>>, vector<16xi32>,
      %swap3A_274 = vector.shape_cast %swap3A_273 : vector<16xi32> to vector<16xi32>
      %swap3A_275 = vector.shape_cast %add3A_271 : vector<16xi32> to vector<16xi32>
      tpu.vector_store %arg13[%swap3A_272], %swap3A_275 {strides = array<i32>} : memref<32xi32, #tpu.memory_space<vmem>>, vector<16xi32>,
      %shift_right_logical3A_276 = arith.constant 3 : i32
      %shift_right_logical3A_277 = vector.broadcast %shift_right_logical3A_276 : i32 to vector<16xi32>
      %shift_right_logical3A_278 = arith.shrui %get3A_266, %shift_right_logical3A_277 : vector<16xi32>
      %add3A_279 = arith.constant 10112 : i32
      %add3A_280 = vector.broadcast %add3A_279 : i32 to vector<16xi32>
      %add3A_281 = arith.addi %add3A_280, %shift_right_logical3A_278 : vector<16xi32>
      %swap3A_282 = arith.constant 16 : index
      %swap3A_283 = tpu.vector_load %arg15[%swap3A_282] {strides = array<i32>} : memref<32xi32, #tpu.memory_space<vmem>>, vector<16xi32>,
      %swap3A_284 = vector.shape_cast %swap3A_283 : vector<16xi32> to vector<16xi32>
      %swap3A_285 = vector.shape_cast %add3A_281 : vector<16xi32> to vector<16xi32>
      tpu.vector_store %arg15[%swap3A_282], %swap3A_285 {strides = array<i32>} : memref<32xi32, #tpu.memory_space<vmem>>, vector<16xi32>,
      %and3A_286 = arith.constant 7 : i32
      %and3A_287 = vector.broadcast %and3A_286 : i32 to vector<16xi32>
      %and3A_288 = arith.andi %get3A_266, %and3A_287 : vector<16xi32>
      %swap3A_289 = arith.constant 16 : index
      %swap3A_290 = tpu.vector_load %arg17[%swap3A_289] {strides = array<i32>} : memref<32xi32, #tpu.memory_space<vmem>>, vector<16xi32>,
      %swap3A_291 = vector.shape_cast %swap3A_290 : vector<16xi32> to vector<16xi32>
      %swap3A_292 = vector.shape_cast %and3A_288 : vector<16xi32> to vector<16xi32>
      tpu.vector_store %arg17[%swap3A_289], %swap3A_292 {strides = array<i32>} : memref<32xi32, #tpu.memory_space<vmem>>, vector<16xi32>,
      %dma_start3A_293 = arith.constant 0 : i32
      %dma_start3A_294 = arith.constant 0 : i32
      %dma_start3A_295 = tpu.memref_slice %arg2[%dma_start3A_293, %dma_start3A_294] : memref<20224x128xf32, #tpu.memory_space<hbm>> -> memref<20224x128xf32, #tpu.memory_space<hbm>>
      tpu.enqueue_indirect_dma source(%dma_start3A_295 : memref<20224x128xf32, #tpu.memory_space<hbm>>) target(%arg23 : memref<32x128xf32, #tpu.memory_space<vmem>>) offsets(%arg13 : memref<32xi32, #tpu.memory_space<vmem>>) semaphore(%arg27 : memref<!tpu.dma_semaphore, #tpu.memory_space<semaphore_mem>>)
      %dma_start3A_296 = arith.constant 0 : i32
      %dma_start3A_297 = arith.constant 0 : i32
      %dma_start3A_298 = tpu.memref_slice %arg3[%dma_start3A_296, %dma_start3A_297] : memref<10112x128xf32, #tpu.memory_space<hbm>> -> memref<10112x128xf32, #tpu.memory_space<hbm>>
      tpu.enqueue_indirect_dma source(%dma_start3A_298 : memref<10112x128xf32, #tpu.memory_space<hbm>>) target(%arg19 : memref<32x128xf32, #tpu.memory_space<vmem>>) offsets(%arg9 : memref<32xi32, #tpu.memory_space<vmem>>) semaphore(%arg29 : memref<!tpu.dma_semaphore, #tpu.memory_space<semaphore_mem>>)
      %dma_start3A_299 = arith.constant 0 : i32
      %dma_start3A_300 = arith.constant 0 : i32
      %dma_start3A_301 = tpu.memref_slice %arg4[%dma_start3A_299, %dma_start3A_300] : memref<10112x128xf32, #tpu.memory_space<hbm>> -> memref<10112x128xf32, #tpu.memory_space<hbm>>
      tpu.enqueue_indirect_dma source(%dma_start3A_301 : memref<10112x128xf32, #tpu.memory_space<hbm>>) target(%arg21 : memref<32x128xf32, #tpu.memory_space<vmem>>) offsets(%arg11 : memref<32xi32, #tpu.memory_space<vmem>>) semaphore(%arg31 : memref<!tpu.dma_semaphore, #tpu.memory_space<semaphore_mem>>)
      %dma_wait3A_302 = arith.constant 0 : i32
      %dma_wait3A_303 = arith.constant 0 : i32
      %dma_wait3A_304 = tpu.memref_slice %arg2[%dma_wait3A_302, %dma_wait3A_303] : memref<20224x128xf32, #tpu.memory_space<hbm>> -> memref<20224x128xf32, #tpu.memory_space<hbm>>
      tpu.wait_indirect_dma semaphore(%arg28 : memref<!tpu.dma_semaphore, #tpu.memory_space<semaphore_mem>>) src(%dma_wait3A_304 : memref<20224x128xf32, #tpu.memory_space<hbm>>) dst(%arg24 : memref<32x128xf32, #tpu.memory_space<vmem>>)
      %dma_wait3A_305 = arith.constant 0 : i32
      %dma_wait3A_306 = arith.constant 0 : i32
      %dma_wait3A_307 = tpu.memref_slice %arg3[%dma_wait3A_305, %dma_wait3A_306] : memref<10112x128xf32, #tpu.memory_space<hbm>> -> memref<10112x128xf32, #tpu.memory_space<hbm>>
      tpu.wait_indirect_dma semaphore(%arg30 : memref<!tpu.dma_semaphore, #tpu.memory_space<semaphore_mem>>) src(%dma_wait3A_307 : memref<10112x128xf32, #tpu.memory_space<hbm>>) dst(%arg20 : memref<32x128xf32, #tpu.memory_space<vmem>>)
      %dma_wait3A_308 = arith.constant 0 : i32
      %dma_wait3A_309 = arith.constant 0 : i32
      %dma_wait3A_310 = tpu.memref_slice %arg4[%dma_wait3A_308, %dma_wait3A_309] : memref<10112x128xf32, #tpu.memory_space<hbm>> -> memref<10112x128xf32, #tpu.memory_space<hbm>>
      tpu.wait_indirect_dma semaphore(%arg32 : memref<!tpu.dma_semaphore, #tpu.memory_space<semaphore_mem>>) src(%dma_wait3A_310 : memref<10112x128xf32, #tpu.memory_space<hbm>>) dst(%arg22 : memref<32x128xf32, #tpu.memory_space<vmem>>)
      %dma_wait3A_311 = arith.constant 0 : i32
      %dma_wait3A_312 = arith.constant 0 : i32
      %dma_wait3A_313 = tpu.memref_slice %arg8[%dma_wait3A_311, %dma_wait3A_312] : memref<11392x128xf32, #tpu.memory_space<vmem_shared>> -> memref<11392x128xf32, #tpu.memory_space<vmem_shared>>
      tpu.wait_indirect_dma semaphore(%arg33 : memref<!tpu.dma_semaphore, #tpu.memory_space<semaphore_mem>>) src(%arg25 : memref<32x128xf32, #tpu.memory_space<vmem>>) dst(%dma_wait3A_313 : memref<11392x128xf32, #tpu.memory_space<vmem_shared>>)
      %dma_wait3A_314 = arith.constant 0 : i32
      %dma_wait3A_315 = arith.constant 0 : i32
      %dma_wait3A_316 = tpu.memref_slice %arg8[%dma_wait3A_314, %dma_wait3A_315] : memref<11392x128xf32, #tpu.memory_space<vmem_shared>> -> memref<11392x128xf32, #tpu.memory_space<vmem_shared>>
      tpu.wait_indirect_dma semaphore(%arg35 : memref<!tpu.dma_semaphore, #tpu.memory_space<semaphore_mem>>) src(%arg26 : memref<32x128xf32, #tpu.memory_space<vmem>>) dst(%dma_wait3A_316 : memref<11392x128xf32, #tpu.memory_space<vmem_shared>>)
      %scan3A_317 = arith.constant 0 : i32
      %scan3A_318 = arith.constant 0 : i32
      %scan3A_319 = arith.constant 32 : i32
      %scan3A_320 = arith.addi %scan3A_318, %scan3A_319 : i32
      %scan3A_321 = arith.constant 1 : i32
      scf.for %scan3A_329 = %scan3A_318 to %scan3A_320 step %scan3A_321  : i32 {
        %get3A_330 = arith.index_cast %scan3A_329 : i32 to index
        %get3A_331 = arith.constant 0 : index
        %get3A_332 = tpu.vector_load %arg20[%get3A_330, %get3A_331] {strides = array<i32>} : memref<32x128xf32, #tpu.memory_space<vmem>>, vector<1x16xf32>,
        %get3A_333 = vector.shape_cast %get3A_332 : vector<1x16xf32> to vector<16xf32>
        %get3A_334 = arith.index_cast %scan3A_329 : i32 to index
        %get3A_335 = arith.constant 0 : index
        %get3A_336 = tpu.vector_load %arg22[%get3A_334, %get3A_335] {strides = array<i32>} : memref<32x128xf32, #tpu.memory_space<vmem>>, vector<1x16xf32>,
        %get3A_337 = vector.shape_cast %get3A_336 : vector<1x16xf32> to vector<16xf32>
        %add3A_338 = arith.addf %get3A_333, %get3A_337 : vector<16xf32>
        %mul3A_339 = arith.constant 2.000000e-01 : f32
        %mul3A_340 = vector.broadcast %mul3A_339 : f32 to vector<16xf32>
        %mul3A_341 = arith.mulf %mul3A_340, %add3A_338 : vector<16xf32>
        %max3A = arith.maximumf %add3A_338, %mul3A_341 : vector<16xf32>
        %exp3A = math.exp %max3A : vector<16xf32>
        %add3A_342 = arith.constant 0 : i32
        %add3A_343 = arith.addi %mul3A_17, %add3A_342 : i32
        %broadcast_in_dim3A_344 = vector.broadcast %add3A_343 : i32 to vector<16x1xi32>
        %gather3A = vector.shape_cast %broadcast_in_dim3A_344 : vector<16x1xi32> to vector<16xi32>
        %gather3A_345 = tpu.dynamic_gather %exp3A[%gather3A] in [0] : vector<16xf32>, vector<16xi32> -> vector<16xf32>
        %get3A_346 = arith.index_cast %scan3A_329 : i32 to index
        %get3A_347 = arith.constant 0 : index
        %get3A_348 = tpu.vector_load %arg24[%get3A_346, %get3A_347] {strides = array<i32>} : memref<32x128xf32, #tpu.memory_space<vmem>>, vector<1x16xf32>,
        %get3A_349 = vector.shape_cast %get3A_348 : vector<1x16xf32> to vector<16xf32>
        %mul3A_350 = arith.mulf %get3A_349, %gather3A_345 : vector<16xf32>
        %swap3A_351 = arith.index_cast %scan3A_329 : i32 to index
        %swap3A_352 = arith.constant 0 : index
        %swap3A_353 = tpu.vector_load %arg25[%swap3A_351, %swap3A_352] {strides = array<i32>} : memref<32x128xf32, #tpu.memory_space<vmem>>, vector<1x16xf32>,
        %swap3A_354 = vector.shape_cast %swap3A_353 : vector<1x16xf32> to vector<16xf32>
        %swap3A_355 = vector.shape_cast %mul3A_350 : vector<16xf32> to vector<1x16xf32>
        tpu.vector_store %arg25[%swap3A_351, %swap3A_352], %swap3A_355 {strides = array<i32>} : memref<32x128xf32, #tpu.memory_space<vmem>>, vector<1x16xf32>,
        %add3A_356 = arith.constant 0 : i32
        %add3A_357 = arith.addi %mul3A_17, %add3A_356 : i32
        %broadcast_in_dim3A_358 = vector.broadcast %add3A_357 : i32 to vector<16x1xi32>
        %gather3A_359 = vector.shape_cast %broadcast_in_dim3A_358 : vector<16x1xi32> to vector<16xi32>
        %gather3A_360 = tpu.dynamic_gather %exp3A[%gather3A_359] in [0] : vector<16xf32>, vector<16xi32> -> vector<16xf32>
        %get3A_361 = arith.index_cast %scan3A_329 : i32 to index
        %get3A_362 = arith.constant 16 : index
        %get3A_363 = tpu.vector_load %arg24[%get3A_361, %get3A_362] {strides = array<i32>} : memref<32x128xf32, #tpu.memory_space<vmem>>, vector<1x16xf32>,
        %get3A_364 = vector.shape_cast %get3A_363 : vector<1x16xf32> to vector<16xf32>
        %mul3A_365 = arith.mulf %get3A_364, %gather3A_360 : vector<16xf32>
        %swap3A_366 = arith.index_cast %scan3A_329 : i32 to index
        %swap3A_367 = arith.constant 16 : index
        %swap3A_368 = tpu.vector_load %arg25[%swap3A_366, %swap3A_367] {strides = array<i32>} : memref<32x128xf32, #tpu.memory_space<vmem>>, vector<1x16xf32>,
        %swap3A_369 = vector.shape_cast %swap3A_368 : vector<1x16xf32> to vector<16xf32>
        %swap3A_370 = vector.shape_cast %mul3A_365 : vector<16xf32> to vector<1x16xf32>
        tpu.vector_store %arg25[%swap3A_366, %swap3A_367], %swap3A_370 {strides = array<i32>} : memref<32x128xf32, #tpu.memory_space<vmem>>, vector<1x16xf32>,
        %add3A_371 = arith.constant 1 : i32
        %add3A_372 = arith.addi %mul3A_17, %add3A_371 : i32
        %broadcast_in_dim3A_373 = vector.broadcast %add3A_372 : i32 to vector<16x1xi32>
        %gather3A_374 = vector.shape_cast %broadcast_in_dim3A_373 : vector<16x1xi32> to vector<16xi32>
        %gather3A_375 = tpu.dynamic_gather %exp3A[%gather3A_374] in [0] : vector<16xf32>, vector<16xi32> -> vector<16xf32>
        %get3A_376 = arith.index_cast %scan3A_329 : i32 to index
        %get3A_377 = arith.constant 32 : index
        %get3A_378 = tpu.vector_load %arg24[%get3A_376, %get3A_377] {strides = array<i32>} : memref<32x128xf32, #tpu.memory_space<vmem>>, vector<1x16xf32>,
        %get3A_379 = vector.shape_cast %get3A_378 : vector<1x16xf32> to vector<16xf32>
        %mul3A_380 = arith.mulf %get3A_379, %gather3A_375 : vector<16xf32>
        %swap3A_381 = arith.index_cast %scan3A_329 : i32 to index
        %swap3A_382 = arith.constant 32 : index
        %swap3A_383 = tpu.vector_load %arg25[%swap3A_381, %swap3A_382] {strides = array<i32>} : memref<32x128xf32, #tpu.memory_space<vmem>>, vector<1x16xf32>,
        %swap3A_384 = vector.shape_cast %swap3A_383 : vector<1x16xf32> to vector<16xf32>
        %swap3A_385 = vector.shape_cast %mul3A_380 : vector<16xf32> to vector<1x16xf32>
        tpu.vector_store %arg25[%swap3A_381, %swap3A_382], %swap3A_385 {strides = array<i32>} : memref<32x128xf32, #tpu.memory_space<vmem>>, vector<1x16xf32>,
        %add3A_386 = arith.constant 1 : i32
        %add3A_387 = arith.addi %mul3A_17, %add3A_386 : i32
        %broadcast_in_dim3A_388 = vector.broadcast %add3A_387 : i32 to vector<16x1xi32>
        %gather3A_389 = vector.shape_cast %broadcast_in_dim3A_388 : vector<16x1xi32> to vector<16xi32>
        %gather3A_390 = tpu.dynamic_gather %exp3A[%gather3A_389] in [0] : vector<16xf32>, vector<16xi32> -> vector<16xf32>
        %get3A_391 = arith.index_cast %scan3A_329 : i32 to index
        %get3A_392 = arith.constant 48 : index
        %get3A_393 = tpu.vector_load %arg24[%get3A_391, %get3A_392] {strides = array<i32>} : memref<32x128xf32, #tpu.memory_space<vmem>>, vector<1x16xf32>,
        %get3A_394 = vector.shape_cast %get3A_393 : vector<1x16xf32> to vector<16xf32>
        %mul3A_395 = arith.mulf %get3A_394, %gather3A_390 : vector<16xf32>
        %swap3A_396 = arith.index_cast %scan3A_329 : i32 to index
        %swap3A_397 = arith.constant 48 : index
        %swap3A_398 = tpu.vector_load %arg25[%swap3A_396, %swap3A_397] {strides = array<i32>} : memref<32x128xf32, #tpu.memory_space<vmem>>, vector<1x16xf32>,
        %swap3A_399 = vector.shape_cast %swap3A_398 : vector<1x16xf32> to vector<16xf32>
        %swap3A_400 = vector.shape_cast %mul3A_395 : vector<16xf32> to vector<1x16xf32>
        tpu.vector_store %arg25[%swap3A_396, %swap3A_397], %swap3A_400 {strides = array<i32>} : memref<32x128xf32, #tpu.memory_space<vmem>>, vector<1x16xf32>,
        %add3A_401 = arith.constant 2 : i32
        %add3A_402 = arith.addi %mul3A_17, %add3A_401 : i32
        %broadcast_in_dim3A_403 = vector.broadcast %add3A_402 : i32 to vector<16x1xi32>
        %gather3A_404 = vector.shape_cast %broadcast_in_dim3A_403 : vector<16x1xi32> to vector<16xi32>
        %gather3A_405 = tpu.dynamic_gather %exp3A[%gather3A_404] in [0] : vector<16xf32>, vector<16xi32> -> vector<16xf32>
        %get3A_406 = arith.index_cast %scan3A_329 : i32 to index
        %get3A_407 = arith.constant 64 : index
        %get3A_408 = tpu.vector_load %arg24[%get3A_406, %get3A_407] {strides = array<i32>} : memref<32x128xf32, #tpu.memory_space<vmem>>, vector<1x16xf32>,
        %get3A_409 = vector.shape_cast %get3A_408 : vector<1x16xf32> to vector<16xf32>
        %mul3A_410 = arith.mulf %get3A_409, %gather3A_405 : vector<16xf32>
        %swap3A_411 = arith.index_cast %scan3A_329 : i32 to index
        %swap3A_412 = arith.constant 64 : index
        %swap3A_413 = tpu.vector_load %arg25[%swap3A_411, %swap3A_412] {strides = array<i32>} : memref<32x128xf32, #tpu.memory_space<vmem>>, vector<1x16xf32>,
        %swap3A_414 = vector.shape_cast %swap3A_413 : vector<1x16xf32> to vector<16xf32>
        %swap3A_415 = vector.shape_cast %mul3A_410 : vector<16xf32> to vector<1x16xf32>
        tpu.vector_store %arg25[%swap3A_411, %swap3A_412], %swap3A_415 {strides = array<i32>} : memref<32x128xf32, #tpu.memory_space<vmem>>, vector<1x16xf32>,
        %add3A_416 = arith.constant 2 : i32
        %add3A_417 = arith.addi %mul3A_17, %add3A_416 : i32
        %broadcast_in_dim3A_418 = vector.broadcast %add3A_417 : i32 to vector<16x1xi32>
        %gather3A_419 = vector.shape_cast %broadcast_in_dim3A_418 : vector<16x1xi32> to vector<16xi32>
        %gather3A_420 = tpu.dynamic_gather %exp3A[%gather3A_419] in [0] : vector<16xf32>, vector<16xi32> -> vector<16xf32>
        %get3A_421 = arith.index_cast %scan3A_329 : i32 to index
        %get3A_422 = arith.constant 80 : index
        %get3A_423 = tpu.vector_load %arg24[%get3A_421, %get3A_422] {strides = array<i32>} : memref<32x128xf32, #tpu.memory_space<vmem>>, vector<1x16xf32>,
        %get3A_424 = vector.shape_cast %get3A_423 : vector<1x16xf32> to vector<16xf32>
        %mul3A_425 = arith.mulf %get3A_424, %gather3A_420 : vector<16xf32>
        %swap3A_426 = arith.index_cast %scan3A_329 : i32 to index
        %swap3A_427 = arith.constant 80 : index
        %swap3A_428 = tpu.vector_load %arg25[%swap3A_426, %swap3A_427] {strides = array<i32>} : memref<32x128xf32, #tpu.memory_space<vmem>>, vector<1x16xf32>,
        %swap3A_429 = vector.shape_cast %swap3A_428 : vector<1x16xf32> to vector<16xf32>
        %swap3A_430 = vector.shape_cast %mul3A_425 : vector<16xf32> to vector<1x16xf32>
        tpu.vector_store %arg25[%swap3A_426, %swap3A_427], %swap3A_430 {strides = array<i32>} : memref<32x128xf32, #tpu.memory_space<vmem>>, vector<1x16xf32>,
        %add3A_431 = arith.constant 3 : i32
        %add3A_432 = arith.addi %mul3A_17, %add3A_431 : i32
        %broadcast_in_dim3A_433 = vector.broadcast %add3A_432 : i32 to vector<16x1xi32>
        %gather3A_434 = vector.shape_cast %broadcast_in_dim3A_433 : vector<16x1xi32> to vector<16xi32>
        %gather3A_435 = tpu.dynamic_gather %exp3A[%gather3A_434] in [0] : vector<16xf32>, vector<16xi32> -> vector<16xf32>
        %get3A_436 = arith.index_cast %scan3A_329 : i32 to index
        %get3A_437 = arith.constant 96 : index
        %get3A_438 = tpu.vector_load %arg24[%get3A_436, %get3A_437] {strides = array<i32>} : memref<32x128xf32, #tpu.memory_space<vmem>>, vector<1x16xf32>,
        %get3A_439 = vector.shape_cast %get3A_438 : vector<1x16xf32> to vector<16xf32>
        %mul3A_440 = arith.mulf %get3A_439, %gather3A_435 : vector<16xf32>
        %swap3A_441 = arith.index_cast %scan3A_329 : i32 to index
        %swap3A_442 = arith.constant 96 : index
        %swap3A_443 = tpu.vector_load %arg25[%swap3A_441, %swap3A_442] {strides = array<i32>} : memref<32x128xf32, #tpu.memory_space<vmem>>, vector<1x16xf32>,
        %swap3A_444 = vector.shape_cast %swap3A_443 : vector<1x16xf32> to vector<16xf32>
        %swap3A_445 = vector.shape_cast %mul3A_440 : vector<16xf32> to vector<1x16xf32>
        tpu.vector_store %arg25[%swap3A_441, %swap3A_442], %swap3A_445 {strides = array<i32>} : memref<32x128xf32, #tpu.memory_space<vmem>>, vector<1x16xf32>,
        %add3A_446 = arith.constant 3 : i32
        %add3A_447 = arith.addi %mul3A_17, %add3A_446 : i32
        %broadcast_in_dim3A_448 = vector.broadcast %add3A_447 : i32 to vector<16x1xi32>
        %gather3A_449 = vector.shape_cast %broadcast_in_dim3A_448 : vector<16x1xi32> to vector<16xi32>
        %gather3A_450 = tpu.dynamic_gather %exp3A[%gather3A_449] in [0] : vector<16xf32>, vector<16xi32> -> vector<16xf32>
        %get3A_451 = arith.index_cast %scan3A_329 : i32 to index
        %get3A_452 = arith.constant 112 : index
        %get3A_453 = tpu.vector_load %arg24[%get3A_451, %get3A_452] {strides = array<i32>} : memref<32x128xf32, #tpu.memory_space<vmem>>, vector<1x16xf32>,
        %get3A_454 = vector.shape_cast %get3A_453 : vector<1x16xf32> to vector<16xf32>
        %mul3A_455 = arith.mulf %get3A_454, %gather3A_450 : vector<16xf32>
        %swap3A_456 = arith.index_cast %scan3A_329 : i32 to index
        %swap3A_457 = arith.constant 112 : index
        %swap3A_458 = tpu.vector_load %arg25[%swap3A_456, %swap3A_457] {strides = array<i32>} : memref<32x128xf32, #tpu.memory_space<vmem>>, vector<1x16xf32>,
        %swap3A_459 = vector.shape_cast %swap3A_458 : vector<1x16xf32> to vector<16xf32>
        %swap3A_460 = vector.shape_cast %mul3A_455 : vector<16xf32> to vector<1x16xf32>
        tpu.vector_store %arg25[%swap3A_456, %swap3A_457], %swap3A_460 {strides = array<i32>} : memref<32x128xf32, #tpu.memory_space<vmem>>, vector<1x16xf32>,
        %and3A_461 = arith.constant 15 : i32
        %and3A_462 = arith.andi %scan3A_329, %and3A_461 : i32
        %sub3A = arith.subi %scan3A_329, %and3A_462 : i32
        %get3A_463 = arith.index_cast %sub3A : i32 to index
        %get3A_464 = tpu.vector_load %arg18[%get3A_463] {strides = array<i32>} : memref<32xi32, #tpu.memory_space<vmem>>, vector<16xi32>,
        %get3A_465 = vector.shape_cast %get3A_464 : vector<16xi32> to vector<16xi32>
        %broadcast_in_dim3A_466 = vector.broadcast %and3A_462 : i32 to vector<16x1xi32>
        %gather3A_467 = vector.shape_cast %broadcast_in_dim3A_466 : vector<16x1xi32> to vector<16xi32>
        %gather3A_468 = tpu.dynamic_gather %get3A_465[%gather3A_467] in [0] : vector<16xi32>, vector<16xi32> -> vector<16xi32>
        %sub3A_469 = arith.constant 0 : i32
        %sub3A_470 = vector.broadcast %sub3A_469 : i32 to vector<16xi32>
        %sub3A_471 = arith.subi %gather3A_468, %sub3A_470 : vector<16xi32>
        %abs3A = math.absi %sub3A_471 : vector<16xi32>
        %min3A = arith.constant 1 : i32
        %min3A_472 = vector.broadcast %min3A : i32 to vector<16xi32>
        %min3A_473 = arith.minsi %abs3A, %min3A_472 : vector<16xi32>
        %sub3A_474 = arith.constant 1 : i32
        %sub3A_475 = vector.broadcast %sub3A_474 : i32 to vector<16xi32>
        %sub3A_476 = arith.subi %sub3A_475, %min3A_473 : vector<16xi32>
        %convert_element_type3A_477 = arith.sitofp %sub3A_476 : vector<16xi32> to vector<16xf32>
        %mul3A_478 = arith.mulf %exp3A, %convert_element_type3A_477 : vector<16xf32>
        %swap3A_479 = arith.index_cast %scan3A_329 : i32 to index
        %swap3A_480 = arith.constant 0 : index
        %swap3A_481 = tpu.vector_load %arg26[%swap3A_479, %swap3A_480] {strides = array<i32>} : memref<32x128xf32, #tpu.memory_space<vmem>>, vector<1x16xf32>,
        %swap3A_482 = vector.shape_cast %swap3A_481 : vector<1x16xf32> to vector<16xf32>
        %swap3A_483 = vector.shape_cast %mul3A_478 : vector<16xf32> to vector<1x16xf32>
        tpu.vector_store %arg26[%swap3A_479, %swap3A_480], %swap3A_483 {strides = array<i32>} : memref<32x128xf32, #tpu.memory_space<vmem>>, vector<1x16xf32>,
        %sub3A_484 = arith.constant 1 : i32
        %sub3A_485 = vector.broadcast %sub3A_484 : i32 to vector<16xi32>
        %sub3A_486 = arith.subi %gather3A_468, %sub3A_485 : vector<16xi32>
        %abs3A_487 = math.absi %sub3A_486 : vector<16xi32>
        %min3A_488 = arith.constant 1 : i32
        %min3A_489 = vector.broadcast %min3A_488 : i32 to vector<16xi32>
        %min3A_490 = arith.minsi %abs3A_487, %min3A_489 : vector<16xi32>
        %sub3A_491 = arith.constant 1 : i32
        %sub3A_492 = vector.broadcast %sub3A_491 : i32 to vector<16xi32>
        %sub3A_493 = arith.subi %sub3A_492, %min3A_490 : vector<16xi32>
        %convert_element_type3A_494 = arith.sitofp %sub3A_493 : vector<16xi32> to vector<16xf32>
        %mul3A_495 = arith.mulf %exp3A, %convert_element_type3A_494 : vector<16xf32>
        %swap3A_496 = arith.index_cast %scan3A_329 : i32 to index
        %swap3A_497 = arith.constant 16 : index
        %swap3A_498 = tpu.vector_load %arg26[%swap3A_496, %swap3A_497] {strides = array<i32>} : memref<32x128xf32, #tpu.memory_space<vmem>>, vector<1x16xf32>,
        %swap3A_499 = vector.shape_cast %swap3A_498 : vector<1x16xf32> to vector<16xf32>
        %swap3A_500 = vector.shape_cast %mul3A_495 : vector<16xf32> to vector<1x16xf32>
        tpu.vector_store %arg26[%swap3A_496, %swap3A_497], %swap3A_500 {strides = array<i32>} : memref<32x128xf32, #tpu.memory_space<vmem>>, vector<1x16xf32>,
        %sub3A_501 = arith.constant 2 : i32
        %sub3A_502 = vector.broadcast %sub3A_501 : i32 to vector<16xi32>
        %sub3A_503 = arith.subi %gather3A_468, %sub3A_502 : vector<16xi32>
        %abs3A_504 = math.absi %sub3A_503 : vector<16xi32>
        %min3A_505 = arith.constant 1 : i32
        %min3A_506 = vector.broadcast %min3A_505 : i32 to vector<16xi32>
        %min3A_507 = arith.minsi %abs3A_504, %min3A_506 : vector<16xi32>
        %sub3A_508 = arith.constant 1 : i32
        %sub3A_509 = vector.broadcast %sub3A_508 : i32 to vector<16xi32>
        %sub3A_510 = arith.subi %sub3A_509, %min3A_507 : vector<16xi32>
        %convert_element_type3A_511 = arith.sitofp %sub3A_510 : vector<16xi32> to vector<16xf32>
        %mul3A_512 = arith.mulf %exp3A, %convert_element_type3A_511 : vector<16xf32>
        %swap3A_513 = arith.index_cast %scan3A_329 : i32 to index
        %swap3A_514 = arith.constant 32 : index
        %swap3A_515 = tpu.vector_load %arg26[%swap3A_513, %swap3A_514] {strides = array<i32>} : memref<32x128xf32, #tpu.memory_space<vmem>>, vector<1x16xf32>,
        %swap3A_516 = vector.shape_cast %swap3A_515 : vector<1x16xf32> to vector<16xf32>
        %swap3A_517 = vector.shape_cast %mul3A_512 : vector<16xf32> to vector<1x16xf32>
        tpu.vector_store %arg26[%swap3A_513, %swap3A_514], %swap3A_517 {strides = array<i32>} : memref<32x128xf32, #tpu.memory_space<vmem>>, vector<1x16xf32>,
        %sub3A_518 = arith.constant 3 : i32
        %sub3A_519 = vector.broadcast %sub3A_518 : i32 to vector<16xi32>
        %sub3A_520 = arith.subi %gather3A_468, %sub3A_519 : vector<16xi32>
        %abs3A_521 = math.absi %sub3A_520 : vector<16xi32>
        %min3A_522 = arith.constant 1 : i32
        %min3A_523 = vector.broadcast %min3A_522 : i32 to vector<16xi32>
        %min3A_524 = arith.minsi %abs3A_521, %min3A_523 : vector<16xi32>
        %sub3A_525 = arith.constant 1 : i32
        %sub3A_526 = vector.broadcast %sub3A_525 : i32 to vector<16xi32>
        %sub3A_527 = arith.subi %sub3A_526, %min3A_524 : vector<16xi32>
        %convert_element_type3A_528 = arith.sitofp %sub3A_527 : vector<16xi32> to vector<16xf32>
        %mul3A_529 = arith.mulf %exp3A, %convert_element_type3A_528 : vector<16xf32>
        %swap3A_530 = arith.index_cast %scan3A_329 : i32 to index
        %swap3A_531 = arith.constant 48 : index
        %swap3A_532 = tpu.vector_load %arg26[%swap3A_530, %swap3A_531] {strides = array<i32>} : memref<32x128xf32, #tpu.memory_space<vmem>>, vector<1x16xf32>,
        %swap3A_533 = vector.shape_cast %swap3A_532 : vector<1x16xf32> to vector<16xf32>
        %swap3A_534 = vector.shape_cast %mul3A_529 : vector<16xf32> to vector<1x16xf32>
        tpu.vector_store %arg26[%swap3A_530, %swap3A_531], %swap3A_534 {strides = array<i32>} : memref<32x128xf32, #tpu.memory_space<vmem>>, vector<1x16xf32>,
        %sub3A_535 = arith.constant 4 : i32
        %sub3A_536 = vector.broadcast %sub3A_535 : i32 to vector<16xi32>
        %sub3A_537 = arith.subi %gather3A_468, %sub3A_536 : vector<16xi32>
        %abs3A_538 = math.absi %sub3A_537 : vector<16xi32>
        %min3A_539 = arith.constant 1 : i32
        %min3A_540 = vector.broadcast %min3A_539 : i32 to vector<16xi32>
        %min3A_541 = arith.minsi %abs3A_538, %min3A_540 : vector<16xi32>
        %sub3A_542 = arith.constant 1 : i32
        %sub3A_543 = vector.broadcast %sub3A_542 : i32 to vector<16xi32>
        %sub3A_544 = arith.subi %sub3A_543, %min3A_541 : vector<16xi32>
        %convert_element_type3A_545 = arith.sitofp %sub3A_544 : vector<16xi32> to vector<16xf32>
        %mul3A_546 = arith.mulf %exp3A, %convert_element_type3A_545 : vector<16xf32>
        %swap3A_547 = arith.index_cast %scan3A_329 : i32 to index
        %swap3A_548 = arith.constant 64 : index
        %swap3A_549 = tpu.vector_load %arg26[%swap3A_547, %swap3A_548] {strides = array<i32>} : memref<32x128xf32, #tpu.memory_space<vmem>>, vector<1x16xf32>,
        %swap3A_550 = vector.shape_cast %swap3A_549 : vector<1x16xf32> to vector<16xf32>
        %swap3A_551 = vector.shape_cast %mul3A_546 : vector<16xf32> to vector<1x16xf32>
        tpu.vector_store %arg26[%swap3A_547, %swap3A_548], %swap3A_551 {strides = array<i32>} : memref<32x128xf32, #tpu.memory_space<vmem>>, vector<1x16xf32>,
        %sub3A_552 = arith.constant 5 : i32
        %sub3A_553 = vector.broadcast %sub3A_552 : i32 to vector<16xi32>
        %sub3A_554 = arith.subi %gather3A_468, %sub3A_553 : vector<16xi32>
        %abs3A_555 = math.absi %sub3A_554 : vector<16xi32>
        %min3A_556 = arith.constant 1 : i32
        %min3A_557 = vector.broadcast %min3A_556 : i32 to vector<16xi32>
        %min3A_558 = arith.minsi %abs3A_555, %min3A_557 : vector<16xi32>
        %sub3A_559 = arith.constant 1 : i32
        %sub3A_560 = vector.broadcast %sub3A_559 : i32 to vector<16xi32>
        %sub3A_561 = arith.subi %sub3A_560, %min3A_558 : vector<16xi32>
        %convert_element_type3A_562 = arith.sitofp %sub3A_561 : vector<16xi32> to vector<16xf32>
        %mul3A_563 = arith.mulf %exp3A, %convert_element_type3A_562 : vector<16xf32>
        %swap3A_564 = arith.index_cast %scan3A_329 : i32 to index
        %swap3A_565 = arith.constant 80 : index
        %swap3A_566 = tpu.vector_load %arg26[%swap3A_564, %swap3A_565] {strides = array<i32>} : memref<32x128xf32, #tpu.memory_space<vmem>>, vector<1x16xf32>,
        %swap3A_567 = vector.shape_cast %swap3A_566 : vector<1x16xf32> to vector<16xf32>
        %swap3A_568 = vector.shape_cast %mul3A_563 : vector<16xf32> to vector<1x16xf32>
        tpu.vector_store %arg26[%swap3A_564, %swap3A_565], %swap3A_568 {strides = array<i32>} : memref<32x128xf32, #tpu.memory_space<vmem>>, vector<1x16xf32>,
        %sub3A_569 = arith.constant 6 : i32
        %sub3A_570 = vector.broadcast %sub3A_569 : i32 to vector<16xi32>
        %sub3A_571 = arith.subi %gather3A_468, %sub3A_570 : vector<16xi32>
        %abs3A_572 = math.absi %sub3A_571 : vector<16xi32>
        %min3A_573 = arith.constant 1 : i32
        %min3A_574 = vector.broadcast %min3A_573 : i32 to vector<16xi32>
        %min3A_575 = arith.minsi %abs3A_572, %min3A_574 : vector<16xi32>
        %sub3A_576 = arith.constant 1 : i32
        %sub3A_577 = vector.broadcast %sub3A_576 : i32 to vector<16xi32>
        %sub3A_578 = arith.subi %sub3A_577, %min3A_575 : vector<16xi32>
        %convert_element_type3A_579 = arith.sitofp %sub3A_578 : vector<16xi32> to vector<16xf32>
        %mul3A_580 = arith.mulf %exp3A, %convert_element_type3A_579 : vector<16xf32>
        %swap3A_581 = arith.index_cast %scan3A_329 : i32 to index
        %swap3A_582 = arith.constant 96 : index
        %swap3A_583 = tpu.vector_load %arg26[%swap3A_581, %swap3A_582] {strides = array<i32>} : memref<32x128xf32, #tpu.memory_space<vmem>>, vector<1x16xf32>,
        %swap3A_584 = vector.shape_cast %swap3A_583 : vector<1x16xf32> to vector<16xf32>
        %swap3A_585 = vector.shape_cast %mul3A_580 : vector<16xf32> to vector<1x16xf32>
        tpu.vector_store %arg26[%swap3A_581, %swap3A_582], %swap3A_585 {strides = array<i32>} : memref<32x128xf32, #tpu.memory_space<vmem>>, vector<1x16xf32>,
        %sub3A_586 = arith.constant 7 : i32
        %sub3A_587 = vector.broadcast %sub3A_586 : i32 to vector<16xi32>
        %sub3A_588 = arith.subi %gather3A_468, %sub3A_587 : vector<16xi32>
        %abs3A_589 = math.absi %sub3A_588 : vector<16xi32>
        %min3A_590 = arith.constant 1 : i32
        %min3A_591 = vector.broadcast %min3A_590 : i32 to vector<16xi32>
        %min3A_592 = arith.minsi %abs3A_589, %min3A_591 : vector<16xi32>
        %sub3A_593 = arith.constant 1 : i32
        %sub3A_594 = vector.broadcast %sub3A_593 : i32 to vector<16xi32>
        %sub3A_595 = arith.subi %sub3A_594, %min3A_592 : vector<16xi32>
        %convert_element_type3A_596 = arith.sitofp %sub3A_595 : vector<16xi32> to vector<16xf32>
        %mul3A_597 = arith.mulf %exp3A, %convert_element_type3A_596 : vector<16xf32>
        %swap3A_598 = arith.index_cast %scan3A_329 : i32 to index
        %swap3A_599 = arith.constant 112 : index
        %swap3A_600 = tpu.vector_load %arg26[%swap3A_598, %swap3A_599] {strides = array<i32>} : memref<32x128xf32, #tpu.memory_space<vmem>>, vector<1x16xf32>,
        %swap3A_601 = vector.shape_cast %swap3A_600 : vector<1x16xf32> to vector<16xf32>
        %swap3A_602 = vector.shape_cast %mul3A_597 : vector<16xf32> to vector<1x16xf32>
        tpu.vector_store %arg26[%swap3A_598, %swap3A_599], %swap3A_602 {strides = array<i32>} : memref<32x128xf32, #tpu.memory_space<vmem>>, vector<1x16xf32>,
      }
      %scan3A_322 = arith.constant 32 : i32
      %dma_start3A_323 = arith.constant 0 : i32
      %dma_start3A_324 = arith.constant 0 : i32
      %dma_start3A_325 = tpu.memref_slice %arg8[%dma_start3A_323, %dma_start3A_324] : memref<11392x128xf32, #tpu.memory_space<vmem_shared>> -> memref<11392x128xf32, #tpu.memory_space<vmem_shared>>
      tpu.enqueue_indirect_dma source(%arg25 : memref<32x128xf32, #tpu.memory_space<vmem>>) target(%dma_start3A_325 : memref<11392x128xf32, #tpu.memory_space<vmem_shared>>) offsets(%arg12 : memref<32xi32, #tpu.memory_space<vmem>>) semaphore(%arg34 : memref<!tpu.dma_semaphore, #tpu.memory_space<semaphore_mem>>) {add = true}
      %dma_start3A_326 = arith.constant 0 : i32
      %dma_start3A_327 = arith.constant 0 : i32
      %dma_start3A_328 = tpu.memref_slice %arg8[%dma_start3A_326, %dma_start3A_327] : memref<11392x128xf32, #tpu.memory_space<vmem_shared>> -> memref<11392x128xf32, #tpu.memory_space<vmem_shared>>
      tpu.enqueue_indirect_dma source(%arg26 : memref<32x128xf32, #tpu.memory_space<vmem>>) target(%dma_start3A_328 : memref<11392x128xf32, #tpu.memory_space<vmem_shared>>) offsets(%arg16 : memref<32xi32, #tpu.memory_space<vmem>>) semaphore(%arg36 : memref<!tpu.dma_semaphore, #tpu.memory_space<semaphore_mem>>) {add = true}
    }
    %scan3A_93 = arith.constant 167 : i32
    %dma_wait3A = arith.constant 0 : i32
    %dma_wait3A_94 = arith.constant 0 : i32
    %dma_wait3A_95 = tpu.memref_slice %arg2[%dma_wait3A, %dma_wait3A_94] : memref<20224x128xf32, #tpu.memory_space<hbm>> -> memref<20224x128xf32, #tpu.memory_space<hbm>>
    tpu.wait_indirect_dma semaphore(%arg27 : memref<!tpu.dma_semaphore, #tpu.memory_space<semaphore_mem>>) src(%dma_wait3A_95 : memref<20224x128xf32, #tpu.memory_space<hbm>>) dst(%arg23 : memref<32x128xf32, #tpu.memory_space<vmem>>)
    %dma_wait3A_96 = arith.constant 0 : i32
    %dma_wait3A_97 = arith.constant 0 : i32
    %dma_wait3A_98 = tpu.memref_slice %arg3[%dma_wait3A_96, %dma_wait3A_97] : memref<10112x128xf32, #tpu.memory_space<hbm>> -> memref<10112x128xf32, #tpu.memory_space<hbm>>
    tpu.wait_indirect_dma semaphore(%arg29 : memref<!tpu.dma_semaphore, #tpu.memory_space<semaphore_mem>>) src(%dma_wait3A_98 : memref<10112x128xf32, #tpu.memory_space<hbm>>) dst(%arg19 : memref<32x128xf32, #tpu.memory_space<vmem>>)
    %dma_wait3A_99 = arith.constant 0 : i32
    %dma_wait3A_100 = arith.constant 0 : i32
    %dma_wait3A_101 = tpu.memref_slice %arg4[%dma_wait3A_99, %dma_wait3A_100] : memref<10112x128xf32, #tpu.memory_space<hbm>> -> memref<10112x128xf32, #tpu.memory_space<hbm>>
    tpu.wait_indirect_dma semaphore(%arg31 : memref<!tpu.dma_semaphore, #tpu.memory_space<semaphore_mem>>) src(%dma_wait3A_101 : memref<10112x128xf32, #tpu.memory_space<hbm>>) dst(%arg21 : memref<32x128xf32, #tpu.memory_space<vmem>>)
    %dma_wait3A_102 = arith.constant 0 : i32
    %dma_wait3A_103 = arith.constant 0 : i32
    %dma_wait3A_104 = tpu.memref_slice %arg8[%dma_wait3A_102, %dma_wait3A_103] : memref<11392x128xf32, #tpu.memory_space<vmem_shared>> -> memref<11392x128xf32, #tpu.memory_space<vmem_shared>>
    tpu.wait_indirect_dma semaphore(%arg34 : memref<!tpu.dma_semaphore, #tpu.memory_space<semaphore_mem>>) src(%arg25 : memref<32x128xf32, #tpu.memory_space<vmem>>) dst(%dma_wait3A_104 : memref<11392x128xf32, #tpu.memory_space<vmem_shared>>)
    %dma_wait3A_105 = arith.constant 0 : i32
    %dma_wait3A_106 = arith.constant 0 : i32
    %dma_wait3A_107 = tpu.memref_slice %arg8[%dma_wait3A_105, %dma_wait3A_106] : memref<11392x128xf32, #tpu.memory_space<vmem_shared>> -> memref<11392x128xf32, #tpu.memory_space<vmem_shared>>
    tpu.wait_indirect_dma semaphore(%arg36 : memref<!tpu.dma_semaphore, #tpu.memory_space<semaphore_mem>>) src(%arg26 : memref<32x128xf32, #tpu.memory_space<vmem>>) dst(%dma_wait3A_107 : memref<11392x128xf32, #tpu.memory_space<vmem_shared>>)
    %barrier3A_108 = arith.constant 0 : index
    tpu.barrier barrier_id(%barrier3A_108)
    %scan3A_109 = arith.constant 0 : i32
    %scan3A_110 = arith.constant 0 : i32
    %scan3A_111 = arith.constant 22 : i32
    %scan3A_112 = arith.addi %scan3A_110, %scan3A_111 : i32
    %scan3A_113 = arith.constant 1 : i32
    scf.for %scan3A_120 = %scan3A_110 to %scan3A_112 step %scan3A_113  : i32 {
      %mul3A_121 = arith.constant 32 : i32
      %mul3A_122 = arith.muli %scan3A_120, %mul3A_121 : i32
      %add3A_123 = arith.addi %mul3A_0, %mul3A_122 : i32
      "tpu.region"() ({
        %run_scoped3A = tpu.sem_alloc : memref<!tpu.dma_semaphore, #tpu.memory_space<semaphore_mem>>
        %dma_start3A_127 = arith.constant 0 : i32
        %dma_start3A_128 = tpu.memref_slice %arg8[%add3A_123, %dma_start3A_127] : memref<11392x128xf32, #tpu.memory_space<vmem_shared>> -> memref<32x128xf32, #tpu.memory_space<vmem_shared>>
        %dma_start3A_129 = arith.constant 0 : i32
        %dma_start3A_130 = tpu.memref_slice %arg8[%add3A_123, %dma_start3A_129] : memref<11392x128xf32, #tpu.memory_space<vmem_shared>> -> memref<32x128xf32, #tpu.memory_space<vmem_shared>>
        tpu.enqueue_dma source(%dma_start3A_130 : memref<32x128xf32, #tpu.memory_space<vmem_shared>>) target(%arg25 : memref<32x128xf32, #tpu.memory_space<vmem>>) target_semaphore(%run_scoped3A : memref<!tpu.dma_semaphore, #tpu.memory_space<semaphore_mem>>)
        %dma_wait3A_131 = arith.constant 0 : i32
        %dma_wait3A_132 = tpu.memref_slice %arg8[%add3A_123, %dma_wait3A_131] : memref<11392x128xf32, #tpu.memory_space<vmem_shared>> -> memref<32x128xf32, #tpu.memory_space<vmem_shared>>
        %dma_wait3A_133 = arith.constant 0 : i32
        %dma_wait3A_134 = tpu.memref_slice %arg8[%add3A_123, %dma_wait3A_133] : memref<11392x128xf32, #tpu.memory_space<vmem_shared>> -> memref<32x128xf32, #tpu.memory_space<vmem_shared>>
        tpu.wait_dma2 semaphore(%run_scoped3A : memref<!tpu.dma_semaphore, #tpu.memory_space<semaphore_mem>>) src(%dma_wait3A_134 : memref<32x128xf32, #tpu.memory_space<vmem_shared>>) dst(%arg25 : memref<32x128xf32, #tpu.memory_space<vmem>>)
        tpu.yield
      }) : () -> ()
      %mul3A_124 = arith.constant 11392 : i32
      %mul3A_125 = arith.muli %arg0, %mul3A_124 : i32
      %add3A_126 = arith.addi %mul3A_125, %add3A_123 : i32
      "tpu.region"() ({
        %run_scoped3A = tpu.sem_alloc : memref<!tpu.dma_semaphore, #tpu.memory_space<semaphore_mem>>
        %dma_start3A_127 = arith.constant 0 : i32
        %dma_start3A_128 = tpu.memref_slice %arg7[%add3A_126, %dma_start3A_127] : memref<22784x128xf32, #tpu.memory_space<hbm>> -> memref<32x128xf32, #tpu.memory_space<hbm>>
        %dma_start3A_129 = arith.constant 0 : i32
        %dma_start3A_130 = tpu.memref_slice %arg7[%add3A_126, %dma_start3A_129] : memref<22784x128xf32, #tpu.memory_space<hbm>> -> memref<32x128xf32, #tpu.memory_space<hbm>>
        tpu.enqueue_dma source(%arg25 : memref<32x128xf32, #tpu.memory_space<vmem>>) target(%dma_start3A_130 : memref<32x128xf32, #tpu.memory_space<hbm>>) target_semaphore(%run_scoped3A : memref<!tpu.dma_semaphore, #tpu.memory_space<semaphore_mem>>)
        %dma_wait3A_131 = arith.constant 0 : i32
        %dma_wait3A_132 = tpu.memref_slice %arg7[%add3A_126, %dma_wait3A_131] : memref<22784x128xf32, #tpu.memory_space<hbm>> -> memref<32x128xf32, #tpu.memory_space<hbm>>
        %dma_wait3A_133 = arith.constant 0 : i32
        %dma_wait3A_134 = tpu.memref_slice %arg7[%add3A_126, %dma_wait3A_133] : memref<22784x128xf32, #tpu.memory_space<hbm>> -> memref<32x128xf32, #tpu.memory_space<hbm>>
        tpu.wait_dma2 semaphore(%run_scoped3A : memref<!tpu.dma_semaphore, #tpu.memory_space<semaphore_mem>>) src(%arg25 : memref<32x128xf32, #tpu.memory_space<vmem>>) dst(%dma_wait3A_134 : memref<32x128xf32, #tpu.memory_space<hbm>>)
        tpu.yield
      }) : () -> ()
    }
    %scan3A_114 = arith.constant 22 : i32
    %add3A_115 = arith.constant 704 : i32
    %add3A_116 = arith.addi %mul3A_0, %add3A_115 : i32
    "tpu.region"() ({
      %run_scoped3A = tpu.sem_alloc : memref<!tpu.dma_semaphore, #tpu.memory_space<semaphore_mem>>
      %dma_start3A_120 = arith.constant 0 : i32
      %dma_start3A_121 = arith.constant 0 : i32
      %dma_start3A_122 = tpu.memref_slice %arg25[%dma_start3A_120, %dma_start3A_121] : memref<32x128xf32, #tpu.memory_space<vmem>> -> memref<8x128xf32, #tpu.memory_space<vmem>>
      %dma_start3A_123 = arith.constant 0 : i32
      %dma_start3A_124 = tpu.memref_slice %arg8[%add3A_116, %dma_start3A_123] : memref<11392x128xf32, #tpu.memory_space<vmem_shared>> -> memref<8x128xf32, #tpu.memory_space<vmem_shared>>
      %dma_start3A_125 = arith.constant 0 : i32
      %dma_start3A_126 = arith.constant 0 : i32
      %dma_start3A_127 = tpu.memref_slice %arg25[%dma_start3A_125, %dma_start3A_126] : memref<32x128xf32, #tpu.memory_space<vmem>> -> memref<8x128xf32, #tpu.memory_space<vmem>>
      %dma_start3A_128 = arith.constant 0 : i32
      %dma_start3A_129 = tpu.memref_slice %arg8[%add3A_116, %dma_start3A_128] : memref<11392x128xf32, #tpu.memory_space<vmem_shared>> -> memref<8x128xf32, #tpu.memory_space<vmem_shared>>
      tpu.enqueue_dma source(%dma_start3A_129 : memref<8x128xf32, #tpu.memory_space<vmem_shared>>) target(%dma_start3A_127 : memref<8x128xf32, #tpu.memory_space<vmem>>) target_semaphore(%run_scoped3A : memref<!tpu.dma_semaphore, #tpu.memory_space<semaphore_mem>>)
      %dma_wait3A_130 = arith.constant 0 : i32
      %dma_wait3A_131 = arith.constant 0 : i32
      %dma_wait3A_132 = tpu.memref_slice %arg25[%dma_wait3A_130, %dma_wait3A_131] : memref<32x128xf32, #tpu.memory_space<vmem>> -> memref<8x128xf32, #tpu.memory_space<vmem>>
      %dma_wait3A_133 = arith.constant 0 : i32
      %dma_wait3A_134 = tpu.memref_slice %arg8[%add3A_116, %dma_wait3A_133] : memref<11392x128xf32, #tpu.memory_space<vmem_shared>> -> memref<8x128xf32, #tpu.memory_space<vmem_shared>>
      %dma_wait3A_135 = arith.constant 0 : i32
      %dma_wait3A_136 = arith.constant 0 : i32
      %dma_wait3A_137 = tpu.memref_slice %arg25[%dma_wait3A_135, %dma_wait3A_136] : memref<32x128xf32, #tpu.memory_space<vmem>> -> memref<8x128xf32, #tpu.memory_space<vmem>>
      %dma_wait3A_138 = arith.constant 0 : i32
      %dma_wait3A_139 = tpu.memref_slice %arg8[%add3A_116, %dma_wait3A_138] : memref<11392x128xf32, #tpu.memory_space<vmem_shared>> -> memref<8x128xf32, #tpu.memory_space<vmem_shared>>
      tpu.wait_dma2 semaphore(%run_scoped3A : memref<!tpu.dma_semaphore, #tpu.memory_space<semaphore_mem>>) src(%dma_wait3A_139 : memref<8x128xf32, #tpu.memory_space<vmem_shared>>) dst(%dma_wait3A_137 : memref<8x128xf32, #tpu.memory_space<vmem>>)
      tpu.yield
    }) : () -> ()
    %mul3A_117 = arith.constant 11392 : i32
    %mul3A_118 = arith.muli %arg0, %mul3A_117 : i32
    %add3A_119 = arith.addi %mul3A_118, %add3A_116 : i32
    "tpu.region"() ({
      %run_scoped3A = tpu.sem_alloc : memref<!tpu.dma_semaphore, #tpu.memory_space<semaphore_mem>>
      %dma_start3A_120 = arith.constant 0 : i32
      %dma_start3A_121 = arith.constant 0 : i32
      %dma_start3A_122 = tpu.memref_slice %arg25[%dma_start3A_120, %dma_start3A_121] : memref<32x128xf32, #tpu.memory_space<vmem>> -> memref<8x128xf32, #tpu.memory_space<vmem>>
      %dma_start3A_123 = arith.constant 0 : i32
      %dma_start3A_124 = tpu.memref_slice %arg7[%add3A_119, %dma_start3A_123] : memref<22784x128xf32, #tpu.memory_space<hbm>> -> memref<8x128xf32, #tpu.memory_space<hbm>>
      %dma_start3A_125 = arith.constant 0 : i32
      %dma_start3A_126 = tpu.memref_slice %arg7[%add3A_119, %dma_start3A_125] : memref<22784x128xf32, #tpu.memory_space<hbm>> -> memref<8x128xf32, #tpu.memory_space<hbm>>
      %dma_start3A_127 = arith.constant 0 : i32
      %dma_start3A_128 = arith.constant 0 : i32
      %dma_start3A_129 = tpu.memref_slice %arg25[%dma_start3A_127, %dma_start3A_128] : memref<32x128xf32, #tpu.memory_space<vmem>> -> memref<8x128xf32, #tpu.memory_space<vmem>>
      tpu.enqueue_dma source(%dma_start3A_129 : memref<8x128xf32, #tpu.memory_space<vmem>>) target(%dma_start3A_126 : memref<8x128xf32, #tpu.memory_space<hbm>>) target_semaphore(%run_scoped3A : memref<!tpu.dma_semaphore, #tpu.memory_space<semaphore_mem>>)
      %dma_wait3A_130 = arith.constant 0 : i32
      %dma_wait3A_131 = arith.constant 0 : i32
      %dma_wait3A_132 = tpu.memref_slice %arg25[%dma_wait3A_130, %dma_wait3A_131] : memref<32x128xf32, #tpu.memory_space<vmem>> -> memref<8x128xf32, #tpu.memory_space<vmem>>
      %dma_wait3A_133 = arith.constant 0 : i32
      %dma_wait3A_134 = tpu.memref_slice %arg7[%add3A_119, %dma_wait3A_133] : memref<22784x128xf32, #tpu.memory_space<hbm>> -> memref<8x128xf32, #tpu.memory_space<hbm>>
      %dma_wait3A_135 = arith.constant 0 : i32
      %dma_wait3A_136 = tpu.memref_slice %arg7[%add3A_119, %dma_wait3A_135] : memref<22784x128xf32, #tpu.memory_space<hbm>> -> memref<8x128xf32, #tpu.memory_space<hbm>>
      %dma_wait3A_137 = arith.constant 0 : i32
      %dma_wait3A_138 = arith.constant 0 : i32
      %dma_wait3A_139 = tpu.memref_slice %arg25[%dma_wait3A_137, %dma_wait3A_138] : memref<32x128xf32, #tpu.memory_space<vmem>> -> memref<8x128xf32, #tpu.memory_space<vmem>>
      tpu.wait_dma2 semaphore(%run_scoped3A : memref<!tpu.dma_semaphore, #tpu.memory_space<semaphore_mem>>) src(%dma_wait3A_139 : memref<8x128xf32, #tpu.memory_space<vmem>>) dst(%dma_wait3A_136 : memref<8x128xf32, #tpu.memory_space<hbm>>)
      tpu.yield
    }) : () -> ()
    return
  }
}

module attributes {stable_mosaic.version = 14 : i64} {
  func.func @_tc1_body(%arg0: i32, %arg1: memref<2528x256xf32, #tpu.memory_space<vmem>>, %arg2: memref<256x256xf32, #tpu.memory_space<vmem>>, %arg3: memref<1x256xf32, #tpu.memory_space<vmem>>, %arg4: memref<1x256xf32, #tpu.memory_space<vmem>>, %arg5: memref<2528x256xf32, #tpu.memory_space<vmem>>, %arg6: memref<2528x128xf32, #tpu.memory_space<vmem>>, %arg7: memref<2528x128xf32, #tpu.memory_space<vmem>>) attributes {dimension_semantics = [#tpu.dimension_semantics<arbitrary>], iteration_bounds = array<i64: 4>, scalar_prefetch = 0 : i64, scratch_operands = 0 : i64, tpu.core_type = #tpu.core_type<tc>, window_params = [{transform_indices = @transform_0, window_bounds = array<i64: 2528, 256>}, {pipeline_mode = #tpu.pipeline_mode<synchronous>, transform_indices = @transform_1, window_bounds = array<i64: 256, 256>}, {pipeline_mode = #tpu.pipeline_mode<synchronous>, transform_indices = @transform_2, window_bounds = array<i64: 1, 256>}, {pipeline_mode = #tpu.pipeline_mode<synchronous>, transform_indices = @transform_3, window_bounds = array<i64: 1, 256>}, {transform_indices = @transform_4, window_bounds = array<i64: 2528, 256>}, {transform_indices = @transform_5, window_bounds = array<i64: 2528, 128>}, {transform_indices = @transform_6, window_bounds = array<i64: 2528, 128>}]} {
    %get3A = arith.constant 0 : index
    %get3A_0 = arith.constant 0 : index
    %get3A_1 = vector.load %arg1[%get3A, %get3A_0] : memref<2528x256xf32, #tpu.memory_space<vmem>>, vector<2528x256xf32>
    %get3A_2 = arith.constant 0 : index
    %get3A_3 = arith.constant 0 : index
    %get3A_4 = vector.load %arg2[%get3A_2, %get3A_3] : memref<256x256xf32, #tpu.memory_space<vmem>>, vector<256x256xf32>
    %dot_general3A = arith.constant dense<0.000000e+00> : vector<2528x256xf32>
    %dot_general3A_5 = tpu.matmul %get3A_1, %get3A_4, %dot_general3A {dimension_numbers = #tpu.dot_dimension_numbers<[1], [0], [0], [1], [0, 0, 1, 1], [], []>, transpose_lhs_hint = false} : vector<2528x256xf32>, vector<256x256xf32>, vector<2528x256xf32> -> vector<2528x256xf32>
    %swap3A = arith.constant 0 : index
    %swap3A_6 = arith.constant 0 : index
    %swap3A_7 = vector.load %arg5[%swap3A, %swap3A_6] : memref<2528x256xf32, #tpu.memory_space<vmem>>, vector<2528x256xf32>
    tpu.vector_store %arg5[%swap3A, %swap3A_6], %dot_general3A_5 {strides = array<i32>} : memref<2528x256xf32, #tpu.memory_space<vmem>>, vector<2528x256xf32>,
    %iota3A = tpu.iota {dimensions = array<i32: 0>} : vector<256x128xi32>
    %jit3A = arith.constant 32 : i32
    %div3A = vector.broadcast %jit3A : i32 to vector<256x128xi32>
    %div3A_8 = arith.divsi %iota3A, %div3A : vector<256x128xi32>
    %sign3A = arith.constant 0 : i32
    %sign3A_9 = vector.broadcast %sign3A : i32 to vector<256x128xi32>
    %sign3A_10 = arith.cmpi sgt, %iota3A, %sign3A_9 : vector<256x128xi32>
    %sign3A_11 = arith.extui %sign3A_10 : vector<256x128xi1> to vector<256x128xi32>
    %sign3A_12 = arith.constant 0 : i32
    %sign3A_13 = vector.broadcast %sign3A_12 : i32 to vector<256x128xi32>
    %sign3A_14 = arith.cmpi slt, %iota3A, %sign3A_13 : vector<256x128xi32>
    %sign3A_15 = arith.extui %sign3A_14 : vector<256x128xi1> to vector<256x128xi32>
    %sign3A_16 = arith.subi %sign3A_11, %sign3A_15 : vector<256x128xi32>
    %sign3A_17 = arith.constant 0 : i32
    %sign3A_18 = arith.cmpi sgt, %jit3A, %sign3A_17 : i32
    %sign3A_19 = arith.extui %sign3A_18 : i1 to i32
    %sign3A_20 = arith.constant 0 : i32
    %sign3A_21 = arith.cmpi slt, %jit3A, %sign3A_20 : i32
    %sign3A_22 = arith.extui %sign3A_21 : i1 to i32
    %sign3A_23 = arith.subi %sign3A_19, %sign3A_22 : i32
    %ne3A = vector.broadcast %sign3A_23 : i32 to vector<256x128xi32>
    %ne3A_24 = arith.cmpi ne, %sign3A_16, %ne3A : vector<256x128xi32>
    %rem3A = vector.broadcast %jit3A : i32 to vector<256x128xi32>
    %rem3A_25 = arith.remsi %iota3A, %rem3A : vector<256x128xi32>
    %ne3A_26 = arith.constant 0 : i32
    %ne3A_27 = vector.broadcast %ne3A_26 : i32 to vector<256x128xi32>
    %ne3A_28 = arith.cmpi ne, %rem3A_25, %ne3A_27 : vector<256x128xi32>
    %and3A = arith.andi %ne3A_24, %ne3A_28 : vector<256x128xi1>
    %sub3A = arith.constant 1 : i32
    %sub3A_29 = vector.broadcast %sub3A : i32 to vector<256x128xi32>
    %sub3A_30 = arith.subi %div3A_8, %sub3A_29 : vector<256x128xi32>
    %select_n3A = arith.select %and3A, %sub3A_30, %div3A_8 : vector<256x128xi1>, vector<256x128xi32>
    %iota3A_31 = tpu.iota {dimensions = array<i32: 1>} : vector<256x128xi32>
    %eq3A = arith.cmpi eq, %select_n3A, %iota3A_31 : vector<256x128xi32>
    %convert_element_type3A = arith.extui %eq3A : vector<256x128xi1> to vector<256x128xi32>
    %convert_element_type3A_32 = arith.sitofp %convert_element_type3A : vector<256x128xi32> to vector<256x128xf32>
    %get3A_33 = arith.constant 0 : index
    %get3A_34 = arith.constant 0 : index
    %get3A_35 = vector.load %arg3[%get3A_33, %get3A_34] : memref<1x256xf32, #tpu.memory_space<vmem>>, vector<1x256xf32>
    %mul3A = vector.broadcast %get3A_35 : vector<1x256xf32> to vector<2528x256xf32>
    %mul3A_36 = arith.mulf %dot_general3A_5, %mul3A : vector<2528x256xf32>
    %dot_general3A_37 = arith.constant dense<0.000000e+00> : vector<2528x128xf32>
    %dot_general3A_38 = tpu.matmul %mul3A_36, %convert_element_type3A_32, %dot_general3A_37 {dimension_numbers = #tpu.dot_dimension_numbers<[1], [0], [0], [1], [0, 0, 1, 1], [], []>, transpose_lhs_hint = false} : vector<2528x256xf32>, vector<256x128xf32>, vector<2528x128xf32> -> vector<2528x128xf32>
    %swap3A_39 = arith.constant 0 : index
    %swap3A_40 = arith.constant 0 : index
    %swap3A_41 = vector.load %arg6[%swap3A_39, %swap3A_40] : memref<2528x128xf32, #tpu.memory_space<vmem>>, vector<2528x128xf32>
    tpu.vector_store %arg6[%swap3A_39, %swap3A_40], %dot_general3A_38 {strides = array<i32>} : memref<2528x128xf32, #tpu.memory_space<vmem>>, vector<2528x128xf32>,
    %get3A_42 = arith.constant 0 : index
    %get3A_43 = arith.constant 0 : index
    %get3A_44 = vector.load %arg4[%get3A_42, %get3A_43] : memref<1x256xf32, #tpu.memory_space<vmem>>, vector<1x256xf32>
    %mul3A_45 = vector.broadcast %get3A_44 : vector<1x256xf32> to vector<2528x256xf32>
    %mul3A_46 = arith.mulf %dot_general3A_5, %mul3A_45 : vector<2528x256xf32>
    %dot_general3A_47 = arith.constant dense<0.000000e+00> : vector<2528x128xf32>
    %dot_general3A_48 = tpu.matmul %mul3A_46, %convert_element_type3A_32, %dot_general3A_47 {dimension_numbers = #tpu.dot_dimension_numbers<[1], [0], [0], [1], [0, 0, 1, 1], [], []>, transpose_lhs_hint = false} : vector<2528x256xf32>, vector<256x128xf32>, vector<2528x128xf32> -> vector<2528x128xf32>
    %swap3A_49 = arith.constant 0 : index
    %swap3A_50 = arith.constant 0 : index
    %swap3A_51 = vector.load %arg7[%swap3A_49, %swap3A_50] : memref<2528x128xf32, #tpu.memory_space<vmem>>, vector<2528x128xf32>
    tpu.vector_store %arg7[%swap3A_49, %swap3A_50], %dot_general3A_48 {strides = array<i32>} : memref<2528x128xf32, #tpu.memory_space<vmem>>, vector<2528x128xf32>,
    return
  }
  func.func @transform_0(%arg0: i32) -> (i32, i32) {
    %c0_i32 = arith.constant 0 : i32
    %c0_i32_0 = arith.constant 0 : i32
    return %arg0, %c0_i32 : i32, i32
  }
  func.func @transform_1(%arg0: i32) -> (i32, i32) {
    %c0_i32 = arith.constant 0 : i32
    %c0_i32_0 = arith.constant 0 : i32
    %c0_i32_1 = arith.constant 0 : i32
    return %c0_i32, %c0_i32_0 : i32, i32
  }
  func.func @transform_2(%arg0: i32) -> (i32, i32) {
    %c0_i32 = arith.constant 0 : i32
    %c0_i32_0 = arith.constant 0 : i32
    %c0_i32_1 = arith.constant 0 : i32
    return %c0_i32, %c0_i32_0 : i32, i32
  }
  func.func @transform_3(%arg0: i32) -> (i32, i32) {
    %c0_i32 = arith.constant 0 : i32
    %c0_i32_0 = arith.constant 0 : i32
    %c0_i32_1 = arith.constant 0 : i32
    return %c0_i32, %c0_i32_0 : i32, i32
  }
  func.func @transform_4(%arg0: i32) -> (i32, i32) {
    %c0_i32 = arith.constant 0 : i32
    %c0_i32_0 = arith.constant 0 : i32
    return %arg0, %c0_i32 : i32, i32
  }
  func.func @transform_5(%arg0: i32) -> (i32, i32) {
    %c0_i32 = arith.constant 0 : i32
    %c0_i32_0 = arith.constant 0 : i32
    return %arg0, %c0_i32 : i32, i32
  }
  func.func @transform_6(%arg0: i32) -> (i32, i32) {
    %c0_i32 = arith.constant 0 : i32
    %c0_i32_0 = arith.constant 0 : i32
    return %arg0, %c0_i32 : i32, i32
  }
}

module attributes {stable_mosaic.version = 14 : i64} {
  func.func @_tc2_body(%arg0: i32, %arg1: memref<2x2528x128xf32, #tpu.memory_space<vmem>>, %arg2: memref<2528x16xf32, #tpu.memory_space<vmem>>, %arg3: memref<1x256xf32, #tpu.memory_space<vmem>>, %arg4: memref<256x256xf32, #tpu.memory_space<vmem>>, %arg5: memref<1x256xf32, #tpu.memory_space<vmem>>, %arg6: memref<1x256xf32, #tpu.memory_space<vmem>>, %arg7: memref<2528x256xf32, #tpu.memory_space<vmem>>, %arg8: memref<2528x128xf32, #tpu.memory_space<vmem>>, %arg9: memref<2528x128xf32, #tpu.memory_space<vmem>>) attributes {dimension_semantics = [#tpu.dimension_semantics<arbitrary>], iteration_bounds = array<i64: 4>, scalar_prefetch = 0 : i64, scratch_operands = 0 : i64, tpu.core_type = #tpu.core_type<tc>, window_params = [{transform_indices = @transform_0, window_bounds = array<i64: 2, 2528, 128>}, {transform_indices = @transform_1, window_bounds = array<i64: 2528, 16>}, {pipeline_mode = #tpu.pipeline_mode<synchronous>, transform_indices = @transform_2, window_bounds = array<i64: 1, 256>}, {pipeline_mode = #tpu.pipeline_mode<synchronous>, transform_indices = @transform_3, window_bounds = array<i64: 256, 256>}, {pipeline_mode = #tpu.pipeline_mode<synchronous>, transform_indices = @transform_4, window_bounds = array<i64: 1, 256>}, {pipeline_mode = #tpu.pipeline_mode<synchronous>, transform_indices = @transform_5, window_bounds = array<i64: 1, 256>}, {transform_indices = @transform_6, window_bounds = array<i64: 2528, 256>}, {transform_indices = @transform_7, window_bounds = array<i64: 2528, 128>}, {transform_indices = @transform_8, window_bounds = array<i64: 2528, 128>}]} {
    %get3A = arith.constant 0 : index
    %get3A_0 = arith.constant 0 : index
    %get3A_1 = arith.constant 0 : index
    %get3A_2 = vector.load %arg1[%get3A, %get3A_0, %get3A_1] : memref<2x2528x128xf32, #tpu.memory_space<vmem>>, vector<1x2528x128xf32>
    %get3A_3 = vector.shape_cast %get3A_2 : vector<1x2528x128xf32> to vector<2528x128xf32>
    %get3A_4 = arith.constant 1 : index
    %get3A_5 = arith.constant 0 : index
    %get3A_6 = arith.constant 0 : index
    %get3A_7 = vector.load %arg1[%get3A_4, %get3A_5, %get3A_6] : memref<2x2528x128xf32, #tpu.memory_space<vmem>>, vector<1x2528x128xf32>
    %get3A_8 = vector.shape_cast %get3A_7 : vector<1x2528x128xf32> to vector<2528x128xf32>
    %concatenate3A = tpu.concatenate %get3A_3, %get3A_8 in 1 : vector<2528x128xf32>, vector<2528x128xf32> -> vector<2528x256xf32>
    %get3A_9 = arith.constant 0 : index
    %get3A_10 = arith.constant 0 : index
    %get3A_11 = vector.load %arg2[%get3A_9, %get3A_10] : memref<2528x16xf32, #tpu.memory_space<vmem>>, vector<2528x16xf32>
    %iota3A = tpu.iota {dimensions = array<i32: 0>} : vector<256x16xi32>
    %jit3A = arith.constant 32 : i32
    %div3A = vector.broadcast %jit3A : i32 to vector<256x16xi32>
    %div3A_12 = arith.divsi %iota3A, %div3A : vector<256x16xi32>
    %sign3A = arith.constant 0 : i32
    %sign3A_13 = vector.broadcast %sign3A : i32 to vector<256x16xi32>
    %sign3A_14 = arith.cmpi sgt, %iota3A, %sign3A_13 : vector<256x16xi32>
    %sign3A_15 = arith.extui %sign3A_14 : vector<256x16xi1> to vector<256x16xi32>
    %sign3A_16 = arith.constant 0 : i32
    %sign3A_17 = vector.broadcast %sign3A_16 : i32 to vector<256x16xi32>
    %sign3A_18 = arith.cmpi slt, %iota3A, %sign3A_17 : vector<256x16xi32>
    %sign3A_19 = arith.extui %sign3A_18 : vector<256x16xi1> to vector<256x16xi32>
    %sign3A_20 = arith.subi %sign3A_15, %sign3A_19 : vector<256x16xi32>
    %sign3A_21 = arith.constant 0 : i32
    %sign3A_22 = arith.cmpi sgt, %jit3A, %sign3A_21 : i32
    %sign3A_23 = arith.extui %sign3A_22 : i1 to i32
    %sign3A_24 = arith.constant 0 : i32
    %sign3A_25 = arith.cmpi slt, %jit3A, %sign3A_24 : i32
    %sign3A_26 = arith.extui %sign3A_25 : i1 to i32
    %sign3A_27 = arith.subi %sign3A_23, %sign3A_26 : i32
    %ne3A = vector.broadcast %sign3A_27 : i32 to vector<256x16xi32>
    %ne3A_28 = arith.cmpi ne, %sign3A_20, %ne3A : vector<256x16xi32>
    %rem3A = vector.broadcast %jit3A : i32 to vector<256x16xi32>
    %rem3A_29 = arith.remsi %iota3A, %rem3A : vector<256x16xi32>
    %ne3A_30 = arith.constant 0 : i32
    %ne3A_31 = vector.broadcast %ne3A_30 : i32 to vector<256x16xi32>
    %ne3A_32 = arith.cmpi ne, %rem3A_29, %ne3A_31 : vector<256x16xi32>
    %and3A = arith.andi %ne3A_28, %ne3A_32 : vector<256x16xi1>
    %sub3A = arith.constant 1 : i32
    %sub3A_33 = vector.broadcast %sub3A : i32 to vector<256x16xi32>
    %sub3A_34 = arith.subi %div3A_12, %sub3A_33 : vector<256x16xi32>
    %select_n3A = arith.select %and3A, %sub3A_34, %div3A_12 : vector<256x16xi1>, vector<256x16xi32>
    %iota3A_35 = tpu.iota {dimensions = array<i32: 1>} : vector<256x16xi32>
    %eq3A = arith.cmpi eq, %select_n3A, %iota3A_35 : vector<256x16xi32>
    %convert_element_type3A = arith.extui %eq3A : vector<256x16xi1> to vector<256x16xi32>
    %convert_element_type3A_36 = arith.sitofp %convert_element_type3A : vector<256x16xi32> to vector<256x16xf32>
    %transpose3A = tpu.transpose %convert_element_type3A_36, [1, 0] : vector<256x16xf32> -> vector<16x256xf32>
    %dot_general3A = arith.constant dense<0.000000e+00> : vector<2528x256xf32>
    %dot_general3A_37 = tpu.matmul %get3A_11, %transpose3A, %dot_general3A {dimension_numbers = #tpu.dot_dimension_numbers<[1], [0], [0], [1], [0, 0, 1, 1], [], []>, transpose_lhs_hint = false} : vector<2528x16xf32>, vector<16x256xf32>, vector<2528x256xf32> -> vector<2528x256xf32>
    %add3A = arith.constant 1.000000e-16 : f32
    %add3A_38 = vector.broadcast %add3A : f32 to vector<2528x256xf32>
    %add3A_39 = arith.addf %dot_general3A_37, %add3A_38 : vector<2528x256xf32>
    %div3A_40 = arith.divf %concatenate3A, %add3A_39 : vector<2528x256xf32>
    %get3A_41 = arith.constant 0 : index
    %get3A_42 = arith.constant 0 : index
    %get3A_43 = vector.load %arg3[%get3A_41, %get3A_42] : memref<1x256xf32, #tpu.memory_space<vmem>>, vector<1x256xf32>
    %add3A_44 = vector.broadcast %get3A_43 : vector<1x256xf32> to vector<2528x256xf32>
    %add3A_45 = arith.addf %div3A_40, %add3A_44 : vector<2528x256xf32>
    %get3A_46 = arith.constant 0 : index
    %get3A_47 = arith.constant 0 : index
    %get3A_48 = vector.load %arg4[%get3A_46, %get3A_47] : memref<256x256xf32, #tpu.memory_space<vmem>>, vector<256x256xf32>
    %dot_general3A_49 = arith.constant dense<0.000000e+00> : vector<2528x256xf32>
    %dot_general3A_50 = tpu.matmul %add3A_45, %get3A_48, %dot_general3A_49 {dimension_numbers = #tpu.dot_dimension_numbers<[1], [0], [0], [1], [0, 0, 1, 1], [], []>, transpose_lhs_hint = false} : vector<2528x256xf32>, vector<256x256xf32>, vector<2528x256xf32> -> vector<2528x256xf32>
    %swap3A = arith.constant 0 : index
    %swap3A_51 = arith.constant 0 : index
    %swap3A_52 = vector.load %arg7[%swap3A, %swap3A_51] : memref<2528x256xf32, #tpu.memory_space<vmem>>, vector<2528x256xf32>
    tpu.vector_store %arg7[%swap3A, %swap3A_51], %dot_general3A_50 {strides = array<i32>} : memref<2528x256xf32, #tpu.memory_space<vmem>>, vector<2528x256xf32>,
    %iota3A_53 = tpu.iota {dimensions = array<i32: 0>} : vector<256x128xi32>
    %jit3A_54 = arith.constant 32 : i32
    %div3A_55 = vector.broadcast %jit3A_54 : i32 to vector<256x128xi32>
    %div3A_56 = arith.divsi %iota3A_53, %div3A_55 : vector<256x128xi32>
    %sign3A_57 = arith.constant 0 : i32
    %sign3A_58 = vector.broadcast %sign3A_57 : i32 to vector<256x128xi32>
    %sign3A_59 = arith.cmpi sgt, %iota3A_53, %sign3A_58 : vector<256x128xi32>
    %sign3A_60 = arith.extui %sign3A_59 : vector<256x128xi1> to vector<256x128xi32>
    %sign3A_61 = arith.constant 0 : i32
    %sign3A_62 = vector.broadcast %sign3A_61 : i32 to vector<256x128xi32>
    %sign3A_63 = arith.cmpi slt, %iota3A_53, %sign3A_62 : vector<256x128xi32>
    %sign3A_64 = arith.extui %sign3A_63 : vector<256x128xi1> to vector<256x128xi32>
    %sign3A_65 = arith.subi %sign3A_60, %sign3A_64 : vector<256x128xi32>
    %sign3A_66 = arith.constant 0 : i32
    %sign3A_67 = arith.cmpi sgt, %jit3A_54, %sign3A_66 : i32
    %sign3A_68 = arith.extui %sign3A_67 : i1 to i32
    %sign3A_69 = arith.constant 0 : i32
    %sign3A_70 = arith.cmpi slt, %jit3A_54, %sign3A_69 : i32
    %sign3A_71 = arith.extui %sign3A_70 : i1 to i32
    %sign3A_72 = arith.subi %sign3A_68, %sign3A_71 : i32
    %ne3A_73 = vector.broadcast %sign3A_72 : i32 to vector<256x128xi32>
    %ne3A_74 = arith.cmpi ne, %sign3A_65, %ne3A_73 : vector<256x128xi32>
    %rem3A_75 = vector.broadcast %jit3A_54 : i32 to vector<256x128xi32>
    %rem3A_76 = arith.remsi %iota3A_53, %rem3A_75 : vector<256x128xi32>
    %ne3A_77 = arith.constant 0 : i32
    %ne3A_78 = vector.broadcast %ne3A_77 : i32 to vector<256x128xi32>
    %ne3A_79 = arith.cmpi ne, %rem3A_76, %ne3A_78 : vector<256x128xi32>
    %and3A_80 = arith.andi %ne3A_74, %ne3A_79 : vector<256x128xi1>
    %sub3A_81 = arith.constant 1 : i32
    %sub3A_82 = vector.broadcast %sub3A_81 : i32 to vector<256x128xi32>
    %sub3A_83 = arith.subi %div3A_56, %sub3A_82 : vector<256x128xi32>
    %select_n3A_84 = arith.select %and3A_80, %sub3A_83, %div3A_56 : vector<256x128xi1>, vector<256x128xi32>
    %iota3A_85 = tpu.iota {dimensions = array<i32: 1>} : vector<256x128xi32>
    %eq3A_86 = arith.cmpi eq, %select_n3A_84, %iota3A_85 : vector<256x128xi32>
    %convert_element_type3A_87 = arith.extui %eq3A_86 : vector<256x128xi1> to vector<256x128xi32>
    %convert_element_type3A_88 = arith.sitofp %convert_element_type3A_87 : vector<256x128xi32> to vector<256x128xf32>
    %get3A_89 = arith.constant 0 : index
    %get3A_90 = arith.constant 0 : index
    %get3A_91 = vector.load %arg5[%get3A_89, %get3A_90] : memref<1x256xf32, #tpu.memory_space<vmem>>, vector<1x256xf32>
    %mul3A = vector.broadcast %get3A_91 : vector<1x256xf32> to vector<2528x256xf32>
    %mul3A_92 = arith.mulf %dot_general3A_50, %mul3A : vector<2528x256xf32>
    %dot_general3A_93 = arith.constant dense<0.000000e+00> : vector<2528x128xf32>
    %dot_general3A_94 = tpu.matmul %mul3A_92, %convert_element_type3A_88, %dot_general3A_93 {dimension_numbers = #tpu.dot_dimension_numbers<[1], [0], [0], [1], [0, 0, 1, 1], [], []>, transpose_lhs_hint = false} : vector<2528x256xf32>, vector<256x128xf32>, vector<2528x128xf32> -> vector<2528x128xf32>
    %swap3A_95 = arith.constant 0 : index
    %swap3A_96 = arith.constant 0 : index
    %swap3A_97 = vector.load %arg8[%swap3A_95, %swap3A_96] : memref<2528x128xf32, #tpu.memory_space<vmem>>, vector<2528x128xf32>
    tpu.vector_store %arg8[%swap3A_95, %swap3A_96], %dot_general3A_94 {strides = array<i32>} : memref<2528x128xf32, #tpu.memory_space<vmem>>, vector<2528x128xf32>,
    %get3A_98 = arith.constant 0 : index
    %get3A_99 = arith.constant 0 : index
    %get3A_100 = vector.load %arg6[%get3A_98, %get3A_99] : memref<1x256xf32, #tpu.memory_space<vmem>>, vector<1x256xf32>
    %mul3A_101 = vector.broadcast %get3A_100 : vector<1x256xf32> to vector<2528x256xf32>
    %mul3A_102 = arith.mulf %dot_general3A_50, %mul3A_101 : vector<2528x256xf32>
    %dot_general3A_103 = arith.constant dense<0.000000e+00> : vector<2528x128xf32>
    %dot_general3A_104 = tpu.matmul %mul3A_102, %convert_element_type3A_88, %dot_general3A_103 {dimension_numbers = #tpu.dot_dimension_numbers<[1], [0], [0], [1], [0, 0, 1, 1], [], []>, transpose_lhs_hint = false} : vector<2528x256xf32>, vector<256x128xf32>, vector<2528x128xf32> -> vector<2528x128xf32>
    %swap3A_105 = arith.constant 0 : index
    %swap3A_106 = arith.constant 0 : index
    %swap3A_107 = vector.load %arg9[%swap3A_105, %swap3A_106] : memref<2528x128xf32, #tpu.memory_space<vmem>>, vector<2528x128xf32>
    tpu.vector_store %arg9[%swap3A_105, %swap3A_106], %dot_general3A_104 {strides = array<i32>} : memref<2528x128xf32, #tpu.memory_space<vmem>>, vector<2528x128xf32>,
    return
  }
  func.func @transform_0(%arg0: i32) -> (i32, i32, i32) {
    %c0_i32 = arith.constant 0 : i32
    %c0_i32_0 = arith.constant 0 : i32
    %c0_i32_1 = arith.constant 0 : i32
    return %c0_i32, %arg0, %c0_i32_0 : i32, i32, i32
  }
  func.func @transform_1(%arg0: i32) -> (i32, i32) {
    %c0_i32 = arith.constant 0 : i32
    %c0_i32_0 = arith.constant 0 : i32
    return %arg0, %c0_i32 : i32, i32
  }
  func.func @transform_2(%arg0: i32) -> (i32, i32) {
    %c0_i32 = arith.constant 0 : i32
    %c0_i32_0 = arith.constant 0 : i32
    %c0_i32_1 = arith.constant 0 : i32
    return %c0_i32, %c0_i32_0 : i32, i32
  }
  func.func @transform_3(%arg0: i32) -> (i32, i32) {
    %c0_i32 = arith.constant 0 : i32
    %c0_i32_0 = arith.constant 0 : i32
    %c0_i32_1 = arith.constant 0 : i32
    return %c0_i32, %c0_i32_0 : i32, i32
  }
  func.func @transform_4(%arg0: i32) -> (i32, i32) {
    %c0_i32 = arith.constant 0 : i32
    %c0_i32_0 = arith.constant 0 : i32
    %c0_i32_1 = arith.constant 0 : i32
    return %c0_i32, %c0_i32_0 : i32, i32
  }
  func.func @transform_5(%arg0: i32) -> (i32, i32) {
    %c0_i32 = arith.constant 0 : i32
    %c0_i32_0 = arith.constant 0 : i32
    %c0_i32_1 = arith.constant 0 : i32
    return %c0_i32, %c0_i32_0 : i32, i32
  }
  func.func @transform_6(%arg0: i32) -> (i32, i32) {
    %c0_i32 = arith.constant 0 : i32
    %c0_i32_0 = arith.constant 0 : i32
    return %arg0, %c0_i32 : i32, i32
  }
  func.func @transform_7(%arg0: i32) -> (i32, i32) {
    %c0_i32 = arith.constant 0 : i32
    %c0_i32_0 = arith.constant 0 : i32
    return %arg0, %c0_i32 : i32, i32
  }
  func.func @transform_8(%arg0: i32) -> (i32, i32) {
    %c0_i32 = arith.constant 0 : i32
    %c0_i32_0 = arith.constant 0 : i32
    return %arg0, %c0_i32 : i32, i32
  }
}

module attributes {stable_mosaic.version = 14 : i64} {
  func.func @_tc3_body(%arg0: i32, %arg1: memref<2x2528x128xf32, #tpu.memory_space<vmem>>, %arg2: memref<2528x16xf32, #tpu.memory_space<vmem>>, %arg3: memref<1x256xf32, #tpu.memory_space<vmem>>, %arg4: memref<2528x256xf32, #tpu.memory_space<vmem>>) attributes {dimension_semantics = [#tpu.dimension_semantics<arbitrary>], iteration_bounds = array<i64: 4>, scalar_prefetch = 0 : i64, scratch_operands = 0 : i64, tpu.core_type = #tpu.core_type<tc>, window_params = [{transform_indices = @transform_0, window_bounds = array<i64: 2, 2528, 128>}, {transform_indices = @transform_1, window_bounds = array<i64: 2528, 16>}, {pipeline_mode = #tpu.pipeline_mode<synchronous>, transform_indices = @transform_2, window_bounds = array<i64: 1, 256>}, {transform_indices = @transform_3, window_bounds = array<i64: 2528, 256>}]} {
    %get3A = arith.constant 0 : index
    %get3A_0 = arith.constant 0 : index
    %get3A_1 = arith.constant 0 : index
    %get3A_2 = vector.load %arg1[%get3A, %get3A_0, %get3A_1] : memref<2x2528x128xf32, #tpu.memory_space<vmem>>, vector<1x2528x128xf32>
    %get3A_3 = vector.shape_cast %get3A_2 : vector<1x2528x128xf32> to vector<2528x128xf32>
    %get3A_4 = arith.constant 1 : index
    %get3A_5 = arith.constant 0 : index
    %get3A_6 = arith.constant 0 : index
    %get3A_7 = vector.load %arg1[%get3A_4, %get3A_5, %get3A_6] : memref<2x2528x128xf32, #tpu.memory_space<vmem>>, vector<1x2528x128xf32>
    %get3A_8 = vector.shape_cast %get3A_7 : vector<1x2528x128xf32> to vector<2528x128xf32>
    %concatenate3A = tpu.concatenate %get3A_3, %get3A_8 in 1 : vector<2528x128xf32>, vector<2528x128xf32> -> vector<2528x256xf32>
    %get3A_9 = arith.constant 0 : index
    %get3A_10 = arith.constant 0 : index
    %get3A_11 = vector.load %arg2[%get3A_9, %get3A_10] : memref<2528x16xf32, #tpu.memory_space<vmem>>, vector<2528x16xf32>
    %iota3A = tpu.iota {dimensions = array<i32: 0>} : vector<256x16xi32>
    %jit3A = arith.constant 32 : i32
    %div3A = vector.broadcast %jit3A : i32 to vector<256x16xi32>
    %div3A_12 = arith.divsi %iota3A, %div3A : vector<256x16xi32>
    %sign3A = arith.constant 0 : i32
    %sign3A_13 = vector.broadcast %sign3A : i32 to vector<256x16xi32>
    %sign3A_14 = arith.cmpi sgt, %iota3A, %sign3A_13 : vector<256x16xi32>
    %sign3A_15 = arith.extui %sign3A_14 : vector<256x16xi1> to vector<256x16xi32>
    %sign3A_16 = arith.constant 0 : i32
    %sign3A_17 = vector.broadcast %sign3A_16 : i32 to vector<256x16xi32>
    %sign3A_18 = arith.cmpi slt, %iota3A, %sign3A_17 : vector<256x16xi32>
    %sign3A_19 = arith.extui %sign3A_18 : vector<256x16xi1> to vector<256x16xi32>
    %sign3A_20 = arith.subi %sign3A_15, %sign3A_19 : vector<256x16xi32>
    %sign3A_21 = arith.constant 0 : i32
    %sign3A_22 = arith.cmpi sgt, %jit3A, %sign3A_21 : i32
    %sign3A_23 = arith.extui %sign3A_22 : i1 to i32
    %sign3A_24 = arith.constant 0 : i32
    %sign3A_25 = arith.cmpi slt, %jit3A, %sign3A_24 : i32
    %sign3A_26 = arith.extui %sign3A_25 : i1 to i32
    %sign3A_27 = arith.subi %sign3A_23, %sign3A_26 : i32
    %ne3A = vector.broadcast %sign3A_27 : i32 to vector<256x16xi32>
    %ne3A_28 = arith.cmpi ne, %sign3A_20, %ne3A : vector<256x16xi32>
    %rem3A = vector.broadcast %jit3A : i32 to vector<256x16xi32>
    %rem3A_29 = arith.remsi %iota3A, %rem3A : vector<256x16xi32>
    %ne3A_30 = arith.constant 0 : i32
    %ne3A_31 = vector.broadcast %ne3A_30 : i32 to vector<256x16xi32>
    %ne3A_32 = arith.cmpi ne, %rem3A_29, %ne3A_31 : vector<256x16xi32>
    %and3A = arith.andi %ne3A_28, %ne3A_32 : vector<256x16xi1>
    %sub3A = arith.constant 1 : i32
    %sub3A_33 = vector.broadcast %sub3A : i32 to vector<256x16xi32>
    %sub3A_34 = arith.subi %div3A_12, %sub3A_33 : vector<256x16xi32>
    %select_n3A = arith.select %and3A, %sub3A_34, %div3A_12 : vector<256x16xi1>, vector<256x16xi32>
    %iota3A_35 = tpu.iota {dimensions = array<i32: 1>} : vector<256x16xi32>
    %eq3A = arith.cmpi eq, %select_n3A, %iota3A_35 : vector<256x16xi32>
    %convert_element_type3A = arith.extui %eq3A : vector<256x16xi1> to vector<256x16xi32>
    %convert_element_type3A_36 = arith.sitofp %convert_element_type3A : vector<256x16xi32> to vector<256x16xf32>
    %transpose3A = tpu.transpose %convert_element_type3A_36, [1, 0] : vector<256x16xf32> -> vector<16x256xf32>
    %dot_general3A = arith.constant dense<0.000000e+00> : vector<2528x256xf32>
    %dot_general3A_37 = tpu.matmul %get3A_11, %transpose3A, %dot_general3A {dimension_numbers = #tpu.dot_dimension_numbers<[1], [0], [0], [1], [0, 0, 1, 1], [], []>, transpose_lhs_hint = false} : vector<2528x16xf32>, vector<16x256xf32>, vector<2528x256xf32> -> vector<2528x256xf32>
    %add3A = arith.constant 1.000000e-16 : f32
    %add3A_38 = vector.broadcast %add3A : f32 to vector<2528x256xf32>
    %add3A_39 = arith.addf %dot_general3A_37, %add3A_38 : vector<2528x256xf32>
    %div3A_40 = arith.divf %concatenate3A, %add3A_39 : vector<2528x256xf32>
    %get3A_41 = arith.constant 0 : index
    %get3A_42 = arith.constant 0 : index
    %get3A_43 = vector.load %arg3[%get3A_41, %get3A_42] : memref<1x256xf32, #tpu.memory_space<vmem>>, vector<1x256xf32>
    %add3A_44 = vector.broadcast %get3A_43 : vector<1x256xf32> to vector<2528x256xf32>
    %add3A_45 = arith.addf %div3A_40, %add3A_44 : vector<2528x256xf32>
    %integer_pow3A = arith.mulf %add3A_45, %add3A_45 : vector<2528x256xf32>
    %integer_pow3A_46 = arith.mulf %add3A_45, %integer_pow3A : vector<2528x256xf32>
    %mul3A = arith.constant 4.471500e-02 : f32
    %mul3A_47 = vector.broadcast %mul3A : f32 to vector<2528x256xf32>
    %mul3A_48 = arith.mulf %mul3A_47, %integer_pow3A_46 : vector<2528x256xf32>
    %add3A_49 = arith.addf %add3A_45, %mul3A_48 : vector<2528x256xf32>
    %mul3A_50 = arith.constant 0.797884583 : f32
    %mul3A_51 = vector.broadcast %mul3A_50 : f32 to vector<2528x256xf32>
    %mul3A_52 = arith.mulf %mul3A_51, %add3A_49 : vector<2528x256xf32>
    %tanh3A = math.tanh %mul3A_52 : vector<2528x256xf32>
    %add3A_53 = arith.constant 1.000000e+00 : f32
    %add3A_54 = vector.broadcast %add3A_53 : f32 to vector<2528x256xf32>
    %add3A_55 = arith.addf %add3A_54, %tanh3A : vector<2528x256xf32>
    %mul3A_56 = arith.constant 5.000000e-01 : f32
    %mul3A_57 = vector.broadcast %mul3A_56 : f32 to vector<2528x256xf32>
    %mul3A_58 = arith.mulf %mul3A_57, %add3A_55 : vector<2528x256xf32>
    %mul3A_59 = arith.mulf %add3A_45, %mul3A_58 : vector<2528x256xf32>
    %swap3A = arith.constant 0 : index
    %swap3A_60 = arith.constant 0 : index
    %swap3A_61 = vector.load %arg4[%swap3A, %swap3A_60] : memref<2528x256xf32, #tpu.memory_space<vmem>>, vector<2528x256xf32>
    tpu.vector_store %arg4[%swap3A, %swap3A_60], %mul3A_59 {strides = array<i32>} : memref<2528x256xf32, #tpu.memory_space<vmem>>, vector<2528x256xf32>,
    return
  }
  func.func @transform_0(%arg0: i32) -> (i32, i32, i32) {
    %c0_i32 = arith.constant 0 : i32
    %c0_i32_0 = arith.constant 0 : i32
    %c0_i32_1 = arith.constant 0 : i32
    return %c0_i32, %arg0, %c0_i32_0 : i32, i32, i32
  }
  func.func @transform_1(%arg0: i32) -> (i32, i32) {
    %c0_i32 = arith.constant 0 : i32
    %c0_i32_0 = arith.constant 0 : i32
    return %arg0, %c0_i32 : i32, i32
  }
  func.func @transform_2(%arg0: i32) -> (i32, i32) {
    %c0_i32 = arith.constant 0 : i32
    %c0_i32_0 = arith.constant 0 : i32
    %c0_i32_1 = arith.constant 0 : i32
    return %c0_i32, %c0_i32_0 : i32, i32
  }
  func.func @transform_3(%arg0: i32) -> (i32, i32) {
    %c0_i32 = arith.constant 0 : i32
    %c0_i32_0 = arith.constant 0 : i32
    return %arg0, %c0_i32 : i32, i32
  }
}

</mosaic_0001>

<sc_bundles>
// kernel: kernel.10.cloned.1.call-start
scs
__scs_entry_jumppad:
0x0: {  	(pc) =	sbr.rel $0x88, $3  }
0x1: {  	(tag) =	ssettag $0x0;
	lr =	simm.s32 $0x1  }
0x2: {  	[smem:$0x3F97] =	sst lr;
	_ =	strace $0xD0000000  }
0x3: {  	_ = 	snop  }
0x4: {  	_ = 	snop  }
0x5: {  	_ = 	snop  }
0x6: {  	_ = 	snop  }
0x7: {  	_ = 	snop  }
__scs_overlays_trampoline_lowered:
0x8: {  	[smem:$0x3FA6] =	sst s0  }
0x9: {  	[smem:$0x3FA7] =	sst s1  }
0xa: {  	[smem:$0x3FA8] =	sst s2  }
0xb: {  	[smem:$0x3FA9] =	sst s3  }
0xc: {  	[smem:$0x3FAA] =	sst s4  }
0xd: {  	[smem:$0x3FAB] =	sst s5  }
0xe: {  	[smem:$0x3FAC] =	sst s6  }
0xf: {  	[smem:$0x3FAD] =	sst s7  }
0x10: {  	[smem:$0x3FAE] =	sst s8  }
0x11: {  	[smem:$0x3FAF] =	sst s9;
	s0 =	simm.s32 @!p0 $0x0  }
0x12: {  	s1 =	sld [smem:$0x3F95];
	s0 =	simm.s32 @p0 $0x1  }
0x13: {  	[smem:$0x3FB0] =	sst s0;
	s0 =	simm.s32 @!p1 $0x0  }
0x14: {  	s2 =	sld [smem:$0x3F94];
	s0 =	simm.s32 @p1 $0x1  }
0x15: {  	[smem:$0x3FB1] =	sst s0;
	s0 =	simm.s32 @!p2 $0x0  }
0x16: {  	s3 =	sld [smem:$0x3FDB];
	s0 =	simm.s32 @p2 $0x1  }
0x17: {  	s4 =	simm.s32 $0x1BF5;
	[smem:$0x3FB3] =	sst s0  }
0x18: {  	s0 =	sld [smem:$0x3F96];
	_ =	swait.ge [sflag:s4], $0x0  }
0x19: {  	s7 =	sld [smem:$0x3F97]  }
0x1a: {  	s8 =	sadd.s32 $0xFFFFE003, lr  }
0x1b: {  	s9 =	sadd.s32 $0xFFFFFEF7, lr;
	s5 =	simm.s32 $0xFFFFFFFF;
	p2 =	slt.u32 s8, $0xFFFFF086  }
0x1c: {  	p1 =	slt.u32 s9, $0xF7A;
	s5 =	simm.s32 @!p2 $0x0  }
0x1d: {  	s5 =	simm.s32 @p1 $0x1;
	p0 =	seq.s32 s7, s2  }
0x1e: {  	s7 =	smul.u32 @!p0 $0xF7A, s2;
	p2 =	seq.s32 @!p0 s5, $0x0  }
0x1f: {  	s9 =	smul.u32 $0xF7A, s1;
	s8 =	simm.s32 @!p0 $0x1BF5;
	p2 =	por !p2, p0  }
0x20: {  	[sflag:s8] =	ssyncset.s32 @!p0 $0xFFFFF086;
	s6 =	sadd.s32 @!p0 s3, s7;
	s7 =	simm.s32 @!p0 $0x108  }
0x21: {  	s3 =	sadd.s32 s3, s9;
	s6 =	sadd.s32 @!p0 $0x88, s6;
	s7 =	simm.s32 @p2 $0x1082  }
0x22: {  	[simem:s7], [sflag:s8] =	dma.local @!p0 [hbm:s6], $0xF7A  }
0x23: {  	s9 =	sor.u32 $0xD0000000, s2;
	s6 =	simm.s32 $0x108;
	_ =	swait.ge @!p0 [sflag:s8], $0x0  }
0x24: {  	s3 =	sadd.s32 $0x88, s3;
	s6 =	simm.s32 @!p1 $0x1082;
	[sflag:s4] =	ssyncset.s32 $0xFFFFF086  }
0x25: {  	[simem:s6], [sflag:s4] =	dma.local [hbm:s3], $0xF7A  }
0x26: {  	[smem:$0x3F97] =	sst s1;
	(tag) =	ssettag s2;
	_ =	strace s9  }
0x27: {  	s1 =	sld [smem:$0x3FA7]  }
0x28: {  	s2 =	sld [smem:$0x3FA8]  }
0x29: {  	s4 =	sld [smem:$0x3FAA]  }
0x2a: {  	p0 =	seq.s32 s5, $0x0;
	s5 =	sld [smem:$0x3FAB]  }
0x2b: {  	s6 =	sld [smem:$0x3FAC]  }
0x2c: {  	s7 =	sld [smem:$0x3FAD]  }
0x2d: {  	s3 =	simm.s32 $0x108;
	s8 =	sld [smem:$0x3FAE]  }
0x2e: {  	s3 =	simm.s32 @!p0 $0x1082;
	s9 =	sld [smem:$0x3FAF]  }
0x2f: {  	lr =	sadd.s32 s0, s3;
	s0 =	sld [smem:$0x3FA6]  }
0x30: {  	s3 =	sld [smem:$0x3FA9]  }
0x31: {  	[smem:$0x3FB2] =	sst s10  }
0x32: {  	s10 =	sld [smem:$0x3FB0];
	_ =	sdelay $0x3  }
0x33: {  	p0 =	seq.s32 s10, $0x1;
	s10 =	sld [smem:$0x3FB2];
	_ =	sdelay $0x3  }
0x34: {  	[smem:$0x3FB2] =	sst s10  }
0x35: {  	s10 =	sld [smem:$0x3FB1];
	_ =	sdelay $0x3  }
0x36: {  	p1 =	seq.s32 s10, $0x1;
	s10 =	sld [smem:$0x3FB2];
	_ =	sdelay $0x3  }
0x37: {  	[smem:$0x3FB2] =	sst s10  }
0x38: {  	s10 =	sld [smem:$0x3FB3]  }
0x39: {  	_ = 	snop;
	(pc) =	sbr.ind lr, $3  }
0x3a: {  	_ = 	snop  }
0x3b: {  	_ = 	snop  }
0x3c: {  	p2 =	seq.s32 s10, $0x1;
	s10 =	sld [smem:$0x3FB2]  }
0x3d: {  	_ =	shalt  }
0x3e: {  	_ =	shalt  }
0x3f: {  	_ =	shalt  }
0x40: {  	_ =	shalt  }
0x41: {  	_ =	shalt  }
0x42: {  	_ =	shalt  }
0x43: {  	_ =	shalt  }
0x44: {  	_ =	shalt  }
0x45: {  	_ =	shalt  }
0x46: {  	_ =	shalt  }
0x47: {  	_ =	shalt  }
0x48: {  	_ =	shalt  }
0x49: {  	_ =	shalt  }
0x4a: {  	_ =	shalt  }
0x4b: {  	_ =	shalt  }
0x4c: {  	_ =	shalt  }
0x4d: {  	_ =	shalt  }
0x4e: {  	_ =	shalt  }
0x4f: {  	_ =	shalt  }
0x50: {  	_ =	shalt  }
0x51: {  	_ =	shalt  }
0x52: {  	_ =	shalt  }
0x53: {  	_ =	shalt  }
0x54: {  	_ =	shalt  }
0x55: {  	_ =	shalt  }
0x56: {  	_ =	shalt  }
0x57: {  	_ =	shalt  }
0x58: {  	_ =	shalt  }
0x59: {  	_ =	shalt  }
0x5a: {  	_ =	shalt  }
0x5b: {  	_ =	shalt  }
0x5c: {  	_ =	shalt  }
0x5d: {  	_ =	shalt  }
0x5e: {  	_ =	shalt  }
0x5f: {  	_ =	shalt  }
0x60: {  	_ =	shalt  }
0x61: {  	_ =	shalt  }
0x62: {  	_ =	shalt  }
0x63: {  	_ =	shalt  }
0x64: {  	_ =	shalt  }
0x65: {  	_ =	shalt  }
0x66: {  	_ =	shalt  }
0x67: {  	_ =	shalt  }
0x68: {  	_ =	shalt  }
0x69: {  	_ =	shalt  }
0x6a: {  	_ =	shalt  }
0x6b: {  	_ =	shalt  }
0x6c: {  	_ =	shalt  }
0x6d: {  	_ =	shalt  }
0x6e: {  	_ =	shalt  }
0x6f: {  	_ =	shalt  }
0x70: {  	_ =	shalt  }
0x71: {  	_ =	shalt  }
0x72: {  	_ =	shalt  }
0x73: {  	_ =	shalt  }
0x74: {  	_ =	shalt  }
0x75: {  	_ =	shalt  }
0x76: {  	_ =	shalt  }
0x77: {  	_ =	shalt  }
0x78: {  	_ =	shalt  }
0x79: {  	_ =	shalt  }
0x7a: {  	_ =	shalt  }
0x7b: {  	_ =	shalt  }
0x7c: {  	_ =	shalt  }
0x7d: {  	_ =	shalt  }
0x7e: {  	_ =	shalt  }
0x7f: {  	_ =	shalt  }
0x80: {  	_ =	shalt  }
0x81: {  	_ =	shalt  }
0x82: {  	_ =	shalt  }
0x83: {  	_ =	shalt  }
0x84: {  	_ =	shalt  }
0x85: {  	_ =	shalt  }
0x86: {  	_ =	shalt  }
0x87: {  	_ =	shalt  }
.Lfunc_end0:
.L_simem_size_0:
called_computation.1_lowered:
.L_overlay_start_0:
0x88: {  	s2 =	sld [smem:$0x3FD9]  }
0x89: {  	s3 =	sld [smem:$0x3FFE];
	_ =	sdelay $0x1  }
0x8a: {  	s1 =	srdreg.scid  }
0x8b: {  	s0 =	sand.u32 $0x1, s1  }
0x8c: {  	s17 =	sshll.u32 s0, $0xA;
	s2 =	sadd.s32 s3, s2  }
0x8d: {  	s2 =	sadd.s32 s2, s17  }
0x8e: {  	[smem:$0x3FBE] =	sst s2  }
0x8f: {  	_ = 	snop  }
0x90: {  	s2 =	sld [smem:$0x3FD0];
	(tm) =	ssettm $0x1  }
0x91: {  	s18 =	sld [smem:$0x3FFB];
	_ =	sdelay $0x3  }
0x92: {  	_ =	strace s18  }
0x93: {  	s3 =	sld [smem:$0x3FFC];
	_ =	sdelay $0x3  }
0x94: {  	_ =	strace s3  }
0x95: {  	s3 =	sld [smem:$0x3FFD];
	_ =	sdelay $0x3  }
0x96: {  	_ =	strace s3  }
0x97: {  	_ =	strace $0x8FFFFFFF  }
0x98: {  	s19 =	sld [smem:$0x3FDB];
	_ =	sdelay $0x1  }
0x99: {  	s4 =	simm.s32 $_scs_section_size  }
0x9a: {  	s5 =	simm.s32 $_size__tile_overlayer_lowered;
	s6 =	simm.s32 $_tile_overlayer_lowered  }
0x9b: {  	s22 =	simm.s32 $0x1BFF;
	s21 =	sshll.u32 s6, $0x1;
	s3 =	sadd.s32 s4, s19  }
0x9c: {  	s7 =	simm.s32 $0x0;
	s20 =	sshll.u32 s5, $0x1;
	s5 =	sadd.s32 s21, s3  }
0x9d: {  	[timem:s7], [sflag:s22] =	dma.local [hbm:s5], s20  }
0x9e: {  	_ =	swait.ge [sflag:s22], s20  }
0x9f: {  	s4 =	ssub.s32 $0x0, s20;
	[sflag:s22] =	ssyncset.done $0x0  }
0xa0: {  	[sflag:s22] =	ssyncadd.s32 s4;
	_ =	sdelay $0x1  }
0xa1: {  	s23 =	simm.s32 $0x1B8B  }
0xa2: {  	_ =	swait.ge [sflag:s23], $0x1  }
0xa3: {  	[sflag:s23] =	ssyncset.done $0x0  }
0xa4: {  	s25 =	simm.s32 $0x1B8E;
	s24 =	sld [smem:$0x3FFE];
	[sflag:s23] =	ssyncadd.s32 $0xFFFFFFFF  }
0xa5: {  	s26 =	simm.s32 $execute0_lowered;
	[smem:$0x3FD2] =	sst s25  }
0xa6: {  	s5 =	sshll.u32 s26, $0x1;
	_ =	strace $0x80000049;
	[dreg:$0x1] =	wrdreg $0xFFFFFFFF  }
0xa7: {  	s28 =	simm.s32 $_size_execute0_lowered;
	s3 =	sadd.s32 s3, s5;
	[dreg:$0x0] =	wrdreg $0x0  }
0xa8: {  	s5 =	sshll.u32 s28, $0x1;
	[dreg:$0x2] =	wrdreg s3  }
0xa9: {  	[dreg:$0x3] =	wrdreg s5  }
0xaa: {  	[dreg:$0x4] =	wrdreg $0xC0  }
0xab: {  	_ =	task [dreg:s7], $0x5FFFF  }
0xac: {  	[dreg:$0x1] =	wrdreg $0xFFFFFFFF  }
0xad: {  	[dreg:$0x0] =	wrdreg $0x60  }
0xae: {  	[dreg:$0x2] =	wrdreg s24  }
0xaf: {  	[dreg:$0x3] =	wrdreg s2  }
0xb0: {  	[dreg:$0x4] =	wrdreg $0x0  }
0xb1: {  	[dreg:$0x5] =	wrdreg $0x9  }
0xb2: {  	_ =	task.clear_ibuf [dreg:s7], $0x6FFFF;
	_ =	strace $0x90000049  }
0xb3: {  	s29 =	simm.s32 $0x9;
	_ =	strace $0x8000004B  }
0xb4: {  	_ =	swait.ge [sflag:s29], $0x1  }
0xb5: {  	[sflag:s29] =	ssyncadd.s32 $0xFFFFFFFF  }
0xb6: {  	_ =	strace $0x9000004B  }
0xb7: {  	_ =	sfence  }
0xb8: {  	s30 =	sld [smem:$0x0];
	_ =	sdelay $0x2  }
0xb9: {  	s31 =	sshll.u32 s1, $0xD;
	s1 =	sshrl.u32 s1, $0x2  }
0xba: {  	s3 =	sand.u32 $0x4000, s31;
	s1 =	sadd.s32 s1, s30  }
0xbb: {  	s0 =	sor.u32 s3, s0;
	s1 =	sshll.u32 s1, $0x11  }
0xbc: {  	s0 =	sor.u32 s1, s0  }
0xbd: {  	s0 =	sadd.s32 $0x8F2B, s0  }
0xbe: {  	[sflag:s0] =	ssyncadd.remote.s32 $0x1  }
0xbf: {  	_ =	sfence.sel $0xFFFF  }
0xc0: {  	[dreg:$0x0] =	wrdreg $0xFFFFFFFF;
	(pc) =	sbr.abs _section_cstart, $3  }
0xc1: {  	[dreg:$0x1] =	wrdreg $0xFFFFFFFF  }
0xc2: {  	_ =	task.clear_ibuf [dreg:s7], $0x2FFFF;
	_ =	strace $0x9FFFFFFF  }
0xc3: {  	(tm) =	ssettm $0x7FFFFFFF  }
tec
execute0_lowered:
.L_overlay_start_1:
0x0: {  	(tag) =	ssettag $0x1  }
0x1: {  	s1 =	rddreg [dreg:$0x0]  }
0x2: {  	s30 =	rddreg [dreg:$0x1]  }
0x3: {  	s2 =	rddreg [dreg:$0x2];
	s3 =	simm.s32 $0x0;
	s0 =	srdreg.scid  }
0x4: {  	s15 =	stileid.u32;
	s28 =	simm.s32 $0x16580;
	[smem:$0x7FF] =	sst s3  }
0x5: {  	s0 =	sand.u32 $0x1, s0;
	s7 =	sadd.s32 $0x6C00, s1;
	s12 =	smul.u32 $0x29C0, s15  }
0x6: {  	s10 =	smul.u32 $0x59000, s15;
	s8 =	sadd.s32 $0x1800, s1;
	s9 =	ssub.s32 $0x2, s0  }
0x7: {  	_ =	strace $0x8000004A;
	s11 =	sshrl.u32 s9, $0x1;
	s14 =	sor.u32 $0x20, s12  }
0x8: {  	s29 =	sshrl.u32 s12, $0x3;
	s12 =	sadd.s32 $0x40, s12;
	[dreg:$0x8] =	wrdreg s14  }
0x9: {  	s10 =	sshrl.u32 s10, $0x2;
	s13 =	sadd.s32 s7, s29;
	[dreg:$0x9] =	wrdreg s12  }
0xa: {  	s9 =	ssub.s32 s9, s11;
	s11 =	sadd.s32 s8, s29;
	[dreg:$0x6] =	wrdreg s13  }
0xb: {  	s5 =	sadd.s32 $0xAA000, s1;
	s18 =	sadd.s32 s10, s2;
	[dreg:$0x7] =	wrdreg s11  }
0xc: {  	s6 =	sadd.s32 $0xC000, s1;
	s20 =	smax.u32 s9, $0x1;
	[dreg:$0x4] =	wrdreg s18  }
0xd: {  	s4 =	smul.u32 $0x2C8, s15;
	s21 =	sadd.s32 $0x1000, s18;
	[dreg:$0xb] =	wrdreg s20  }
0xe: {  	s31 =	smul.u32 $0x2C80, s0;
	s23 =	sadd.s32 $0x2000, s18;
	[dreg:$0xc] =	wrdreg s21  }
0xf: {  	s4 =	sadd.s32 $0x2C0, s4;
	s24 =	sadd.s32 $0x3000, s18;
	[dreg:$0xd] =	wrdreg s23  }
0x10: {  	s26 =	sshll.u32 s4, $0x7;
	s25 =	sadd.s32 $0x4000, s18;
	[dreg:$0xe] =	wrdreg s24  }
0x11: {  	s22 =	sadd.s32 s26, s2;
	s26 =	sadd.s32 $0x5000, s18;
	[dreg:$0xf] =	wrdreg s25  }
0x12: {  	s1 =	sadd.s32 $0x33800, s1;
	s29 =	sadd.s32 $0x6000, s18;
	[dreg:$0x10] =	wrdreg s26  }
0x13: {  	s4 =	sadd.s32 s31, s4;
	s31 =	sadd.s32 $0x7000, s18;
	[dreg:$0x11] =	wrdreg s29  }
0x14: {  	s19 =	smul.u32 $0x2C80, s15;
	s9 =	sadd.s32 $0x9000, s18;
	[dreg:$0x12] =	wrdreg s31  }
0x15: {  	s17 =	sshllo.u32 s0, $0x2;
	s11 =	sadd.s32 $0xA000, s18;
	[dreg:$0x14] =	wrdreg s9  }
0x16: {  	s16 =	smul.u32 $0x2C800, s0;
	s12 =	sadd.s32 $0xB000, s18;
	[dreg:$0x15] =	wrdreg s11  }
0x17: {  	v4 =	vmov s17;
	s17 =	simm.s32 $0x5;
	s15 =	sadd.s32 $0xC000, s18;
	[dreg:$0x16] =	wrdreg s12  }
0x18: {  	s10 =	sshll.u32 s0, $0x2;
	s4 =	sshll.u32 s4, $0x4;
	[dreg:$0x17] =	wrdreg s15  }
0x19: {  	v0 =	vmov s0;
	s0 =	simm.s32 $0x4;
	s4 =	sadd.s32 s1, s4;
	[dreg:$0x5] =	wrdreg s22  }
0x1a: {  	s1 =	sadd.s32 s16, s1;
	s16 =	sadd.s32 $0xD000, s18;
	[dreg:$0xa] =	wrdreg s4  }
0x1b: {  	s13 =	sor.u32 $0x1, s10;
	s20 =	sadd.s32 $0xE000, s18;
	[dreg:$0x18] =	wrdreg s16  }
0x1c: {  	s14 =	sor.u32 $0x2, s10;
	s21 =	sadd.s32 $0xF000, s18;
	[dreg:$0x19] =	wrdreg s20  }
0x1d: {  	v1 =	vmov s10;
	s10 =	simm.s32 $0x0;
	s23 =	sadd.s32 $0x10000, s18;
	[dreg:$0x1a] =	wrdreg s21  }
0x1e: {  	s24 =	sadd.s32 $0x11000, s18;
	s25 =	sadd.s32 $0x12000, s18;
	[dreg:$0x1b] =	wrdreg s23  }
0x1f: {  	s26 =	sadd.s32 $0x13000, s18;
	s29 =	sadd.s32 $0x14000, s18;
	[dreg:$0x1c] =	wrdreg s24  }
0x20: {  	s31 =	sadd.s32 $0x15000, s18;
	s15 =	simm.s32 $0x1;
	[dreg:$0x1d] =	wrdreg s25  }
0x21: {  	v5 =	vimm.f32 $0.0e+00;
	v6 =	vimm.s32 $0xFFFFFFFF;
	s9 =	simm.s32 $0x2;
	s11 =	simm.s32 $0x7;
	[dreg:$0x1e] =	wrdreg s26  }
0x22: {  	v7 =	vimm.s32 $0xFFFFFFFE;
	v8 =	vimm.s32 $0xFFFFFFFD;
	v9 =	vimm.s32 $0xFFFFFFFC;
	s12 =	simm.s32 $0x9;
	s19 =	sadd.s32 s19, s1;
	[dreg:$0x1f] =	wrdreg s29  }
0x23: {  	v10 =	vimm.s32 $0xFFFFFFFB;
	v11 =	vimm.s32 $0xFFFFFFFA;
	v4 =	vbroadcast v4, $0x0;
	s4 =	sadd.s32 $0x8000, s18;
	[smem:$0x7FD] =	sst s31;
	s20 =	simm.s32 $0x1C900  }
0x24: {  	v2 =	vmov s13;
	v3 =	vmov s14;
	v1 =	vbroadcast v1, $0x0;
	s21 =	simm.s32 $0xB;
	s23 =	simm.s32 $0x16500;
	s24 =	simm.s32 $0x20  }
0x25: {  	v12 =	vimm.s32 $0xFFFFFFF9;
	s16 =	simm.s32 $0x3;
	v2 =	vbroadcast v2, $0x0;
	v3 =	vbroadcast v3, $0x0;
	[dreg:$0x13] =	wrdreg s4;
	s4 =	simm.s32 $0x6  }
.LBB2_1:
0x26: {  	[smem:$0x7FC] =	sst s10;
	s1 =	simm.s32 $0x0;
	s10 =	simm.s32 $0x200  }
.LBB2_2:
0x27: {  	p0 =	sne.s32 s10, $0x3E00;
	[tilespmem:s1+$0x1C970] =	vst v5  }
0x28: {  	[tilespmem:s1+$0x1C900] =	vst v5  }
0x29: {  	[tilespmem:s1+$0x1C910] =	vst v5  }
.Ltmp0:
0x2a: {  	[tilespmem:s1+$0x1C920] =	vst v5;
	(pc) =	sbr.rel @p0 .LBB2_2-.Ltmp0, $4  }
0x2b: {  	[tilespmem:s1+$0x1C930] =	vst v5  }
0x2c: {  	[tilespmem:s1+$0x1C940] =	vst v5  }
0x2d: {  	[tilespmem:s1+$0x1C950] =	vst v5  }
0x2e: {  	[tilespmem:s1+$0x1C960] =	vst v5;
	s1 =	sshra.s32 s10, $0x2;
	s10 =	sadd.s32 $0x200, s10  }
0x2f: {  	[tilespmem:s1+$0x1C970] =	vst v5  }
0x30: {  	[tilespmem:s1+$0x1C900] =	vst v5  }
0x31: {  	[tilespmem:s1+$0x1C910] =	vst v5  }
0x32: {  	[tilespmem:s1+$0x1C920] =	vst v5  }
0x33: {  	[tilespmem:s1+$0x1C930] =	vst v5  }
0x34: {  	[tilespmem:s1+$0x1C940] =	vst v5  }
0x35: {  	[tilespmem:s1+$0x1C950] =	vst v5  }
0x36: {  	[tilespmem:s1+$0x1C960] =	vst v5  }
0x37: {  	[spmem:s18] =	stream.linear.scatter [tilespmem:s20], [sflag:$0xB], $0x1000, $0x38;
	[tilespmem:$0x1E900] =	vst v63  }
0x38: {  	_ =	swait.ge [sflag:s21], $0x1000  }
0x39: {  	[sflag:s21] =	ssyncset.done $0x0  }
0x3a: {  	s29 =	rddreg [dreg:$0xc];
	[sflag:s21] =	ssyncadd.s32 $0xFFFFF000  }
0x3b: {  	[spmem:s29] =	stream.linear.scatter [tilespmem:s20], [sflag:$0xB], $0x1000, $0x38;
	[tilespmem:$0x1E900] =	vst v63  }
0x3c: {  	_ =	swait.ge [sflag:s21], $0x1000  }
0x3d: {  	[sflag:s21] =	ssyncset.done $0x0  }
0x3e: {  	s31 =	rddreg [dreg:$0xd];
	[sflag:s21] =	ssyncadd.s32 $0xFFFFF000  }
0x3f: {  	[spmem:s31] =	stream.linear.scatter [tilespmem:s20], [sflag:$0xB], $0x1000, $0x38;
	[tilespmem:$0x1E900] =	vst v63  }
0x40: {  	_ =	swait.ge [sflag:s21], $0x1000  }
0x41: {  	[sflag:s21] =	ssyncset.done $0x0  }
0x42: {  	s10 =	rddreg [dreg:$0xe];
	[sflag:s21] =	ssyncadd.s32 $0xFFFFF000  }
0x43: {  	[spmem:s10] =	stream.linear.scatter [tilespmem:s20], [sflag:$0xB], $0x1000, $0x38;
	[tilespmem:$0x1E900] =	vst v63  }
0x44: {  	_ =	swait.ge [sflag:s21], $0x1000  }
0x45: {  	[sflag:s21] =	ssyncset.done $0x0  }
0x46: {  	s13 =	rddreg [dreg:$0xf];
	[sflag:s21] =	ssyncadd.s32 $0xFFFFF000  }
0x47: {  	[spmem:s13] =	stream.linear.scatter [tilespmem:s20], [sflag:$0xB], $0x1000, $0x38;
	[tilespmem:$0x1E900] =	vst v63  }
0x48: {  	_ =	swait.ge [sflag:s21], $0x1000  }
0x49: {  	[sflag:s21] =	ssyncset.done $0x0  }
0x4a: {  	s14 =	rddreg [dreg:$0x10];
	[sflag:s21] =	ssyncadd.s32 $0xFFFFF000  }
0x4b: {  	[spmem:s14] =	stream.linear.scatter [tilespmem:s20], [sflag:$0xB], $0x1000, $0x38;
	[tilespmem:$0x1E900] =	vst v63  }
0x4c: {  	_ =	swait.ge [sflag:s21], $0x1000  }
0x4d: {  	[sflag:s21] =	ssyncset.done $0x0  }
0x4e: {  	s18 =	rddreg [dreg:$0x11];
	[sflag:s21] =	ssyncadd.s32 $0xFFFFF000  }
0x4f: {  	[spmem:s18] =	stream.linear.scatter [tilespmem:s20], [sflag:$0xB], $0x1000, $0x38;
	[tilespmem:$0x1E900] =	vst v63  }
0x50: {  	_ =	swait.ge [sflag:s21], $0x1000  }
0x51: {  	[sflag:s21] =	ssyncset.done $0x0  }
0x52: {  	s25 =	rddreg [dreg:$0x12];
	[sflag:s21] =	ssyncadd.s32 $0xFFFFF000  }
0x53: {  	[spmem:s25] =	stream.linear.scatter [tilespmem:s20], [sflag:$0xB], $0x1000, $0x38;
	[tilespmem:$0x1E900] =	vst v63  }
0x54: {  	_ =	swait.ge [sflag:s21], $0x1000  }
0x55: {  	[sflag:s21] =	ssyncset.done $0x0  }
0x56: {  	s26 =	rddreg [dreg:$0x13];
	[sflag:s21] =	ssyncadd.s32 $0xFFFFF000  }
0x57: {  	[spmem:s26] =	stream.linear.scatter [tilespmem:s20], [sflag:$0xB], $0x1000, $0x38;
	[tilespmem:$0x1E900] =	vst v63  }
0x58: {  	_ =	swait.ge [sflag:s21], $0x1000  }
0x59: {  	[sflag:s21] =	ssyncset.done $0x0  }
0x5a: {  	s29 =	rddreg [dreg:$0x14];
	[sflag:s21] =	ssyncadd.s32 $0xFFFFF000  }
0x5b: {  	[spmem:s29] =	stream.linear.scatter [tilespmem:s20], [sflag:$0xB], $0x1000, $0x38;
	[tilespmem:$0x1E900] =	vst v63  }
0x5c: {  	_ =	swait.ge [sflag:s21], $0x1000  }
0x5d: {  	[sflag:s21] =	ssyncset.done $0x0  }
0x5e: {  	s31 =	rddreg [dreg:$0x15];
	[sflag:s21] =	ssyncadd.s32 $0xFFFFF000  }
0x5f: {  	[spmem:s31] =	stream.linear.scatter [tilespmem:s20], [sflag:$0xB], $0x1000, $0x38;
	[tilespmem:$0x1E900] =	vst v63  }
0x60: {  	_ =	swait.ge [sflag:s21], $0x1000  }
0x61: {  	[sflag:s21] =	ssyncset.done $0x0  }
0x62: {  	s10 =	rddreg [dreg:$0x16];
	[sflag:s21] =	ssyncadd.s32 $0xFFFFF000  }
0x63: {  	[spmem:s10] =	stream.linear.scatter [tilespmem:s20], [sflag:$0xB], $0x1000, $0x38;
	[tilespmem:$0x1E900] =	vst v63  }
0x64: {  	_ =	swait.ge [sflag:s21], $0x1000  }
0x65: {  	[sflag:s21] =	ssyncset.done $0x0  }
0x66: {  	s13 =	rddreg [dreg:$0x17];
	[sflag:s21] =	ssyncadd.s32 $0xFFFFF000  }
0x67: {  	[spmem:s13] =	stream.linear.scatter [tilespmem:s20], [sflag:$0xB], $0x1000, $0x38;
	[tilespmem:$0x1E900] =	vst v63  }
0x68: {  	_ =	swait.ge [sflag:s21], $0x1000  }
0x69: {  	[sflag:s21] =	ssyncset.done $0x0  }
0x6a: {  	s14 =	rddreg [dreg:$0x18];
	[sflag:s21] =	ssyncadd.s32 $0xFFFFF000  }
0x6b: {  	[spmem:s14] =	stream.linear.scatter [tilespmem:s20], [sflag:$0xB], $0x1000, $0x38;
	[tilespmem:$0x1E900] =	vst v63  }
0x6c: {  	_ =	swait.ge [sflag:s21], $0x1000  }
0x6d: {  	[sflag:s21] =	ssyncset.done $0x0  }
0x6e: {  	s18 =	rddreg [dreg:$0x19];
	[sflag:s21] =	ssyncadd.s32 $0xFFFFF000  }
0x6f: {  	[spmem:s18] =	stream.linear.scatter [tilespmem:s20], [sflag:$0xB], $0x1000, $0x38;
	[tilespmem:$0x1E900] =	vst v63  }
0x70: {  	_ =	swait.ge [sflag:s21], $0x1000  }
0x71: {  	[sflag:s21] =	ssyncset.done $0x0  }
0x72: {  	s25 =	rddreg [dreg:$0x1a];
	[sflag:s21] =	ssyncadd.s32 $0xFFFFF000  }
0x73: {  	[spmem:s25] =	stream.linear.scatter [tilespmem:s20], [sflag:$0xB], $0x1000, $0x38;
	[tilespmem:$0x1E900] =	vst v63  }
0x74: {  	_ =	swait.ge [sflag:s21], $0x1000  }
0x75: {  	[sflag:s21] =	ssyncset.done $0x0  }
0x76: {  	s26 =	rddreg [dreg:$0x1b];
	[sflag:s21] =	ssyncadd.s32 $0xFFFFF000  }
0x77: {  	[spmem:s26] =	stream.linear.scatter [tilespmem:s20], [sflag:$0xB], $0x1000, $0x38;
	[tilespmem:$0x1E900] =	vst v63  }
0x78: {  	_ =	swait.ge [sflag:s21], $0x1000  }
0x79: {  	[sflag:s21] =	ssyncset.done $0x0  }
0x7a: {  	s29 =	rddreg [dreg:$0x1c];
	[sflag:s21] =	ssyncadd.s32 $0xFFFFF000  }
0x7b: {  	[spmem:s29] =	stream.linear.scatter [tilespmem:s20], [sflag:$0xB], $0x1000, $0x38;
	[tilespmem:$0x1E900] =	vst v63  }
0x7c: {  	_ =	swait.ge [sflag:s21], $0x1000  }
0x7d: {  	[sflag:s21] =	ssyncset.done $0x0  }
0x7e: {  	s31 =	rddreg [dreg:$0x1d];
	[sflag:s21] =	ssyncadd.s32 $0xFFFFF000  }
0x7f: {  	[spmem:s31] =	stream.linear.scatter [tilespmem:s20], [sflag:$0xB], $0x1000, $0x38;
	[tilespmem:$0x1E900] =	vst v63  }
0x80: {  	_ =	swait.ge [sflag:s21], $0x1000  }
0x81: {  	[sflag:s21] =	ssyncset.done $0x0  }
0x82: {  	s10 =	rddreg [dreg:$0x1e];
	[sflag:s21] =	ssyncadd.s32 $0xFFFFF000  }
0x83: {  	[spmem:s10] =	stream.linear.scatter [tilespmem:s20], [sflag:$0xB], $0x1000, $0x38;
	[tilespmem:$0x1E900] =	vst v63  }
0x84: {  	_ =	swait.ge [sflag:s21], $0x1000  }
0x85: {  	[sflag:s21] =	ssyncset.done $0x0  }
0x86: {  	s13 =	rddreg [dreg:$0x1f];
	[sflag:s21] =	ssyncadd.s32 $0xFFFFF000  }
0x87: {  	[spmem:s13] =	stream.linear.scatter [tilespmem:s20], [sflag:$0xB], $0x1000, $0x38;
	[tilespmem:$0x1E900] =	vst v63  }
0x88: {  	_ =	swait.ge [sflag:s21], $0x1000  }
0x89: {  	s14 =	sld [smem:$0x7FD]  }
0x8a: {  	[sflag:s21] =	ssyncset.done $0x0  }
0x8b: {  	[sflag:s21] =	ssyncadd.s32 $0xFFFFF000  }
0x8c: {  	[spmem:s14] =	stream.linear.scatter [tilespmem:s20], [sflag:$0xB], $0x1000, $0x38;
	[tilespmem:$0x1E900] =	vst v63  }
0x8d: {  	_ =	swait.ge [sflag:s21], $0x1000  }
0x8e: {  	[sflag:s21] =	ssyncset.done $0x0  }
0x8f: {  	[sflag:s21] =	ssyncadd.s32 $0xFFFFF000  }
0x90: {  	[spmem:s22] =	stream.linear.scatter [tilespmem:s20], [sflag:$0xB], $0x400, $0x38;
	[tilespmem:$0x1E900] =	vst v63  }
0x91: {  	_ =	swait.ge [sflag:s21], $0x400  }
0x92: {  	[sflag:s21] =	ssyncset.done $0x0  }
0x93: {  	[sflag:s21] =	ssyncadd.s32 $0xFFFFFC00  }
0x94: {  	[bflag:$0x0] =	sbarrier.arrive $0xFFFF  }
0x95: {  	s10 =	simm.s32 $0x16400;
	s13 =	simm.s32 $0x0;
	s18 =	rddreg [dreg:$0x6]  }
0x96: {  	[tilespmem:s10], [sflag:$0xB] =	stream.linear.gather [hbm4b:s18+s13], $0x20, $0x38;
	[tilespmem:$0x1E900] =	vst v63  }
0x97: {  	_ =	swait.ge [sflag:s21], $0x20  }
0x98: {  	[sflag:s21] =	ssyncset.done $0x0  }
0x99: {  	s22 =	rddreg [dreg:$0x7];
	[sflag:s21] =	ssyncadd.s32 $0xFFFFFFE0  }
0x9a: {  	[tilespmem:s23], [sflag:$0xB] =	stream.linear.gather [hbm4b:s22+s13], $0x20, $0x38;
	[tilespmem:$0x1E900] =	vst v63  }
0x9b: {  	_ =	swait.ge [sflag:s21], $0x20  }
0x9c: {  	[sflag:s21] =	ssyncset.done $0x0  }
0x9d: {  	[sflag:s21] =	ssyncadd.s32 $0xFFFFFFE0  }
0x9e: {  	v13 =	vld [tilespmem:$0x16400]  }
0x9f: {  	v14 =	vld [tilespmem:$0x16500];
	_ =	sdelay $0x1  }
0xa0: {  	v15 =	vld [tilespmem:$0x16410]  }
0xa1: {  	v16 =	vld [tilespmem:$0x16510]  }
0xa2: {  	v13 =	vshll.u32 v13, $0x1  }
0xa3: {  	v17 =	vshrl.u32 v14, $0x3;
	v13 =	vor.u32 v0, v13  }
0xa4: {  	[tilespmem:$0x16600] =	vst v13;
	v13 =	vadd.s32 $0x2780, v17  }
0xa5: {  	[tilespmem:$0x16700] =	vst v13;
	v13 =	vand.u32 $0x7, v14;
	v14 =	vshll.u32 v15, $0x1  }
0xa6: {  	[tilespmem:$0x16800] =	vst v13;
	v13 =	vor.u32 v0, v14;
	v14 =	vshrl.u32 v16, $0x3  }
0xa7: {  	[tilespmem:$0x16610] =	vst v13;
	v13 =	vadd.s32 $0x2780, v14  }
0xa8: {  	[tilespmem:$0x16710] =	vst v13;
	v13 =	vand.u32 $0x7, v16  }
0xa9: {  	s25 =	simm.s32 $0x16600;
	s26 =	simm.s32 $0x1A900;
	[tilespmem:$0x16810] =	vst v13  }
0xaa: {  	[tilespmem:s26], [sflag:$0x1] =	stream.indirect.gather [hbm4b:s5+s24], $0x80, s25, s24, $0xb8;
	[tilespmem:$0x1E900] =	vst v63  }
0xab: {  	s29 =	simm.s32 $0x16900  }
0xac: {  	[tilespmem:s29], [sflag:$0x3] =	stream.indirect.gather [hbm4b:s30+s24], $0x80, s10, s24, $0xb8;
	[tilespmem:$0x1E900] =	vst v63  }
0xad: {  	s31 =	simm.s32 $0x18900;
	s25 =	simm.s32 $0x0  }
0xae: {  	[tilespmem:s31], [sflag:$0x5] =	stream.indirect.gather [hbm4b:s6+s24], $0x80, s23, s24, $0xb8;
	[tilespmem:$0x1E900] =	vst v63  }
.LBB2_4:
0xaf: {  	s26 =	sshll.u32 s25, $0x6;
	s1 =	rddreg [dreg:$0x8]  }
0xb0: {  	s1 =	sadd.s32 s26, s1  }
0xb1: {  	s1 =	sshrl.u32 s1, $0x3  }
0xb2: {  	s13 =	simm.s32 $0x16480;
	s10 =	sadd.s32 s7, s1  }
0xb3: {  	[tilespmem:s13], [sflag:$0xB] =	stream.linear.gather [hbm4b:s10+s3], $0x20, $0x38;
	[tilespmem:$0x1E900] =	vst v63  }
0xb4: {  	_ =	swait.ge [sflag:s21], $0x20  }
0xb5: {  	[sflag:s21] =	ssyncset.done $0x0  }
0xb6: {  	s1 =	sadd.s32 s8, s1;
	[sflag:s21] =	ssyncadd.s32 $0xFFFFFFE0  }
0xb7: {  	[tilespmem:s28], [sflag:$0xB] =	stream.linear.gather [hbm4b:s1+s3], $0x20, $0x38;
	[tilespmem:$0x1E900] =	vst v63  }
0xb8: {  	_ =	swait.ge [sflag:s21], $0x20  }
0xb9: {  	[sflag:s21] =	ssyncset.done $0x0  }
0xba: {  	[sflag:s21] =	ssyncadd.s32 $0xFFFFFFE0  }
0xbb: {  	v13 =	vld [tilespmem:$0x16480]  }
0xbc: {  	v14 =	vld [tilespmem:$0x16580];
	_ =	sdelay $0x1  }
0xbd: {  	v15 =	vld [tilespmem:$0x16490]  }
0xbe: {  	v16 =	vld [tilespmem:$0x16590]  }
0xbf: {  	v13 =	vshll.u32 v13, $0x1  }
0xc0: {  	v17 =	vshrl.u32 v14, $0x3;
	v13 =	vor.u32 v0, v13  }
0xc1: {  	[tilespmem:$0x16680] =	vst v13;
	v13 =	vadd.s32 $0x2780, v17  }
0xc2: {  	[tilespmem:$0x16780] =	vst v13;
	v13 =	vand.u32 $0x7, v14;
	v14 =	vshll.u32 v15, $0x1  }
0xc3: {  	[tilespmem:$0x16880] =	vst v13;
	v13 =	vor.u32 v0, v14;
	v14 =	vshrl.u32 v16, $0x3  }
0xc4: {  	[tilespmem:$0x16690] =	vst v13;
	v13 =	vadd.s32 $0x2780, v14  }
0xc5: {  	[tilespmem:$0x16790] =	vst v13;
	v13 =	vand.u32 $0x7, v16  }
0xc6: {  	s14 =	simm.s32 $0x16680;
	s18 =	simm.s32 $0x1B900;
	[tilespmem:$0x16890] =	vst v13  }
0xc7: {  	[tilespmem:s18], [sflag:$0x2] =	stream.indirect.gather [hbm4b:s5+s24], $0x80, s14, s24, $0xb8;
	[tilespmem:$0x1E900] =	vst v63  }
0xc8: {  	s22 =	simm.s32 $0x17900  }
0xc9: {  	[tilespmem:s22], [sflag:$0x4] =	stream.indirect.gather [hbm4b:s30+s24], $0x80, s13, s24, $0xb8;
	[tilespmem:$0x1E900] =	vst v63  }
0xca: {  	s10 =	simm.s32 $0x19900  }
0xcb: {  	[tilespmem:s10], [sflag:$0x6] =	stream.indirect.gather [hbm4b:s6+s24], $0x80, s28, s24, $0xb8;
	[tilespmem:$0x1E900] =	vst v63  }
0xcc: {  	_ =	swait.ge [sflag:s15], $0x1000  }
0xcd: {  	[sflag:s15] =	ssyncset.done $0x0  }
0xce: {  	[sflag:s15] =	ssyncadd.s32 $0xFFFFF000  }
0xcf: {  	_ =	swait.ge [sflag:s16], $0x1000  }
0xd0: {  	[sflag:s16] =	ssyncset.done $0x0  }
0xd1: {  	[sflag:s16] =	ssyncadd.s32 $0xFFFFF000  }
0xd2: {  	_ =	swait.ge [sflag:s17], $0x1000  }
0xd3: {  	p0 =	seq.s32 s25, $0x0;
	[sflag:s17] =	ssyncset.done $0x0  }
0xd4: {  	s1 =	simm.s32 @!p0 $0x8;
	[sflag:s17] =	ssyncadd.s32 $0xFFFFF000  }
0xd5: {  	_ =	swait.ge @!p0 [sflag:s1], $0x1000  }
0xd6: {  	[sflag:s1] =	ssyncset.done @!p0 $0x0  }
0xd7: {  	[sflag:s1] =	ssyncadd.s32 @!p0 $0xFFFFF000;
	s1 =	simm.s32 @!p0 $0xA  }
0xd8: {  	_ =	swait.ge @!p0 [sflag:s1], $0x1000  }
0xd9: {  	[sflag:s1] =	ssyncset.done @!p0 $0x0  }
0xda: {  	s28 =	simm.s32 $0x16900;
	[sflag:s1] =	ssyncadd.s32 @!p0 $0xFFFFF000  }
0xdb: {  	s29 =	simm.s32 $0x18900;
	v13 =	vld [tilespmem:s28+$0x0]  }
0xdc: {  	v14 =	vld [tilespmem:s29+$0x0];
	_ =	sdelay $0x4  }
0xdd: {  	v13 =	vadd.f32 v14, v13;
	_ =	sdelay $0x1  }
0xde: {  	v14 =	vmul.f32 $2.000000030e-01, v13;
	_ =	sdelay $0x1  }
0xdf: {  	v13 =	vmax.f32 v13, v14  }
0xe0: {  	v13 =	vmul.f32 $1.442695020e+00, v13;
	_ =	sdelay $0x1  }
0xe1: {  	(erf) = vpow2.f32 v13;
	_ =	sdelay $0x5  }
0xe2: {  	s13 =	simm.s32 $0x1A940  }
0xe3: {  	v14 =	vld [tilespmem:s13+$0xFFFFFFC0];
	_ =	sdelay $0x1  }
0xe4: {  	v13 =	vpop (erf)  }
0xe5: {  	v15 =	vperm.xlane v13, v1;
	_ =	sdelay $0x1  }
0xe6: {  	v14 =	vmul.f32 v14, v15  }
0xe7: {  	s14 =	simm.s32 $0x1C940  }
0xe8: {  	[tilespmem:s14+$0xFFFFFFC0] =	vst v14  }
0xe9: {  	v14 =	vld [tilespmem:s13+$0xFFFFFFD0];
	_ =	sdelay $0x4  }
0xea: {  	v14 =	vmul.f32 v14, v15;
	_ =	sdelay $0x1  }
0xeb: {  	[tilespmem:s14+$0xFFFFFFD0] =	vst v14  }
0xec: {  	v14 =	vld [tilespmem:s13+$0xFFFFFFE0];
	_ =	sdelay $0x2  }
0xed: {  	v15 =	vperm.xlane v13, v2;
	_ =	sdelay $0x1  }
0xee: {  	v14 =	vmul.f32 v14, v15;
	_ =	sdelay $0x1  }
0xef: {  	[tilespmem:s14+$0xFFFFFFE0] =	vst v14  }
0xf0: {  	v14 =	vld [tilespmem:s13+$0xFFFFFFF0];
	_ =	sdelay $0x4  }
0xf1: {  	v14 =	vmul.f32 v14, v15;
	_ =	sdelay $0x1  }
0xf2: {  	[tilespmem:s14+$0xFFFFFFF0] =	vst v14  }
0xf3: {  	v14 =	vld [tilespmem:s13+$0x0];
	_ =	sdelay $0x2  }
0xf4: {  	v15 =	vperm.xlane v13, v3;
	_ =	sdelay $0x1  }
0xf5: {  	v14 =	vmul.f32 v14, v15;
	_ =	sdelay $0x1  }
0xf6: {  	[tilespmem:s14+$0x0] =	vst v14  }
0xf7: {  	v14 =	vld [tilespmem:s13+$0x10];
	_ =	sdelay $0x4  }
0xf8: {  	v14 =	vmul.f32 v14, v15;
	_ =	sdelay $0x1  }
0xf9: {  	[tilespmem:s14+$0x10] =	vst v14  }
0xfa: {  	v14 =	vld [tilespmem:s13+$0x20];
	_ =	sdelay $0x2  }
0xfb: {  	v15 =	vperm.xlane v13, v4;
	_ =	sdelay $0x1  }
0xfc: {  	v14 =	vmul.f32 v14, v15;
	_ =	sdelay $0x1  }
0xfd: {  	[tilespmem:s14+$0x20] =	vst v14  }
0xfe: {  	v14 =	vld [tilespmem:s13+$0x30];
	_ =	sdelay $0x4  }
0xff: {  	v14 =	vmul.f32 v14, v15  }
0x100: {  	s18 =	simm.s32 $0x0  }
0x101: {  	s22 =	sand.u32 $0x10, s18;
	[tilespmem:s14+$0x30] =	vst v14  }
0x102: {  	v14 =	vld [tilespmem:s22+$0x16800];
	_ =	sdelay $0x3  }
0x103: {  	v15 =	vmov s18  }
0x104: {  	v16 =	vperm.xlane v14, v15;
	_ =	sdelay $0x1  }
0x105: {  	v14 =	vsub.s32 $0x0, v16;
	v15 =	vadd.s32 v6, v16;
	v17 =	vadd.s32 v7, v16  }
0x106: {  	v22 =	vadd.s32 v10, v16;
	v18 =	vmin.u32 v16, v14;
	v14 =	vsub.s32 $0x0, v15  }
0x107: {  	v19 =	vsub.s32 $0x0, v17;
	v23 =	vsub.s32 $0x0, v22;
	v14 =	vmin.u32 v15, v14  }
0x108: {  	v17 =	vmin.u32 v17, v19;
	v15 =	vadd.s32 v12, v16;
	vm0 =	vlt.s32 v18, $0x1  }
0x109: {  	v23 =	vmin.u32 v22, v23;
	vm1 =	vlt.s32 v14, $0x1;
	vm2 =	vlt.s32 v17, $0x1  }
0x10a: {  	v18 =	vnsel vm0, $0x1, v18;
	vm0 =	vlt.s32 v23, $0x1;
	v19 =	vnsel vm1, $0x1, v14  }
0x10b: {  	v22 =	vsub.s32 $0x0, v15;
	v17 =	vnsel vm2, $0x1, v17;
	v19 =	vsub.s32 $0x1, v19  }
0x10c: {  	v14 =	vadd.s32 v11, v16;
	v17 =	vsub.s32 $0x1, v17;
	v19 =	vcvt.s32.f32 v19  }
0x10d: {  	s31 =	smov.u32 s30;
	s30 =	simm.s32 $0x1C9C0;
	s10 =	simm.s32 $0x1A9C0;
	v21 =	vsub.s32 $0x1, v18;
	v18 =	vadd.s32 v9, v16;
	v20 =	vcvt.s32.f32 v17  }
0x10e: {  	s1 =	simm.s32 $0x1D940;
	s13 =	simm.s32 $0x1D940;
	s14 =	simm.s32 $0x1;
	v17 =	vadd.s32 v8, v16;
	v16 =	vsub.s32 $0x0, v14;
	v19 =	vmul.f32 v19, v13  }
.LBB2_5:
0x10f: {  	v21 =	vcvt.s32.f32 v21;
	v20 =	vmul.f32 v20, v13;
	v23 =	vnsel vm0, $0x1, v23;
	s29 =	sadd.s32 $0x80, s29;
	s28 =	sadd.s32 $0x80, s28;
	s13 =	sadd.s32 $0x80, s13  }
0x110: {  	p0 =	sne.s32 s14, $0x1F;
	v24 =	vsub.s32 $0x0, v18;
	v15 =	vmin.u32 v15, v22;
	s22 =	smov.u32 s14;
	s14 =	sadd.s32 $0x1, s14;
	[tilespmem:s1+$0xFFFFFFD0] =	vst v19;
	v19 =	vsub.s32 $0x0, v17  }
0x111: {  	v21 =	vmul.f32 v21, v13;
	[tilespmem:s1+$0xFFFFFFE0] =	vst v20;
	v17 =	vmin.u32 v17, v19;
	v19 =	vsub.s32 $0x1, v23  }
0x112: {  	v18 =	vmin.u32 v18, v24;
	vm0 =	vlt.s32 v17, $0x1;
	v19 =	vcvt.s32.f32 v19  }
0x113: {  	v14 =	vmin.u32 v14, v16;
	[tilespmem:s1+$0xFFFFFFC0] =	vst v21;
	v17 =	vnsel vm0, $0x1, v17;
	vm0 =	vlt.s32 v18, $0x1  }
0x114: {  	v16 =	vsub.s32 $0x1, v17;
	v17 =	vnsel vm0, $0x1, v18;
	vm0 =	vlt.s32 v15, $0x1  }
0x115: {  	v16 =	vcvt.s32.f32 v16;
	v17 =	vsub.s32 $0x1, v17;
	v15 =	vnsel vm0, $0x1, v15  }
0x116: {  	v18 =	vmul.f32 v19, v13;
	vm0 =	vlt.s32 v14, $0x1;
	v15 =	vsub.s32 $0x1, v15  }
0x117: {  	v17 =	vcvt.s32.f32 v17;
	v14 =	vnsel vm0, $0x1, v14;
	v16 =	vmul.f32 v16, v13  }
0x118: {  	v14 =	vsub.s32 $0x1, v14;
	v15 =	vcvt.s32.f32 v15;
	[tilespmem:s1+$0x10] =	vst v18  }
0x119: {  	v14 =	vcvt.s32.f32 v14;
	[tilespmem:s1+$0xFFFFFFF0] =	vst v16;
	v16 =	vmul.f32 v17, v13  }
0x11a: {  	v15 =	vmul.f32 v15, v13  }
0x11b: {  	v13 =	vmul.f32 v14, v13;
	[tilespmem:s1+$0x0] =	vst v16  }
0x11c: {  	[tilespmem:s1+$0x30] =	vst v15  }
0x11d: {  	[tilespmem:s1+$0x20] =	vst v13;
	s1 =	smov.u32 s13  }
0x11e: {  	v13 =	vld [tilespmem:s28+$0x0]  }
0x11f: {  	v14 =	vld [tilespmem:s29+$0x0];
	_ =	sdelay $0x4  }
0x120: {  	v13 =	vadd.f32 v14, v13;
	_ =	sdelay $0x1  }
0x121: {  	v14 =	vmul.f32 $2.000000030e-01, v13;
	_ =	sdelay $0x1  }
0x122: {  	v13 =	vmax.f32 v13, v14  }
0x123: {  	v13 =	vmul.f32 $1.442695020e+00, v13;
	_ =	sdelay $0x1  }
0x124: {  	(erf) = vpow2.f32 v13;
	_ =	sdelay $0x6  }
0x125: {  	v14 =	vld [tilespmem:s10+$0xFFFFFFC0];
	_ =	sdelay $0x1  }
0x126: {  	v13 =	vpop (erf)  }
0x127: {  	v15 =	vperm.xlane v13, v1;
	_ =	sdelay $0x1  }
0x128: {  	v14 =	vmul.f32 v14, v15;
	_ =	sdelay $0x1  }
0x129: {  	[tilespmem:s30+$0xFFFFFFC0] =	vst v14  }
0x12a: {  	v14 =	vld [tilespmem:s10+$0xFFFFFFD0];
	_ =	sdelay $0x4  }
0x12b: {  	v14 =	vmul.f32 v14, v15;
	_ =	sdelay $0x1  }
0x12c: {  	[tilespmem:s30+$0xFFFFFFD0] =	vst v14  }
0x12d: {  	v14 =	vld [tilespmem:s10+$0xFFFFFFE0];
	_ =	sdelay $0x2  }
0x12e: {  	v15 =	vperm.xlane v13, v2;
	_ =	sdelay $0x1  }
0x12f: {  	v14 =	vmul.f32 v14, v15;
	_ =	sdelay $0x1  }
0x130: {  	[tilespmem:s30+$0xFFFFFFE0] =	vst v14  }
0x131: {  	v14 =	vld [tilespmem:s10+$0xFFFFFFF0];
	_ =	sdelay $0x4  }
0x132: {  	v14 =	vmul.f32 v14, v15;
	_ =	sdelay $0x1  }
0x133: {  	[tilespmem:s30+$0xFFFFFFF0] =	vst v14  }
0x134: {  	v14 =	vld [tilespmem:s10+$0x0];
	_ =	sdelay $0x2  }
0x135: {  	v15 =	vperm.xlane v13, v3;
	_ =	sdelay $0x1  }
0x136: {  	v14 =	vmul.f32 v14, v15;
	_ =	sdelay $0x1  }
0x137: {  	[tilespmem:s30+$0x0] =	vst v14  }
0x138: {  	v14 =	vld [tilespmem:s10+$0x10];
	_ =	sdelay $0x4  }
0x139: {  	v14 =	vmul.f32 v14, v15;
	_ =	sdelay $0x1  }
0x13a: {  	[tilespmem:s30+$0x10] =	vst v14  }
0x13b: {  	v14 =	vld [tilespmem:s10+$0x20];
	_ =	sdelay $0x2  }
0x13c: {  	v15 =	vperm.xlane v13, v4;
	_ =	sdelay $0x1  }
0x13d: {  	v14 =	vmul.f32 v14, v15;
	_ =	sdelay $0x1  }
0x13e: {  	[tilespmem:s30+$0x20] =	vst v14  }
0x13f: {  	v14 =	vld [tilespmem:s10+$0x30];
	_ =	sdelay $0x4  }
0x140: {  	v14 =	vmul.f32 v14, v15;
	_ =	sdelay $0x1  }
0x141: {  	s18 =	sand.u32 $0x10, s22;
	[tilespmem:s30+$0x30] =	vst v14  }
0x142: {  	v14 =	vld [tilespmem:s18+$0x16800];
	_ =	sdelay $0x3  }
0x143: {  	v15 =	vmov s22  }
0x144: {  	v16 =	vperm.xlane v14, v15;
	_ =	sdelay $0x1  }
0x145: {  	v14 =	vsub.s32 $0x0, v16;
	v15 =	vadd.s32 v6, v16;
	v17 =	vadd.s32 v7, v16  }
0x146: {  	v18 =	vmin.u32 v16, v14;
	v14 =	vsub.s32 $0x0, v15;
	v19 =	vsub.s32 $0x0, v17  }
0x147: {  	v14 =	vmin.u32 v15, v14;
	v17 =	vmin.u32 v17, v19;
	v15 =	vadd.s32 v12, v16  }
0x148: {  	vm0 =	vlt.s32 v18, $0x1;
	vm1 =	vlt.s32 v14, $0x1;
	vm2 =	vlt.s32 v17, $0x1  }
0x149: {  	v19 =	vnsel vm1, $0x1, v14;
	v17 =	vnsel vm2, $0x1, v17;
	v14 =	vadd.s32 v11, v16  }
.Ltmp1:
0x14a: {  	v22 =	vadd.s32 v10, v16;
	v19 =	vsub.s32 $0x1, v19;
	v17 =	vsub.s32 $0x1, v17;
	(pc) =	sbr.rel @p0 .LBB2_5-.Ltmp1, $4  }
0x14b: {  	v18 =	vnsel vm0, $0x1, v18;
	v19 =	vcvt.s32.f32 v19;
	v20 =	vcvt.s32.f32 v17  }
0x14c: {  	v23 =	vsub.s32 $0x0, v22;
	v21 =	vsub.s32 $0x1, v18;
	v17 =	vadd.s32 v8, v16  }
0x14d: {  	v23 =	vmin.u32 v22, v23;
	v18 =	vadd.s32 v9, v16;
	v19 =	vmul.f32 v19, v13  }
0x14e: {  	s10 =	sadd.s32 $0x80, s10;
	s30 =	sadd.s32 $0x80, s30;
	vm0 =	vlt.s32 v23, $0x1;
	v22 =	vsub.s32 $0x0, v15;
	v16 =	vsub.s32 $0x0, v14  }
0x14f: {  	v21 =	vcvt.s32.f32 v21;
	v20 =	vmul.f32 v20, v13  }
0x150: {  	v23 =	vnsel vm0, $0x1, v23;
	v24 =	vsub.s32 $0x0, v17;
	v15 =	vmin.u32 v15, v22  }
0x151: {  	v22 =	vsub.s32 $0x0, v18;
	v14 =	vmin.u32 v14, v16;
	v17 =	vmin.u32 v17, v24  }
0x152: {  	v23 =	vsub.s32 $0x1, v23;
	v18 =	vmin.u32 v18, v22;
	vm0 =	vlt.s32 v17, $0x1  }
0x153: {  	v22 =	vcvt.s32.f32 v23;
	v17 =	vnsel vm0, $0x1, v17;
	vm0 =	vlt.s32 v18, $0x1  }
0x154: {  	v21 =	vmul.f32 v21, v13;
	v16 =	vsub.s32 $0x1, v17;
	v17 =	vnsel vm0, $0x1, v18  }
0x155: {  	vm0 =	vlt.s32 v15, $0x1;
	v18 =	vmul.f32 v22, v13;
	v16 =	vcvt.s32.f32 v16  }
0x156: {  	[tilespmem:s1+$0xFFFFFFD0] =	vst v19;
	v17 =	vsub.s32 $0x1, v17;
	v15 =	vnsel vm0, $0x1, v15;
	vm0 =	vlt.s32 v14, $0x1  }
0x157: {  	[tilespmem:s1+$0xFFFFFFE0] =	vst v20;
	v15 =	vsub.s32 $0x1, v15;
	v17 =	vcvt.s32.f32 v17;
	v14 =	vnsel vm0, $0x1, v14  }
0x158: {  	[tilespmem:s1+$0xFFFFFFC0] =	vst v21;
	v16 =	vmul.f32 v16, v13;
	v14 =	vsub.s32 $0x1, v14;
	v15 =	vcvt.s32.f32 v15  }
0x159: {  	[tilespmem:s1+$0x10] =	vst v18;
	v17 =	vmul.f32 v17, v13;
	v14 =	vcvt.s32.f32 v14  }
0x15a: {  	[tilespmem:s1+$0xFFFFFFF0] =	vst v16;
	v15 =	vmul.f32 v15, v13  }
0x15b: {  	[tilespmem:s1+$0x0] =	vst v17;
	v13 =	vmul.f32 v14, v13  }
0x15c: {  	s14 =	rddreg [dreg:$0x9];
	[tilespmem:s1+$0x30] =	vst v15  }
0x15d: {  	[tilespmem:s1+$0x20] =	vst v13;
	s1 =	sadd.s32 s26, s14  }
0x15e: {  	[spmem:s2] =	stream.indirect.scatter.add.f32 [tilespmem:s20], [sflag:$0x7], $0x80, s23, s24, $0xb8;
	[tilespmem:$0x1E900] =	vst v63  }
0x15f: {  	s13 =	simm.s32 $0x16700;
	s10 =	simm.s32 $0x1D900;
	s18 =	sshrl.u32 s1, $0x3  }
0x160: {  	[spmem:s2] =	stream.indirect.scatter.add.f32 [tilespmem:s10], [sflag:$0x9], $0x80, s13, s24, $0xb8;
	[tilespmem:$0x1E900] =	vst v63  }
0x161: {  	s14 =	simm.s32 $0x16400;
	s1 =	simm.s32 $0x0;
	s13 =	sadd.s32 s7, s18  }
0x162: {  	[tilespmem:s14], [sflag:$0xB] =	stream.linear.gather [hbm4b:s13+s1], $0x20, $0x38;
	[tilespmem:$0x1E900] =	vst v63  }
0x163: {  	_ =	swait.ge [sflag:s21], $0x20  }
0x164: {  	[sflag:s21] =	ssyncset.done $0x0  }
0x165: {  	s10 =	sadd.s32 s8, s18;
	[sflag:s21] =	ssyncadd.s32 $0xFFFFFFE0  }
0x166: {  	[tilespmem:s23], [sflag:$0xB] =	stream.linear.gather [hbm4b:s10+s1], $0x20, $0x38;
	[tilespmem:$0x1E900] =	vst v63  }
0x167: {  	_ =	swait.ge [sflag:s21], $0x20  }
0x168: {  	[sflag:s21] =	ssyncset.done $0x0  }
0x169: {  	[sflag:s21] =	ssyncadd.s32 $0xFFFFFFE0  }
0x16a: {  	v13 =	vld [tilespmem:$0x16400]  }
0x16b: {  	v14 =	vld [tilespmem:$0x16500];
	_ =	sdelay $0x1  }
0x16c: {  	v15 =	vld [tilespmem:$0x16410]  }
0x16d: {  	v16 =	vld [tilespmem:$0x16510]  }
0x16e: {  	v13 =	vshll.u32 v13, $0x1  }
0x16f: {  	v17 =	vshrl.u32 v14, $0x3;
	v13 =	vor.u32 v0, v13  }
0x170: {  	[tilespmem:$0x16600] =	vst v13;
	v13 =	vadd.s32 $0x2780, v17  }
0x171: {  	[tilespmem:$0x16700] =	vst v13;
	v13 =	vand.u32 $0x7, v14;
	v14 =	vshll.u32 v15, $0x1  }
0x172: {  	[tilespmem:$0x16800] =	vst v13;
	v13 =	vor.u32 v0, v14;
	v14 =	vshrl.u32 v16, $0x3  }
0x173: {  	[tilespmem:$0x16610] =	vst v13;
	v13 =	vadd.s32 $0x2780, v14  }
0x174: {  	[tilespmem:$0x16710] =	vst v13;
	v13 =	vand.u32 $0x7, v16  }
0x175: {  	s22 =	simm.s32 $0x16600;
	s26 =	simm.s32 $0x1A900;
	[tilespmem:$0x16810] =	vst v13  }
0x176: {  	[tilespmem:s26], [sflag:$0x1] =	stream.indirect.gather [hbm4b:s5+s24], $0x80, s22, s24, $0xb8;
	[tilespmem:$0x1E900] =	vst v63  }
0x177: {  	s13 =	simm.s32 $0x16900  }
0x178: {  	[tilespmem:s13], [sflag:$0x3] =	stream.indirect.gather [hbm4b:s31+s24], $0x80, s14, s24, $0xb8;
	[tilespmem:$0x1E900] =	vst v63  }
0x179: {  	s14 =	simm.s32 $0x18900  }
0x17a: {  	[tilespmem:s14], [sflag:$0x5] =	stream.indirect.gather [hbm4b:s6+s24], $0x80, s23, s24, $0xb8;
	[tilespmem:$0x1E900] =	vst v63  }
0x17b: {  	_ =	swait.ge [sflag:s9], $0x1000  }
0x17c: {  	[sflag:s9] =	ssyncset.done $0x0  }
0x17d: {  	[sflag:s9] =	ssyncadd.s32 $0xFFFFF000  }
0x17e: {  	_ =	swait.ge [sflag:s0], $0x1000  }
0x17f: {  	[sflag:s0] =	ssyncset.done $0x0  }
0x180: {  	[sflag:s0] =	ssyncadd.s32 $0xFFFFF000  }
0x181: {  	_ =	swait.ge [sflag:s4], $0x1000  }
0x182: {  	[sflag:s4] =	ssyncset.done $0x0  }
0x183: {  	[sflag:s4] =	ssyncadd.s32 $0xFFFFF000  }
0x184: {  	_ =	swait.ge [sflag:s11], $0x1000  }
0x185: {  	[sflag:s11] =	ssyncset.done $0x0  }
0x186: {  	[sflag:s11] =	ssyncadd.s32 $0xFFFFF000  }
0x187: {  	_ =	swait.ge [sflag:s12], $0x1000  }
0x188: {  	[sflag:s12] =	ssyncset.done $0x0  }
0x189: {  	s26 =	simm.s32 $0x17900;
	[sflag:s12] =	ssyncadd.s32 $0xFFFFF000  }
0x18a: {  	s28 =	simm.s32 $0x19900;
	v13 =	vld [tilespmem:s26+$0x0]  }
0x18b: {  	v14 =	vld [tilespmem:s28+$0x0];
	_ =	sdelay $0x4  }
0x18c: {  	v13 =	vadd.f32 v14, v13;
	_ =	sdelay $0x1  }
0x18d: {  	v14 =	vmul.f32 $2.000000030e-01, v13;
	_ =	sdelay $0x1  }
0x18e: {  	v13 =	vmax.f32 v13, v14  }
0x18f: {  	v13 =	vmul.f32 $1.442695020e+00, v13;
	_ =	sdelay $0x1  }
0x190: {  	(erf) = vpow2.f32 v13;
	_ =	sdelay $0x5  }
0x191: {  	s18 =	simm.s32 $0x1B940  }
0x192: {  	v14 =	vld [tilespmem:s18+$0xFFFFFFC0];
	_ =	sdelay $0x1  }
0x193: {  	v13 =	vpop (erf)  }
0x194: {  	v15 =	vperm.xlane v13, v1;
	_ =	sdelay $0x1  }
0x195: {  	v14 =	vmul.f32 v14, v15  }
0x196: {  	s22 =	simm.s32 $0x1C940  }
0x197: {  	[tilespmem:s22+$0xFFFFFFC0] =	vst v14  }
0x198: {  	v14 =	vld [tilespmem:s18+$0xFFFFFFD0];
	_ =	sdelay $0x4  }
0x199: {  	v14 =	vmul.f32 v14, v15;
	_ =	sdelay $0x1  }
0x19a: {  	[tilespmem:s22+$0xFFFFFFD0] =	vst v14  }
0x19b: {  	v14 =	vld [tilespmem:s18+$0xFFFFFFE0];
	_ =	sdelay $0x2  }
0x19c: {  	v15 =	vperm.xlane v13, v2;
	_ =	sdelay $0x1  }
0x19d: {  	v14 =	vmul.f32 v14, v15;
	_ =	sdelay $0x1  }
0x19e: {  	[tilespmem:s22+$0xFFFFFFE0] =	vst v14  }
0x19f: {  	v14 =	vld [tilespmem:s18+$0xFFFFFFF0];
	_ =	sdelay $0x4  }
0x1a0: {  	v14 =	vmul.f32 v14, v15;
	_ =	sdelay $0x1  }
0x1a1: {  	[tilespmem:s22+$0xFFFFFFF0] =	vst v14  }
0x1a2: {  	v14 =	vld [tilespmem:s18+$0x0];
	_ =	sdelay $0x2  }
0x1a3: {  	v15 =	vperm.xlane v13, v3;
	_ =	sdelay $0x1  }
0x1a4: {  	v14 =	vmul.f32 v14, v15;
	_ =	sdelay $0x1  }
0x1a5: {  	[tilespmem:s22+$0x0] =	vst v14  }
0x1a6: {  	v14 =	vld [tilespmem:s18+$0x10];
	_ =	sdelay $0x4  }
0x1a7: {  	v14 =	vmul.f32 v14, v15;
	_ =	sdelay $0x1  }
0x1a8: {  	[tilespmem:s22+$0x10] =	vst v14  }
0x1a9: {  	v14 =	vld [tilespmem:s18+$0x20];
	_ =	sdelay $0x2  }
0x1aa: {  	v15 =	vperm.xlane v13, v4;
	_ =	sdelay $0x1  }
0x1ab: {  	v14 =	vmul.f32 v14, v15;
	_ =	sdelay $0x1  }
0x1ac: {  	[tilespmem:s22+$0x20] =	vst v14  }
0x1ad: {  	v14 =	vld [tilespmem:s18+$0x30];
	_ =	sdelay $0x4  }
0x1ae: {  	v14 =	vmul.f32 v14, v15;
	_ =	sdelay $0x1  }
0x1af: {  	s30 =	smov.u32 s31;
	s31 =	sand.u32 $0x10, s1;
	[tilespmem:s22+$0x30] =	vst v14  }
0x1b0: {  	v14 =	vld [tilespmem:s31+$0x16880];
	_ =	sdelay $0x3  }
0x1b1: {  	v15 =	vmov s1  }
0x1b2: {  	v16 =	vperm.xlane v14, v15;
	_ =	sdelay $0x1  }
0x1b3: {  	v14 =	vsub.s32 $0x0, v16;
	v15 =	vadd.s32 v6, v16;
	v17 =	vadd.s32 v7, v16  }
0x1b4: {  	v22 =	vadd.s32 v10, v16;
	v18 =	vmin.u32 v16, v14;
	v14 =	vsub.s32 $0x0, v15  }
0x1b5: {  	v19 =	vsub.s32 $0x0, v17;
	v23 =	vsub.s32 $0x0, v22;
	v14 =	vmin.u32 v15, v14  }
0x1b6: {  	v17 =	vmin.u32 v17, v19;
	v15 =	vadd.s32 v12, v16;
	vm0 =	vlt.s32 v18, $0x1  }
0x1b7: {  	v23 =	vmin.u32 v22, v23;
	vm1 =	vlt.s32 v14, $0x1;
	vm2 =	vlt.s32 v17, $0x1  }
0x1b8: {  	v18 =	vnsel vm0, $0x1, v18;
	vm0 =	vlt.s32 v23, $0x1;
	v19 =	vnsel vm1, $0x1, v14  }
0x1b9: {  	v22 =	vsub.s32 $0x0, v15;
	v17 =	vnsel vm2, $0x1, v17;
	v19 =	vsub.s32 $0x1, v19  }
0x1ba: {  	v14 =	vadd.s32 v11, v16;
	v17 =	vsub.s32 $0x1, v17;
	v19 =	vcvt.s32.f32 v19  }
0x1bb: {  	s29 =	simm.s32 $0x1C9C0;
	s10 =	simm.s32 $0x1B9C0;
	v21 =	vsub.s32 $0x1, v18;
	v18 =	vadd.s32 v9, v16;
	v20 =	vcvt.s32.f32 v17  }
0x1bc: {  	s13 =	simm.s32 $0x1D940;
	s14 =	simm.s32 $0x1;
	s1 =	simm.s32 $0x1D940;
	v17 =	vadd.s32 v8, v16;
	v16 =	vsub.s32 $0x0, v14;
	v19 =	vmul.f32 v19, v13  }
.LBB2_7:
0x1bd: {  	v21 =	vcvt.s32.f32 v21;
	v20 =	vmul.f32 v20, v13;
	v23 =	vnsel vm0, $0x1, v23;
	s28 =	sadd.s32 $0x80, s28;
	s26 =	sadd.s32 $0x80, s26;
	s13 =	sadd.s32 $0x80, s13  }
0x1be: {  	p0 =	sne.s32 s14, $0x1F;
	v24 =	vsub.s32 $0x0, v18;
	v15 =	vmin.u32 v15, v22;
	s22 =	smov.u32 s14;
	s14 =	sadd.s32 $0x1, s14;
	[tilespmem:s1+$0xFFFFFFD0] =	vst v19;
	v19 =	vsub.s32 $0x0, v17  }
0x1bf: {  	v21 =	vmul.f32 v21, v13;
	[tilespmem:s1+$0xFFFFFFE0] =	vst v20;
	v17 =	vmin.u32 v17, v19;
	v19 =	vsub.s32 $0x1, v23  }
0x1c0: {  	v18 =	vmin.u32 v18, v24;
	vm0 =	vlt.s32 v17, $0x1;
	v19 =	vcvt.s32.f32 v19  }
0x1c1: {  	v14 =	vmin.u32 v14, v16;
	[tilespmem:s1+$0xFFFFFFC0] =	vst v21;
	v17 =	vnsel vm0, $0x1, v17;
	vm0 =	vlt.s32 v18, $0x1  }
0x1c2: {  	v16 =	vsub.s32 $0x1, v17;
	v17 =	vnsel vm0, $0x1, v18;
	vm0 =	vlt.s32 v15, $0x1  }
0x1c3: {  	v16 =	vcvt.s32.f32 v16;
	v17 =	vsub.s32 $0x1, v17;
	v15 =	vnsel vm0, $0x1, v15  }
0x1c4: {  	v18 =	vmul.f32 v19, v13;
	vm0 =	vlt.s32 v14, $0x1;
	v15 =	vsub.s32 $0x1, v15  }
0x1c5: {  	v17 =	vcvt.s32.f32 v17;
	v14 =	vnsel vm0, $0x1, v14;
	v16 =	vmul.f32 v16, v13  }
0x1c6: {  	v14 =	vsub.s32 $0x1, v14;
	v15 =	vcvt.s32.f32 v15;
	[tilespmem:s1+$0x10] =	vst v18  }
0x1c7: {  	v14 =	vcvt.s32.f32 v14;
	[tilespmem:s1+$0xFFFFFFF0] =	vst v16;
	v16 =	vmul.f32 v17, v13  }
0x1c8: {  	v15 =	vmul.f32 v15, v13  }
0x1c9: {  	v13 =	vmul.f32 v14, v13;
	[tilespmem:s1+$0x0] =	vst v16  }
0x1ca: {  	[tilespmem:s1+$0x30] =	vst v15  }
0x1cb: {  	[tilespmem:s1+$0x20] =	vst v13;
	s1 =	smov.u32 s13  }
0x1cc: {  	v13 =	vld [tilespmem:s26+$0x0]  }
0x1cd: {  	v14 =	vld [tilespmem:s28+$0x0];
	_ =	sdelay $0x4  }
0x1ce: {  	v13 =	vadd.f32 v14, v13;
	_ =	sdelay $0x1  }
0x1cf: {  	v14 =	vmul.f32 $2.000000030e-01, v13;
	_ =	sdelay $0x1  }
0x1d0: {  	v13 =	vmax.f32 v13, v14  }
0x1d1: {  	v13 =	vmul.f32 $1.442695020e+00, v13;
	_ =	sdelay $0x1  }
0x1d2: {  	(erf) = vpow2.f32 v13;
	_ =	sdelay $0x6  }
0x1d3: {  	v14 =	vld [tilespmem:s10+$0xFFFFFFC0];
	_ =	sdelay $0x1  }
0x1d4: {  	v13 =	vpop (erf)  }
0x1d5: {  	v15 =	vperm.xlane v13, v1;
	_ =	sdelay $0x1  }
0x1d6: {  	v14 =	vmul.f32 v14, v15;
	_ =	sdelay $0x1  }
0x1d7: {  	[tilespmem:s29+$0xFFFFFFC0] =	vst v14  }
0x1d8: {  	v14 =	vld [tilespmem:s10+$0xFFFFFFD0];
	_ =	sdelay $0x4  }
0x1d9: {  	v14 =	vmul.f32 v14, v15;
	_ =	sdelay $0x1  }
0x1da: {  	[tilespmem:s29+$0xFFFFFFD0] =	vst v14  }
0x1db: {  	v14 =	vld [tilespmem:s10+$0xFFFFFFE0];
	_ =	sdelay $0x2  }
0x1dc: {  	v15 =	vperm.xlane v13, v2;
	_ =	sdelay $0x1  }
0x1dd: {  	v14 =	vmul.f32 v14, v15;
	_ =	sdelay $0x1  }
0x1de: {  	[tilespmem:s29+$0xFFFFFFE0] =	vst v14  }
0x1df: {  	v14 =	vld [tilespmem:s10+$0xFFFFFFF0];
	_ =	sdelay $0x4  }
0x1e0: {  	v14 =	vmul.f32 v14, v15;
	_ =	sdelay $0x1  }
0x1e1: {  	[tilespmem:s29+$0xFFFFFFF0] =	vst v14  }
0x1e2: {  	v14 =	vld [tilespmem:s10+$0x0];
	_ =	sdelay $0x2  }
0x1e3: {  	v15 =	vperm.xlane v13, v3;
	_ =	sdelay $0x1  }
0x1e4: {  	v14 =	vmul.f32 v14, v15;
	_ =	sdelay $0x1  }
0x1e5: {  	[tilespmem:s29+$0x0] =	vst v14  }
0x1e6: {  	v14 =	vld [tilespmem:s10+$0x10];
	_ =	sdelay $0x4  }
0x1e7: {  	v14 =	vmul.f32 v14, v15;
	_ =	sdelay $0x1  }
0x1e8: {  	[tilespmem:s29+$0x10] =	vst v14  }
0x1e9: {  	v14 =	vld [tilespmem:s10+$0x20];
	_ =	sdelay $0x2  }
0x1ea: {  	v15 =	vperm.xlane v13, v4;
	_ =	sdelay $0x1  }
0x1eb: {  	v14 =	vmul.f32 v14, v15;
	_ =	sdelay $0x1  }
0x1ec: {  	[tilespmem:s29+$0x20] =	vst v14  }
0x1ed: {  	v14 =	vld [tilespmem:s10+$0x30];
	_ =	sdelay $0x4  }
0x1ee: {  	v14 =	vmul.f32 v14, v15;
	_ =	sdelay $0x1  }
0x1ef: {  	s18 =	sand.u32 $0x10, s22;
	[tilespmem:s29+$0x30] =	vst v14  }
0x1f0: {  	v14 =	vld [tilespmem:s18+$0x16880];
	_ =	sdelay $0x3  }
0x1f1: {  	v15 =	vmov s22  }
0x1f2: {  	v16 =	vperm.xlane v14, v15;
	_ =	sdelay $0x1  }
0x1f3: {  	v14 =	vsub.s32 $0x0, v16;
	v15 =	vadd.s32 v6, v16;
	v17 =	vadd.s32 v7, v16  }
0x1f4: {  	v18 =	vmin.u32 v16, v14;
	v14 =	vsub.s32 $0x0, v15;
	v19 =	vsub.s32 $0x0, v17  }
0x1f5: {  	v14 =	vmin.u32 v15, v14;
	v17 =	vmin.u32 v17, v19;
	v15 =	vadd.s32 v12, v16  }
0x1f6: {  	vm0 =	vlt.s32 v18, $0x1;
	vm1 =	vlt.s32 v14, $0x1;
	vm2 =	vlt.s32 v17, $0x1  }
0x1f7: {  	v19 =	vnsel vm1, $0x1, v14;
	v17 =	vnsel vm2, $0x1, v17;
	v14 =	vadd.s32 v11, v16  }
.Ltmp2:
0x1f8: {  	v22 =	vadd.s32 v10, v16;
	v19 =	vsub.s32 $0x1, v19;
	v17 =	vsub.s32 $0x1, v17;
	(pc) =	sbr.rel @p0 .LBB2_7-.Ltmp2, $4  }
0x1f9: {  	v18 =	vnsel vm0, $0x1, v18;
	v19 =	vcvt.s32.f32 v19;
	v20 =	vcvt.s32.f32 v17  }
0x1fa: {  	v23 =	vsub.s32 $0x0, v22;
	v21 =	vsub.s32 $0x1, v18;
	v17 =	vadd.s32 v8, v16  }
0x1fb: {  	v23 =	vmin.u32 v22, v23;
	v18 =	vadd.s32 v9, v16;
	v19 =	vmul.f32 v19, v13  }
0x1fc: {  	s10 =	sadd.s32 $0x80, s10;
	s29 =	sadd.s32 $0x80, s29;
	vm0 =	vlt.s32 v23, $0x1;
	v22 =	vsub.s32 $0x0, v15;
	v16 =	vsub.s32 $0x0, v14  }
0x1fd: {  	v21 =	vcvt.s32.f32 v21;
	v20 =	vmul.f32 v20, v13  }
0x1fe: {  	v23 =	vnsel vm0, $0x1, v23;
	v24 =	vsub.s32 $0x0, v17;
	v15 =	vmin.u32 v15, v22  }
0x1ff: {  	v59 =	vsub.s32 $0x0, v18;
	v14 =	vmin.u32 v14, v16;
	v17 =	vmin.u32 v17, v24  }
0x200: {  	v23 =	vsub.s32 $0x1, v23;
	v18 =	vmin.u32 v18, v59;
	vm14 =	vlt.s32 v15, $0x1  }
0x201: {  	vm15 =	vlt.s32 v14, $0x1;
	v21 =	vmul.f32 v21, v13;
	vm12 =	vlt.s32 v17, $0x1  }
0x202: {  	v60 =	vcvt.s32.f32 v23;
	vm13 =	vlt.s32 v18, $0x1;
	v15 =	vnsel vm14, $0x1, v15  }
0x203: {  	v14 =	vnsel vm15, $0x1, v14;
	v17 =	vnsel vm12, $0x1, v17;
	v15 =	vsub.s32 $0x1, v15  }
0x204: {  	[tilespmem:s1+$0xFFFFFFD0] =	vst v19;
	v62 =	vnsel vm13, $0x1, v18;
	v61 =	vsub.s32 $0x1, v17;
	v15 =	vcvt.s32.f32 v15  }
0x205: {  	[tilespmem:s1+$0xFFFFFFE0] =	vst v20;
	v17 =	vsub.s32 $0x1, v62;
	v63 =	vmul.f32 v60, v13;
	v16 =	vcvt.s32.f32 v61  }
0x206: {  	v14 =	vsub.s32 $0x1, v14;
	[tilespmem:s1+$0xFFFFFFC0] =	vst v21;
	v17 =	vcvt.s32.f32 v17;
	v15 =	vmul.f32 v15, v13  }
0x207: {  	v14 =	vcvt.s32.f32 v14;
	[tilespmem:s1+$0x10] =	vst v63;
	v16 =	vmul.f32 v16, v13  }
0x208: {  	s25 =	sadd.s32 $0x1, s25;
	v17 =	vmul.f32 v17, v13;
	[tilespmem:s1+$0x30] =	vst v15  }
0x209: {  	p0 =	sne.s32 s25, $0xA7;
	v13 =	vmul.f32 v14, v13;
	[tilespmem:s1+$0xFFFFFFF0] =	vst v16  }
.Ltmp3:
0x20a: {  	[tilespmem:s1+$0x0] =	vst v17;
	(pc) =	sbr.rel @p0 .LBB2_4-.Ltmp3, $4  }
0x20b: {  	s28 =	simm.s32 $0x16580;
	[tilespmem:s1+$0x20] =	vst v13  }
0x20c: {  	[spmem:s2] =	stream.indirect.scatter.add.f32 [tilespmem:s20], [sflag:$0x8], $0x80, s28, s24, $0xb8;
	[tilespmem:$0x1E900] =	vst v63  }
0x20d: {  	s31 =	simm.s32 $0x1D900;
	s10 =	simm.s32 $0x16780  }
0x20e: {  	[spmem:s2] =	stream.indirect.scatter.add.f32 [tilespmem:s31], [sflag:$0xA], $0x80, s10, s24, $0xb8;
	[tilespmem:$0x1E900] =	vst v63  }
0x20f: {  	_ =	swait.ge [sflag:s15], $0x1000  }
0x210: {  	[sflag:s15] =	ssyncset.done $0x0  }
0x211: {  	[sflag:s15] =	ssyncadd.s32 $0xFFFFF000  }
0x212: {  	_ =	swait.ge [sflag:s16], $0x1000  }
0x213: {  	[sflag:s16] =	ssyncset.done $0x0  }
0x214: {  	[sflag:s16] =	ssyncadd.s32 $0xFFFFF000  }
0x215: {  	_ =	swait.ge [sflag:s17], $0x1000  }
0x216: {  	[sflag:s17] =	ssyncset.done $0x0  }
0x217: {  	s1 =	simm.s32 $0x8;
	[sflag:s17] =	ssyncadd.s32 $0xFFFFF000  }
0x218: {  	_ =	swait.ge [sflag:s1], $0x1000  }
0x219: {  	[sflag:s1] =	ssyncset.done $0x0  }
0x21a: {  	s29 =	simm.s32 $0xA;
	[sflag:s1] =	ssyncadd.s32 $0xFFFFF000  }
0x21b: {  	_ =	swait.ge [sflag:s29], $0x1000  }
0x21c: {  	[sflag:s29] =	ssyncset.done $0x0  }
0x21d: {  	[sflag:s29] =	ssyncadd.s32 $0xFFFFF000  }
0x21e: {  	[bflag:$0x0] =	sbarrier.arrive $0xFFFF  }
0x21f: {  	s18 =	rddreg [dreg:$0x4]  }
0x220: {  	[tilespmem:s20], [sflag:$0xB] =	stream.linear.gather [spmem:s18], $0x1000, $0x38;
	[tilespmem:$0x1E900] =	vst v63  }
0x221: {  	_ =	swait.ge [sflag:s21], $0x1000  }
0x222: {  	[sflag:s21] =	ssyncset.done $0x0  }
0x223: {  	s31 =	sadd.s32 $0x0, s19;
	[sflag:s21] =	ssyncadd.s32 $0xFFFFF000  }
0x224: {  	[hbm4b:s31+s3] =	stream.linear.scatter [tilespmem:s20], [sflag:$0xB], $0x1000, $0x38;
	[tilespmem:$0x1E900] =	vst v63  }
0x225: {  	_ =	swait.ge [sflag:s21], $0x1000  }
0x226: {  	s1 =	simm.s32 $0x200;
	s10 =	smov.u32 s18;
	[sflag:s21] =	ssyncset.done $0x0  }
.LBB2_10:
0x227: {  	p0 =	sne.s32 s1, $0x2A00;
	[sflag:s21] =	ssyncadd.s32 $0xFFFFF000;
	s10 =	sadd.s32 $0x1000, s10  }
0x228: {  	[tilespmem:s20], [sflag:$0xB] =	stream.linear.gather [spmem:s10], $0x1000, $0x38;
	[tilespmem:$0x1E900] =	vst v63  }
0x229: {  	s13 =	smov.u32 s1;
	s1 =	sadd.s32 $0x200, s1;
	_ =	swait.ge [sflag:s21], $0x1000  }
.Ltmp4:
0x22a: {  	[sflag:s21] =	ssyncset.done $0x0;
	(pc) =	sbr.rel @p0 .LBB2_10-.Ltmp4, $4  }
0x22b: {  	s13 =	sadd.s32 s13, s19;
	[sflag:s21] =	ssyncadd.s32 $0xFFFFF000  }
0x22c: {  	[hbm4b:s13+s3] =	stream.linear.scatter [tilespmem:s20], [sflag:$0xB], $0x1000, $0x38;
	[tilespmem:$0x1E900] =	vst v63  }
0x22d: {  	_ =	swait.ge [sflag:s21], $0x1000  }
0x22e: {  	[sflag:s21] =	ssyncset.done $0x0  }
0x22f: {  	[sflag:s21] =	ssyncadd.s32 $0xFFFFF000;
	s22 =	rddreg [dreg:$0x5]  }
0x230: {  	[tilespmem:s20], [sflag:$0xB] =	stream.linear.gather [spmem:s22], $0x400, $0x38;
	[tilespmem:$0x1E900] =	vst v63  }
0x231: {  	_ =	swait.ge [sflag:s21], $0x400  }
0x232: {  	[sflag:s21] =	ssyncset.done $0x0  }
0x233: {  	s1 =	rddreg [dreg:$0xa];
	[sflag:s21] =	ssyncadd.s32 $0xFFFFFC00  }
0x234: {  	[hbm4b:s1+s3] =	stream.linear.scatter [tilespmem:s20], [sflag:$0xB], $0x400, $0x38;
	[tilespmem:$0x1E900] =	vst v63  }
0x235: {  	_ =	swait.ge [sflag:s21], $0x400  }
0x236: {  	s10 =	sld [smem:$0x7FC];
	_ =	sdelay $0x2  }
0x237: {  	s31 =	rddreg [dreg:$0xb];
	s10 =	sadd.s32 $0x1, s10  }
0x238: {  	p0 =	sne.s32 s10, s31  }
.Ltmp5:
0x239: {  	_ = 	snop;
	(pc) =	sbr.rel @p0 .LBB2_1-.Ltmp5, $3  }
0x23a: {  	_ =	sdelay $0x1  }
0x23b: {  	[sflag:s21] =	ssyncset.done $0x0  }
0x23c: {  	[sflag:s21] =	ssyncadd.s32 $0xFFFFFC00  }
0x23d: {  	_ =	sfence.sel $0x180000  }
0x23e: {  	[bflag:$0x0] =	sbarrier.arrive $0xFFFF  }
0x23f: {  	_ =	strace $0x9000004A  }
0x240: {  	s0 =	stileid.u32;
	[bflag:$0x2] =	sbarrier.arrive $0xFFFF  }
0x241: {  	p0 =	sne.s32 s0, $0x0;
	s0 =	rddreg [dreg:$0x3]  }
0x242: {  	s0 =	sadd.s32 @!p0 $0x100000, s0  }
0x243: {  	[sflag:s0] =	ssyncadd.tile.s32 @!p0 $0x1;
	_ =	shalt  }
.Lfunc_end2:
_tile_overlayer_lowered:
.L_overlay_start_2:
0x244: {  	(tag) =	ssettag $0x2  }
0x245: {  	s0 =	rddreg [dreg:$0x0];
	s2 =	stileid.u32  }
0x246: {  	s1 =	rddreg [dreg:$0x1];
	p0 =	sne.s32 s2, $0x0  }
0x247: {  	s3 =	rddreg [dreg:$0x2];
	[bflag:$0x3] =	sbarrier.arrive $0xFFFF;
	s2 =	simm.s32 @!p0 $0x1C0B  }
0x248: {  	[timem:s3], [sflag:s2] =	dma.local @!p0 [hbm:s0], s1  }
0x249: {  	s0 =	simm.s32 @!p0 $0xB  }
0x24a: {  	_ =	swait.ge @!p0 [sflag:s0], s1  }
0x24b: {  	s1 =	ssub.s32 @!p0 $0x0, s1;
	[sflag:s0] =	ssyncset.done @!p0 $0x0  }
0x24c: {  	[sflag:s0] =	ssyncadd.s32 @!p0 s1  }
0x24d: {  	[bflag:$0x3] =	sbarrier.arrive $0xFFFF  }
0x24e: {  	_ =	shalt  }

// kernel: kernel.7.cloned.1.call-start
scs
__scs_entry_jumppad:
0x0: {  	(pc) =	sbr.rel $0x88, $3  }
0x1: {  	(tag) =	ssettag $0x0;
	lr =	simm.s32 $0x1  }
0x2: {  	[smem:$0x3F97] =	sst lr;
	_ =	strace $0xD0000000  }
0x3: {  	_ = 	snop  }
0x4: {  	_ = 	snop  }
0x5: {  	_ = 	snop  }
0x6: {  	_ = 	snop  }
0x7: {  	_ = 	snop  }
__scs_overlays_trampoline_lowered:
0x8: {  	[smem:$0x3FA6] =	sst s0  }
0x9: {  	[smem:$0x3FA7] =	sst s1  }
0xa: {  	[smem:$0x3FA8] =	sst s2  }
0xb: {  	[smem:$0x3FA9] =	sst s3  }
0xc: {  	[smem:$0x3FAA] =	sst s4  }
0xd: {  	[smem:$0x3FAB] =	sst s5  }
0xe: {  	[smem:$0x3FAC] =	sst s6  }
0xf: {  	[smem:$0x3FAD] =	sst s7  }
0x10: {  	[smem:$0x3FAE] =	sst s8  }
0x11: {  	[smem:$0x3FAF] =	sst s9;
	s0 =	simm.s32 @!p0 $0x0  }
0x12: {  	s1 =	sld [smem:$0x3F95];
	s0 =	simm.s32 @p0 $0x1  }
0x13: {  	[smem:$0x3FB0] =	sst s0;
	s0 =	simm.s32 @!p1 $0x0  }
0x14: {  	s2 =	sld [smem:$0x3F94];
	s0 =	simm.s32 @p1 $0x1  }
0x15: {  	[smem:$0x3FB1] =	sst s0;
	s0 =	simm.s32 @!p2 $0x0  }
0x16: {  	s3 =	sld [smem:$0x3FDB];
	s0 =	simm.s32 @p2 $0x1  }
0x17: {  	s4 =	simm.s32 $0x1BF5;
	[smem:$0x3FB3] =	sst s0  }
0x18: {  	s0 =	sld [smem:$0x3F96];
	_ =	swait.ge [sflag:s4], $0x0  }
0x19: {  	s7 =	sld [smem:$0x3F97]  }
0x1a: {  	s8 =	sadd.s32 $0xFFFFE003, lr  }
0x1b: {  	s9 =	sadd.s32 $0xFFFFFEF7, lr;
	s5 =	simm.s32 $0xFFFFFFFF;
	p2 =	slt.u32 s8, $0xFFFFF086  }
0x1c: {  	p1 =	slt.u32 s9, $0xF7A;
	s5 =	simm.s32 @!p2 $0x0  }
0x1d: {  	s5 =	simm.s32 @p1 $0x1;
	p0 =	seq.s32 s7, s2  }
0x1e: {  	s7 =	smul.u32 @!p0 $0xF7A, s2;
	p2 =	seq.s32 @!p0 s5, $0x0  }
0x1f: {  	s9 =	smul.u32 $0xF7A, s1;
	s8 =	simm.s32 @!p0 $0x1BF5;
	p2 =	por !p2, p0  }
0x20: {  	[sflag:s8] =	ssyncset.s32 @!p0 $0xFFFFF086;
	s6 =	sadd.s32 @!p0 s3, s7;
	s7 =	simm.s32 @!p0 $0x108  }
0x21: {  	s3 =	sadd.s32 s3, s9;
	s6 =	sadd.s32 @!p0 $0x88, s6;
	s7 =	simm.s32 @p2 $0x1082  }
0x22: {  	[simem:s7], [sflag:s8] =	dma.local @!p0 [hbm:s6], $0xF7A  }
0x23: {  	s9 =	sor.u32 $0xD0000000, s2;
	s6 =	simm.s32 $0x108;
	_ =	swait.ge @!p0 [sflag:s8], $0x0  }
0x24: {  	s3 =	sadd.s32 $0x88, s3;
	s6 =	simm.s32 @!p1 $0x1082;
	[sflag:s4] =	ssyncset.s32 $0xFFFFF086  }
0x25: {  	[simem:s6], [sflag:s4] =	dma.local [hbm:s3], $0xF7A  }
0x26: {  	[smem:$0x3F97] =	sst s1;
	(tag) =	ssettag s2;
	_ =	strace s9  }
0x27: {  	s1 =	sld [smem:$0x3FA7]  }
0x28: {  	s2 =	sld [smem:$0x3FA8]  }
0x29: {  	s4 =	sld [smem:$0x3FAA]  }
0x2a: {  	p0 =	seq.s32 s5, $0x0;
	s5 =	sld [smem:$0x3FAB]  }
0x2b: {  	s6 =	sld [smem:$0x3FAC]  }
0x2c: {  	s7 =	sld [smem:$0x3FAD]  }
0x2d: {  	s3 =	simm.s32 $0x108;
	s8 =	sld [smem:$0x3FAE]  }
0x2e: {  	s3 =	simm.s32 @!p0 $0x1082;
	s9 =	sld [smem:$0x3FAF]  }
0x2f: {  	lr =	sadd.s32 s0, s3;
	s0 =	sld [smem:$0x3FA6]  }
0x30: {  	s3 =	sld [smem:$0x3FA9]  }
0x31: {  	[smem:$0x3FB2] =	sst s10  }
0x32: {  	s10 =	sld [smem:$0x3FB0];
	_ =	sdelay $0x3  }
0x33: {  	p0 =	seq.s32 s10, $0x1;
	s10 =	sld [smem:$0x3FB2];
	_ =	sdelay $0x3  }
0x34: {  	[smem:$0x3FB2] =	sst s10  }
0x35: {  	s10 =	sld [smem:$0x3FB1];
	_ =	sdelay $0x3  }
0x36: {  	p1 =	seq.s32 s10, $0x1;
	s10 =	sld [smem:$0x3FB2];
	_ =	sdelay $0x3  }
0x37: {  	[smem:$0x3FB2] =	sst s10  }
0x38: {  	s10 =	sld [smem:$0x3FB3]  }
0x39: {  	_ = 	snop;
	(pc) =	sbr.ind lr, $3  }
0x3a: {  	_ = 	snop  }
0x3b: {  	_ = 	snop  }
0x3c: {  	p2 =	seq.s32 s10, $0x1;
	s10 =	sld [smem:$0x3FB2]  }
0x3d: {  	_ =	shalt  }
0x3e: {  	_ =	shalt  }
0x3f: {  	_ =	shalt  }
0x40: {  	_ =	shalt  }
0x41: {  	_ =	shalt  }
0x42: {  	_ =	shalt  }
0x43: {  	_ =	shalt  }
0x44: {  	_ =	shalt  }
0x45: {  	_ =	shalt  }
0x46: {  	_ =	shalt  }
0x47: {  	_ =	shalt  }
0x48: {  	_ =	shalt  }
0x49: {  	_ =	shalt  }
0x4a: {  	_ =	shalt  }
0x4b: {  	_ =	shalt  }
0x4c: {  	_ =	shalt  }
0x4d: {  	_ =	shalt  }
0x4e: {  	_ =	shalt  }
0x4f: {  	_ =	shalt  }
0x50: {  	_ =	shalt  }
0x51: {  	_ =	shalt  }
0x52: {  	_ =	shalt  }
0x53: {  	_ =	shalt  }
0x54: {  	_ =	shalt  }
0x55: {  	_ =	shalt  }
0x56: {  	_ =	shalt  }
0x57: {  	_ =	shalt  }
0x58: {  	_ =	shalt  }
0x59: {  	_ =	shalt  }
0x5a: {  	_ =	shalt  }
0x5b: {  	_ =	shalt  }
0x5c: {  	_ =	shalt  }
0x5d: {  	_ =	shalt  }
0x5e: {  	_ =	shalt  }
0x5f: {  	_ =	shalt  }
0x60: {  	_ =	shalt  }
0x61: {  	_ =	shalt  }
0x62: {  	_ =	shalt  }
0x63: {  	_ =	shalt  }
0x64: {  	_ =	shalt  }
0x65: {  	_ =	shalt  }
0x66: {  	_ =	shalt  }
0x67: {  	_ =	shalt  }
0x68: {  	_ =	shalt  }
0x69: {  	_ =	shalt  }
0x6a: {  	_ =	shalt  }
0x6b: {  	_ =	shalt  }
0x6c: {  	_ =	shalt  }
0x6d: {  	_ =	shalt  }
0x6e: {  	_ =	shalt  }
0x6f: {  	_ =	shalt  }
0x70: {  	_ =	shalt  }
0x71: {  	_ =	shalt  }
0x72: {  	_ =	shalt  }
0x73: {  	_ =	shalt  }
0x74: {  	_ =	shalt  }
0x75: {  	_ =	shalt  }
0x76: {  	_ =	shalt  }
0x77: {  	_ =	shalt  }
0x78: {  	_ =	shalt  }
0x79: {  	_ =	shalt  }
0x7a: {  	_ =	shalt  }
0x7b: {  	_ =	shalt  }
0x7c: {  	_ =	shalt  }
0x7d: {  	_ =	shalt  }
0x7e: {  	_ =	shalt  }
0x7f: {  	_ =	shalt  }
0x80: {  	_ =	shalt  }
0x81: {  	_ =	shalt  }
0x82: {  	_ =	shalt  }
0x83: {  	_ =	shalt  }
0x84: {  	_ =	shalt  }
0x85: {  	_ =	shalt  }
0x86: {  	_ =	shalt  }
0x87: {  	_ =	shalt  }
.Lfunc_end0:
.L_simem_size_0:
called_computation_lowered:
.L_overlay_start_0:
0x88: {  	s2 =	sld [smem:$0x3FD9]  }
0x89: {  	s3 =	sld [smem:$0x3FFE];
	_ =	sdelay $0x1  }
0x8a: {  	s1 =	srdreg.scid  }
0x8b: {  	s0 =	sand.u32 $0x1, s1  }
0x8c: {  	s17 =	sshll.u32 s0, $0xA;
	s2 =	sadd.s32 s3, s2  }
0x8d: {  	s2 =	sadd.s32 s2, s17  }
0x8e: {  	[smem:$0x3FBE] =	sst s2  }
0x8f: {  	_ = 	snop  }
0x90: {  	s2 =	sld [smem:$0x3FD0];
	(tm) =	ssettm $0x1  }
0x91: {  	s18 =	sld [smem:$0x3FFB];
	_ =	sdelay $0x3  }
0x92: {  	_ =	strace s18  }
0x93: {  	s3 =	sld [smem:$0x3FFC];
	_ =	sdelay $0x3  }
0x94: {  	_ =	strace s3  }
0x95: {  	s3 =	sld [smem:$0x3FFD];
	_ =	sdelay $0x3  }
0x96: {  	_ =	strace s3  }
0x97: {  	_ =	strace $0x8FFFFFFF  }
0x98: {  	s19 =	sld [smem:$0x3FDB];
	_ =	sdelay $0x1  }
0x99: {  	s4 =	simm.s32 $_scs_section_size  }
0x9a: {  	s5 =	simm.s32 $_size__tile_overlayer_lowered;
	s6 =	simm.s32 $_tile_overlayer_lowered  }
0x9b: {  	s22 =	simm.s32 $0x1BFF;
	s21 =	sshll.u32 s6, $0x1;
	s3 =	sadd.s32 s4, s19  }
0x9c: {  	s7 =	simm.s32 $0x0;
	s20 =	sshll.u32 s5, $0x1;
	s5 =	sadd.s32 s21, s3  }
0x9d: {  	[timem:s7], [sflag:s22] =	dma.local [hbm:s5], s20  }
0x9e: {  	_ =	swait.ge [sflag:s22], s20  }
0x9f: {  	s4 =	ssub.s32 $0x0, s20;
	[sflag:s22] =	ssyncset.done $0x0  }
0xa0: {  	[sflag:s22] =	ssyncadd.s32 s4;
	_ =	sdelay $0x1  }
0xa1: {  	s23 =	simm.s32 $0x1B8B  }
0xa2: {  	_ =	swait.ge [sflag:s23], $0x1  }
0xa3: {  	[sflag:s23] =	ssyncset.done $0x0  }
0xa4: {  	s25 =	simm.s32 $0x1B8E;
	s24 =	sld [smem:$0x3FFE];
	[sflag:s23] =	ssyncadd.s32 $0xFFFFFFFF  }
0xa5: {  	s26 =	simm.s32 $execute0_lowered;
	[smem:$0x3FD2] =	sst s25  }
0xa6: {  	s5 =	sshll.u32 s26, $0x1;
	_ =	strace $0x80000046;
	[dreg:$0x1] =	wrdreg $0xFFFFFFFF  }
0xa7: {  	s28 =	simm.s32 $_size_execute0_lowered;
	s3 =	sadd.s32 s3, s5;
	[dreg:$0x0] =	wrdreg $0x0  }
0xa8: {  	s5 =	sshll.u32 s28, $0x1;
	[dreg:$0x2] =	wrdreg s3  }
0xa9: {  	[dreg:$0x3] =	wrdreg s5  }
0xaa: {  	[dreg:$0x4] =	wrdreg $0xC0  }
0xab: {  	_ =	task [dreg:s7], $0x5FFFF  }
0xac: {  	[dreg:$0x1] =	wrdreg $0xFFFFFFFF  }
0xad: {  	[dreg:$0x0] =	wrdreg $0x60  }
0xae: {  	[dreg:$0x2] =	wrdreg s24  }
0xaf: {  	[dreg:$0x3] =	wrdreg s2  }
0xb0: {  	[dreg:$0x4] =	wrdreg $0x0  }
0xb1: {  	[dreg:$0x5] =	wrdreg $0x9  }
0xb2: {  	_ =	task.clear_ibuf [dreg:s7], $0x6FFFF;
	_ =	strace $0x90000046  }
0xb3: {  	s29 =	simm.s32 $0x9;
	_ =	strace $0x80000048  }
0xb4: {  	_ =	swait.ge [sflag:s29], $0x1  }
0xb5: {  	[sflag:s29] =	ssyncadd.s32 $0xFFFFFFFF  }
0xb6: {  	_ =	strace $0x90000048  }
0xb7: {  	_ =	sfence  }
0xb8: {  	s30 =	sld [smem:$0x0];
	_ =	sdelay $0x2  }
0xb9: {  	s31 =	sshll.u32 s1, $0xD;
	s1 =	sshrl.u32 s1, $0x2  }
0xba: {  	s3 =	sand.u32 $0x4000, s31;
	s1 =	sadd.s32 s1, s30  }
0xbb: {  	s0 =	sor.u32 s3, s0;
	s1 =	sshll.u32 s1, $0x11  }
0xbc: {  	s0 =	sor.u32 s1, s0  }
0xbd: {  	s0 =	sadd.s32 $0x8F2B, s0  }
0xbe: {  	[sflag:s0] =	ssyncadd.remote.s32 $0x1  }
0xbf: {  	_ =	sfence.sel $0xFFFF  }
0xc0: {  	[dreg:$0x0] =	wrdreg $0xFFFFFFFF;
	(pc) =	sbr.abs _section_cstart, $3  }
0xc1: {  	[dreg:$0x1] =	wrdreg $0xFFFFFFFF  }
0xc2: {  	_ =	task.clear_ibuf [dreg:s7], $0x2FFFF;
	_ =	strace $0x9FFFFFFF  }
0xc3: {  	(tm) =	ssettm $0x7FFFFFFF  }
tec
execute0_lowered:
.L_overlay_start_1:
0x0: {  	(tag) =	ssettag $0x1  }
0x1: {  	s1 =	rddreg [dreg:$0x0]  }
0x2: {  	s30 =	rddreg [dreg:$0x1]  }
0x3: {  	s2 =	rddreg [dreg:$0x2];
	s3 =	simm.s32 $0x0;
	s0 =	srdreg.scid  }
0x4: {  	s15 =	stileid.u32;
	s28 =	simm.s32 $0x16580;
	[smem:$0x7FF] =	sst s3  }
0x5: {  	s0 =	sand.u32 $0x1, s0;
	s7 =	sadd.s32 $0x6C00, s1;
	s12 =	smul.u32 $0x29C0, s15  }
0x6: {  	s10 =	smul.u32 $0x59000, s15;
	s8 =	sadd.s32 $0x1800, s1;
	s9 =	ssub.s32 $0x2, s0  }
0x7: {  	_ =	strace $0x80000047;
	s11 =	sshrl.u32 s9, $0x1;
	s14 =	sor.u32 $0x20, s12  }
0x8: {  	s29 =	sshrl.u32 s12, $0x3;
	s12 =	sadd.s32 $0x40, s12;
	[dreg:$0x8] =	wrdreg s14  }
0x9: {  	s10 =	sshrl.u32 s10, $0x2;
	s13 =	sadd.s32 s7, s29;
	[dreg:$0x9] =	wrdreg s12  }
0xa: {  	s9 =	ssub.s32 s9, s11;
	s11 =	sadd.s32 s8, s29;
	[dreg:$0x6] =	wrdreg s13  }
0xb: {  	s5 =	sadd.s32 $0x33800, s1;
	s18 =	sadd.s32 s10, s2;
	[dreg:$0x7] =	wrdreg s11  }
0xc: {  	s6 =	sadd.s32 $0xC000, s1;
	s20 =	smax.u32 s9, $0x1;
	[dreg:$0x4] =	wrdreg s18  }
0xd: {  	s4 =	smul.u32 $0x2C8, s15;
	s21 =	sadd.s32 $0x1000, s18;
	[dreg:$0xb] =	wrdreg s20  }
0xe: {  	s31 =	smul.u32 $0x2C80, s0;
	s23 =	sadd.s32 $0x2000, s18;
	[dreg:$0xc] =	wrdreg s21  }
0xf: {  	s4 =	sadd.s32 $0x2C0, s4;
	s24 =	sadd.s32 $0x3000, s18;
	[dreg:$0xd] =	wrdreg s23  }
0x10: {  	s26 =	sshll.u32 s4, $0x7;
	s25 =	sadd.s32 $0x4000, s18;
	[dreg:$0xe] =	wrdreg s24  }
0x11: {  	s22 =	sadd.s32 s26, s2;
	s26 =	sadd.s32 $0x5000, s18;
	[dreg:$0xf] =	wrdreg s25  }
0x12: {  	s1 =	sadd.s32 $0x82800, s1;
	s29 =	sadd.s32 $0x6000, s18;
	[dreg:$0x10] =	wrdreg s26  }
0x13: {  	s4 =	sadd.s32 s31, s4;
	s31 =	sadd.s32 $0x7000, s18;
	[dreg:$0x11] =	wrdreg s29  }
0x14: {  	s19 =	smul.u32 $0x2C80, s15;
	s9 =	sadd.s32 $0x9000, s18;
	[dreg:$0x12] =	wrdreg s31  }
0x15: {  	s17 =	sshllo.u32 s0, $0x2;
	s11 =	sadd.s32 $0xA000, s18;
	[dreg:$0x14] =	wrdreg s9  }
0x16: {  	s16 =	smul.u32 $0x2C800, s0;
	s12 =	sadd.s32 $0xB000, s18;
	[dreg:$0x15] =	wrdreg s11  }
0x17: {  	v4 =	vmov s17;
	s17 =	simm.s32 $0x5;
	s15 =	sadd.s32 $0xC000, s18;
	[dreg:$0x16] =	wrdreg s12  }
0x18: {  	s10 =	sshll.u32 s0, $0x2;
	s4 =	sshll.u32 s4, $0x4;
	[dreg:$0x17] =	wrdreg s15  }
0x19: {  	v0 =	vmov s0;
	s0 =	simm.s32 $0x4;
	s4 =	sadd.s32 s1, s4;
	[dreg:$0x5] =	wrdreg s22  }
0x1a: {  	s1 =	sadd.s32 s16, s1;
	s16 =	sadd.s32 $0xD000, s18;
	[dreg:$0xa] =	wrdreg s4  }
0x1b: {  	s13 =	sor.u32 $0x1, s10;
	s20 =	sadd.s32 $0xE000, s18;
	[dreg:$0x18] =	wrdreg s16  }
0x1c: {  	s14 =	sor.u32 $0x2, s10;
	s21 =	sadd.s32 $0xF000, s18;
	[dreg:$0x19] =	wrdreg s20  }
0x1d: {  	v1 =	vmov s10;
	s10 =	simm.s32 $0x0;
	s23 =	sadd.s32 $0x10000, s18;
	[dreg:$0x1a] =	wrdreg s21  }
0x1e: {  	s24 =	sadd.s32 $0x11000, s18;
	s25 =	sadd.s32 $0x12000, s18;
	[dreg:$0x1b] =	wrdreg s23  }
0x1f: {  	s26 =	sadd.s32 $0x13000, s18;
	s29 =	sadd.s32 $0x14000, s18;
	[dreg:$0x1c] =	wrdreg s24  }
0x20: {  	s31 =	sadd.s32 $0x15000, s18;
	s15 =	simm.s32 $0x1;
	[dreg:$0x1d] =	wrdreg s25  }
0x21: {  	v5 =	vimm.f32 $0.0e+00;
	v6 =	vimm.s32 $0xFFFFFFFF;
	s9 =	simm.s32 $0x2;
	s11 =	simm.s32 $0x7;
	[dreg:$0x1e] =	wrdreg s26  }
0x22: {  	v7 =	vimm.s32 $0xFFFFFFFE;
	v8 =	vimm.s32 $0xFFFFFFFD;
	v9 =	vimm.s32 $0xFFFFFFFC;
	s12 =	simm.s32 $0x9;
	s19 =	sadd.s32 s19, s1;
	[dreg:$0x1f] =	wrdreg s29  }
0x23: {  	v10 =	vimm.s32 $0xFFFFFFFB;
	v11 =	vimm.s32 $0xFFFFFFFA;
	v4 =	vbroadcast v4, $0x0;
	s4 =	sadd.s32 $0x8000, s18;
	[smem:$0x7FD] =	sst s31;
	s20 =	simm.s32 $0x1C900  }
0x24: {  	v2 =	vmov s13;
	v3 =	vmov s14;
	v1 =	vbroadcast v1, $0x0;
	s21 =	simm.s32 $0xB;
	s23 =	simm.s32 $0x16500;
	s24 =	simm.s32 $0x20  }
0x25: {  	v12 =	vimm.s32 $0xFFFFFFF9;
	s16 =	simm.s32 $0x3;
	v2 =	vbroadcast v2, $0x0;
	v3 =	vbroadcast v3, $0x0;
	[dreg:$0x13] =	wrdreg s4;
	s4 =	simm.s32 $0x6  }
.LBB2_1:
0x26: {  	[smem:$0x7FC] =	sst s10;
	s1 =	simm.s32 $0x0;
	s10 =	simm.s32 $0x200  }
.LBB2_2:
0x27: {  	p0 =	sne.s32 s10, $0x3E00;
	[tilespmem:s1+$0x1C970] =	vst v5  }
0x28: {  	[tilespmem:s1+$0x1C900] =	vst v5  }
0x29: {  	[tilespmem:s1+$0x1C910] =	vst v5  }
.Ltmp0:
0x2a: {  	[tilespmem:s1+$0x1C920] =	vst v5;
	(pc) =	sbr.rel @p0 .LBB2_2-.Ltmp0, $4  }
0x2b: {  	[tilespmem:s1+$0x1C930] =	vst v5  }
0x2c: {  	[tilespmem:s1+$0x1C940] =	vst v5  }
0x2d: {  	[tilespmem:s1+$0x1C950] =	vst v5  }
0x2e: {  	[tilespmem:s1+$0x1C960] =	vst v5;
	s1 =	sshra.s32 s10, $0x2;
	s10 =	sadd.s32 $0x200, s10  }
0x2f: {  	[tilespmem:s1+$0x1C970] =	vst v5  }
0x30: {  	[tilespmem:s1+$0x1C900] =	vst v5  }
0x31: {  	[tilespmem:s1+$0x1C910] =	vst v5  }
0x32: {  	[tilespmem:s1+$0x1C920] =	vst v5  }
0x33: {  	[tilespmem:s1+$0x1C930] =	vst v5  }
0x34: {  	[tilespmem:s1+$0x1C940] =	vst v5  }
0x35: {  	[tilespmem:s1+$0x1C950] =	vst v5  }
0x36: {  	[tilespmem:s1+$0x1C960] =	vst v5  }
0x37: {  	[spmem:s18] =	stream.linear.scatter [tilespmem:s20], [sflag:$0xB], $0x1000, $0x38;
	[tilespmem:$0x1E900] =	vst v63  }
0x38: {  	_ =	swait.ge [sflag:s21], $0x1000  }
0x39: {  	[sflag:s21] =	ssyncset.done $0x0  }
0x3a: {  	s29 =	rddreg [dreg:$0xc];
	[sflag:s21] =	ssyncadd.s32 $0xFFFFF000  }
0x3b: {  	[spmem:s29] =	stream.linear.scatter [tilespmem:s20], [sflag:$0xB], $0x1000, $0x38;
	[tilespmem:$0x1E900] =	vst v63  }
0x3c: {  	_ =	swait.ge [sflag:s21], $0x1000  }
0x3d: {  	[sflag:s21] =	ssyncset.done $0x0  }
0x3e: {  	s31 =	rddreg [dreg:$0xd];
	[sflag:s21] =	ssyncadd.s32 $0xFFFFF000  }
0x3f: {  	[spmem:s31] =	stream.linear.scatter [tilespmem:s20], [sflag:$0xB], $0x1000, $0x38;
	[tilespmem:$0x1E900] =	vst v63  }
0x40: {  	_ =	swait.ge [sflag:s21], $0x1000  }
0x41: {  	[sflag:s21] =	ssyncset.done $0x0  }
0x42: {  	s10 =	rddreg [dreg:$0xe];
	[sflag:s21] =	ssyncadd.s32 $0xFFFFF000  }
0x43: {  	[spmem:s10] =	stream.linear.scatter [tilespmem:s20], [sflag:$0xB], $0x1000, $0x38;
	[tilespmem:$0x1E900] =	vst v63  }
0x44: {  	_ =	swait.ge [sflag:s21], $0x1000  }
0x45: {  	[sflag:s21] =	ssyncset.done $0x0  }
0x46: {  	s13 =	rddreg [dreg:$0xf];
	[sflag:s21] =	ssyncadd.s32 $0xFFFFF000  }
0x47: {  	[spmem:s13] =	stream.linear.scatter [tilespmem:s20], [sflag:$0xB], $0x1000, $0x38;
	[tilespmem:$0x1E900] =	vst v63  }
0x48: {  	_ =	swait.ge [sflag:s21], $0x1000  }
0x49: {  	[sflag:s21] =	ssyncset.done $0x0  }
0x4a: {  	s14 =	rddreg [dreg:$0x10];
	[sflag:s21] =	ssyncadd.s32 $0xFFFFF000  }
0x4b: {  	[spmem:s14] =	stream.linear.scatter [tilespmem:s20], [sflag:$0xB], $0x1000, $0x38;
	[tilespmem:$0x1E900] =	vst v63  }
0x4c: {  	_ =	swait.ge [sflag:s21], $0x1000  }
0x4d: {  	[sflag:s21] =	ssyncset.done $0x0  }
0x4e: {  	s18 =	rddreg [dreg:$0x11];
	[sflag:s21] =	ssyncadd.s32 $0xFFFFF000  }
0x4f: {  	[spmem:s18] =	stream.linear.scatter [tilespmem:s20], [sflag:$0xB], $0x1000, $0x38;
	[tilespmem:$0x1E900] =	vst v63  }
0x50: {  	_ =	swait.ge [sflag:s21], $0x1000  }
0x51: {  	[sflag:s21] =	ssyncset.done $0x0  }
0x52: {  	s25 =	rddreg [dreg:$0x12];
	[sflag:s21] =	ssyncadd.s32 $0xFFFFF000  }
0x53: {  	[spmem:s25] =	stream.linear.scatter [tilespmem:s20], [sflag:$0xB], $0x1000, $0x38;
	[tilespmem:$0x1E900] =	vst v63  }
0x54: {  	_ =	swait.ge [sflag:s21], $0x1000  }
0x55: {  	[sflag:s21] =	ssyncset.done $0x0  }
0x56: {  	s26 =	rddreg [dreg:$0x13];
	[sflag:s21] =	ssyncadd.s32 $0xFFFFF000  }
0x57: {  	[spmem:s26] =	stream.linear.scatter [tilespmem:s20], [sflag:$0xB], $0x1000, $0x38;
	[tilespmem:$0x1E900] =	vst v63  }
0x58: {  	_ =	swait.ge [sflag:s21], $0x1000  }
0x59: {  	[sflag:s21] =	ssyncset.done $0x0  }
0x5a: {  	s29 =	rddreg [dreg:$0x14];
	[sflag:s21] =	ssyncadd.s32 $0xFFFFF000  }
0x5b: {  	[spmem:s29] =	stream.linear.scatter [tilespmem:s20], [sflag:$0xB], $0x1000, $0x38;
	[tilespmem:$0x1E900] =	vst v63  }
0x5c: {  	_ =	swait.ge [sflag:s21], $0x1000  }
0x5d: {  	[sflag:s21] =	ssyncset.done $0x0  }
0x5e: {  	s31 =	rddreg [dreg:$0x15];
	[sflag:s21] =	ssyncadd.s32 $0xFFFFF000  }
0x5f: {  	[spmem:s31] =	stream.linear.scatter [tilespmem:s20], [sflag:$0xB], $0x1000, $0x38;
	[tilespmem:$0x1E900] =	vst v63  }
0x60: {  	_ =	swait.ge [sflag:s21], $0x1000  }
0x61: {  	[sflag:s21] =	ssyncset.done $0x0  }
0x62: {  	s10 =	rddreg [dreg:$0x16];
	[sflag:s21] =	ssyncadd.s32 $0xFFFFF000  }
0x63: {  	[spmem:s10] =	stream.linear.scatter [tilespmem:s20], [sflag:$0xB], $0x1000, $0x38;
	[tilespmem:$0x1E900] =	vst v63  }
0x64: {  	_ =	swait.ge [sflag:s21], $0x1000  }
0x65: {  	[sflag:s21] =	ssyncset.done $0x0  }
0x66: {  	s13 =	rddreg [dreg:$0x17];
	[sflag:s21] =	ssyncadd.s32 $0xFFFFF000  }
0x67: {  	[spmem:s13] =	stream.linear.scatter [tilespmem:s20], [sflag:$0xB], $0x1000, $0x38;
	[tilespmem:$0x1E900] =	vst v63  }
0x68: {  	_ =	swait.ge [sflag:s21], $0x1000  }
0x69: {  	[sflag:s21] =	ssyncset.done $0x0  }
0x6a: {  	s14 =	rddreg [dreg:$0x18];
	[sflag:s21] =	ssyncadd.s32 $0xFFFFF000  }
0x6b: {  	[spmem:s14] =	stream.linear.scatter [tilespmem:s20], [sflag:$0xB], $0x1000, $0x38;
	[tilespmem:$0x1E900] =	vst v63  }
0x6c: {  	_ =	swait.ge [sflag:s21], $0x1000  }
0x6d: {  	[sflag:s21] =	ssyncset.done $0x0  }
0x6e: {  	s18 =	rddreg [dreg:$0x19];
	[sflag:s21] =	ssyncadd.s32 $0xFFFFF000  }
0x6f: {  	[spmem:s18] =	stream.linear.scatter [tilespmem:s20], [sflag:$0xB], $0x1000, $0x38;
	[tilespmem:$0x1E900] =	vst v63  }
0x70: {  	_ =	swait.ge [sflag:s21], $0x1000  }
0x71: {  	[sflag:s21] =	ssyncset.done $0x0  }
0x72: {  	s25 =	rddreg [dreg:$0x1a];
	[sflag:s21] =	ssyncadd.s32 $0xFFFFF000  }
0x73: {  	[spmem:s25] =	stream.linear.scatter [tilespmem:s20], [sflag:$0xB], $0x1000, $0x38;
	[tilespmem:$0x1E900] =	vst v63  }
0x74: {  	_ =	swait.ge [sflag:s21], $0x1000  }
0x75: {  	[sflag:s21] =	ssyncset.done $0x0  }
0x76: {  	s26 =	rddreg [dreg:$0x1b];
	[sflag:s21] =	ssyncadd.s32 $0xFFFFF000  }
0x77: {  	[spmem:s26] =	stream.linear.scatter [tilespmem:s20], [sflag:$0xB], $0x1000, $0x38;
	[tilespmem:$0x1E900] =	vst v63  }
0x78: {  	_ =	swait.ge [sflag:s21], $0x1000  }
0x79: {  	[sflag:s21] =	ssyncset.done $0x0  }
0x7a: {  	s29 =	rddreg [dreg:$0x1c];
	[sflag:s21] =	ssyncadd.s32 $0xFFFFF000  }
0x7b: {  	[spmem:s29] =	stream.linear.scatter [tilespmem:s20], [sflag:$0xB], $0x1000, $0x38;
	[tilespmem:$0x1E900] =	vst v63  }
0x7c: {  	_ =	swait.ge [sflag:s21], $0x1000  }
0x7d: {  	[sflag:s21] =	ssyncset.done $0x0  }
0x7e: {  	s31 =	rddreg [dreg:$0x1d];
	[sflag:s21] =	ssyncadd.s32 $0xFFFFF000  }
0x7f: {  	[spmem:s31] =	stream.linear.scatter [tilespmem:s20], [sflag:$0xB], $0x1000, $0x38;
	[tilespmem:$0x1E900] =	vst v63  }
0x80: {  	_ =	swait.ge [sflag:s21], $0x1000  }
0x81: {  	[sflag:s21] =	ssyncset.done $0x0  }
0x82: {  	s10 =	rddreg [dreg:$0x1e];
	[sflag:s21] =	ssyncadd.s32 $0xFFFFF000  }
0x83: {  	[spmem:s10] =	stream.linear.scatter [tilespmem:s20], [sflag:$0xB], $0x1000, $0x38;
	[tilespmem:$0x1E900] =	vst v63  }
0x84: {  	_ =	swait.ge [sflag:s21], $0x1000  }
0x85: {  	[sflag:s21] =	ssyncset.done $0x0  }
0x86: {  	s13 =	rddreg [dreg:$0x1f];
	[sflag:s21] =	ssyncadd.s32 $0xFFFFF000  }
0x87: {  	[spmem:s13] =	stream.linear.scatter [tilespmem:s20], [sflag:$0xB], $0x1000, $0x38;
	[tilespmem:$0x1E900] =	vst v63  }
0x88: {  	_ =	swait.ge [sflag:s21], $0x1000  }
0x89: {  	s14 =	sld [smem:$0x7FD]  }
0x8a: {  	[sflag:s21] =	ssyncset.done $0x0  }
0x8b: {  	[sflag:s21] =	ssyncadd.s32 $0xFFFFF000  }
0x8c: {  	[spmem:s14] =	stream.linear.scatter [tilespmem:s20], [sflag:$0xB], $0x1000, $0x38;
	[tilespmem:$0x1E900] =	vst v63  }
0x8d: {  	_ =	swait.ge [sflag:s21], $0x1000  }
0x8e: {  	[sflag:s21] =	ssyncset.done $0x0  }
0x8f: {  	[sflag:s21] =	ssyncadd.s32 $0xFFFFF000  }
0x90: {  	[spmem:s22] =	stream.linear.scatter [tilespmem:s20], [sflag:$0xB], $0x400, $0x38;
	[tilespmem:$0x1E900] =	vst v63  }
0x91: {  	_ =	swait.ge [sflag:s21], $0x400  }
0x92: {  	[sflag:s21] =	ssyncset.done $0x0  }
0x93: {  	[sflag:s21] =	ssyncadd.s32 $0xFFFFFC00  }
0x94: {  	[bflag:$0x0] =	sbarrier.arrive $0xFFFF  }
0x95: {  	s10 =	simm.s32 $0x16400;
	s13 =	simm.s32 $0x0;
	s18 =	rddreg [dreg:$0x6]  }
0x96: {  	[tilespmem:s10], [sflag:$0xB] =	stream.linear.gather [hbm4b:s18+s13], $0x20, $0x38;
	[tilespmem:$0x1E900] =	vst v63  }
0x97: {  	_ =	swait.ge [sflag:s21], $0x20  }
0x98: {  	[sflag:s21] =	ssyncset.done $0x0  }
0x99: {  	s22 =	rddreg [dreg:$0x7];
	[sflag:s21] =	ssyncadd.s32 $0xFFFFFFE0  }
0x9a: {  	[tilespmem:s23], [sflag:$0xB] =	stream.linear.gather [hbm4b:s22+s13], $0x20, $0x38;
	[tilespmem:$0x1E900] =	vst v63  }
0x9b: {  	_ =	swait.ge [sflag:s21], $0x20  }
0x9c: {  	[sflag:s21] =	ssyncset.done $0x0  }
0x9d: {  	[sflag:s21] =	ssyncadd.s32 $0xFFFFFFE0  }
0x9e: {  	v13 =	vld [tilespmem:$0x16400]  }
0x9f: {  	v14 =	vld [tilespmem:$0x16500];
	_ =	sdelay $0x1  }
0xa0: {  	v15 =	vld [tilespmem:$0x16410]  }
0xa1: {  	v16 =	vld [tilespmem:$0x16510]  }
0xa2: {  	v13 =	vshll.u32 v13, $0x1  }
0xa3: {  	v17 =	vshrl.u32 v14, $0x3;
	v13 =	vor.u32 v0, v13  }
0xa4: {  	[tilespmem:$0x16600] =	vst v13;
	v13 =	vadd.s32 $0x2780, v17  }
0xa5: {  	[tilespmem:$0x16700] =	vst v13;
	v13 =	vand.u32 $0x7, v14;
	v14 =	vshll.u32 v15, $0x1  }
0xa6: {  	[tilespmem:$0x16800] =	vst v13;
	v13 =	vor.u32 v0, v14;
	v14 =	vshrl.u32 v16, $0x3  }
0xa7: {  	[tilespmem:$0x16610] =	vst v13;
	v13 =	vadd.s32 $0x2780, v14  }
0xa8: {  	[tilespmem:$0x16710] =	vst v13;
	v13 =	vand.u32 $0x7, v16  }
0xa9: {  	s25 =	simm.s32 $0x16600;
	s26 =	simm.s32 $0x1A900;
	[tilespmem:$0x16810] =	vst v13  }
0xaa: {  	[tilespmem:s26], [sflag:$0x1] =	stream.indirect.gather [hbm4b:s5+s24], $0x80, s25, s24, $0xb8;
	[tilespmem:$0x1E900] =	vst v63  }
0xab: {  	s29 =	simm.s32 $0x16900  }
0xac: {  	[tilespmem:s29], [sflag:$0x3] =	stream.indirect.gather [hbm4b:s30+s24], $0x80, s10, s24, $0xb8;
	[tilespmem:$0x1E900] =	vst v63  }
0xad: {  	s31 =	simm.s32 $0x18900;
	s25 =	simm.s32 $0x0  }
0xae: {  	[tilespmem:s31], [sflag:$0x5] =	stream.indirect.gather [hbm4b:s6+s24], $0x80, s23, s24, $0xb8;
	[tilespmem:$0x1E900] =	vst v63  }
.LBB2_4:
0xaf: {  	s26 =	sshll.u32 s25, $0x6;
	s1 =	rddreg [dreg:$0x8]  }
0xb0: {  	s1 =	sadd.s32 s26, s1  }
0xb1: {  	s1 =	sshrl.u32 s1, $0x3  }
0xb2: {  	s13 =	simm.s32 $0x16480;
	s10 =	sadd.s32 s7, s1  }
0xb3: {  	[tilespmem:s13], [sflag:$0xB] =	stream.linear.gather [hbm4b:s10+s3], $0x20, $0x38;
	[tilespmem:$0x1E900] =	vst v63  }
0xb4: {  	_ =	swait.ge [sflag:s21], $0x20  }
0xb5: {  	[sflag:s21] =	ssyncset.done $0x0  }
0xb6: {  	s1 =	sadd.s32 s8, s1;
	[sflag:s21] =	ssyncadd.s32 $0xFFFFFFE0  }
0xb7: {  	[tilespmem:s28], [sflag:$0xB] =	stream.linear.gather [hbm4b:s1+s3], $0x20, $0x38;
	[tilespmem:$0x1E900] =	vst v63  }
0xb8: {  	_ =	swait.ge [sflag:s21], $0x20  }
0xb9: {  	[sflag:s21] =	ssyncset.done $0x0  }
0xba: {  	[sflag:s21] =	ssyncadd.s32 $0xFFFFFFE0  }
0xbb: {  	v13 =	vld [tilespmem:$0x16480]  }
0xbc: {  	v14 =	vld [tilespmem:$0x16580];
	_ =	sdelay $0x1  }
0xbd: {  	v15 =	vld [tilespmem:$0x16490]  }
0xbe: {  	v16 =	vld [tilespmem:$0x16590]  }
0xbf: {  	v13 =	vshll.u32 v13, $0x1  }
0xc0: {  	v17 =	vshrl.u32 v14, $0x3;
	v13 =	vor.u32 v0, v13  }
0xc1: {  	[tilespmem:$0x16680] =	vst v13;
	v13 =	vadd.s32 $0x2780, v17  }
0xc2: {  	[tilespmem:$0x16780] =	vst v13;
	v13 =	vand.u32 $0x7, v14;
	v14 =	vshll.u32 v15, $0x1  }
0xc3: {  	[tilespmem:$0x16880] =	vst v13;
	v13 =	vor.u32 v0, v14;
	v14 =	vshrl.u32 v16, $0x3  }
0xc4: {  	[tilespmem:$0x16690] =	vst v13;
	v13 =	vadd.s32 $0x2780, v14  }
0xc5: {  	[tilespmem:$0x16790] =	vst v13;
	v13 =	vand.u32 $0x7, v16  }
0xc6: {  	s14 =	simm.s32 $0x16680;
	s18 =	simm.s32 $0x1B900;
	[tilespmem:$0x16890] =	vst v13  }
0xc7: {  	[tilespmem:s18], [sflag:$0x2] =	stream.indirect.gather [hbm4b:s5+s24], $0x80, s14, s24, $0xb8;
	[tilespmem:$0x1E900] =	vst v63  }
0xc8: {  	s22 =	simm.s32 $0x17900  }
0xc9: {  	[tilespmem:s22], [sflag:$0x4] =	stream.indirect.gather [hbm4b:s30+s24], $0x80, s13, s24, $0xb8;
	[tilespmem:$0x1E900] =	vst v63  }
0xca: {  	s10 =	simm.s32 $0x19900  }
0xcb: {  	[tilespmem:s10], [sflag:$0x6] =	stream.indirect.gather [hbm4b:s6+s24], $0x80, s28, s24, $0xb8;
	[tilespmem:$0x1E900] =	vst v63  }
0xcc: {  	_ =	swait.ge [sflag:s15], $0x1000  }
0xcd: {  	[sflag:s15] =	ssyncset.done $0x0  }
0xce: {  	[sflag:s15] =	ssyncadd.s32 $0xFFFFF000  }
0xcf: {  	_ =	swait.ge [sflag:s16], $0x1000  }
0xd0: {  	[sflag:s16] =	ssyncset.done $0x0  }
0xd1: {  	[sflag:s16] =	ssyncadd.s32 $0xFFFFF000  }
0xd2: {  	_ =	swait.ge [sflag:s17], $0x1000  }
0xd3: {  	p0 =	seq.s32 s25, $0x0;
	[sflag:s17] =	ssyncset.done $0x0  }
0xd4: {  	s1 =	simm.s32 @!p0 $0x8;
	[sflag:s17] =	ssyncadd.s32 $0xFFFFF000  }
0xd5: {  	_ =	swait.ge @!p0 [sflag:s1], $0x1000  }
0xd6: {  	[sflag:s1] =	ssyncset.done @!p0 $0x0  }
0xd7: {  	[sflag:s1] =	ssyncadd.s32 @!p0 $0xFFFFF000;
	s1 =	simm.s32 @!p0 $0xA  }
0xd8: {  	_ =	swait.ge @!p0 [sflag:s1], $0x1000  }
0xd9: {  	[sflag:s1] =	ssyncset.done @!p0 $0x0  }
0xda: {  	s28 =	simm.s32 $0x16900;
	[sflag:s1] =	ssyncadd.s32 @!p0 $0xFFFFF000  }
0xdb: {  	s29 =	simm.s32 $0x18900;
	v13 =	vld [tilespmem:s28+$0x0]  }
0xdc: {  	v14 =	vld [tilespmem:s29+$0x0];
	_ =	sdelay $0x4  }
0xdd: {  	v13 =	vadd.f32 v14, v13;
	_ =	sdelay $0x1  }
0xde: {  	v14 =	vmul.f32 $2.000000030e-01, v13;
	_ =	sdelay $0x1  }
0xdf: {  	v13 =	vmax.f32 v13, v14  }
0xe0: {  	v13 =	vmul.f32 $1.442695020e+00, v13;
	_ =	sdelay $0x1  }
0xe1: {  	(erf) = vpow2.f32 v13;
	_ =	sdelay $0x5  }
0xe2: {  	s13 =	simm.s32 $0x1A940  }
0xe3: {  	v14 =	vld [tilespmem:s13+$0xFFFFFFC0];
	_ =	sdelay $0x1  }
0xe4: {  	v13 =	vpop (erf)  }
0xe5: {  	v15 =	vperm.xlane v13, v1;
	_ =	sdelay $0x1  }
0xe6: {  	v14 =	vmul.f32 v14, v15  }
0xe7: {  	s14 =	simm.s32 $0x1C940  }
0xe8: {  	[tilespmem:s14+$0xFFFFFFC0] =	vst v14  }
0xe9: {  	v14 =	vld [tilespmem:s13+$0xFFFFFFD0];
	_ =	sdelay $0x4  }
0xea: {  	v14 =	vmul.f32 v14, v15;
	_ =	sdelay $0x1  }
0xeb: {  	[tilespmem:s14+$0xFFFFFFD0] =	vst v14  }
0xec: {  	v14 =	vld [tilespmem:s13+$0xFFFFFFE0];
	_ =	sdelay $0x2  }
0xed: {  	v15 =	vperm.xlane v13, v2;
	_ =	sdelay $0x1  }
0xee: {  	v14 =	vmul.f32 v14, v15;
	_ =	sdelay $0x1  }
0xef: {  	[tilespmem:s14+$0xFFFFFFE0] =	vst v14  }
0xf0: {  	v14 =	vld [tilespmem:s13+$0xFFFFFFF0];
	_ =	sdelay $0x4  }
0xf1: {  	v14 =	vmul.f32 v14, v15;
	_ =	sdelay $0x1  }
0xf2: {  	[tilespmem:s14+$0xFFFFFFF0] =	vst v14  }
0xf3: {  	v14 =	vld [tilespmem:s13+$0x0];
	_ =	sdelay $0x2  }
0xf4: {  	v15 =	vperm.xlane v13, v3;
	_ =	sdelay $0x1  }
0xf5: {  	v14 =	vmul.f32 v14, v15;
	_ =	sdelay $0x1  }
0xf6: {  	[tilespmem:s14+$0x0] =	vst v14  }
0xf7: {  	v14 =	vld [tilespmem:s13+$0x10];
	_ =	sdelay $0x4  }
0xf8: {  	v14 =	vmul.f32 v14, v15;
	_ =	sdelay $0x1  }
0xf9: {  	[tilespmem:s14+$0x10] =	vst v14  }
0xfa: {  	v14 =	vld [tilespmem:s13+$0x20];
	_ =	sdelay $0x2  }
0xfb: {  	v15 =	vperm.xlane v13, v4;
	_ =	sdelay $0x1  }
0xfc: {  	v14 =	vmul.f32 v14, v15;
	_ =	sdelay $0x1  }
0xfd: {  	[tilespmem:s14+$0x20] =	vst v14  }
0xfe: {  	v14 =	vld [tilespmem:s13+$0x30];
	_ =	sdelay $0x4  }
0xff: {  	v14 =	vmul.f32 v14, v15  }
0x100: {  	s18 =	simm.s32 $0x0  }
0x101: {  	s22 =	sand.u32 $0x10, s18;
	[tilespmem:s14+$0x30] =	vst v14  }
0x102: {  	v14 =	vld [tilespmem:s22+$0x16800];
	_ =	sdelay $0x3  }
0x103: {  	v15 =	vmov s18  }
0x104: {  	v16 =	vperm.xlane v14, v15;
	_ =	sdelay $0x1  }
0x105: {  	v14 =	vsub.s32 $0x0, v16;
	v15 =	vadd.s32 v6, v16;
	v17 =	vadd.s32 v7, v16  }
0x106: {  	v22 =	vadd.s32 v10, v16;
	v18 =	vmin.u32 v16, v14;
	v14 =	vsub.s32 $0x0, v15  }
0x107: {  	v19 =	vsub.s32 $0x0, v17;
	v23 =	vsub.s32 $0x0, v22;
	v14 =	vmin.u32 v15, v14  }
0x108: {  	v17 =	vmin.u32 v17, v19;
	v15 =	vadd.s32 v12, v16;
	vm0 =	vlt.s32 v18, $0x1  }
0x109: {  	v23 =	vmin.u32 v22, v23;
	vm1 =	vlt.s32 v14, $0x1;
	vm2 =	vlt.s32 v17, $0x1  }
0x10a: {  	v18 =	vnsel vm0, $0x1, v18;
	vm0 =	vlt.s32 v23, $0x1;
	v19 =	vnsel vm1, $0x1, v14  }
0x10b: {  	v22 =	vsub.s32 $0x0, v15;
	v17 =	vnsel vm2, $0x1, v17;
	v19 =	vsub.s32 $0x1, v19  }
0x10c: {  	v14 =	vadd.s32 v11, v16;
	v17 =	vsub.s32 $0x1, v17;
	v19 =	vcvt.s32.f32 v19  }
0x10d: {  	s31 =	smov.u32 s30;
	s30 =	simm.s32 $0x1C9C0;
	s10 =	simm.s32 $0x1A9C0;
	v21 =	vsub.s32 $0x1, v18;
	v18 =	vadd.s32 v9, v16;
	v20 =	vcvt.s32.f32 v17  }
0x10e: {  	s1 =	simm.s32 $0x1D940;
	s13 =	simm.s32 $0x1D940;
	s14 =	simm.s32 $0x1;
	v17 =	vadd.s32 v8, v16;
	v16 =	vsub.s32 $0x0, v14;
	v19 =	vmul.f32 v19, v13  }
.LBB2_5:
0x10f: {  	v21 =	vcvt.s32.f32 v21;
	v20 =	vmul.f32 v20, v13;
	v23 =	vnsel vm0, $0x1, v23;
	s29 =	sadd.s32 $0x80, s29;
	s28 =	sadd.s32 $0x80, s28;
	s13 =	sadd.s32 $0x80, s13  }
0x110: {  	p0 =	sne.s32 s14, $0x1F;
	v24 =	vsub.s32 $0x0, v18;
	v15 =	vmin.u32 v15, v22;
	s22 =	smov.u32 s14;
	s14 =	sadd.s32 $0x1, s14;
	[tilespmem:s1+$0xFFFFFFD0] =	vst v19;
	v19 =	vsub.s32 $0x0, v17  }
0x111: {  	v21 =	vmul.f32 v21, v13;
	[tilespmem:s1+$0xFFFFFFE0] =	vst v20;
	v17 =	vmin.u32 v17, v19;
	v19 =	vsub.s32 $0x1, v23  }
0x112: {  	v18 =	vmin.u32 v18, v24;
	vm0 =	vlt.s32 v17, $0x1;
	v19 =	vcvt.s32.f32 v19  }
0x113: {  	v14 =	vmin.u32 v14, v16;
	[tilespmem:s1+$0xFFFFFFC0] =	vst v21;
	v17 =	vnsel vm0, $0x1, v17;
	vm0 =	vlt.s32 v18, $0x1  }
0x114: {  	v16 =	vsub.s32 $0x1, v17;
	v17 =	vnsel vm0, $0x1, v18;
	vm0 =	vlt.s32 v15, $0x1  }
0x115: {  	v16 =	vcvt.s32.f32 v16;
	v17 =	vsub.s32 $0x1, v17;
	v15 =	vnsel vm0, $0x1, v15  }
0x116: {  	v18 =	vmul.f32 v19, v13;
	vm0 =	vlt.s32 v14, $0x1;
	v15 =	vsub.s32 $0x1, v15  }
0x117: {  	v17 =	vcvt.s32.f32 v17;
	v14 =	vnsel vm0, $0x1, v14;
	v16 =	vmul.f32 v16, v13  }
0x118: {  	v14 =	vsub.s32 $0x1, v14;
	v15 =	vcvt.s32.f32 v15;
	[tilespmem:s1+$0x10] =	vst v18  }
0x119: {  	v14 =	vcvt.s32.f32 v14;
	[tilespmem:s1+$0xFFFFFFF0] =	vst v16;
	v16 =	vmul.f32 v17, v13  }
0x11a: {  	v15 =	vmul.f32 v15, v13  }
0x11b: {  	v13 =	vmul.f32 v14, v13;
	[tilespmem:s1+$0x0] =	vst v16  }
0x11c: {  	[tilespmem:s1+$0x30] =	vst v15  }
0x11d: {  	[tilespmem:s1+$0x20] =	vst v13;
	s1 =	smov.u32 s13  }
0x11e: {  	v13 =	vld [tilespmem:s28+$0x0]  }
0x11f: {  	v14 =	vld [tilespmem:s29+$0x0];
	_ =	sdelay $0x4  }
0x120: {  	v13 =	vadd.f32 v14, v13;
	_ =	sdelay $0x1  }
0x121: {  	v14 =	vmul.f32 $2.000000030e-01, v13;
	_ =	sdelay $0x1  }
0x122: {  	v13 =	vmax.f32 v13, v14  }
0x123: {  	v13 =	vmul.f32 $1.442695020e+00, v13;
	_ =	sdelay $0x1  }
0x124: {  	(erf) = vpow2.f32 v13;
	_ =	sdelay $0x6  }
0x125: {  	v14 =	vld [tilespmem:s10+$0xFFFFFFC0];
	_ =	sdelay $0x1  }
0x126: {  	v13 =	vpop (erf)  }
0x127: {  	v15 =	vperm.xlane v13, v1;
	_ =	sdelay $0x1  }
0x128: {  	v14 =	vmul.f32 v14, v15;
	_ =	sdelay $0x1  }
0x129: {  	[tilespmem:s30+$0xFFFFFFC0] =	vst v14  }
0x12a: {  	v14 =	vld [tilespmem:s10+$0xFFFFFFD0];
	_ =	sdelay $0x4  }
0x12b: {  	v14 =	vmul.f32 v14, v15;
	_ =	sdelay $0x1  }
0x12c: {  	[tilespmem:s30+$0xFFFFFFD0] =	vst v14  }
0x12d: {  	v14 =	vld [tilespmem:s10+$0xFFFFFFE0];
	_ =	sdelay $0x2  }
0x12e: {  	v15 =	vperm.xlane v13, v2;
	_ =	sdelay $0x1  }
0x12f: {  	v14 =	vmul.f32 v14, v15;
	_ =	sdelay $0x1  }
0x130: {  	[tilespmem:s30+$0xFFFFFFE0] =	vst v14  }
0x131: {  	v14 =	vld [tilespmem:s10+$0xFFFFFFF0];
	_ =	sdelay $0x4  }
0x132: {  	v14 =	vmul.f32 v14, v15;
	_ =	sdelay $0x1  }
0x133: {  	[tilespmem:s30+$0xFFFFFFF0] =	vst v14  }
0x134: {  	v14 =	vld [tilespmem:s10+$0x0];
	_ =	sdelay $0x2  }
0x135: {  	v15 =	vperm.xlane v13, v3;
	_ =	sdelay $0x1  }
0x136: {  	v14 =	vmul.f32 v14, v15;
	_ =	sdelay $0x1  }
0x137: {  	[tilespmem:s30+$0x0] =	vst v14  }
0x138: {  	v14 =	vld [tilespmem:s10+$0x10];
	_ =	sdelay $0x4  }
0x139: {  	v14 =	vmul.f32 v14, v15;
	_ =	sdelay $0x1  }
0x13a: {  	[tilespmem:s30+$0x10] =	vst v14  }
0x13b: {  	v14 =	vld [tilespmem:s10+$0x20];
	_ =	sdelay $0x2  }
0x13c: {  	v15 =	vperm.xlane v13, v4;
	_ =	sdelay $0x1  }
0x13d: {  	v14 =	vmul.f32 v14, v15;
	_ =	sdelay $0x1  }
0x13e: {  	[tilespmem:s30+$0x20] =	vst v14  }
0x13f: {  	v14 =	vld [tilespmem:s10+$0x30];
	_ =	sdelay $0x4  }
0x140: {  	v14 =	vmul.f32 v14, v15;
	_ =	sdelay $0x1  }
0x141: {  	s18 =	sand.u32 $0x10, s22;
	[tilespmem:s30+$0x30] =	vst v14  }
0x142: {  	v14 =	vld [tilespmem:s18+$0x16800];
	_ =	sdelay $0x3  }
0x143: {  	v15 =	vmov s22  }
0x144: {  	v16 =	vperm.xlane v14, v15;
	_ =	sdelay $0x1  }
0x145: {  	v14 =	vsub.s32 $0x0, v16;
	v15 =	vadd.s32 v6, v16;
	v17 =	vadd.s32 v7, v16  }
0x146: {  	v18 =	vmin.u32 v16, v14;
	v14 =	vsub.s32 $0x0, v15;
	v19 =	vsub.s32 $0x0, v17  }
0x147: {  	v14 =	vmin.u32 v15, v14;
	v17 =	vmin.u32 v17, v19;
	v15 =	vadd.s32 v12, v16  }
0x148: {  	vm0 =	vlt.s32 v18, $0x1;
	vm1 =	vlt.s32 v14, $0x1;
	vm2 =	vlt.s32 v17, $0x1  }
0x149: {  	v19 =	vnsel vm1, $0x1, v14;
	v17 =	vnsel vm2, $0x1, v17;
	v14 =	vadd.s32 v11, v16  }
.Ltmp1:
0x14a: {  	v22 =	vadd.s32 v10, v16;
	v19 =	vsub.s32 $0x1, v19;
	v17 =	vsub.s32 $0x1, v17;
	(pc) =	sbr.rel @p0 .LBB2_5-.Ltmp1, $4  }
0x14b: {  	v18 =	vnsel vm0, $0x1, v18;
	v19 =	vcvt.s32.f32 v19;
	v20 =	vcvt.s32.f32 v17  }
0x14c: {  	v23 =	vsub.s32 $0x0, v22;
	v21 =	vsub.s32 $0x1, v18;
	v17 =	vadd.s32 v8, v16  }
0x14d: {  	v23 =	vmin.u32 v22, v23;
	v18 =	vadd.s32 v9, v16;
	v19 =	vmul.f32 v19, v13  }
0x14e: {  	s10 =	sadd.s32 $0x80, s10;
	s30 =	sadd.s32 $0x80, s30;
	vm0 =	vlt.s32 v23, $0x1;
	v22 =	vsub.s32 $0x0, v15;
	v16 =	vsub.s32 $0x0, v14  }
0x14f: {  	v21 =	vcvt.s32.f32 v21;
	v20 =	vmul.f32 v20, v13  }
0x150: {  	v23 =	vnsel vm0, $0x1, v23;
	v24 =	vsub.s32 $0x0, v17;
	v15 =	vmin.u32 v15, v22  }
0x151: {  	v22 =	vsub.s32 $0x0, v18;
	v14 =	vmin.u32 v14, v16;
	v17 =	vmin.u32 v17, v24  }
0x152: {  	v23 =	vsub.s32 $0x1, v23;
	v18 =	vmin.u32 v18, v22;
	vm0 =	vlt.s32 v17, $0x1  }
0x153: {  	v22 =	vcvt.s32.f32 v23;
	v17 =	vnsel vm0, $0x1, v17;
	vm0 =	vlt.s32 v18, $0x1  }
0x154: {  	v21 =	vmul.f32 v21, v13;
	v16 =	vsub.s32 $0x1, v17;
	v17 =	vnsel vm0, $0x1, v18  }
0x155: {  	vm0 =	vlt.s32 v15, $0x1;
	v18 =	vmul.f32 v22, v13;
	v16 =	vcvt.s32.f32 v16  }
0x156: {  	[tilespmem:s1+$0xFFFFFFD0] =	vst v19;
	v17 =	vsub.s32 $0x1, v17;
	v15 =	vnsel vm0, $0x1, v15;
	vm0 =	vlt.s32 v14, $0x1  }
0x157: {  	[tilespmem:s1+$0xFFFFFFE0] =	vst v20;
	v15 =	vsub.s32 $0x1, v15;
	v17 =	vcvt.s32.f32 v17;
	v14 =	vnsel vm0, $0x1, v14  }
0x158: {  	[tilespmem:s1+$0xFFFFFFC0] =	vst v21;
	v16 =	vmul.f32 v16, v13;
	v14 =	vsub.s32 $0x1, v14;
	v15 =	vcvt.s32.f32 v15  }
0x159: {  	[tilespmem:s1+$0x10] =	vst v18;
	v17 =	vmul.f32 v17, v13;
	v14 =	vcvt.s32.f32 v14  }
0x15a: {  	[tilespmem:s1+$0xFFFFFFF0] =	vst v16;
	v15 =	vmul.f32 v15, v13  }
0x15b: {  	[tilespmem:s1+$0x0] =	vst v17;
	v13 =	vmul.f32 v14, v13  }
0x15c: {  	s14 =	rddreg [dreg:$0x9];
	[tilespmem:s1+$0x30] =	vst v15  }
0x15d: {  	[tilespmem:s1+$0x20] =	vst v13;
	s1 =	sadd.s32 s26, s14  }
0x15e: {  	[spmem:s2] =	stream.indirect.scatter.add.f32 [tilespmem:s20], [sflag:$0x7], $0x80, s23, s24, $0xb8;
	[tilespmem:$0x1E900] =	vst v63  }
0x15f: {  	s13 =	simm.s32 $0x16700;
	s10 =	simm.s32 $0x1D900;
	s18 =	sshrl.u32 s1, $0x3  }
0x160: {  	[spmem:s2] =	stream.indirect.scatter.add.f32 [tilespmem:s10], [sflag:$0x9], $0x80, s13, s24, $0xb8;
	[tilespmem:$0x1E900] =	vst v63  }
0x161: {  	s14 =	simm.s32 $0x16400;
	s1 =	simm.s32 $0x0;
	s13 =	sadd.s32 s7, s18  }
0x162: {  	[tilespmem:s14], [sflag:$0xB] =	stream.linear.gather [hbm4b:s13+s1], $0x20, $0x38;
	[tilespmem:$0x1E900] =	vst v63  }
0x163: {  	_ =	swait.ge [sflag:s21], $0x20  }
0x164: {  	[sflag:s21] =	ssyncset.done $0x0  }
0x165: {  	s10 =	sadd.s32 s8, s18;
	[sflag:s21] =	ssyncadd.s32 $0xFFFFFFE0  }
0x166: {  	[tilespmem:s23], [sflag:$0xB] =	stream.linear.gather [hbm4b:s10+s1], $0x20, $0x38;
	[tilespmem:$0x1E900] =	vst v63  }
0x167: {  	_ =	swait.ge [sflag:s21], $0x20  }
0x168: {  	[sflag:s21] =	ssyncset.done $0x0  }
0x169: {  	[sflag:s21] =	ssyncadd.s32 $0xFFFFFFE0  }
0x16a: {  	v13 =	vld [tilespmem:$0x16400]  }
0x16b: {  	v14 =	vld [tilespmem:$0x16500];
	_ =	sdelay $0x1  }
0x16c: {  	v15 =	vld [tilespmem:$0x16410]  }
0x16d: {  	v16 =	vld [tilespmem:$0x16510]  }
0x16e: {  	v13 =	vshll.u32 v13, $0x1  }
0x16f: {  	v17 =	vshrl.u32 v14, $0x3;
	v13 =	vor.u32 v0, v13  }
0x170: {  	[tilespmem:$0x16600] =	vst v13;
	v13 =	vadd.s32 $0x2780, v17  }
0x171: {  	[tilespmem:$0x16700] =	vst v13;
	v13 =	vand.u32 $0x7, v14;
	v14 =	vshll.u32 v15, $0x1  }
0x172: {  	[tilespmem:$0x16800] =	vst v13;
	v13 =	vor.u32 v0, v14;
	v14 =	vshrl.u32 v16, $0x3  }
0x173: {  	[tilespmem:$0x16610] =	vst v13;
	v13 =	vadd.s32 $0x2780, v14  }
0x174: {  	[tilespmem:$0x16710] =	vst v13;
	v13 =	vand.u32 $0x7, v16  }
0x175: {  	s22 =	simm.s32 $0x16600;
	s26 =	simm.s32 $0x1A900;
	[tilespmem:$0x16810] =	vst v13  }
0x176: {  	[tilespmem:s26], [sflag:$0x1] =	stream.indirect.gather [hbm4b:s5+s24], $0x80, s22, s24, $0xb8;
	[tilespmem:$0x1E900] =	vst v63  }
0x177: {  	s13 =	simm.s32 $0x16900  }
0x178: {  	[tilespmem:s13], [sflag:$0x3] =	stream.indirect.gather [hbm4b:s31+s24], $0x80, s14, s24, $0xb8;
	[tilespmem:$0x1E900] =	vst v63  }
0x179: {  	s14 =	simm.s32 $0x18900  }
0x17a: {  	[tilespmem:s14], [sflag:$0x5] =	stream.indirect.gather [hbm4b:s6+s24], $0x80, s23, s24, $0xb8;
	[tilespmem:$0x1E900] =	vst v63  }
0x17b: {  	_ =	swait.ge [sflag:s9], $0x1000  }
0x17c: {  	[sflag:s9] =	ssyncset.done $0x0  }
0x17d: {  	[sflag:s9] =	ssyncadd.s32 $0xFFFFF000  }
0x17e: {  	_ =	swait.ge [sflag:s0], $0x1000  }
0x17f: {  	[sflag:s0] =	ssyncset.done $0x0  }
0x180: {  	[sflag:s0] =	ssyncadd.s32 $0xFFFFF000  }
0x181: {  	_ =	swait.ge [sflag:s4], $0x1000  }
0x182: {  	[sflag:s4] =	ssyncset.done $0x0  }
0x183: {  	[sflag:s4] =	ssyncadd.s32 $0xFFFFF000  }
0x184: {  	_ =	swait.ge [sflag:s11], $0x1000  }
0x185: {  	[sflag:s11] =	ssyncset.done $0x0  }
0x186: {  	[sflag:s11] =	ssyncadd.s32 $0xFFFFF000  }
0x187: {  	_ =	swait.ge [sflag:s12], $0x1000  }
0x188: {  	[sflag:s12] =	ssyncset.done $0x0  }
0x189: {  	s26 =	simm.s32 $0x17900;
	[sflag:s12] =	ssyncadd.s32 $0xFFFFF000  }
0x18a: {  	s28 =	simm.s32 $0x19900;
	v13 =	vld [tilespmem:s26+$0x0]  }
0x18b: {  	v14 =	vld [tilespmem:s28+$0x0];
	_ =	sdelay $0x4  }
0x18c: {  	v13 =	vadd.f32 v14, v13;
	_ =	sdelay $0x1  }
0x18d: {  	v14 =	vmul.f32 $2.000000030e-01, v13;
	_ =	sdelay $0x1  }
0x18e: {  	v13 =	vmax.f32 v13, v14  }
0x18f: {  	v13 =	vmul.f32 $1.442695020e+00, v13;
	_ =	sdelay $0x1  }
0x190: {  	(erf) = vpow2.f32 v13;
	_ =	sdelay $0x5  }
0x191: {  	s18 =	simm.s32 $0x1B940  }
0x192: {  	v14 =	vld [tilespmem:s18+$0xFFFFFFC0];
	_ =	sdelay $0x1  }
0x193: {  	v13 =	vpop (erf)  }
0x194: {  	v15 =	vperm.xlane v13, v1;
	_ =	sdelay $0x1  }
0x195: {  	v14 =	vmul.f32 v14, v15  }
0x196: {  	s22 =	simm.s32 $0x1C940  }
0x197: {  	[tilespmem:s22+$0xFFFFFFC0] =	vst v14  }
0x198: {  	v14 =	vld [tilespmem:s18+$0xFFFFFFD0];
	_ =	sdelay $0x4  }
0x199: {  	v14 =	vmul.f32 v14, v15;
	_ =	sdelay $0x1  }
0x19a: {  	[tilespmem:s22+$0xFFFFFFD0] =	vst v14  }
0x19b: {  	v14 =	vld [tilespmem:s18+$0xFFFFFFE0];
	_ =	sdelay $0x2  }
0x19c: {  	v15 =	vperm.xlane v13, v2;
	_ =	sdelay $0x1  }
0x19d: {  	v14 =	vmul.f32 v14, v15;
	_ =	sdelay $0x1  }
0x19e: {  	[tilespmem:s22+$0xFFFFFFE0] =	vst v14  }
0x19f: {  	v14 =	vld [tilespmem:s18+$0xFFFFFFF0];
	_ =	sdelay $0x4  }
0x1a0: {  	v14 =	vmul.f32 v14, v15;
	_ =	sdelay $0x1  }
0x1a1: {  	[tilespmem:s22+$0xFFFFFFF0] =	vst v14  }
0x1a2: {  	v14 =	vld [tilespmem:s18+$0x0];
	_ =	sdelay $0x2  }
0x1a3: {  	v15 =	vperm.xlane v13, v3;
	_ =	sdelay $0x1  }
0x1a4: {  	v14 =	vmul.f32 v14, v15;
	_ =	sdelay $0x1  }
0x1a5: {  	[tilespmem:s22+$0x0] =	vst v14  }
0x1a6: {  	v14 =	vld [tilespmem:s18+$0x10];
	_ =	sdelay $0x4  }
0x1a7: {  	v14 =	vmul.f32 v14, v15;
	_ =	sdelay $0x1  }
0x1a8: {  	[tilespmem:s22+$0x10] =	vst v14  }
0x1a9: {  	v14 =	vld [tilespmem:s18+$0x20];
	_ =	sdelay $0x2  }
0x1aa: {  	v15 =	vperm.xlane v13, v4;
	_ =	sdelay $0x1  }
0x1ab: {  	v14 =	vmul.f32 v14, v15;
	_ =	sdelay $0x1  }
0x1ac: {  	[tilespmem:s22+$0x20] =	vst v14  }
0x1ad: {  	v14 =	vld [tilespmem:s18+$0x30];
	_ =	sdelay $0x4  }
0x1ae: {  	v14 =	vmul.f32 v14, v15;
	_ =	sdelay $0x1  }
0x1af: {  	s30 =	smov.u32 s31;
	s31 =	sand.u32 $0x10, s1;
	[tilespmem:s22+$0x30] =	vst v14  }
0x1b0: {  	v14 =	vld [tilespmem:s31+$0x16880];
	_ =	sdelay $0x3  }
0x1b1: {  	v15 =	vmov s1  }
0x1b2: {  	v16 =	vperm.xlane v14, v15;
	_ =	sdelay $0x1  }
0x1b3: {  	v14 =	vsub.s32 $0x0, v16;
	v15 =	vadd.s32 v6, v16;
	v17 =	vadd.s32 v7, v16  }
0x1b4: {  	v22 =	vadd.s32 v10, v16;
	v18 =	vmin.u32 v16, v14;
	v14 =	vsub.s32 $0x0, v15  }
0x1b5: {  	v19 =	vsub.s32 $0x0, v17;
	v23 =	vsub.s32 $0x0, v22;
	v14 =	vmin.u32 v15, v14  }
0x1b6: {  	v17 =	vmin.u32 v17, v19;
	v15 =	vadd.s32 v12, v16;
	vm0 =	vlt.s32 v18, $0x1  }
0x1b7: {  	v23 =	vmin.u32 v22, v23;
	vm1 =	vlt.s32 v14, $0x1;
	vm2 =	vlt.s32 v17, $0x1  }
0x1b8: {  	v18 =	vnsel vm0, $0x1, v18;
	vm0 =	vlt.s32 v23, $0x1;
	v19 =	vnsel vm1, $0x1, v14  }
0x1b9: {  	v22 =	vsub.s32 $0x0, v15;
	v17 =	vnsel vm2, $0x1, v17;
	v19 =	vsub.s32 $0x1, v19  }
0x1ba: {  	v14 =	vadd.s32 v11, v16;
	v17 =	vsub.s32 $0x1, v17;
	v19 =	vcvt.s32.f32 v19  }
0x1bb: {  	s29 =	simm.s32 $0x1C9C0;
	s10 =	simm.s32 $0x1B9C0;
	v21 =	vsub.s32 $0x1, v18;
	v18 =	vadd.s32 v9, v16;
	v20 =	vcvt.s32.f32 v17  }
0x1bc: {  	s13 =	simm.s32 $0x1D940;
	s14 =	simm.s32 $0x1;
	s1 =	simm.s32 $0x1D940;
	v17 =	vadd.s32 v8, v16;
	v16 =	vsub.s32 $0x0, v14;
	v19 =	vmul.f32 v19, v13  }
.LBB2_7:
0x1bd: {  	v21 =	vcvt.s32.f32 v21;
	v20 =	vmul.f32 v20, v13;
	v23 =	vnsel vm0, $0x1, v23;
	s28 =	sadd.s32 $0x80, s28;
	s26 =	sadd.s32 $0x80, s26;
	s13 =	sadd.s32 $0x80, s13  }
0x1be: {  	p0 =	sne.s32 s14, $0x1F;
	v24 =	vsub.s32 $0x0, v18;
	v15 =	vmin.u32 v15, v22;
	s22 =	smov.u32 s14;
	s14 =	sadd.s32 $0x1, s14;
	[tilespmem:s1+$0xFFFFFFD0] =	vst v19;
	v19 =	vsub.s32 $0x0, v17  }
0x1bf: {  	v21 =	vmul.f32 v21, v13;
	[tilespmem:s1+$0xFFFFFFE0] =	vst v20;
	v17 =	vmin.u32 v17, v19;
	v19 =	vsub.s32 $0x1, v23  }
0x1c0: {  	v18 =	vmin.u32 v18, v24;
	vm0 =	vlt.s32 v17, $0x1;
	v19 =	vcvt.s32.f32 v19  }
0x1c1: {  	v14 =	vmin.u32 v14, v16;
	[tilespmem:s1+$0xFFFFFFC0] =	vst v21;
	v17 =	vnsel vm0, $0x1, v17;
	vm0 =	vlt.s32 v18, $0x1  }
0x1c2: {  	v16 =	vsub.s32 $0x1, v17;
	v17 =	vnsel vm0, $0x1, v18;
	vm0 =	vlt.s32 v15, $0x1  }
0x1c3: {  	v16 =	vcvt.s32.f32 v16;
	v17 =	vsub.s32 $0x1, v17;
	v15 =	vnsel vm0, $0x1, v15  }
0x1c4: {  	v18 =	vmul.f32 v19, v13;
	vm0 =	vlt.s32 v14, $0x1;
	v15 =	vsub.s32 $0x1, v15  }
0x1c5: {  	v17 =	vcvt.s32.f32 v17;
	v14 =	vnsel vm0, $0x1, v14;
	v16 =	vmul.f32 v16, v13  }
0x1c6: {  	v14 =	vsub.s32 $0x1, v14;
	v15 =	vcvt.s32.f32 v15;
	[tilespmem:s1+$0x10] =	vst v18  }
0x1c7: {  	v14 =	vcvt.s32.f32 v14;
	[tilespmem:s1+$0xFFFFFFF0] =	vst v16;
	v16 =	vmul.f32 v17, v13  }
0x1c8: {  	v15 =	vmul.f32 v15, v13  }
0x1c9: {  	v13 =	vmul.f32 v14, v13;
	[tilespmem:s1+$0x0] =	vst v16  }
0x1ca: {  	[tilespmem:s1+$0x30] =	vst v15  }
0x1cb: {  	[tilespmem:s1+$0x20] =	vst v13;
	s1 =	smov.u32 s13  }
0x1cc: {  	v13 =	vld [tilespmem:s26+$0x0]  }
0x1cd: {  	v14 =	vld [tilespmem:s28+$0x0];
	_ =	sdelay $0x4  }
0x1ce: {  	v13 =	vadd.f32 v14, v13;
	_ =	sdelay $0x1  }
0x1cf: {  	v14 =	vmul.f32 $2.000000030e-01, v13;
	_ =	sdelay $0x1  }
0x1d0: {  	v13 =	vmax.f32 v13, v14  }
0x1d1: {  	v13 =	vmul.f32 $1.442695020e+00, v13;
	_ =	sdelay $0x1  }
0x1d2: {  	(erf) = vpow2.f32 v13;
	_ =	sdelay $0x6  }
0x1d3: {  	v14 =	vld [tilespmem:s10+$0xFFFFFFC0];
	_ =	sdelay $0x1  }
0x1d4: {  	v13 =	vpop (erf)  }
0x1d5: {  	v15 =	vperm.xlane v13, v1;
	_ =	sdelay $0x1  }
0x1d6: {  	v14 =	vmul.f32 v14, v15;
	_ =	sdelay $0x1  }
0x1d7: {  	[tilespmem:s29+$0xFFFFFFC0] =	vst v14  }
0x1d8: {  	v14 =	vld [tilespmem:s10+$0xFFFFFFD0];
	_ =	sdelay $0x4  }
0x1d9: {  	v14 =	vmul.f32 v14, v15;
	_ =	sdelay $0x1  }
0x1da: {  	[tilespmem:s29+$0xFFFFFFD0] =	vst v14  }
0x1db: {  	v14 =	vld [tilespmem:s10+$0xFFFFFFE0];
	_ =	sdelay $0x2  }
0x1dc: {  	v15 =	vperm.xlane v13, v2;
	_ =	sdelay $0x1  }
0x1dd: {  	v14 =	vmul.f32 v14, v15;
	_ =	sdelay $0x1  }
0x1de: {  	[tilespmem:s29+$0xFFFFFFE0] =	vst v14  }
0x1df: {  	v14 =	vld [tilespmem:s10+$0xFFFFFFF0];
	_ =	sdelay $0x4  }
0x1e0: {  	v14 =	vmul.f32 v14, v15;
	_ =	sdelay $0x1  }
0x1e1: {  	[tilespmem:s29+$0xFFFFFFF0] =	vst v14  }
0x1e2: {  	v14 =	vld [tilespmem:s10+$0x0];
	_ =	sdelay $0x2  }
0x1e3: {  	v15 =	vperm.xlane v13, v3;
	_ =	sdelay $0x1  }
0x1e4: {  	v14 =	vmul.f32 v14, v15;
	_ =	sdelay $0x1  }
0x1e5: {  	[tilespmem:s29+$0x0] =	vst v14  }
0x1e6: {  	v14 =	vld [tilespmem:s10+$0x10];
	_ =	sdelay $0x4  }
0x1e7: {  	v14 =	vmul.f32 v14, v15;
	_ =	sdelay $0x1  }
0x1e8: {  	[tilespmem:s29+$0x10] =	vst v14  }
0x1e9: {  	v14 =	vld [tilespmem:s10+$0x20];
	_ =	sdelay $0x2  }
0x1ea: {  	v15 =	vperm.xlane v13, v4;
	_ =	sdelay $0x1  }
0x1eb: {  	v14 =	vmul.f32 v14, v15;
	_ =	sdelay $0x1  }
0x1ec: {  	[tilespmem:s29+$0x20] =	vst v14  }
0x1ed: {  	v14 =	vld [tilespmem:s10+$0x30];
	_ =	sdelay $0x4  }
0x1ee: {  	v14 =	vmul.f32 v14, v15;
	_ =	sdelay $0x1  }
0x1ef: {  	s18 =	sand.u32 $0x10, s22;
	[tilespmem:s29+$0x30] =	vst v14  }
0x1f0: {  	v14 =	vld [tilespmem:s18+$0x16880];
	_ =	sdelay $0x3  }
0x1f1: {  	v15 =	vmov s22  }
0x1f2: {  	v16 =	vperm.xlane v14, v15;
	_ =	sdelay $0x1  }
0x1f3: {  	v14 =	vsub.s32 $0x0, v16;
	v15 =	vadd.s32 v6, v16;
	v17 =	vadd.s32 v7, v16  }
0x1f4: {  	v18 =	vmin.u32 v16, v14;
	v14 =	vsub.s32 $0x0, v15;
	v19 =	vsub.s32 $0x0, v17  }
0x1f5: {  	v14 =	vmin.u32 v15, v14;
	v17 =	vmin.u32 v17, v19;
	v15 =	vadd.s32 v12, v16  }
0x1f6: {  	vm0 =	vlt.s32 v18, $0x1;
	vm1 =	vlt.s32 v14, $0x1;
	vm2 =	vlt.s32 v17, $0x1  }
0x1f7: {  	v19 =	vnsel vm1, $0x1, v14;
	v17 =	vnsel vm2, $0x1, v17;
	v14 =	vadd.s32 v11, v16  }
.Ltmp2:
0x1f8: {  	v22 =	vadd.s32 v10, v16;
	v19 =	vsub.s32 $0x1, v19;
	v17 =	vsub.s32 $0x1, v17;
	(pc) =	sbr.rel @p0 .LBB2_7-.Ltmp2, $4  }
0x1f9: {  	v18 =	vnsel vm0, $0x1, v18;
	v19 =	vcvt.s32.f32 v19;
	v20 =	vcvt.s32.f32 v17  }
0x1fa: {  	v23 =	vsub.s32 $0x0, v22;
	v21 =	vsub.s32 $0x1, v18;
	v17 =	vadd.s32 v8, v16  }
0x1fb: {  	v23 =	vmin.u32 v22, v23;
	v18 =	vadd.s32 v9, v16;
	v19 =	vmul.f32 v19, v13  }
0x1fc: {  	s10 =	sadd.s32 $0x80, s10;
	s29 =	sadd.s32 $0x80, s29;
	vm0 =	vlt.s32 v23, $0x1;
	v22 =	vsub.s32 $0x0, v15;
	v16 =	vsub.s32 $0x0, v14  }
0x1fd: {  	v21 =	vcvt.s32.f32 v21;
	v20 =	vmul.f32 v20, v13  }
0x1fe: {  	v23 =	vnsel vm0, $0x1, v23;
	v24 =	vsub.s32 $0x0, v17;
	v15 =	vmin.u32 v15, v22  }
0x1ff: {  	v59 =	vsub.s32 $0x0, v18;
	v14 =	vmin.u32 v14, v16;
	v17 =	vmin.u32 v17, v24  }
0x200: {  	v23 =	vsub.s32 $0x1, v23;
	v18 =	vmin.u32 v18, v59;
	vm14 =	vlt.s32 v15, $0x1  }
0x201: {  	vm15 =	vlt.s32 v14, $0x1;
	v21 =	vmul.f32 v21, v13;
	vm12 =	vlt.s32 v17, $0x1  }
0x202: {  	v60 =	vcvt.s32.f32 v23;
	vm13 =	vlt.s32 v18, $0x1;
	v15 =	vnsel vm14, $0x1, v15  }
0x203: {  	v14 =	vnsel vm15, $0x1, v14;
	v17 =	vnsel vm12, $0x1, v17;
	v15 =	vsub.s32 $0x1, v15  }
0x204: {  	[tilespmem:s1+$0xFFFFFFD0] =	vst v19;
	v62 =	vnsel vm13, $0x1, v18;
	v61 =	vsub.s32 $0x1, v17;
	v15 =	vcvt.s32.f32 v15  }
0x205: {  	[tilespmem:s1+$0xFFFFFFE0] =	vst v20;
	v17 =	vsub.s32 $0x1, v62;
	v63 =	vmul.f32 v60, v13;
	v16 =	vcvt.s32.f32 v61  }
0x206: {  	v14 =	vsub.s32 $0x1, v14;
	[tilespmem:s1+$0xFFFFFFC0] =	vst v21;
	v17 =	vcvt.s32.f32 v17;
	v15 =	vmul.f32 v15, v13  }
0x207: {  	v14 =	vcvt.s32.f32 v14;
	[tilespmem:s1+$0x10] =	vst v63;
	v16 =	vmul.f32 v16, v13  }
0x208: {  	s25 =	sadd.s32 $0x1, s25;
	v17 =	vmul.f32 v17, v13;
	[tilespmem:s1+$0x30] =	vst v15  }
0x209: {  	p0 =	sne.s32 s25, $0xA7;
	v13 =	vmul.f32 v14, v13;
	[tilespmem:s1+$0xFFFFFFF0] =	vst v16  }
.Ltmp3:
0x20a: {  	[tilespmem:s1+$0x0] =	vst v17;
	(pc) =	sbr.rel @p0 .LBB2_4-.Ltmp3, $4  }
0x20b: {  	s28 =	simm.s32 $0x16580;
	[tilespmem:s1+$0x20] =	vst v13  }
0x20c: {  	[spmem:s2] =	stream.indirect.scatter.add.f32 [tilespmem:s20], [sflag:$0x8], $0x80, s28, s24, $0xb8;
	[tilespmem:$0x1E900] =	vst v63  }
0x20d: {  	s31 =	simm.s32 $0x1D900;
	s10 =	simm.s32 $0x16780  }
0x20e: {  	[spmem:s2] =	stream.indirect.scatter.add.f32 [tilespmem:s31], [sflag:$0xA], $0x80, s10, s24, $0xb8;
	[tilespmem:$0x1E900] =	vst v63  }
0x20f: {  	_ =	swait.ge [sflag:s15], $0x1000  }
0x210: {  	[sflag:s15] =	ssyncset.done $0x0  }
0x211: {  	[sflag:s15] =	ssyncadd.s32 $0xFFFFF000  }
0x212: {  	_ =	swait.ge [sflag:s16], $0x1000  }
0x213: {  	[sflag:s16] =	ssyncset.done $0x0  }
0x214: {  	[sflag:s16] =	ssyncadd.s32 $0xFFFFF000  }
0x215: {  	_ =	swait.ge [sflag:s17], $0x1000  }
0x216: {  	[sflag:s17] =	ssyncset.done $0x0  }
0x217: {  	s1 =	simm.s32 $0x8;
	[sflag:s17] =	ssyncadd.s32 $0xFFFFF000  }
0x218: {  	_ =	swait.ge [sflag:s1], $0x1000  }
0x219: {  	[sflag:s1] =	ssyncset.done $0x0  }
0x21a: {  	s29 =	simm.s32 $0xA;
	[sflag:s1] =	ssyncadd.s32 $0xFFFFF000  }
0x21b: {  	_ =	swait.ge [sflag:s29], $0x1000  }
0x21c: {  	[sflag:s29] =	ssyncset.done $0x0  }
0x21d: {  	[sflag:s29] =	ssyncadd.s32 $0xFFFFF000  }
0x21e: {  	[bflag:$0x0] =	sbarrier.arrive $0xFFFF  }
0x21f: {  	s18 =	rddreg [dreg:$0x4]  }
0x220: {  	[tilespmem:s20], [sflag:$0xB] =	stream.linear.gather [spmem:s18], $0x1000, $0x38;
	[tilespmem:$0x1E900] =	vst v63  }
0x221: {  	_ =	swait.ge [sflag:s21], $0x1000  }
0x222: {  	[sflag:s21] =	ssyncset.done $0x0  }
0x223: {  	s31 =	sadd.s32 $0x0, s19;
	[sflag:s21] =	ssyncadd.s32 $0xFFFFF000  }
0x224: {  	[hbm4b:s31+s3] =	stream.linear.scatter [tilespmem:s20], [sflag:$0xB], $0x1000, $0x38;
	[tilespmem:$0x1E900] =	vst v63  }
0x225: {  	_ =	swait.ge [sflag:s21], $0x1000  }
0x226: {  	s1 =	simm.s32 $0x200;
	s10 =	smov.u32 s18;
	[sflag:s21] =	ssyncset.done $0x0  }
.LBB2_10:
0x227: {  	p0 =	sne.s32 s1, $0x2A00;
	[sflag:s21] =	ssyncadd.s32 $0xFFFFF000;
	s10 =	sadd.s32 $0x1000, s10  }
0x228: {  	[tilespmem:s20], [sflag:$0xB] =	stream.linear.gather [spmem:s10], $0x1000, $0x38;
	[tilespmem:$0x1E900] =	vst v63  }
0x229: {  	s13 =	smov.u32 s1;
	s1 =	sadd.s32 $0x200, s1;
	_ =	swait.ge [sflag:s21], $0x1000  }
.Ltmp4:
0x22a: {  	[sflag:s21] =	ssyncset.done $0x0;
	(pc) =	sbr.rel @p0 .LBB2_10-.Ltmp4, $4  }
0x22b: {  	s13 =	sadd.s32 s13, s19;
	[sflag:s21] =	ssyncadd.s32 $0xFFFFF000  }
0x22c: {  	[hbm4b:s13+s3] =	stream.linear.scatter [tilespmem:s20], [sflag:$0xB], $0x1000, $0x38;
	[tilespmem:$0x1E900] =	vst v63  }
0x22d: {  	_ =	swait.ge [sflag:s21], $0x1000  }
0x22e: {  	[sflag:s21] =	ssyncset.done $0x0  }
0x22f: {  	[sflag:s21] =	ssyncadd.s32 $0xFFFFF000;
	s22 =	rddreg [dreg:$0x5]  }
0x230: {  	[tilespmem:s20], [sflag:$0xB] =	stream.linear.gather [spmem:s22], $0x400, $0x38;
	[tilespmem:$0x1E900] =	vst v63  }
0x231: {  	_ =	swait.ge [sflag:s21], $0x400  }
0x232: {  	[sflag:s21] =	ssyncset.done $0x0  }
0x233: {  	s1 =	rddreg [dreg:$0xa];
	[sflag:s21] =	ssyncadd.s32 $0xFFFFFC00  }
0x234: {  	[hbm4b:s1+s3] =	stream.linear.scatter [tilespmem:s20], [sflag:$0xB], $0x400, $0x38;
	[tilespmem:$0x1E900] =	vst v63  }
0x235: {  	_ =	swait.ge [sflag:s21], $0x400  }
0x236: {  	s10 =	sld [smem:$0x7FC];
	_ =	sdelay $0x2  }
0x237: {  	s31 =	rddreg [dreg:$0xb];
	s10 =	sadd.s32 $0x1, s10  }
0x238: {  	p0 =	sne.s32 s10, s31  }
.Ltmp5:
0x239: {  	_ = 	snop;
	(pc) =	sbr.rel @p0 .LBB2_1-.Ltmp5, $3  }
0x23a: {  	_ =	sdelay $0x1  }
0x23b: {  	[sflag:s21] =	ssyncset.done $0x0  }
0x23c: {  	[sflag:s21] =	ssyncadd.s32 $0xFFFFFC00  }
0x23d: {  	_ =	sfence.sel $0x180000  }
0x23e: {  	[bflag:$0x0] =	sbarrier.arrive $0xFFFF  }
0x23f: {  	_ =	strace $0x90000047  }
0x240: {  	s0 =	stileid.u32;
	[bflag:$0x2] =	sbarrier.arrive $0xFFFF  }
0x241: {  	p0 =	sne.s32 s0, $0x0;
	s0 =	rddreg [dreg:$0x3]  }
0x242: {  	s0 =	sadd.s32 @!p0 $0x100000, s0  }
0x243: {  	[sflag:s0] =	ssyncadd.tile.s32 @!p0 $0x1;
	_ =	shalt  }
.Lfunc_end2:
_tile_overlayer_lowered:
.L_overlay_start_2:
0x244: {  	(tag) =	ssettag $0x2  }
0x245: {  	s0 =	rddreg [dreg:$0x0];
	s2 =	stileid.u32  }
0x246: {  	s1 =	rddreg [dreg:$0x1];
	p0 =	sne.s32 s2, $0x0  }
0x247: {  	s3 =	rddreg [dreg:$0x2];
	[bflag:$0x3] =	sbarrier.arrive $0xFFFF;
	s2 =	simm.s32 @!p0 $0x1C0B  }
0x248: {  	[timem:s3], [sflag:s2] =	dma.local @!p0 [hbm:s0], s1  }
0x249: {  	s0 =	simm.s32 @!p0 $0xB  }
0x24a: {  	_ =	swait.ge @!p0 [sflag:s0], s1  }
0x24b: {  	s1 =	ssub.s32 @!p0 $0x0, s1;
	[sflag:s0] =	ssyncset.done @!p0 $0x0  }
0x24c: {  	[sflag:s0] =	ssyncadd.s32 @!p0 s1  }
0x24d: {  	[bflag:$0x3] =	sbarrier.arrive $0xFFFF  }
0x24e: {  	_ =	shalt  }

</sc_bundles>
